<compile_context>
chip_gen: v7x
topology: tpu7x:2x2x1
jax: 0.10.2.dev20260603
libtpu: 0.0.44.dev20260713+nightly
codegen_flags: <defaults>
</compile_context>

<pallas_src>
import functools

import jax
import jax.numpy as jnp
from jax import lax
from jax.experimental import pallas as pl
from jax.experimental.pallas import tpu as pltpu
from jax.experimental.pallas import tpu_sc as plsc

B, N = 16, 4096
G, K = 256, 32
NC, NS = 2, 16
NW = NC * NS
GPW = (B * G) // NW


NP_, LW = 32, 128


def _red3(a, op):
    op2 = {jnp.sum: jnp.add, jnp.max: jnp.maximum, jnp.min: jnp.minimum}[op]
    p = a.shape[0]
    while p > 1:
        p //= 2
        a = op2(a[:p], a[p:2 * p])
    return op(a, axis=2, keepdims=True)


def _fps_kernel(x_ref, y_ref, z_ref, cidx_ref, cx_ref, cy_ref, cz_ref):
    x = x_ref[...]
    y = y_ref[...]
    z = z_ref[...]
    iota_n = (lax.broadcasted_iota(jnp.int32, (NP_, B, LW), 0) * LW
              + lax.broadcasted_iota(jnp.int32, (NP_, B, LW), 2)
              ).astype(jnp.float32)
    iota_g = lax.broadcasted_iota(jnp.int32, (B, G), 1)

    inv_n = jnp.float32(1.0 / N)
    mx = _red3(x, jnp.sum) * inv_n
    my = _red3(y, jnp.sum) * inv_n
    mz = _red3(z, jnp.sum) * inv_n
    dist0 = ((x - mx) ** 2 + (y - my) ** 2) + (z - mz) ** 2

    def extract(distance, m):
        key = jnp.where(distance == m, iota_n, jnp.float32(N))
        kx, ky, kz = x, y, z
        p = NP_
        while p > 1:
            p //= 2
            ka, kb = key[:p], key[p:2 * p]
            c = ka <= kb
            key = jnp.where(c, ka, kb)
            kx = jnp.where(c, kx[:p], kx[p:2 * p])
            ky = jnp.where(c, ky[:p], ky[p:2 * p])
            kz = jnp.where(c, kz[:p], kz[p:2 * p])
        far = jnp.min(key, axis=2, keepdims=True)
        hit = key == far
        cxi = jnp.sum(jnp.where(hit, kx, 0.0), axis=2, keepdims=True)
        cyi = jnp.sum(jnp.where(hit, ky, 0.0), axis=2, keepdims=True)
        czi = jnp.sum(jnp.where(hit, kz, 0.0), axis=2, keepdims=True)
        return far, cxi, cyi, czi

    def body(i, carry):
        distance, far, cxi, cyi, czi, cidx, ccx, ccy, ccz = carry
        rec = iota_g == i
        cidx = jnp.where(rec, far.reshape(B, 1), cidx)
        ccx = jnp.where(rec, cxi.reshape(B, 1), ccx)
        ccy = jnp.where(rec, cyi.reshape(B, 1), ccy)
        ccz = jnp.where(rec, czi.reshape(B, 1), ccz)
        d = ((x - cxi) ** 2 + (y - cyi) ** 2) + (z - czi) ** 2
        distance = jnp.minimum(distance, d)
        m = _red3(distance, jnp.max)
        far, cxi, cyi, czi = extract(distance, m)
        return distance, far, cxi, cyi, czi, cidx, ccx, ccy, ccz

    m0 = _red3(dist0, jnp.max)
    far0, cx0, cy0, cz0 = extract(dist0, m0)
    distance = jnp.full((NP_, B, LW), 1e10, dtype=jnp.float32)
    cidx = jnp.zeros((B, G), dtype=jnp.float32)
    ccx = jnp.zeros((B, G), dtype=jnp.float32)
    ccy = jnp.zeros((B, G), dtype=jnp.float32)
    ccz = jnp.zeros((B, G), dtype=jnp.float32)
    out = lax.fori_loop(
        0, G, body,
        (distance, far0, cx0, cy0, cz0, cidx, ccx, ccy, ccz))
    cidx, ccx, ccy, ccz = out[5], out[6], out[7], out[8]
    cidx_ref[...] = cidx.astype(jnp.int32)
    cx_ref[...] = ccx
    cy_ref[...] = ccy
    cz_ref[...] = ccz


NCH = 32
CW = N // NCH


_SORT_DESC = [(blk >> s, blk, True)
              for blk in (2, 4, 8, 16, 32)
              for s in range(1, 6) if blk >> s >= 1]
_CLEAN_ASC = [(j, 64, False) for j in (16, 8, 4, 2, 1)]


def _tree_min0(a):
    s = a.shape[0]
    while s > 8:
        s //= 2
        a = jnp.minimum(a[:s], a[s:2 * s])
    return jnp.min(a, axis=0, keepdims=True)


def _lex_less(av, ai, bv, bi):
    return (av < bv) | ((av == bv) & (ai < bi))


def _cmp_exchange(v, i, stage):
    j, blk, invert = stage
    si = lax.broadcasted_iota(jnp.int32, (v.shape[0], 1), 0)
    hi = (si & j) != 0
    want_min = ((si & j) == 0) == ((si & blk) == 0)
    if invert:
        want_min = ~want_min
    pv = jnp.where(hi, jnp.roll(v, j, axis=0), jnp.roll(v, -j, axis=0))
    pi = jnp.where(hi, jnp.roll(i, j, axis=0), jnp.roll(i, -j, axis=0))
    take = want_min ^ _lex_less(v, i, pv, pi)
    return jnp.where(take, pv, v), jnp.where(take, pi, i)


def _knn_kernel(x_ref, y_ref, z_ref, cx_ref, cy_ref, cz_ref, gidx_ref, d_ref):
    x = x_ref[0]
    y = y_ref[0]
    z = z_ref[0]
    cx = cx_ref[0]
    cy = cy_ref[0]
    cz = cz_ref[0]
    d_ref[...] = ((x - cx) ** 2 + (y - cy) ** 2) + (z - cz) ** 2
    si = lax.broadcasted_iota(jnp.int32, (CW, G), 0).astype(jnp.float32)
    inf = jnp.float32(jnp.inf)

    def round_body(carry):
        _, cur_v, cur_i = carry
        cand_v, cand_i = [], []
        for c in range(NCH):
            dc = d_ref[c * CW:(c + 1) * CW, :]
            mc = _tree_min0(dc)
            am = _tree_min0(jnp.where(dc == mc, si, jnp.float32(CW)))
            cand_v.append(mc)
            cand_i.append(am + jnp.float32(c * CW))
            d_ref[c * CW:(c + 1) * CW, :] = jnp.where(si == am, inf, dc)
        cv = jnp.concatenate(cand_v, axis=0)
        ci = jnp.concatenate(cand_i, axis=0)
        improve = jnp.any(_lex_less(cv, ci, cur_v[K - 1:K], cur_i[K - 1:K]))
        for st in _SORT_DESC:
            cv, ci = _cmp_exchange(cv, ci, st)
        less = _lex_less(cur_v, cur_i, cv, ci)
        mv = jnp.where(less, cur_v, cv)
        mi = jnp.where(less, cur_i, ci)
        for st in _CLEAN_ASC:
            mv, mi = _cmp_exchange(mv, mi, st)
        return improve, mv, mi

    cur_v = jnp.full((K, G), jnp.inf, dtype=jnp.float32)
    cur_i = jnp.full((K, G), jnp.float32(2 ** 30))
    _, _, cur_i = lax.while_loop(lambda c: c[0], round_body,
                                 (jnp.bool_(True), cur_v, cur_i))
    gidx_ref[0] = cur_i.T.astype(jnp.int32)


def _sc_group_body(xf, yf, zf, gidx, cxf, cyf, czf,
                   relx_out, rely_out, relz_out,
                   xv, yv, zv, idxv, cxv, cyv, czv, rx, ry, rz):
    wid = lax.axis_index("s") * NC + lax.axis_index("c")
    b = wid // 2
    g0 = wid * GPW
    col0 = (wid % 2) * GPW
    pltpu.sync_copy(xf.at[pl.ds(b * N, N)], xv)
    pltpu.sync_copy(yf.at[pl.ds(b * N, N)], yv)
    pltpu.sync_copy(zf.at[pl.ds(b * N, N)], zv)
    pltpu.sync_copy(gidx.at[pl.ds(g0 * K, GPW * K)], idxv)
    pltpu.sync_copy(cxf.at[pl.ds(g0, GPW)], cxv)
    pltpu.sync_copy(cyf.at[pl.ds(g0, GPW)], cyv)
    pltpu.sync_copy(czf.at[pl.ds(g0, GPW)], czv)

    lanes = lax.iota(jnp.int32, 16)

    def group(j, _):
        jv = jnp.full((16,), j, dtype=jnp.int32)
        cxs = plsc.load_gather(cxv, [jv])
        cys = plsc.load_gather(cyv, [jv])
        czs = plsc.load_gather(czv, [jv])
        for h in range(2):
            iv = idxv[pl.ds(j * K + h * 16, 16)]
            xs = plsc.load_gather(xv, [iv])
            ys = plsc.load_gather(yv, [iv])
            zs = plsc.load_gather(zv, [iv])
            row = lanes + (h * 16)
            plsc.store_scatter(rx, [row, jv], xs - cxs)
            plsc.store_scatter(ry, [row, jv], ys - cys)
            plsc.store_scatter(rz, [row, jv], zs - czs)
        return 0

    lax.fori_loop(0, GPW, group, 0)
    pltpu.sync_copy(rx, relx_out.at[b, :, pl.ds(col0, GPW)])
    pltpu.sync_copy(ry, rely_out.at[b, :, pl.ds(col0, GPW)])
    pltpu.sync_copy(rz, relz_out.at[b, :, pl.ds(col0, GPW)])


_sc_group = functools.partial(
    pl.kernel,
    mesh=plsc.VectorSubcoreMesh(core_axis_name="c", subcore_axis_name="s"),
    out_type=[jax.ShapeDtypeStruct((B, K, G), jnp.float32)] * 3,
    compiler_params=pltpu.CompilerParams(needs_layout_passes=False),
    scratch_types=(
        [pltpu.VMEM((N,), jnp.float32)] * 3
        + [pltpu.VMEM((GPW * K,), jnp.int32)]
        + [pltpu.VMEM((GPW,), jnp.float32)] * 3
        + [pltpu.VMEM((K, GPW), jnp.float32)] * 3
    ),
)(_sc_group_body)


def _mlp_kernel(rx_ref, ry_ref, rz_ref, w1t_ref, b1_ref, w2t_ref, b2_ref,
                out_ref):
    rx = rx_ref[0]
    ry = ry_ref[0]
    rz = rz_ref[0]
    w1x = w1t_ref[:, 0:1]
    w1y = w1t_ref[:, 1:2]
    w1z = w1t_ref[:, 2:3]
    b1 = b1_ref[...]
    w2t = w2t_ref[...]
    b2 = b2_ref[...]
    inv_sqrt2 = jnp.float32(0.7071067811865476)
    acc = None
    for k in range(K):
        hx = rx[k:k + 1, :]
        hy = ry[k:k + 1, :]
        hz = rz[k:k + 1, :]
        h = ((w1x * hx + w1y * hy) + w1z * hz) + b1
        h = 0.5 * h * (1.0 + lax.erf(h * inv_sqrt2))
        yk = lax.dot_general(w2t, h, (((1,), (0,)), ((), ())),
                             preferred_element_type=jnp.float32)
        acc = yk if acc is None else jnp.maximum(acc, yk)
    out_ref[0] = acc + b2


def kernel(xyz, W1, b1, W2, b2):
    xyz = xyz.astype(jnp.float32)
    x = xyz[:, :, 0]
    y = xyz[:, :, 1]
    z = xyz[:, :, 2]

    xp = x.reshape(B, NP_, LW).transpose(1, 0, 2)
    yp = y.reshape(B, NP_, LW).transpose(1, 0, 2)
    zp = z.reshape(B, NP_, LW).transpose(1, 0, 2)
    cidx, ccx, ccy, ccz = pl.pallas_call(
        _fps_kernel,
        out_shape=[
            jax.ShapeDtypeStruct((B, G), jnp.int32),
            jax.ShapeDtypeStruct((B, G), jnp.float32),
            jax.ShapeDtypeStruct((B, G), jnp.float32),
            jax.ShapeDtypeStruct((B, G), jnp.float32),
        ],
    )(xp, yp, zp)

    x3 = x[:, :, None]
    y3 = y[:, :, None]
    z3 = z[:, :, None]
    cxT = ccx[:, None, :]
    cyT = ccy[:, None, :]
    czT = ccz[:, None, :]
    pt_spec = pl.BlockSpec((1, N, 1), lambda b: (b, 0, 0))
    c_spec = pl.BlockSpec((1, 1, G), lambda b: (b, 0, 0))
    gidx = pl.pallas_call(
        _knn_kernel,
        grid=(B,),
        in_specs=[pt_spec, pt_spec, pt_spec, c_spec, c_spec, c_spec],
        out_specs=pl.BlockSpec((1, G, K), lambda b: (b, 0, 0)),
        out_shape=jax.ShapeDtypeStruct((B, G, K), jnp.int32),
        scratch_shapes=[pltpu.VMEM((N, G), jnp.float32)],
    )(x3, y3, z3, cxT, cyT, czT)

    relx, rely, relz = _sc_group(
        x.reshape(B * N), y.reshape(B * N), z.reshape(B * N),
        gidx.reshape(B * G * K),
        ccx.reshape(B * G), ccy.reshape(B * G), ccz.reshape(B * G))

    w_spec = pl.BlockSpec((1, K, G), lambda b: (b, 0, 0))
    tokensT = pl.pallas_call(
        _mlp_kernel,
        grid=(B,),
        in_specs=[
            w_spec, w_spec, w_spec,
            pl.BlockSpec((128, 3), lambda b: (0, 0)),
            pl.BlockSpec((128, 1), lambda b: (0, 0)),
            pl.BlockSpec((384, 128), lambda b: (0, 0)),
            pl.BlockSpec((384, 1), lambda b: (0, 0)),
        ],
        out_specs=pl.BlockSpec((1, 384, G), lambda b: (b, 0, 0)),
        out_shape=jax.ShapeDtypeStruct((B, 384, G), jnp.float32),
    )(relx, rely, relz, W1.T, b1[:, None], W2.T, b2[:, None])

    tokens = jnp.swapaxes(tokensT, 1, 2)
    centers_xyz = jnp.stack([ccx, ccy, ccz], axis=-1)
    return tokens, centers_xyz, gidx

# --- scband reference (transcript-rebuilt; emitter-appended) ---
"""Pipeline reference for scband-point-patch-embed-42219528520350 (READ-ONLY COPY).

The authoritative reference and input builder live on the scoring server;
editing this copy changes nothing except your own understanding.
"""

import jax, jax.numpy as jnp
import numpy as np

NUM_GROUPS = 256
GROUP_SIZE = 32


def _fps(xyz, npoint):
    # Farthest point sampling, faithful to the torch loop (record-then-update).
    B, N, _ = xyz.shape
    mean_xyz = jnp.mean(xyz, axis=1, keepdims=True)
    dist0 = jnp.sum((xyz - mean_xyz) ** 2, axis=-1)
    farthest = jnp.argmax(dist0, axis=1)
    distance = jnp.full((B, N), 1e10, dtype=xyz.dtype)
    batch = jnp.arange(B)

    def body(carry, _):
        distance, farthest = carry
        centroid = xyz[batch, farthest][:, None, :]
        dist = jnp.sum((xyz - centroid) ** 2, axis=-1)
        distance = jnp.minimum(distance, dist)
        new_farthest = jnp.argmax(distance, axis=1)
        return (distance, new_farthest), farthest

    (_, _), centroids = jax.lax.scan(body, (distance, farthest), None, length=npoint)
    return centroids.T  # (B, npoint)


def _index_points(points, idx):
    # points: (B,N,C); idx: (B,S) or (B,S,K)
    return jax.vmap(lambda p, i: p[i])(points, idx)


def setup_inputs(seed: int = 0) -> dict:
    key = jax.random.key(seed)
    ks = jax.random.split(key, 4)
    xyz = jax.random.normal(ks[0], (16, 4096, 3), dtype=jnp.float32)
    # MiniPointNet params: Linear(3,128) -> GELU -> Linear(128,384)
    W1 = jax.random.normal(ks[1], (3, 128), dtype=jnp.float32) * 0.1
    b1 = jnp.zeros((128,), dtype=jnp.float32)
    W2 = jax.random.normal(ks[2], (128, 384), dtype=jnp.float32) * 0.05
    b2 = jnp.zeros((384,), dtype=jnp.float32)
    return {"xyz": xyz, "W1": W1, "b1": b1, "W2": W2, "b2": b2}


def reference(xyz, W1, b1, W2, b2):
    B, N, _ = xyz.shape
    G = min(NUM_GROUPS, N)
    K = min(GROUP_SIZE, N)
    # FPS center selection (no_grad in torch)
    center_idx = _fps(xyz, G)  # (B, G) int
    centers_xyz = _index_points(xyz, center_idx)  # (B, G, 3)
    # kNN: smallest-k via top_k on negated distances
    dist2 = jnp.sum((centers_xyz[:, :, None, :] - xyz[:, None, :, :]) ** 2, axis=-1)  # (B,G,N)
    _, group_idx = jax.lax.top_k(-dist2, K)  # (B,G,K)
    group_xyz = _index_points(xyz, group_idx)  # (B,G,K,3)
    rel_xyz = group_xyz - centers_xyz[:, :, None, :]
    # MiniPointNet: per-point MLP then max-pool over K
    h = jax.nn.gelu(rel_xyz @ W1 + b1, approximate=False)
    y = h @ W2 + b2  # (B,G,K,384)
    tokens = jnp.max(y, axis=2)  # (B,G,384)
    return tokens, centers_xyz, group_idx

if __name__ == "__main__":
    import jax
    _d = setup_inputs()
    print(jax.jit(kernel)(*tuple(_d.values())))

</pallas_src>

<mosaic_0001>
#map = affine_map<(d0, d1) -> (0)>
#map1 = affine_map<(d0, d1) -> (0, 0, 0)>
module attributes {stable_mosaic.version = 14 : i64} {
  func.func @_sc_group_body(%arg0: i32, %arg1: i32, %arg2: memref<65536xf32, #tpu.memory_space<hbm>>, %arg3: memref<65536xf32, #tpu.memory_space<hbm>>, %arg4: memref<65536xf32, #tpu.memory_space<hbm>>, %arg5: memref<131072xi32, #tpu.memory_space<hbm>>, %arg6: memref<4096xf32, #tpu.memory_space<hbm>>, %arg7: memref<4096xf32, #tpu.memory_space<hbm>>, %arg8: memref<4096xf32, #tpu.memory_space<hbm>>, %arg9: memref<16x32x256xf32, #tpu.memory_space<hbm>>, %arg10: memref<16x32x256xf32, #tpu.memory_space<hbm>>, %arg11: memref<16x32x256xf32, #tpu.memory_space<hbm>>, %arg12: memref<4096xf32, #tpu.memory_space<vmem>>, %arg13: memref<4096xf32, #tpu.memory_space<vmem>>, %arg14: memref<4096xf32, #tpu.memory_space<vmem>>, %arg15: memref<4096xi32, #tpu.memory_space<vmem>>, %arg16: memref<128xf32, #tpu.memory_space<vmem>>, %arg17: memref<128xf32, #tpu.memory_space<vmem>>, %arg18: memref<128xf32, #tpu.memory_space<vmem>>, %arg19: memref<32x128xf32, #tpu.memory_space<vmem>>, %arg20: memref<32x128xf32, #tpu.memory_space<vmem>>, %arg21: memref<32x128xf32, #tpu.memory_space<vmem>>) attributes {dimension_semantics = [#tpu.dimension_semantics<core_parallel>, #tpu.dimension_semantics<subcore_parallel>], iteration_bounds = array<i64: 2, 16>, scalar_prefetch = 0 : i64, scratch_operands = 10 : i64, tpu.core_type = #tpu.core_type<sc_vector_subcore>, window_params = [{transform_indices = #map}, {transform_indices = #map}, {transform_indices = #map}, {transform_indices = #map}, {transform_indices = #map}, {transform_indices = #map}, {transform_indices = #map}, {transform_indices = #map1}, {transform_indices = #map1}, {transform_indices = #map1}]} {
    %mul3A = arith.constant 2 : i32
    %mul3A_0 = arith.muli %arg1, %mul3A : i32
    %add3A = arith.addi %mul3A_0, %arg0 : i32
    %jit3A = arith.constant 2 : i32
    %div3A = arith.divsi %add3A, %jit3A : i32
    %sign3A = arith.constant 0 : i32
    %sign3A_1 = arith.cmpi sgt, %add3A, %sign3A : i32
    %sign3A_2 = arith.extui %sign3A_1 : i1 to i32
    %sign3A_3 = arith.constant 0 : i32
    %sign3A_4 = arith.cmpi slt, %add3A, %sign3A_3 : i32
    %sign3A_5 = arith.extui %sign3A_4 : i1 to i32
    %sign3A_6 = arith.subi %sign3A_2, %sign3A_5 : i32
    %sign3A_7 = arith.constant 0 : i32
    %sign3A_8 = arith.cmpi sgt, %jit3A, %sign3A_7 : i32
    %sign3A_9 = arith.extui %sign3A_8 : i1 to i32
    %sign3A_10 = arith.constant 0 : i32
    %sign3A_11 = arith.cmpi slt, %jit3A, %sign3A_10 : i32
    %sign3A_12 = arith.extui %sign3A_11 : i1 to i32
    %sign3A_13 = arith.subi %sign3A_9, %sign3A_12 : i32
    %ne3A = arith.cmpi ne, %sign3A_6, %sign3A_13 : i32
    %rem3A = arith.remsi %add3A, %jit3A : i32
    %ne3A_14 = arith.constant 0 : i32
    %ne3A_15 = arith.cmpi ne, %rem3A, %ne3A_14 : i32
    %and3A = arith.andi %ne3A, %ne3A_15 : i1
    %sub3A = arith.constant 1 : i32
    %sub3A_16 = arith.subi %div3A, %sub3A : i32
    %select_n3A = arith.select %and3A, %sub3A_16, %div3A : i32
    %mul3A_17 = arith.constant 128 : i32
    %mul3A_18 = arith.muli %add3A, %mul3A_17 : i32
    %jit3A_19 = arith.constant 2 : i32
    %eq3A = arith.constant 0 : i32
    %eq3A_20 = arith.cmpi eq, %jit3A_19, %eq3A : i32
    %jit3A_21 = arith.constant 1 : i32
    %select_n3A_22 = arith.select %eq3A_20, %jit3A_21, %jit3A_19 : i32
    %rem3A_23 = arith.remsi %add3A, %select_n3A_22 : i32
    %ne3A_24 = arith.constant 0 : i32
    %ne3A_25 = arith.cmpi ne, %rem3A_23, %ne3A_24 : i32
    %lt3A = arith.constant 0 : i32
    %lt3A_26 = arith.cmpi slt, %rem3A_23, %lt3A : i32
    %lt3A_27 = arith.constant 0 : i32
    %lt3A_28 = arith.cmpi slt, %select_n3A_22, %lt3A_27 : i32
    %ne3A_29 = arith.xori %lt3A_26, %lt3A_28 : i1
    %and3A_30 = arith.andi %ne3A_29, %ne3A_25 : i1
    %add3A_31 = arith.addi %rem3A_23, %select_n3A_22 : i32
    %select_n3A_32 = arith.select %and3A_30, %add3A_31, %rem3A_23 : i32
    %mul3A_33 = arith.constant 128 : i32
    %mul3A_34 = arith.muli %select_n3A_32, %mul3A_33 : i32
    %mul3A_35 = arith.constant 4096 : i32
    %mul3A_36 = arith.muli %select_n3A, %mul3A_35 : i32
    "tpu.region"() ({
      %run_scoped3A = tpu.sem_alloc : memref<!tpu.dma_semaphore, #tpu.memory_space<semaphore_mem>>
      %dma_start3A = tpu.memref_slice %arg2[%mul3A_36] : memref<65536xf32, #tpu.memory_space<hbm>> -> memref<4096xf32, #tpu.memory_space<hbm>>
      %dma_start3A_49 = tpu.memref_slice %arg2[%mul3A_36] : memref<65536xf32, #tpu.memory_space<hbm>> -> memref<4096xf32, #tpu.memory_space<hbm>>
      tpu.enqueue_dma source(%dma_start3A_49 : memref<4096xf32, #tpu.memory_space<hbm>>) target(%arg12 : memref<4096xf32, #tpu.memory_space<vmem>>) target_semaphore(%run_scoped3A : memref<!tpu.dma_semaphore, #tpu.memory_space<semaphore_mem>>)
      %dma_wait3A = tpu.memref_slice %arg2[%mul3A_36] : memref<65536xf32, #tpu.memory_space<hbm>> -> memref<4096xf32, #tpu.memory_space<hbm>>
      %dma_wait3A_50 = tpu.memref_slice %arg2[%mul3A_36] : memref<65536xf32, #tpu.memory_space<hbm>> -> memref<4096xf32, #tpu.memory_space<hbm>>
      tpu.wait_dma2 semaphore(%run_scoped3A : memref<!tpu.dma_semaphore, #tpu.memory_space<semaphore_mem>>) src(%dma_wait3A_50 : memref<4096xf32, #tpu.memory_space<hbm>>) dst(%arg12 : memref<4096xf32, #tpu.memory_space<vmem>>)
      tpu.yield
    }) : () -> ()
    %mul3A_37 = arith.constant 4096 : i32
    %mul3A_38 = arith.muli %select_n3A, %mul3A_37 : i32
    "tpu.region"() ({
      %run_scoped3A = tpu.sem_alloc : memref<!tpu.dma_semaphore, #tpu.memory_space<semaphore_mem>>
      %dma_start3A = tpu.memref_slice %arg3[%mul3A_38] : memref<65536xf32, #tpu.memory_space<hbm>> -> memref<4096xf32, #tpu.memory_space<hbm>>
      %dma_start3A_49 = tpu.memref_slice %arg3[%mul3A_38] : memref<65536xf32, #tpu.memory_space<hbm>> -> memref<4096xf32, #tpu.memory_space<hbm>>
      tpu.enqueue_dma source(%dma_start3A_49 : memref<4096xf32, #tpu.memory_space<hbm>>) target(%arg13 : memref<4096xf32, #tpu.memory_space<vmem>>) target_semaphore(%run_scoped3A : memref<!tpu.dma_semaphore, #tpu.memory_space<semaphore_mem>>)
      %dma_wait3A = tpu.memref_slice %arg3[%mul3A_38] : memref<65536xf32, #tpu.memory_space<hbm>> -> memref<4096xf32, #tpu.memory_space<hbm>>
      %dma_wait3A_50 = tpu.memref_slice %arg3[%mul3A_38] : memref<65536xf32, #tpu.memory_space<hbm>> -> memref<4096xf32, #tpu.memory_space<hbm>>
      tpu.wait_dma2 semaphore(%run_scoped3A : memref<!tpu.dma_semaphore, #tpu.memory_space<semaphore_mem>>) src(%dma_wait3A_50 : memref<4096xf32, #tpu.memory_space<hbm>>) dst(%arg13 : memref<4096xf32, #tpu.memory_space<vmem>>)
      tpu.yield
    }) : () -> ()
    %mul3A_39 = arith.constant 4096 : i32
    %mul3A_40 = arith.muli %select_n3A, %mul3A_39 : i32
    "tpu.region"() ({
      %run_scoped3A = tpu.sem_alloc : memref<!tpu.dma_semaphore, #tpu.memory_space<semaphore_mem>>
      %dma_start3A = tpu.memref_slice %arg4[%mul3A_40] : memref<65536xf32, #tpu.memory_space<hbm>> -> memref<4096xf32, #tpu.memory_space<hbm>>
      %dma_start3A_49 = tpu.memref_slice %arg4[%mul3A_40] : memref<65536xf32, #tpu.memory_space<hbm>> -> memref<4096xf32, #tpu.memory_space<hbm>>
      tpu.enqueue_dma source(%dma_start3A_49 : memref<4096xf32, #tpu.memory_space<hbm>>) target(%arg14 : memref<4096xf32, #tpu.memory_space<vmem>>) target_semaphore(%run_scoped3A : memref<!tpu.dma_semaphore, #tpu.memory_space<semaphore_mem>>)
      %dma_wait3A = tpu.memref_slice %arg4[%mul3A_40] : memref<65536xf32, #tpu.memory_space<hbm>> -> memref<4096xf32, #tpu.memory_space<hbm>>
      %dma_wait3A_50 = tpu.memref_slice %arg4[%mul3A_40] : memref<65536xf32, #tpu.memory_space<hbm>> -> memref<4096xf32, #tpu.memory_space<hbm>>
      tpu.wait_dma2 semaphore(%run_scoped3A : memref<!tpu.dma_semaphore, #tpu.memory_space<semaphore_mem>>) src(%dma_wait3A_50 : memref<4096xf32, #tpu.memory_space<hbm>>) dst(%arg14 : memref<4096xf32, #tpu.memory_space<vmem>>)
      tpu.yield
    }) : () -> ()
    %mul3A_41 = arith.constant 32 : i32
    %mul3A_42 = arith.muli %mul3A_18, %mul3A_41 : i32
    "tpu.region"() ({
      %run_scoped3A = tpu.sem_alloc : memref<!tpu.dma_semaphore, #tpu.memory_space<semaphore_mem>>
      %dma_start3A = tpu.memref_slice %arg5[%mul3A_42] : memref<131072xi32, #tpu.memory_space<hbm>> -> memref<4096xi32, #tpu.memory_space<hbm>>
      %dma_start3A_49 = tpu.memref_slice %arg5[%mul3A_42] : memref<131072xi32, #tpu.memory_space<hbm>> -> memref<4096xi32, #tpu.memory_space<hbm>>
      tpu.enqueue_dma source(%dma_start3A_49 : memref<4096xi32, #tpu.memory_space<hbm>>) target(%arg15 : memref<4096xi32, #tpu.memory_space<vmem>>) target_semaphore(%run_scoped3A : memref<!tpu.dma_semaphore, #tpu.memory_space<semaphore_mem>>)
      %dma_wait3A = tpu.memref_slice %arg5[%mul3A_42] : memref<131072xi32, #tpu.memory_space<hbm>> -> memref<4096xi32, #tpu.memory_space<hbm>>
      %dma_wait3A_50 = tpu.memref_slice %arg5[%mul3A_42] : memref<131072xi32, #tpu.memory_space<hbm>> -> memref<4096xi32, #tpu.memory_space<hbm>>
      tpu.wait_dma2 semaphore(%run_scoped3A : memref<!tpu.dma_semaphore, #tpu.memory_space<semaphore_mem>>) src(%dma_wait3A_50 : memref<4096xi32, #tpu.memory_space<hbm>>) dst(%arg15 : memref<4096xi32, #tpu.memory_space<vmem>>)
      tpu.yield
    }) : () -> ()
    "tpu.region"() ({
      %run_scoped3A = tpu.sem_alloc : memref<!tpu.dma_semaphore, #tpu.memory_space<semaphore_mem>>
      %dma_start3A = tpu.memref_slice %arg6[%mul3A_18] : memref<4096xf32, #tpu.memory_space<hbm>> -> memref<128xf32, #tpu.memory_space<hbm>>
      %dma_start3A_49 = tpu.memref_slice %arg6[%mul3A_18] : memref<4096xf32, #tpu.memory_space<hbm>> -> memref<128xf32, #tpu.memory_space<hbm>>
      tpu.enqueue_dma source(%dma_start3A_49 : memref<128xf32, #tpu.memory_space<hbm>>) target(%arg16 : memref<128xf32, #tpu.memory_space<vmem>>) target_semaphore(%run_scoped3A : memref<!tpu.dma_semaphore, #tpu.memory_space<semaphore_mem>>)
      %dma_wait3A = tpu.memref_slice %arg6[%mul3A_18] : memref<4096xf32, #tpu.memory_space<hbm>> -> memref<128xf32, #tpu.memory_space<hbm>>
      %dma_wait3A_50 = tpu.memref_slice %arg6[%mul3A_18] : memref<4096xf32, #tpu.memory_space<hbm>> -> memref<128xf32, #tpu.memory_space<hbm>>
      tpu.wait_dma2 semaphore(%run_scoped3A : memref<!tpu.dma_semaphore, #tpu.memory_space<semaphore_mem>>) src(%dma_wait3A_50 : memref<128xf32, #tpu.memory_space<hbm>>) dst(%arg16 : memref<128xf32, #tpu.memory_space<vmem>>)
      tpu.yield
    }) : () -> ()
    "tpu.region"() ({
      %run_scoped3A = tpu.sem_alloc : memref<!tpu.dma_semaphore, #tpu.memory_space<semaphore_mem>>
      %dma_start3A = tpu.memref_slice %arg7[%mul3A_18] : memref<4096xf32, #tpu.memory_space<hbm>> -> memref<128xf32, #tpu.memory_space<hbm>>
      %dma_start3A_49 = tpu.memref_slice %arg7[%mul3A_18] : memref<4096xf32, #tpu.memory_space<hbm>> -> memref<128xf32, #tpu.memory_space<hbm>>
      tpu.enqueue_dma source(%dma_start3A_49 : memref<128xf32, #tpu.memory_space<hbm>>) target(%arg17 : memref<128xf32, #tpu.memory_space<vmem>>) target_semaphore(%run_scoped3A : memref<!tpu.dma_semaphore, #tpu.memory_space<semaphore_mem>>)
      %dma_wait3A = tpu.memref_slice %arg7[%mul3A_18] : memref<4096xf32, #tpu.memory_space<hbm>> -> memref<128xf32, #tpu.memory_space<hbm>>
      %dma_wait3A_50 = tpu.memref_slice %arg7[%mul3A_18] : memref<4096xf32, #tpu.memory_space<hbm>> -> memref<128xf32, #tpu.memory_space<hbm>>
      tpu.wait_dma2 semaphore(%run_scoped3A : memref<!tpu.dma_semaphore, #tpu.memory_space<semaphore_mem>>) src(%dma_wait3A_50 : memref<128xf32, #tpu.memory_space<hbm>>) dst(%arg17 : memref<128xf32, #tpu.memory_space<vmem>>)
      tpu.yield
    }) : () -> ()
    "tpu.region"() ({
      %run_scoped3A = tpu.sem_alloc : memref<!tpu.dma_semaphore, #tpu.memory_space<semaphore_mem>>
      %dma_start3A = tpu.memref_slice %arg8[%mul3A_18] : memref<4096xf32, #tpu.memory_space<hbm>> -> memref<128xf32, #tpu.memory_space<hbm>>
      %dma_start3A_49 = tpu.memref_slice %arg8[%mul3A_18] : memref<4096xf32, #tpu.memory_space<hbm>> -> memref<128xf32, #tpu.memory_space<hbm>>
      tpu.enqueue_dma source(%dma_start3A_49 : memref<128xf32, #tpu.memory_space<hbm>>) target(%arg18 : memref<128xf32, #tpu.memory_space<vmem>>) target_semaphore(%run_scoped3A : memref<!tpu.dma_semaphore, #tpu.memory_space<semaphore_mem>>)
      %dma_wait3A = tpu.memref_slice %arg8[%mul3A_18] : memref<4096xf32, #tpu.memory_space<hbm>> -> memref<128xf32, #tpu.memory_space<hbm>>
      %dma_wait3A_50 = tpu.memref_slice %arg8[%mul3A_18] : memref<4096xf32, #tpu.memory_space<hbm>> -> memref<128xf32, #tpu.memory_space<hbm>>
      tpu.wait_dma2 semaphore(%run_scoped3A : memref<!tpu.dma_semaphore, #tpu.memory_space<semaphore_mem>>) src(%dma_wait3A_50 : memref<128xf32, #tpu.memory_space<hbm>>) dst(%arg18 : memref<128xf32, #tpu.memory_space<vmem>>)
      tpu.yield
    }) : () -> ()
    %iota3A = tpu.iota {dimensions = array<i32: 0>} : vector<16xi32>
    %scan3A = arith.constant 0 : i32
    %scan3A_43 = arith.constant 0 : i32
    %scan3A_44 = arith.constant 128 : i32
    %scan3A_45 = arith.addi %scan3A_43, %scan3A_44 : i32
    %scan3A_46 = arith.constant 1 : i32
    %scan3A_47 = scf.for %scan3A_49 = %scan3A_43 to %scan3A_45 step %scan3A_46 iter_args(%scan3A_50 = %scan3A) -> (i32)  : i32 {
      %broadcast_in_dim3A = vector.broadcast %scan3A_49 : i32 to vector<16xi32>
      %gather3A = tpu.vector_load_idx %arg16[%broadcast_in_dim3A] : memref<128xf32, #tpu.memory_space<vmem>>[vector<16xi32>], vector<16xf32>,
      %gather3A_51 = tpu.vector_load_idx %arg17[%broadcast_in_dim3A] : memref<128xf32, #tpu.memory_space<vmem>>[vector<16xi32>], vector<16xf32>,
      %gather3A_52 = tpu.vector_load_idx %arg18[%broadcast_in_dim3A] : memref<128xf32, #tpu.memory_space<vmem>>[vector<16xi32>], vector<16xf32>,
      %mul3A_53 = arith.constant 32 : i32
      %mul3A_54 = arith.muli %scan3A_49, %mul3A_53 : i32
      %add3A_55 = arith.constant 0 : i32
      %add3A_56 = arith.addi %mul3A_54, %add3A_55 : i32
      %get3A = arith.index_cast %add3A_56 : i32 to index
      %get3A_57 = tpu.vector_load %arg15[%get3A] {strides = array<i32>} : memref<4096xi32, #tpu.memory_space<vmem>>, vector<16xi32>,
      %gather3A_58 = tpu.vector_load_idx %arg12[%get3A_57] : memref<4096xf32, #tpu.memory_space<vmem>>[vector<16xi32>], vector<16xf32>,
      %gather3A_59 = tpu.vector_load_idx %arg13[%get3A_57] : memref<4096xf32, #tpu.memory_space<vmem>>[vector<16xi32>], vector<16xf32>,
      %gather3A_60 = tpu.vector_load_idx %arg14[%get3A_57] : memref<4096xf32, #tpu.memory_space<vmem>>[vector<16xi32>], vector<16xf32>,
      %add3A_61 = arith.constant 0 : i32
      %add3A_62 = vector.broadcast %add3A_61 : i32 to vector<16xi32>
      %add3A_63 = arith.addi %iota3A, %add3A_62 : vector<16xi32>
      %sub3A_64 = arith.subf %gather3A_58, %gather3A : vector<16xf32>
      tpu.vector_store_idx %arg19[%add3A_63, %broadcast_in_dim3A], %sub3A_64 : memref<32x128xf32, #tpu.memory_space<vmem>>[vector<16xi32>, vector<16xi32>], vector<16xf32>,
      %sub3A_65 = arith.subf %gather3A_59, %gather3A_51 : vector<16xf32>
      tpu.vector_store_idx %arg20[%add3A_63, %broadcast_in_dim3A], %sub3A_65 : memref<32x128xf32, #tpu.memory_space<vmem>>[vector<16xi32>, vector<16xi32>], vector<16xf32>,
      %sub3A_66 = arith.subf %gather3A_60, %gather3A_52 : vector<16xf32>
      tpu.vector_store_idx %arg21[%add3A_63, %broadcast_in_dim3A], %sub3A_66 : memref<32x128xf32, #tpu.memory_space<vmem>>[vector<16xi32>, vector<16xi32>], vector<16xf32>,
      %mul3A_67 = arith.constant 32 : i32
      %mul3A_68 = arith.muli %scan3A_49, %mul3A_67 : i32
      %add3A_69 = arith.constant 16 : i32
      %add3A_70 = arith.addi %mul3A_68, %add3A_69 : i32
      %get3A_71 = arith.index_cast %add3A_70 : i32 to index
      %get3A_72 = tpu.vector_load %arg15[%get3A_71] {strides = array<i32>} : memref<4096xi32, #tpu.memory_space<vmem>>, vector<16xi32>,
      %gather3A_73 = tpu.vector_load_idx %arg12[%get3A_72] : memref<4096xf32, #tpu.memory_space<vmem>>[vector<16xi32>], vector<16xf32>,
      %gather3A_74 = tpu.vector_load_idx %arg13[%get3A_72] : memref<4096xf32, #tpu.memory_space<vmem>>[vector<16xi32>], vector<16xf32>,
      %gather3A_75 = tpu.vector_load_idx %arg14[%get3A_72] : memref<4096xf32, #tpu.memory_space<vmem>>[vector<16xi32>], vector<16xf32>,
      %add3A_76 = arith.constant 16 : i32
      %add3A_77 = vector.broadcast %add3A_76 : i32 to vector<16xi32>
      %add3A_78 = arith.addi %iota3A, %add3A_77 : vector<16xi32>
      %sub3A_79 = arith.subf %gather3A_73, %gather3A : vector<16xf32>
      tpu.vector_store_idx %arg19[%add3A_78, %broadcast_in_dim3A], %sub3A_79 : memref<32x128xf32, #tpu.memory_space<vmem>>[vector<16xi32>, vector<16xi32>], vector<16xf32>,
      %sub3A_80 = arith.subf %gather3A_74, %gather3A_51 : vector<16xf32>
      tpu.vector_store_idx %arg20[%add3A_78, %broadcast_in_dim3A], %sub3A_80 : memref<32x128xf32, #tpu.memory_space<vmem>>[vector<16xi32>, vector<16xi32>], vector<16xf32>,
      %sub3A_81 = arith.subf %gather3A_75, %gather3A_52 : vector<16xf32>
      tpu.vector_store_idx %arg21[%add3A_78, %broadcast_in_dim3A], %sub3A_81 : memref<32x128xf32, #tpu.memory_space<vmem>>[vector<16xi32>, vector<16xi32>], vector<16xf32>,
      %scan3A_82 = arith.constant 0 : i32
      scf.yield %scan3A_82 : i32
    }
    %scan3A_48 = arith.constant 128 : i32
    "tpu.region"() ({
      %run_scoped3A = tpu.sem_alloc : memref<!tpu.dma_semaphore, #tpu.memory_space<semaphore_mem>>
      %dma_start3A = arith.constant 0 : i32
      %dma_start3A_49 = tpu.memref_slice %arg9[%select_n3A, %dma_start3A, %mul3A_34] : memref<16x32x256xf32, #tpu.memory_space<hbm>> -> memref<1x32x128xf32, #tpu.memory_space<hbm>>
      %dma_start3A_50 = tpu.memref_squeeze %dma_start3A_49 : memref<1x32x128xf32, #tpu.memory_space<hbm>> -> memref<32x128xf32, #tpu.memory_space<hbm>>
      %dma_start3A_51 = arith.constant 0 : i32
      %dma_start3A_52 = tpu.memref_slice %arg9[%select_n3A, %dma_start3A_51, %mul3A_34] : memref<16x32x256xf32, #tpu.memory_space<hbm>> -> memref<1x32x128xf32, #tpu.memory_space<hbm>>
      %dma_start3A_53 = tpu.memref_squeeze %dma_start3A_52 : memref<1x32x128xf32, #tpu.memory_space<hbm>> -> memref<32x128xf32, #tpu.memory_space<hbm>>
      tpu.enqueue_dma source(%arg19 : memref<32x128xf32, #tpu.memory_space<vmem>>) target(%dma_start3A_53 : memref<32x128xf32, #tpu.memory_space<hbm>>) target_semaphore(%run_scoped3A : memref<!tpu.dma_semaphore, #tpu.memory_space<semaphore_mem>>)
      %dma_wait3A = arith.constant 0 : i32
      %dma_wait3A_54 = tpu.memref_slice %arg9[%select_n3A, %dma_wait3A, %mul3A_34] : memref<16x32x256xf32, #tpu.memory_space<hbm>> -> memref<1x32x128xf32, #tpu.memory_space<hbm>>
      %dma_wait3A_55 = tpu.memref_squeeze %dma_wait3A_54 : memref<1x32x128xf32, #tpu.memory_space<hbm>> -> memref<32x128xf32, #tpu.memory_space<hbm>>
      %dma_wait3A_56 = arith.constant 0 : i32
      %dma_wait3A_57 = tpu.memref_slice %arg9[%select_n3A, %dma_wait3A_56, %mul3A_34] : memref<16x32x256xf32, #tpu.memory_space<hbm>> -> memref<1x32x128xf32, #tpu.memory_space<hbm>>
      %dma_wait3A_58 = tpu.memref_squeeze %dma_wait3A_57 : memref<1x32x128xf32, #tpu.memory_space<hbm>> -> memref<32x128xf32, #tpu.memory_space<hbm>>
      tpu.wait_dma2 semaphore(%run_scoped3A : memref<!tpu.dma_semaphore, #tpu.memory_space<semaphore_mem>>) src(%arg19 : memref<32x128xf32, #tpu.memory_space<vmem>>) dst(%dma_wait3A_58 : memref<32x128xf32, #tpu.memory_space<hbm>>)
      tpu.yield
    }) : () -> ()
    "tpu.region"() ({
      %run_scoped3A = tpu.sem_alloc : memref<!tpu.dma_semaphore, #tpu.memory_space<semaphore_mem>>
      %dma_start3A = arith.constant 0 : i32
      %dma_start3A_49 = tpu.memref_slice %arg10[%select_n3A, %dma_start3A, %mul3A_34] : memref<16x32x256xf32, #tpu.memory_space<hbm>> -> memref<1x32x128xf32, #tpu.memory_space<hbm>>
      %dma_start3A_50 = tpu.memref_squeeze %dma_start3A_49 : memref<1x32x128xf32, #tpu.memory_space<hbm>> -> memref<32x128xf32, #tpu.memory_space<hbm>>
      %dma_start3A_51 = arith.constant 0 : i32
      %dma_start3A_52 = tpu.memref_slice %arg10[%select_n3A, %dma_start3A_51, %mul3A_34] : memref<16x32x256xf32, #tpu.memory_space<hbm>> -> memref<1x32x128xf32, #tpu.memory_space<hbm>>
      %dma_start3A_53 = tpu.memref_squeeze %dma_start3A_52 : memref<1x32x128xf32, #tpu.memory_space<hbm>> -> memref<32x128xf32, #tpu.memory_space<hbm>>
      tpu.enqueue_dma source(%arg20 : memref<32x128xf32, #tpu.memory_space<vmem>>) target(%dma_start3A_53 : memref<32x128xf32, #tpu.memory_space<hbm>>) target_semaphore(%run_scoped3A : memref<!tpu.dma_semaphore, #tpu.memory_space<semaphore_mem>>)
      %dma_wait3A = arith.constant 0 : i32
      %dma_wait3A_54 = tpu.memref_slice %arg10[%select_n3A, %dma_wait3A, %mul3A_34] : memref<16x32x256xf32, #tpu.memory_space<hbm>> -> memref<1x32x128xf32, #tpu.memory_space<hbm>>
      %dma_wait3A_55 = tpu.memref_squeeze %dma_wait3A_54 : memref<1x32x128xf32, #tpu.memory_space<hbm>> -> memref<32x128xf32, #tpu.memory_space<hbm>>
      %dma_wait3A_56 = arith.constant 0 : i32
      %dma_wait3A_57 = tpu.memref_slice %arg10[%select_n3A, %dma_wait3A_56, %mul3A_34] : memref<16x32x256xf32, #tpu.memory_space<hbm>> -> memref<1x32x128xf32, #tpu.memory_space<hbm>>
      %dma_wait3A_58 = tpu.memref_squeeze %dma_wait3A_57 : memref<1x32x128xf32, #tpu.memory_space<hbm>> -> memref<32x128xf32, #tpu.memory_space<hbm>>
      tpu.wait_dma2 semaphore(%run_scoped3A : memref<!tpu.dma_semaphore, #tpu.memory_space<semaphore_mem>>) src(%arg20 : memref<32x128xf32, #tpu.memory_space<vmem>>) dst(%dma_wait3A_58 : memref<32x128xf32, #tpu.memory_space<hbm>>)
      tpu.yield
    }) : () -> ()
    "tpu.region"() ({
      %run_scoped3A = tpu.sem_alloc : memref<!tpu.dma_semaphore, #tpu.memory_space<semaphore_mem>>
      %dma_start3A = arith.constant 0 : i32
      %dma_start3A_49 = tpu.memref_slice %arg11[%select_n3A, %dma_start3A, %mul3A_34] : memref<16x32x256xf32, #tpu.memory_space<hbm>> -> memref<1x32x128xf32, #tpu.memory_space<hbm>>
      %dma_start3A_50 = tpu.memref_squeeze %dma_start3A_49 : memref<1x32x128xf32, #tpu.memory_space<hbm>> -> memref<32x128xf32, #tpu.memory_space<hbm>>
      %dma_start3A_51 = arith.constant 0 : i32
      %dma_start3A_52 = tpu.memref_slice %arg11[%select_n3A, %dma_start3A_51, %mul3A_34] : memref<16x32x256xf32, #tpu.memory_space<hbm>> -> memref<1x32x128xf32, #tpu.memory_space<hbm>>
      %dma_start3A_53 = tpu.memref_squeeze %dma_start3A_52 : memref<1x32x128xf32, #tpu.memory_space<hbm>> -> memref<32x128xf32, #tpu.memory_space<hbm>>
      tpu.enqueue_dma source(%arg21 : memref<32x128xf32, #tpu.memory_space<vmem>>) target(%dma_start3A_53 : memref<32x128xf32, #tpu.memory_space<hbm>>) target_semaphore(%run_scoped3A : memref<!tpu.dma_semaphore, #tpu.memory_space<semaphore_mem>>)
      %dma_wait3A = arith.constant 0 : i32
      %dma_wait3A_54 = tpu.memref_slice %arg11[%select_n3A, %dma_wait3A, %mul3A_34] : memref<16x32x256xf32, #tpu.memory_space<hbm>> -> memref<1x32x128xf32, #tpu.memory_space<hbm>>
      %dma_wait3A_55 = tpu.memref_squeeze %dma_wait3A_54 : memref<1x32x128xf32, #tpu.memory_space<hbm>> -> memref<32x128xf32, #tpu.memory_space<hbm>>
      %dma_wait3A_56 = arith.constant 0 : i32
      %dma_wait3A_57 = tpu.memref_slice %arg11[%select_n3A, %dma_wait3A_56, %mul3A_34] : memref<16x32x256xf32, #tpu.memory_space<hbm>> -> memref<1x32x128xf32, #tpu.memory_space<hbm>>
      %dma_wait3A_58 = tpu.memref_squeeze %dma_wait3A_57 : memref<1x32x128xf32, #tpu.memory_space<hbm>> -> memref<32x128xf32, #tpu.memory_space<hbm>>
      tpu.wait_dma2 semaphore(%run_scoped3A : memref<!tpu.dma_semaphore, #tpu.memory_space<semaphore_mem>>) src(%arg21 : memref<32x128xf32, #tpu.memory_space<vmem>>) dst(%dma_wait3A_58 : memref<32x128xf32, #tpu.memory_space<hbm>>)
      tpu.yield
    }) : () -> ()
    return
  }
}

module attributes {stable_mosaic.version = 14 : i64} {
  func.func @_fps_kernel(%arg0: memref<32x16x128xf32, #tpu.memory_space<vmem>>, %arg1: memref<32x16x128xf32, #tpu.memory_space<vmem>>, %arg2: memref<32x16x128xf32, #tpu.memory_space<vmem>>, %arg3: memref<16x256xi32, #tpu.memory_space<vmem>>, %arg4: memref<16x256xf32, #tpu.memory_space<vmem>>, %arg5: memref<16x256xf32, #tpu.memory_space<vmem>>, %arg6: memref<16x256xf32, #tpu.memory_space<vmem>>) attributes {dimension_semantics = [], scalar_prefetch = 0 : i64, scratch_operands = 0 : i64, tpu.core_type = #tpu.core_type<tc>} {
    %get3A = arith.constant 0 : index
    %get3A_0 = arith.constant 0 : index
    %get3A_1 = arith.constant 0 : index
    %get3A_2 = vector.load %arg0[%get3A, %get3A_0, %get3A_1] : memref<32x16x128xf32, #tpu.memory_space<vmem>>, vector<32x16x128xf32>
    %get3A_3 = arith.constant 0 : index
    %get3A_4 = arith.constant 0 : index
    %get3A_5 = arith.constant 0 : index
    %get3A_6 = vector.load %arg1[%get3A_3, %get3A_4, %get3A_5] : memref<32x16x128xf32, #tpu.memory_space<vmem>>, vector<32x16x128xf32>
    %get3A_7 = arith.constant 0 : index
    %get3A_8 = arith.constant 0 : index
    %get3A_9 = arith.constant 0 : index
    %get3A_10 = vector.load %arg2[%get3A_7, %get3A_8, %get3A_9] : memref<32x16x128xf32, #tpu.memory_space<vmem>>, vector<32x16x128xf32>
    %iota3A = tpu.iota {dimensions = array<i32: 0>} : vector<32x16x128xi32>
    %mul3A = arith.constant 128 : i32
    %mul3A_11 = vector.broadcast %mul3A : i32 to vector<32x16x128xi32>
    %mul3A_12 = arith.muli %iota3A, %mul3A_11 : vector<32x16x128xi32>
    %iota3A_13 = tpu.iota {dimensions = array<i32: 2>} : vector<32x16x128xi32>
    %add3A = arith.addi %mul3A_12, %iota3A_13 : vector<32x16x128xi32>
    %convert_element_type3A = arith.sitofp %add3A : vector<32x16x128xi32> to vector<32x16x128xf32>
    %iota3A_14 = tpu.iota {dimensions = array<i32: 1>} : vector<16x256xi32>
    %slice3A = vector.extract_strided_slice %get3A_2 {offsets = [0, 0, 0], sizes = [16, 16, 128], strides = [1, 1, 1]} : vector<32x16x128xf32> to vector<16x16x128xf32>
    %slice3A_15 = vector.extract_strided_slice %get3A_2 {offsets = [16, 0, 0], sizes = [16, 16, 128], strides = [1, 1, 1]} : vector<32x16x128xf32> to vector<16x16x128xf32>
    %add3A_16 = arith.addf %slice3A, %slice3A_15 : vector<16x16x128xf32>
    %slice3A_17 = vector.extract_strided_slice %add3A_16 {offsets = [0, 0, 0], sizes = [8, 16, 128], strides = [1, 1, 1]} : vector<16x16x128xf32> to vector<8x16x128xf32>
    %slice3A_18 = vector.extract_strided_slice %add3A_16 {offsets = [8, 0, 0], sizes = [8, 16, 128], strides = [1, 1, 1]} : vector<16x16x128xf32> to vector<8x16x128xf32>
    %add3A_19 = arith.addf %slice3A_17, %slice3A_18 : vector<8x16x128xf32>
    %slice3A_20 = vector.extract_strided_slice %add3A_19 {offsets = [0, 0, 0], sizes = [4, 16, 128], strides = [1, 1, 1]} : vector<8x16x128xf32> to vector<4x16x128xf32>
    %slice3A_21 = vector.extract_strided_slice %add3A_19 {offsets = [4, 0, 0], sizes = [4, 16, 128], strides = [1, 1, 1]} : vector<8x16x128xf32> to vector<4x16x128xf32>
    %add3A_22 = arith.addf %slice3A_20, %slice3A_21 : vector<4x16x128xf32>
    %slice3A_23 = vector.extract_strided_slice %add3A_22 {offsets = [0, 0, 0], sizes = [2, 16, 128], strides = [1, 1, 1]} : vector<4x16x128xf32> to vector<2x16x128xf32>
    %slice3A_24 = vector.extract_strided_slice %add3A_22 {offsets = [2, 0, 0], sizes = [2, 16, 128], strides = [1, 1, 1]} : vector<4x16x128xf32> to vector<2x16x128xf32>
    %add3A_25 = arith.addf %slice3A_23, %slice3A_24 : vector<2x16x128xf32>
    %slice3A_26 = vector.extract_strided_slice %add3A_25 {offsets = [0, 0, 0], sizes = [1, 16, 128], strides = [1, 1, 1]} : vector<2x16x128xf32> to vector<1x16x128xf32>
    %slice3A_27 = vector.extract_strided_slice %add3A_25 {offsets = [1, 0, 0], sizes = [1, 16, 128], strides = [1, 1, 1]} : vector<2x16x128xf32> to vector<1x16x128xf32>
    %add3A_28 = arith.addf %slice3A_26, %slice3A_27 : vector<1x16x128xf32>
    %reduce_sum3A = arith.constant dense<0.000000e+00> : vector<1x16xf32>
    %reduce_sum3A_29 = vector.multi_reduction <add>, %add3A_28, %reduce_sum3A [2] : vector<1x16x128xf32> to vector<1x16xf32>
    %broadcast_in_dim3A = vector.shape_cast %reduce_sum3A_29 : vector<1x16xf32> to vector<1x16x1xf32>
    %mul3A_30 = arith.constant 2.44140625E-4 : f32
    %mul3A_31 = vector.broadcast %mul3A_30 : f32 to vector<1x16x1xf32>
    %mul3A_32 = arith.mulf %broadcast_in_dim3A, %mul3A_31 : vector<1x16x1xf32>
    %slice3A_33 = vector.extract_strided_slice %get3A_6 {offsets = [0, 0, 0], sizes = [16, 16, 128], strides = [1, 1, 1]} : vector<32x16x128xf32> to vector<16x16x128xf32>
    %slice3A_34 = vector.extract_strided_slice %get3A_6 {offsets = [16, 0, 0], sizes = [16, 16, 128], strides = [1, 1, 1]} : vector<32x16x128xf32> to vector<16x16x128xf32>
    %add3A_35 = arith.addf %slice3A_33, %slice3A_34 : vector<16x16x128xf32>
    %slice3A_36 = vector.extract_strided_slice %add3A_35 {offsets = [0, 0, 0], sizes = [8, 16, 128], strides = [1, 1, 1]} : vector<16x16x128xf32> to vector<8x16x128xf32>
    %slice3A_37 = vector.extract_strided_slice %add3A_35 {offsets = [8, 0, 0], sizes = [8, 16, 128], strides = [1, 1, 1]} : vector<16x16x128xf32> to vector<8x16x128xf32>
    %add3A_38 = arith.addf %slice3A_36, %slice3A_37 : vector<8x16x128xf32>
    %slice3A_39 = vector.extract_strided_slice %add3A_38 {offsets = [0, 0, 0], sizes = [4, 16, 128], strides = [1, 1, 1]} : vector<8x16x128xf32> to vector<4x16x128xf32>
    %slice3A_40 = vector.extract_strided_slice %add3A_38 {offsets = [4, 0, 0], sizes = [4, 16, 128], strides = [1, 1, 1]} : vector<8x16x128xf32> to vector<4x16x128xf32>
    %add3A_41 = arith.addf %slice3A_39, %slice3A_40 : vector<4x16x128xf32>
    %slice3A_42 = vector.extract_strided_slice %add3A_41 {offsets = [0, 0, 0], sizes = [2, 16, 128], strides = [1, 1, 1]} : vector<4x16x128xf32> to vector<2x16x128xf32>
    %slice3A_43 = vector.extract_strided_slice %add3A_41 {offsets = [2, 0, 0], sizes = [2, 16, 128], strides = [1, 1, 1]} : vector<4x16x128xf32> to vector<2x16x128xf32>
    %add3A_44 = arith.addf %slice3A_42, %slice3A_43 : vector<2x16x128xf32>
    %slice3A_45 = vector.extract_strided_slice %add3A_44 {offsets = [0, 0, 0], sizes = [1, 16, 128], strides = [1, 1, 1]} : vector<2x16x128xf32> to vector<1x16x128xf32>
    %slice3A_46 = vector.extract_strided_slice %add3A_44 {offsets = [1, 0, 0], sizes = [1, 16, 128], strides = [1, 1, 1]} : vector<2x16x128xf32> to vector<1x16x128xf32>
    %add3A_47 = arith.addf %slice3A_45, %slice3A_46 : vector<1x16x128xf32>
    %reduce_sum3A_48 = arith.constant dense<0.000000e+00> : vector<1x16xf32>
    %reduce_sum3A_49 = vector.multi_reduction <add>, %add3A_47, %reduce_sum3A_48 [2] : vector<1x16x128xf32> to vector<1x16xf32>
    %broadcast_in_dim3A_50 = vector.shape_cast %reduce_sum3A_49 : vector<1x16xf32> to vector<1x16x1xf32>
    %mul3A_51 = arith.constant 2.44140625E-4 : f32
    %mul3A_52 = vector.broadcast %mul3A_51 : f32 to vector<1x16x1xf32>
    %mul3A_53 = arith.mulf %broadcast_in_dim3A_50, %mul3A_52 : vector<1x16x1xf32>
    %slice3A_54 = vector.extract_strided_slice %get3A_10 {offsets = [0, 0, 0], sizes = [16, 16, 128], strides = [1, 1, 1]} : vector<32x16x128xf32> to vector<16x16x128xf32>
    %slice3A_55 = vector.extract_strided_slice %get3A_10 {offsets = [16, 0, 0], sizes = [16, 16, 128], strides = [1, 1, 1]} : vector<32x16x128xf32> to vector<16x16x128xf32>
    %add3A_56 = arith.addf %slice3A_54, %slice3A_55 : vector<16x16x128xf32>
    %slice3A_57 = vector.extract_strided_slice %add3A_56 {offsets = [0, 0, 0], sizes = [8, 16, 128], strides = [1, 1, 1]} : vector<16x16x128xf32> to vector<8x16x128xf32>
    %slice3A_58 = vector.extract_strided_slice %add3A_56 {offsets = [8, 0, 0], sizes = [8, 16, 128], strides = [1, 1, 1]} : vector<16x16x128xf32> to vector<8x16x128xf32>
    %add3A_59 = arith.addf %slice3A_57, %slice3A_58 : vector<8x16x128xf32>
    %slice3A_60 = vector.extract_strided_slice %add3A_59 {offsets = [0, 0, 0], sizes = [4, 16, 128], strides = [1, 1, 1]} : vector<8x16x128xf32> to vector<4x16x128xf32>
    %slice3A_61 = vector.extract_strided_slice %add3A_59 {offsets = [4, 0, 0], sizes = [4, 16, 128], strides = [1, 1, 1]} : vector<8x16x128xf32> to vector<4x16x128xf32>
    %add3A_62 = arith.addf %slice3A_60, %slice3A_61 : vector<4x16x128xf32>
    %slice3A_63 = vector.extract_strided_slice %add3A_62 {offsets = [0, 0, 0], sizes = [2, 16, 128], strides = [1, 1, 1]} : vector<4x16x128xf32> to vector<2x16x128xf32>
    %slice3A_64 = vector.extract_strided_slice %add3A_62 {offsets = [2, 0, 0], sizes = [2, 16, 128], strides = [1, 1, 1]} : vector<4x16x128xf32> to vector<2x16x128xf32>
    %add3A_65 = arith.addf %slice3A_63, %slice3A_64 : vector<2x16x128xf32>
    %slice3A_66 = vector.extract_strided_slice %add3A_65 {offsets = [0, 0, 0], sizes = [1, 16, 128], strides = [1, 1, 1]} : vector<2x16x128xf32> to vector<1x16x128xf32>
    %slice3A_67 = vector.extract_strided_slice %add3A_65 {offsets = [1, 0, 0], sizes = [1, 16, 128], strides = [1, 1, 1]} : vector<2x16x128xf32> to vector<1x16x128xf32>
    %add3A_68 = arith.addf %slice3A_66, %slice3A_67 : vector<1x16x128xf32>
    %reduce_sum3A_69 = arith.constant dense<0.000000e+00> : vector<1x16xf32>
    %reduce_sum3A_70 = vector.multi_reduction <add>, %add3A_68, %reduce_sum3A_69 [2] : vector<1x16x128xf32> to vector<1x16xf32>
    %broadcast_in_dim3A_71 = vector.shape_cast %reduce_sum3A_70 : vector<1x16xf32> to vector<1x16x1xf32>
    %mul3A_72 = arith.constant 2.44140625E-4 : f32
    %mul3A_73 = vector.broadcast %mul3A_72 : f32 to vector<1x16x1xf32>
    %mul3A_74 = arith.mulf %broadcast_in_dim3A_71, %mul3A_73 : vector<1x16x1xf32>
    %sub3A = vector.broadcast %mul3A_32 : vector<1x16x1xf32> to vector<32x16x128xf32>
    %sub3A_75 = arith.subf %get3A_2, %sub3A : vector<32x16x128xf32>
    %integer_pow3A = arith.mulf %sub3A_75, %sub3A_75 : vector<32x16x128xf32>
    %sub3A_76 = vector.broadcast %mul3A_53 : vector<1x16x1xf32> to vector<32x16x128xf32>
    %sub3A_77 = arith.subf %get3A_6, %sub3A_76 : vector<32x16x128xf32>
    %integer_pow3A_78 = arith.mulf %sub3A_77, %sub3A_77 : vector<32x16x128xf32>
    %add3A_79 = arith.addf %integer_pow3A, %integer_pow3A_78 : vector<32x16x128xf32>
    %sub3A_80 = vector.broadcast %mul3A_74 : vector<1x16x1xf32> to vector<32x16x128xf32>
    %sub3A_81 = arith.subf %get3A_10, %sub3A_80 : vector<32x16x128xf32>
    %integer_pow3A_82 = arith.mulf %sub3A_81, %sub3A_81 : vector<32x16x128xf32>
    %add3A_83 = arith.addf %add3A_79, %integer_pow3A_82 : vector<32x16x128xf32>
    %slice3A_84 = vector.extract_strided_slice %add3A_83 {offsets = [0, 0, 0], sizes = [16, 16, 128], strides = [1, 1, 1]} : vector<32x16x128xf32> to vector<16x16x128xf32>
    %slice3A_85 = vector.extract_strided_slice %add3A_83 {offsets = [16, 0, 0], sizes = [16, 16, 128], strides = [1, 1, 1]} : vector<32x16x128xf32> to vector<16x16x128xf32>
    %max3A = arith.maximumf %slice3A_84, %slice3A_85 : vector<16x16x128xf32>
    %slice3A_86 = vector.extract_strided_slice %max3A {offsets = [0, 0, 0], sizes = [8, 16, 128], strides = [1, 1, 1]} : vector<16x16x128xf32> to vector<8x16x128xf32>
    %slice3A_87 = vector.extract_strided_slice %max3A {offsets = [8, 0, 0], sizes = [8, 16, 128], strides = [1, 1, 1]} : vector<16x16x128xf32> to vector<8x16x128xf32>
    %max3A_88 = arith.maximumf %slice3A_86, %slice3A_87 : vector<8x16x128xf32>
    %slice3A_89 = vector.extract_strided_slice %max3A_88 {offsets = [0, 0, 0], sizes = [4, 16, 128], strides = [1, 1, 1]} : vector<8x16x128xf32> to vector<4x16x128xf32>
    %slice3A_90 = vector.extract_strided_slice %max3A_88 {offsets = [4, 0, 0], sizes = [4, 16, 128], strides = [1, 1, 1]} : vector<8x16x128xf32> to vector<4x16x128xf32>
    %max3A_91 = arith.maximumf %slice3A_89, %slice3A_90 : vector<4x16x128xf32>
    %slice3A_92 = vector.extract_strided_slice %max3A_91 {offsets = [0, 0, 0], sizes = [2, 16, 128], strides = [1, 1, 1]} : vector<4x16x128xf32> to vector<2x16x128xf32>
    %slice3A_93 = vector.extract_strided_slice %max3A_91 {offsets = [2, 0, 0], sizes = [2, 16, 128], strides = [1, 1, 1]} : vector<4x16x128xf32> to vector<2x16x128xf32>
    %max3A_94 = arith.maximumf %slice3A_92, %slice3A_93 : vector<2x16x128xf32>
    %slice3A_95 = vector.extract_strided_slice %max3A_94 {offsets = [0, 0, 0], sizes = [1, 16, 128], strides = [1, 1, 1]} : vector<2x16x128xf32> to vector<1x16x128xf32>
    %slice3A_96 = vector.extract_strided_slice %max3A_94 {offsets = [1, 0, 0], sizes = [1, 16, 128], strides = [1, 1, 1]} : vector<2x16x128xf32> to vector<1x16x128xf32>
    %max3A_97 = arith.maximumf %slice3A_95, %slice3A_96 : vector<1x16x128xf32>
    %reduce_max3A = arith.constant dense<0xFF800000> : vector<1x16xf32>
    %reduce_max3A_98 = vector.multi_reduction <maximumf>, %max3A_97, %reduce_max3A [2] : vector<1x16x128xf32> to vector<1x16xf32>
    %broadcast_in_dim3A_99 = vector.shape_cast %reduce_max3A_98 : vector<1x16xf32> to vector<1x16x1xf32>
    %eq3A = vector.broadcast %broadcast_in_dim3A_99 : vector<1x16x1xf32> to vector<32x16x128xf32>
    %eq3A_100 = arith.cmpf oeq, %add3A_83, %eq3A : vector<32x16x128xf32>
    %jit3A = arith.constant 4.096000e+03 : f32
    %broadcast_in_dim3A_101 = vector.broadcast %jit3A : f32 to vector<32x16x128xf32>
    %select_n3A = arith.select %eq3A_100, %convert_element_type3A, %broadcast_in_dim3A_101 : vector<32x16x128xi1>, vector<32x16x128xf32>
    %slice3A_102 = vector.extract_strided_slice %select_n3A {offsets = [0, 0, 0], sizes = [16, 16, 128], strides = [1, 1, 1]} : vector<32x16x128xf32> to vector<16x16x128xf32>
    %slice3A_103 = vector.extract_strided_slice %select_n3A {offsets = [16, 0, 0], sizes = [16, 16, 128], strides = [1, 1, 1]} : vector<32x16x128xf32> to vector<16x16x128xf32>
    %le3A = arith.cmpf ole, %slice3A_102, %slice3A_103 : vector<16x16x128xf32>
    %select_n3A_104 = arith.select %le3A, %slice3A_102, %slice3A_103 : vector<16x16x128xi1>, vector<16x16x128xf32>
    %slice3A_105 = vector.extract_strided_slice %get3A_2 {offsets = [0, 0, 0], sizes = [16, 16, 128], strides = [1, 1, 1]} : vector<32x16x128xf32> to vector<16x16x128xf32>
    %slice3A_106 = vector.extract_strided_slice %get3A_2 {offsets = [16, 0, 0], sizes = [16, 16, 128], strides = [1, 1, 1]} : vector<32x16x128xf32> to vector<16x16x128xf32>
    %select_n3A_107 = arith.select %le3A, %slice3A_105, %slice3A_106 : vector<16x16x128xi1>, vector<16x16x128xf32>
    %slice3A_108 = vector.extract_strided_slice %get3A_6 {offsets = [0, 0, 0], sizes = [16, 16, 128], strides = [1, 1, 1]} : vector<32x16x128xf32> to vector<16x16x128xf32>
    %slice3A_109 = vector.extract_strided_slice %get3A_6 {offsets = [16, 0, 0], sizes = [16, 16, 128], strides = [1, 1, 1]} : vector<32x16x128xf32> to vector<16x16x128xf32>
    %select_n3A_110 = arith.select %le3A, %slice3A_108, %slice3A_109 : vector<16x16x128xi1>, vector<16x16x128xf32>
    %slice3A_111 = vector.extract_strided_slice %get3A_10 {offsets = [0, 0, 0], sizes = [16, 16, 128], strides = [1, 1, 1]} : vector<32x16x128xf32> to vector<16x16x128xf32>
    %slice3A_112 = vector.extract_strided_slice %get3A_10 {offsets = [16, 0, 0], sizes = [16, 16, 128], strides = [1, 1, 1]} : vector<32x16x128xf32> to vector<16x16x128xf32>
    %select_n3A_113 = arith.select %le3A, %slice3A_111, %slice3A_112 : vector<16x16x128xi1>, vector<16x16x128xf32>
    %slice3A_114 = vector.extract_strided_slice %select_n3A_104 {offsets = [0, 0, 0], sizes = [8, 16, 128], strides = [1, 1, 1]} : vector<16x16x128xf32> to vector<8x16x128xf32>
    %slice3A_115 = vector.extract_strided_slice %select_n3A_104 {offsets = [8, 0, 0], sizes = [8, 16, 128], strides = [1, 1, 1]} : vector<16x16x128xf32> to vector<8x16x128xf32>
    %le3A_116 = arith.cmpf ole, %slice3A_114, %slice3A_115 : vector<8x16x128xf32>
    %select_n3A_117 = arith.select %le3A_116, %slice3A_114, %slice3A_115 : vector<8x16x128xi1>, vector<8x16x128xf32>
    %slice3A_118 = vector.extract_strided_slice %select_n3A_107 {offsets = [0, 0, 0], sizes = [8, 16, 128], strides = [1, 1, 1]} : vector<16x16x128xf32> to vector<8x16x128xf32>
    %slice3A_119 = vector.extract_strided_slice %select_n3A_107 {offsets = [8, 0, 0], sizes = [8, 16, 128], strides = [1, 1, 1]} : vector<16x16x128xf32> to vector<8x16x128xf32>
    %select_n3A_120 = arith.select %le3A_116, %slice3A_118, %slice3A_119 : vector<8x16x128xi1>, vector<8x16x128xf32>
    %slice3A_121 = vector.extract_strided_slice %select_n3A_110 {offsets = [0, 0, 0], sizes = [8, 16, 128], strides = [1, 1, 1]} : vector<16x16x128xf32> to vector<8x16x128xf32>
    %slice3A_122 = vector.extract_strided_slice %select_n3A_110 {offsets = [8, 0, 0], sizes = [8, 16, 128], strides = [1, 1, 1]} : vector<16x16x128xf32> to vector<8x16x128xf32>
    %select_n3A_123 = arith.select %le3A_116, %slice3A_121, %slice3A_122 : vector<8x16x128xi1>, vector<8x16x128xf32>
    %slice3A_124 = vector.extract_strided_slice %select_n3A_113 {offsets = [0, 0, 0], sizes = [8, 16, 128], strides = [1, 1, 1]} : vector<16x16x128xf32> to vector<8x16x128xf32>
    %slice3A_125 = vector.extract_strided_slice %select_n3A_113 {offsets = [8, 0, 0], sizes = [8, 16, 128], strides = [1, 1, 1]} : vector<16x16x128xf32> to vector<8x16x128xf32>
    %select_n3A_126 = arith.select %le3A_116, %slice3A_124, %slice3A_125 : vector<8x16x128xi1>, vector<8x16x128xf32>
    %slice3A_127 = vector.extract_strided_slice %select_n3A_117 {offsets = [0, 0, 0], sizes = [4, 16, 128], strides = [1, 1, 1]} : vector<8x16x128xf32> to vector<4x16x128xf32>
    %slice3A_128 = vector.extract_strided_slice %select_n3A_117 {offsets = [4, 0, 0], sizes = [4, 16, 128], strides = [1, 1, 1]} : vector<8x16x128xf32> to vector<4x16x128xf32>
    %le3A_129 = arith.cmpf ole, %slice3A_127, %slice3A_128 : vector<4x16x128xf32>
    %select_n3A_130 = arith.select %le3A_129, %slice3A_127, %slice3A_128 : vector<4x16x128xi1>, vector<4x16x128xf32>
    %slice3A_131 = vector.extract_strided_slice %select_n3A_120 {offsets = [0, 0, 0], sizes = [4, 16, 128], strides = [1, 1, 1]} : vector<8x16x128xf32> to vector<4x16x128xf32>
    %slice3A_132 = vector.extract_strided_slice %select_n3A_120 {offsets = [4, 0, 0], sizes = [4, 16, 128], strides = [1, 1, 1]} : vector<8x16x128xf32> to vector<4x16x128xf32>
    %select_n3A_133 = arith.select %le3A_129, %slice3A_131, %slice3A_132 : vector<4x16x128xi1>, vector<4x16x128xf32>
    %slice3A_134 = vector.extract_strided_slice %select_n3A_123 {offsets = [0, 0, 0], sizes = [4, 16, 128], strides = [1, 1, 1]} : vector<8x16x128xf32> to vector<4x16x128xf32>
    %slice3A_135 = vector.extract_strided_slice %select_n3A_123 {offsets = [4, 0, 0], sizes = [4, 16, 128], strides = [1, 1, 1]} : vector<8x16x128xf32> to vector<4x16x128xf32>
    %select_n3A_136 = arith.select %le3A_129, %slice3A_134, %slice3A_135 : vector<4x16x128xi1>, vector<4x16x128xf32>
    %slice3A_137 = vector.extract_strided_slice %select_n3A_126 {offsets = [0, 0, 0], sizes = [4, 16, 128], strides = [1, 1, 1]} : vector<8x16x128xf32> to vector<4x16x128xf32>
    %slice3A_138 = vector.extract_strided_slice %select_n3A_126 {offsets = [4, 0, 0], sizes = [4, 16, 128], strides = [1, 1, 1]} : vector<8x16x128xf32> to vector<4x16x128xf32>
    %select_n3A_139 = arith.select %le3A_129, %slice3A_137, %slice3A_138 : vector<4x16x128xi1>, vector<4x16x128xf32>
    %slice3A_140 = vector.extract_strided_slice %select_n3A_130 {offsets = [0, 0, 0], sizes = [2, 16, 128], strides = [1, 1, 1]} : vector<4x16x128xf32> to vector<2x16x128xf32>
    %slice3A_141 = vector.extract_strided_slice %select_n3A_130 {offsets = [2, 0, 0], sizes = [2, 16, 128], strides = [1, 1, 1]} : vector<4x16x128xf32> to vector<2x16x128xf32>
    %le3A_142 = arith.cmpf ole, %slice3A_140, %slice3A_141 : vector<2x16x128xf32>
    %select_n3A_143 = arith.select %le3A_142, %slice3A_140, %slice3A_141 : vector<2x16x128xi1>, vector<2x16x128xf32>
    %slice3A_144 = vector.extract_strided_slice %select_n3A_133 {offsets = [0, 0, 0], sizes = [2, 16, 128], strides = [1, 1, 1]} : vector<4x16x128xf32> to vector<2x16x128xf32>
    %slice3A_145 = vector.extract_strided_slice %select_n3A_133 {offsets = [2, 0, 0], sizes = [2, 16, 128], strides = [1, 1, 1]} : vector<4x16x128xf32> to vector<2x16x128xf32>
    %select_n3A_146 = arith.select %le3A_142, %slice3A_144, %slice3A_145 : vector<2x16x128xi1>, vector<2x16x128xf32>
    %slice3A_147 = vector.extract_strided_slice %select_n3A_136 {offsets = [0, 0, 0], sizes = [2, 16, 128], strides = [1, 1, 1]} : vector<4x16x128xf32> to vector<2x16x128xf32>
    %slice3A_148 = vector.extract_strided_slice %select_n3A_136 {offsets = [2, 0, 0], sizes = [2, 16, 128], strides = [1, 1, 1]} : vector<4x16x128xf32> to vector<2x16x128xf32>
    %select_n3A_149 = arith.select %le3A_142, %slice3A_147, %slice3A_148 : vector<2x16x128xi1>, vector<2x16x128xf32>
    %slice3A_150 = vector.extract_strided_slice %select_n3A_139 {offsets = [0, 0, 0], sizes = [2, 16, 128], strides = [1, 1, 1]} : vector<4x16x128xf32> to vector<2x16x128xf32>
    %slice3A_151 = vector.extract_strided_slice %select_n3A_139 {offsets = [2, 0, 0], sizes = [2, 16, 128], strides = [1, 1, 1]} : vector<4x16x128xf32> to vector<2x16x128xf32>
    %select_n3A_152 = arith.select %le3A_142, %slice3A_150, %slice3A_151 : vector<2x16x128xi1>, vector<2x16x128xf32>
    %slice3A_153 = vector.extract_strided_slice %select_n3A_143 {offsets = [0, 0, 0], sizes = [1, 16, 128], strides = [1, 1, 1]} : vector<2x16x128xf32> to vector<1x16x128xf32>
    %slice3A_154 = vector.extract_strided_slice %select_n3A_143 {offsets = [1, 0, 0], sizes = [1, 16, 128], strides = [1, 1, 1]} : vector<2x16x128xf32> to vector<1x16x128xf32>
    %le3A_155 = arith.cmpf ole, %slice3A_153, %slice3A_154 : vector<1x16x128xf32>
    %select_n3A_156 = arith.select %le3A_155, %slice3A_153, %slice3A_154 : vector<1x16x128xi1>, vector<1x16x128xf32>
    %slice3A_157 = vector.extract_strided_slice %select_n3A_146 {offsets = [0, 0, 0], sizes = [1, 16, 128], strides = [1, 1, 1]} : vector<2x16x128xf32> to vector<1x16x128xf32>
    %slice3A_158 = vector.extract_strided_slice %select_n3A_146 {offsets = [1, 0, 0], sizes = [1, 16, 128], strides = [1, 1, 1]} : vector<2x16x128xf32> to vector<1x16x128xf32>
    %select_n3A_159 = arith.select %le3A_155, %slice3A_157, %slice3A_158 : vector<1x16x128xi1>, vector<1x16x128xf32>
    %slice3A_160 = vector.extract_strided_slice %select_n3A_149 {offsets = [0, 0, 0], sizes = [1, 16, 128], strides = [1, 1, 1]} : vector<2x16x128xf32> to vector<1x16x128xf32>
    %slice3A_161 = vector.extract_strided_slice %select_n3A_149 {offsets = [1, 0, 0], sizes = [1, 16, 128], strides = [1, 1, 1]} : vector<2x16x128xf32> to vector<1x16x128xf32>
    %select_n3A_162 = arith.select %le3A_155, %slice3A_160, %slice3A_161 : vector<1x16x128xi1>, vector<1x16x128xf32>
    %slice3A_163 = vector.extract_strided_slice %select_n3A_152 {offsets = [0, 0, 0], sizes = [1, 16, 128], strides = [1, 1, 1]} : vector<2x16x128xf32> to vector<1x16x128xf32>
    %slice3A_164 = vector.extract_strided_slice %select_n3A_152 {offsets = [1, 0, 0], sizes = [1, 16, 128], strides = [1, 1, 1]} : vector<2x16x128xf32> to vector<1x16x128xf32>
    %select_n3A_165 = arith.select %le3A_155, %slice3A_163, %slice3A_164 : vector<1x16x128xi1>, vector<1x16x128xf32>
    %reduce_min3A = arith.constant dense<0x7F800000> : vector<1x16xf32>
    %reduce_min3A_166 = vector.multi_reduction <minimumf>, %select_n3A_156, %reduce_min3A [2] : vector<1x16x128xf32> to vector<1x16xf32>
    %broadcast_in_dim3A_167 = vector.shape_cast %reduce_min3A_166 : vector<1x16xf32> to vector<1x16x1xf32>
    %eq3A_168 = vector.broadcast %broadcast_in_dim3A_167 : vector<1x16x1xf32> to vector<1x16x128xf32>
    %eq3A_169 = arith.cmpf oeq, %select_n3A_156, %eq3A_168 : vector<1x16x128xf32>
    %jit3A_170 = arith.constant 0.000000e+00 : f32
    %broadcast_in_dim3A_171 = vector.broadcast %jit3A_170 : f32 to vector<1x16x128xf32>
    %select_n3A_172 = arith.select %eq3A_169, %select_n3A_159, %broadcast_in_dim3A_171 : vector<1x16x128xi1>, vector<1x16x128xf32>
    %reduce_sum3A_173 = arith.constant dense<0.000000e+00> : vector<1x16xf32>
    %reduce_sum3A_174 = vector.multi_reduction <add>, %select_n3A_172, %reduce_sum3A_173 [2] : vector<1x16x128xf32> to vector<1x16xf32>
    %broadcast_in_dim3A_175 = vector.shape_cast %reduce_sum3A_174 : vector<1x16xf32> to vector<1x16x1xf32>
    %jit3A_176 = arith.constant 0.000000e+00 : f32
    %broadcast_in_dim3A_177 = vector.broadcast %jit3A_176 : f32 to vector<1x16x128xf32>
    %select_n3A_178 = arith.select %eq3A_169, %select_n3A_162, %broadcast_in_dim3A_177 : vector<1x16x128xi1>, vector<1x16x128xf32>
    %reduce_sum3A_179 = arith.constant dense<0.000000e+00> : vector<1x16xf32>
    %reduce_sum3A_180 = vector.multi_reduction <add>, %select_n3A_178, %reduce_sum3A_179 [2] : vector<1x16x128xf32> to vector<1x16xf32>
    %broadcast_in_dim3A_181 = vector.shape_cast %reduce_sum3A_180 : vector<1x16xf32> to vector<1x16x1xf32>
    %jit3A_182 = arith.constant 0.000000e+00 : f32
    %broadcast_in_dim3A_183 = vector.broadcast %jit3A_182 : f32 to vector<1x16x128xf32>
    %select_n3A_184 = arith.select %eq3A_169, %select_n3A_165, %broadcast_in_dim3A_183 : vector<1x16x128xi1>, vector<1x16x128xf32>
    %reduce_sum3A_185 = arith.constant dense<0.000000e+00> : vector<1x16xf32>
    %reduce_sum3A_186 = vector.multi_reduction <add>, %select_n3A_184, %reduce_sum3A_185 [2] : vector<1x16x128xf32> to vector<1x16xf32>
    %broadcast_in_dim3A_187 = vector.shape_cast %reduce_sum3A_186 : vector<1x16xf32> to vector<1x16x1xf32>
    %broadcast_in_dim3A_188 = arith.constant 1.000000e+10 : f32
    %broadcast_in_dim3A_189 = vector.broadcast %broadcast_in_dim3A_188 : f32 to vector<32x16x128xf32>
    %broadcast_in_dim3A_190 = arith.constant 0.000000e+00 : f32
    %broadcast_in_dim3A_191 = vector.broadcast %broadcast_in_dim3A_190 : f32 to vector<16x256xf32>
    %broadcast_in_dim3A_192 = arith.constant 0.000000e+00 : f32
    %broadcast_in_dim3A_193 = vector.broadcast %broadcast_in_dim3A_192 : f32 to vector<16x256xf32>
    %broadcast_in_dim3A_194 = arith.constant 0.000000e+00 : f32
    %broadcast_in_dim3A_195 = vector.broadcast %broadcast_in_dim3A_194 : f32 to vector<16x256xf32>
    %broadcast_in_dim3A_196 = arith.constant 0.000000e+00 : f32
    %broadcast_in_dim3A_197 = vector.broadcast %broadcast_in_dim3A_196 : f32 to vector<16x256xf32>
    %scan3A = arith.constant 0 : i32
    %scan3A_198 = arith.constant 256 : i32
    %scan3A_199 = arith.addi %scan3A, %scan3A_198 : i32
    %scan3A_200 = arith.constant 1 : i32
    %scan3A_201:9 = scf.for %scan3A_215 = %scan3A to %scan3A_199 step %scan3A_200 iter_args(%scan3A_216 = %broadcast_in_dim3A_189, %scan3A_217 = %broadcast_in_dim3A_167, %scan3A_218 = %broadcast_in_dim3A_175, %scan3A_219 = %broadcast_in_dim3A_181, %scan3A_220 = %broadcast_in_dim3A_187, %scan3A_221 = %broadcast_in_dim3A_191, %scan3A_222 = %broadcast_in_dim3A_193, %scan3A_223 = %broadcast_in_dim3A_195, %scan3A_224 = %broadcast_in_dim3A_197) -> (vector<32x16x128xf32>, vector<1x16x1xf32>, vector<1x16x1xf32>, vector<1x16x1xf32>, vector<1x16x1xf32>, vector<16x256xf32>, vector<16x256xf32>, vector<16x256xf32>, vector<16x256xf32>)  : i32 {
      %eq3A_225 = vector.broadcast %scan3A_215 : i32 to vector<16x256xi32>
      %eq3A_226 = arith.cmpi eq, %iota3A_14, %eq3A_225 : vector<16x256xi32>
      %reshape3A = vector.shape_cast %scan3A_217 : vector<1x16x1xf32> to vector<16x1xf32>
      %broadcast_in_dim3A_227 = vector.shape_cast %reshape3A : vector<16x1xf32> to vector<16x1xf32>
      %broadcast_in_dim3A_228 = vector.broadcast %broadcast_in_dim3A_227 : vector<16x1xf32> to vector<16x256xf32>
      %select_n3A_229 = arith.select %eq3A_226, %broadcast_in_dim3A_228, %scan3A_221 : vector<16x256xi1>, vector<16x256xf32>
      %reshape3A_230 = vector.shape_cast %scan3A_218 : vector<1x16x1xf32> to vector<16x1xf32>
      %broadcast_in_dim3A_231 = vector.shape_cast %reshape3A_230 : vector<16x1xf32> to vector<16x1xf32>
      %broadcast_in_dim3A_232 = vector.broadcast %broadcast_in_dim3A_231 : vector<16x1xf32> to vector<16x256xf32>
      %select_n3A_233 = arith.select %eq3A_226, %broadcast_in_dim3A_232, %scan3A_222 : vector<16x256xi1>, vector<16x256xf32>
      %reshape3A_234 = vector.shape_cast %scan3A_219 : vector<1x16x1xf32> to vector<16x1xf32>
      %broadcast_in_dim3A_235 = vector.shape_cast %reshape3A_234 : vector<16x1xf32> to vector<16x1xf32>
      %broadcast_in_dim3A_236 = vector.broadcast %broadcast_in_dim3A_235 : vector<16x1xf32> to vector<16x256xf32>
      %select_n3A_237 = arith.select %eq3A_226, %broadcast_in_dim3A_236, %scan3A_223 : vector<16x256xi1>, vector<16x256xf32>
      %reshape3A_238 = vector.shape_cast %scan3A_220 : vector<1x16x1xf32> to vector<16x1xf32>
      %broadcast_in_dim3A_239 = vector.shape_cast %reshape3A_238 : vector<16x1xf32> to vector<16x1xf32>
      %broadcast_in_dim3A_240 = vector.broadcast %broadcast_in_dim3A_239 : vector<16x1xf32> to vector<16x256xf32>
      %select_n3A_241 = arith.select %eq3A_226, %broadcast_in_dim3A_240, %scan3A_224 : vector<16x256xi1>, vector<16x256xf32>
      %sub3A_242 = vector.broadcast %scan3A_218 : vector<1x16x1xf32> to vector<32x16x128xf32>
      %sub3A_243 = arith.subf %get3A_2, %sub3A_242 : vector<32x16x128xf32>
      %integer_pow3A_244 = arith.mulf %sub3A_243, %sub3A_243 : vector<32x16x128xf32>
      %sub3A_245 = vector.broadcast %scan3A_219 : vector<1x16x1xf32> to vector<32x16x128xf32>
      %sub3A_246 = arith.subf %get3A_6, %sub3A_245 : vector<32x16x128xf32>
      %integer_pow3A_247 = arith.mulf %sub3A_246, %sub3A_246 : vector<32x16x128xf32>
      %add3A_248 = arith.addf %integer_pow3A_244, %integer_pow3A_247 : vector<32x16x128xf32>
      %sub3A_249 = vector.broadcast %scan3A_220 : vector<1x16x1xf32> to vector<32x16x128xf32>
      %sub3A_250 = arith.subf %get3A_10, %sub3A_249 : vector<32x16x128xf32>
      %integer_pow3A_251 = arith.mulf %sub3A_250, %sub3A_250 : vector<32x16x128xf32>
      %add3A_252 = arith.addf %add3A_248, %integer_pow3A_251 : vector<32x16x128xf32>
      %min3A = arith.minimumf %scan3A_216, %add3A_252 : vector<32x16x128xf32>
      %slice3A_253 = vector.extract_strided_slice %min3A {offsets = [0, 0, 0], sizes = [16, 16, 128], strides = [1, 1, 1]} : vector<32x16x128xf32> to vector<16x16x128xf32>
      %slice3A_254 = vector.extract_strided_slice %min3A {offsets = [16, 0, 0], sizes = [16, 16, 128], strides = [1, 1, 1]} : vector<32x16x128xf32> to vector<16x16x128xf32>
      %max3A_255 = arith.maximumf %slice3A_253, %slice3A_254 : vector<16x16x128xf32>
      %slice3A_256 = vector.extract_strided_slice %max3A_255 {offsets = [0, 0, 0], sizes = [8, 16, 128], strides = [1, 1, 1]} : vector<16x16x128xf32> to vector<8x16x128xf32>
      %slice3A_257 = vector.extract_strided_slice %max3A_255 {offsets = [8, 0, 0], sizes = [8, 16, 128], strides = [1, 1, 1]} : vector<16x16x128xf32> to vector<8x16x128xf32>
      %max3A_258 = arith.maximumf %slice3A_256, %slice3A_257 : vector<8x16x128xf32>
      %slice3A_259 = vector.extract_strided_slice %max3A_258 {offsets = [0, 0, 0], sizes = [4, 16, 128], strides = [1, 1, 1]} : vector<8x16x128xf32> to vector<4x16x128xf32>
      %slice3A_260 = vector.extract_strided_slice %max3A_258 {offsets = [4, 0, 0], sizes = [4, 16, 128], strides = [1, 1, 1]} : vector<8x16x128xf32> to vector<4x16x128xf32>
      %max3A_261 = arith.maximumf %slice3A_259, %slice3A_260 : vector<4x16x128xf32>
      %slice3A_262 = vector.extract_strided_slice %max3A_261 {offsets = [0, 0, 0], sizes = [2, 16, 128], strides = [1, 1, 1]} : vector<4x16x128xf32> to vector<2x16x128xf32>
      %slice3A_263 = vector.extract_strided_slice %max3A_261 {offsets = [2, 0, 0], sizes = [2, 16, 128], strides = [1, 1, 1]} : vector<4x16x128xf32> to vector<2x16x128xf32>
      %max3A_264 = arith.maximumf %slice3A_262, %slice3A_263 : vector<2x16x128xf32>
      %slice3A_265 = vector.extract_strided_slice %max3A_264 {offsets = [0, 0, 0], sizes = [1, 16, 128], strides = [1, 1, 1]} : vector<2x16x128xf32> to vector<1x16x128xf32>
      %slice3A_266 = vector.extract_strided_slice %max3A_264 {offsets = [1, 0, 0], sizes = [1, 16, 128], strides = [1, 1, 1]} : vector<2x16x128xf32> to vector<1x16x128xf32>
      %max3A_267 = arith.maximumf %slice3A_265, %slice3A_266 : vector<1x16x128xf32>
      %reduce_max3A_268 = arith.constant dense<0xFF800000> : vector<1x16xf32>
      %reduce_max3A_269 = vector.multi_reduction <maximumf>, %max3A_267, %reduce_max3A_268 [2] : vector<1x16x128xf32> to vector<1x16xf32>
      %broadcast_in_dim3A_270 = vector.shape_cast %reduce_max3A_269 : vector<1x16xf32> to vector<1x16x1xf32>
      %eq3A_271 = vector.broadcast %broadcast_in_dim3A_270 : vector<1x16x1xf32> to vector<32x16x128xf32>
      %eq3A_272 = arith.cmpf oeq, %min3A, %eq3A_271 : vector<32x16x128xf32>
      %jit3A_273 = arith.constant 4.096000e+03 : f32
      %broadcast_in_dim3A_274 = vector.broadcast %jit3A_273 : f32 to vector<32x16x128xf32>
      %select_n3A_275 = arith.select %eq3A_272, %convert_element_type3A, %broadcast_in_dim3A_274 : vector<32x16x128xi1>, vector<32x16x128xf32>
      %slice3A_276 = vector.extract_strided_slice %select_n3A_275 {offsets = [0, 0, 0], sizes = [16, 16, 128], strides = [1, 1, 1]} : vector<32x16x128xf32> to vector<16x16x128xf32>
      %slice3A_277 = vector.extract_strided_slice %select_n3A_275 {offsets = [16, 0, 0], sizes = [16, 16, 128], strides = [1, 1, 1]} : vector<32x16x128xf32> to vector<16x16x128xf32>
      %le3A_278 = arith.cmpf ole, %slice3A_276, %slice3A_277 : vector<16x16x128xf32>
      %select_n3A_279 = arith.select %le3A_278, %slice3A_276, %slice3A_277 : vector<16x16x128xi1>, vector<16x16x128xf32>
      %slice3A_280 = vector.extract_strided_slice %get3A_2 {offsets = [0, 0, 0], sizes = [16, 16, 128], strides = [1, 1, 1]} : vector<32x16x128xf32> to vector<16x16x128xf32>
      %slice3A_281 = vector.extract_strided_slice %get3A_2 {offsets = [16, 0, 0], sizes = [16, 16, 128], strides = [1, 1, 1]} : vector<32x16x128xf32> to vector<16x16x128xf32>
      %select_n3A_282 = arith.select %le3A_278, %slice3A_280, %slice3A_281 : vector<16x16x128xi1>, vector<16x16x128xf32>
      %slice3A_283 = vector.extract_strided_slice %get3A_6 {offsets = [0, 0, 0], sizes = [16, 16, 128], strides = [1, 1, 1]} : vector<32x16x128xf32> to vector<16x16x128xf32>
      %slice3A_284 = vector.extract_strided_slice %get3A_6 {offsets = [16, 0, 0], sizes = [16, 16, 128], strides = [1, 1, 1]} : vector<32x16x128xf32> to vector<16x16x128xf32>
      %select_n3A_285 = arith.select %le3A_278, %slice3A_283, %slice3A_284 : vector<16x16x128xi1>, vector<16x16x128xf32>
      %slice3A_286 = vector.extract_strided_slice %get3A_10 {offsets = [0, 0, 0], sizes = [16, 16, 128], strides = [1, 1, 1]} : vector<32x16x128xf32> to vector<16x16x128xf32>
      %slice3A_287 = vector.extract_strided_slice %get3A_10 {offsets = [16, 0, 0], sizes = [16, 16, 128], strides = [1, 1, 1]} : vector<32x16x128xf32> to vector<16x16x128xf32>
      %select_n3A_288 = arith.select %le3A_278, %slice3A_286, %slice3A_287 : vector<16x16x128xi1>, vector<16x16x128xf32>
      %slice3A_289 = vector.extract_strided_slice %select_n3A_279 {offsets = [0, 0, 0], sizes = [8, 16, 128], strides = [1, 1, 1]} : vector<16x16x128xf32> to vector<8x16x128xf32>
      %slice3A_290 = vector.extract_strided_slice %select_n3A_279 {offsets = [8, 0, 0], sizes = [8, 16, 128], strides = [1, 1, 1]} : vector<16x16x128xf32> to vector<8x16x128xf32>
      %le3A_291 = arith.cmpf ole, %slice3A_289, %slice3A_290 : vector<8x16x128xf32>
      %select_n3A_292 = arith.select %le3A_291, %slice3A_289, %slice3A_290 : vector<8x16x128xi1>, vector<8x16x128xf32>
      %slice3A_293 = vector.extract_strided_slice %select_n3A_282 {offsets = [0, 0, 0], sizes = [8, 16, 128], strides = [1, 1, 1]} : vector<16x16x128xf32> to vector<8x16x128xf32>
      %slice3A_294 = vector.extract_strided_slice %select_n3A_282 {offsets = [8, 0, 0], sizes = [8, 16, 128], strides = [1, 1, 1]} : vector<16x16x128xf32> to vector<8x16x128xf32>
      %select_n3A_295 = arith.select %le3A_291, %slice3A_293, %slice3A_294 : vector<8x16x128xi1>, vector<8x16x128xf32>
      %slice3A_296 = vector.extract_strided_slice %select_n3A_285 {offsets = [0, 0, 0], sizes = [8, 16, 128], strides = [1, 1, 1]} : vector<16x16x128xf32> to vector<8x16x128xf32>
      %slice3A_297 = vector.extract_strided_slice %select_n3A_285 {offsets = [8, 0, 0], sizes = [8, 16, 128], strides = [1, 1, 1]} : vector<16x16x128xf32> to vector<8x16x128xf32>
      %select_n3A_298 = arith.select %le3A_291, %slice3A_296, %slice3A_297 : vector<8x16x128xi1>, vector<8x16x128xf32>
      %slice3A_299 = vector.extract_strided_slice %select_n3A_288 {offsets = [0, 0, 0], sizes = [8, 16, 128], strides = [1, 1, 1]} : vector<16x16x128xf32> to vector<8x16x128xf32>
      %slice3A_300 = vector.extract_strided_slice %select_n3A_288 {offsets = [8, 0, 0], sizes = [8, 16, 128], strides = [1, 1, 1]} : vector<16x16x128xf32> to vector<8x16x128xf32>
      %select_n3A_301 = arith.select %le3A_291, %slice3A_299, %slice3A_300 : vector<8x16x128xi1>, vector<8x16x128xf32>
      %slice3A_302 = vector.extract_strided_slice %select_n3A_292 {offsets = [0, 0, 0], sizes = [4, 16, 128], strides = [1, 1, 1]} : vector<8x16x128xf32> to vector<4x16x128xf32>
      %slice3A_303 = vector.extract_strided_slice %select_n3A_292 {offsets = [4, 0, 0], sizes = [4, 16, 128], strides = [1, 1, 1]} : vector<8x16x128xf32> to vector<4x16x128xf32>
      %le3A_304 = arith.cmpf ole, %slice3A_302, %slice3A_303 : vector<4x16x128xf32>
      %select_n3A_305 = arith.select %le3A_304, %slice3A_302, %slice3A_303 : vector<4x16x128xi1>, vector<4x16x128xf32>
      %slice3A_306 = vector.extract_strided_slice %select_n3A_295 {offsets = [0, 0, 0], sizes = [4, 16, 128], strides = [1, 1, 1]} : vector<8x16x128xf32> to vector<4x16x128xf32>
      %slice3A_307 = vector.extract_strided_slice %select_n3A_295 {offsets = [4, 0, 0], sizes = [4, 16, 128], strides = [1, 1, 1]} : vector<8x16x128xf32> to vector<4x16x128xf32>
      %select_n3A_308 = arith.select %le3A_304, %slice3A_306, %slice3A_307 : vector<4x16x128xi1>, vector<4x16x128xf32>
      %slice3A_309 = vector.extract_strided_slice %select_n3A_298 {offsets = [0, 0, 0], sizes = [4, 16, 128], strides = [1, 1, 1]} : vector<8x16x128xf32> to vector<4x16x128xf32>
      %slice3A_310 = vector.extract_strided_slice %select_n3A_298 {offsets = [4, 0, 0], sizes = [4, 16, 128], strides = [1, 1, 1]} : vector<8x16x128xf32> to vector<4x16x128xf32>
      %select_n3A_311 = arith.select %le3A_304, %slice3A_309, %slice3A_310 : vector<4x16x128xi1>, vector<4x16x128xf32>
      %slice3A_312 = vector.extract_strided_slice %select_n3A_301 {offsets = [0, 0, 0], sizes = [4, 16, 128], strides = [1, 1, 1]} : vector<8x16x128xf32> to vector<4x16x128xf32>
      %slice3A_313 = vector.extract_strided_slice %select_n3A_301 {offsets = [4, 0, 0], sizes = [4, 16, 128], strides = [1, 1, 1]} : vector<8x16x128xf32> to vector<4x16x128xf32>
      %select_n3A_314 = arith.select %le3A_304, %slice3A_312, %slice3A_313 : vector<4x16x128xi1>, vector<4x16x128xf32>
      %slice3A_315 = vector.extract_strided_slice %select_n3A_305 {offsets = [0, 0, 0], sizes = [2, 16, 128], strides = [1, 1, 1]} : vector<4x16x128xf32> to vector<2x16x128xf32>
      %slice3A_316 = vector.extract_strided_slice %select_n3A_305 {offsets = [2, 0, 0], sizes = [2, 16, 128], strides = [1, 1, 1]} : vector<4x16x128xf32> to vector<2x16x128xf32>
      %le3A_317 = arith.cmpf ole, %slice3A_315, %slice3A_316 : vector<2x16x128xf32>
      %select_n3A_318 = arith.select %le3A_317, %slice3A_315, %slice3A_316 : vector<2x16x128xi1>, vector<2x16x128xf32>
      %slice3A_319 = vector.extract_strided_slice %select_n3A_308 {offsets = [0, 0, 0], sizes = [2, 16, 128], strides = [1, 1, 1]} : vector<4x16x128xf32> to vector<2x16x128xf32>
      %slice3A_320 = vector.extract_strided_slice %select_n3A_308 {offsets = [2, 0, 0], sizes = [2, 16, 128], strides = [1, 1, 1]} : vector<4x16x128xf32> to vector<2x16x128xf32>
      %select_n3A_321 = arith.select %le3A_317, %slice3A_319, %slice3A_320 : vector<2x16x128xi1>, vector<2x16x128xf32>
      %slice3A_322 = vector.extract_strided_slice %select_n3A_311 {offsets = [0, 0, 0], sizes = [2, 16, 128], strides = [1, 1, 1]} : vector<4x16x128xf32> to vector<2x16x128xf32>
      %slice3A_323 = vector.extract_strided_slice %select_n3A_311 {offsets = [2, 0, 0], sizes = [2, 16, 128], strides = [1, 1, 1]} : vector<4x16x128xf32> to vector<2x16x128xf32>
      %select_n3A_324 = arith.select %le3A_317, %slice3A_322, %slice3A_323 : vector<2x16x128xi1>, vector<2x16x128xf32>
      %slice3A_325 = vector.extract_strided_slice %select_n3A_314 {offsets = [0, 0, 0], sizes = [2, 16, 128], strides = [1, 1, 1]} : vector<4x16x128xf32> to vector<2x16x128xf32>
      %slice3A_326 = vector.extract_strided_slice %select_n3A_314 {offsets = [2, 0, 0], sizes = [2, 16, 128], strides = [1, 1, 1]} : vector<4x16x128xf32> to vector<2x16x128xf32>
      %select_n3A_327 = arith.select %le3A_317, %slice3A_325, %slice3A_326 : vector<2x16x128xi1>, vector<2x16x128xf32>
      %slice3A_328 = vector.extract_strided_slice %select_n3A_318 {offsets = [0, 0, 0], sizes = [1, 16, 128], strides = [1, 1, 1]} : vector<2x16x128xf32> to vector<1x16x128xf32>
      %slice3A_329 = vector.extract_strided_slice %select_n3A_318 {offsets = [1, 0, 0], sizes = [1, 16, 128], strides = [1, 1, 1]} : vector<2x16x128xf32> to vector<1x16x128xf32>
      %le3A_330 = arith.cmpf ole, %slice3A_328, %slice3A_329 : vector<1x16x128xf32>
      %select_n3A_331 = arith.select %le3A_330, %slice3A_328, %slice3A_329 : vector<1x16x128xi1>, vector<1x16x128xf32>
      %slice3A_332 = vector.extract_strided_slice %select_n3A_321 {offsets = [0, 0, 0], sizes = [1, 16, 128], strides = [1, 1, 1]} : vector<2x16x128xf32> to vector<1x16x128xf32>
      %slice3A_333 = vector.extract_strided_slice %select_n3A_321 {offsets = [1, 0, 0], sizes = [1, 16, 128], strides = [1, 1, 1]} : vector<2x16x128xf32> to vector<1x16x128xf32>
      %select_n3A_334 = arith.select %le3A_330, %slice3A_332, %slice3A_333 : vector<1x16x128xi1>, vector<1x16x128xf32>
      %slice3A_335 = vector.extract_strided_slice %select_n3A_324 {offsets = [0, 0, 0], sizes = [1, 16, 128], strides = [1, 1, 1]} : vector<2x16x128xf32> to vector<1x16x128xf32>
      %slice3A_336 = vector.extract_strided_slice %select_n3A_324 {offsets = [1, 0, 0], sizes = [1, 16, 128], strides = [1, 1, 1]} : vector<2x16x128xf32> to vector<1x16x128xf32>
      %select_n3A_337 = arith.select %le3A_330, %slice3A_335, %slice3A_336 : vector<1x16x128xi1>, vector<1x16x128xf32>
      %slice3A_338 = vector.extract_strided_slice %select_n3A_327 {offsets = [0, 0, 0], sizes = [1, 16, 128], strides = [1, 1, 1]} : vector<2x16x128xf32> to vector<1x16x128xf32>
      %slice3A_339 = vector.extract_strided_slice %select_n3A_327 {offsets = [1, 0, 0], sizes = [1, 16, 128], strides = [1, 1, 1]} : vector<2x16x128xf32> to vector<1x16x128xf32>
      %select_n3A_340 = arith.select %le3A_330, %slice3A_338, %slice3A_339 : vector<1x16x128xi1>, vector<1x16x128xf32>
      %reduce_min3A_341 = arith.constant dense<0x7F800000> : vector<1x16xf32>
      %reduce_min3A_342 = vector.multi_reduction <minimumf>, %select_n3A_331, %reduce_min3A_341 [2] : vector<1x16x128xf32> to vector<1x16xf32>
      %broadcast_in_dim3A_343 = vector.shape_cast %reduce_min3A_342 : vector<1x16xf32> to vector<1x16x1xf32>
      %eq3A_344 = vector.broadcast %broadcast_in_dim3A_343 : vector<1x16x1xf32> to vector<1x16x128xf32>
      %eq3A_345 = arith.cmpf oeq, %select_n3A_331, %eq3A_344 : vector<1x16x128xf32>
      %jit3A_346 = arith.constant 0.000000e+00 : f32
      %broadcast_in_dim3A_347 = vector.broadcast %jit3A_346 : f32 to vector<1x16x128xf32>
      %select_n3A_348 = arith.select %eq3A_345, %select_n3A_334, %broadcast_in_dim3A_347 : vector<1x16x128xi1>, vector<1x16x128xf32>
      %reduce_sum3A_349 = arith.constant dense<0.000000e+00> : vector<1x16xf32>
      %reduce_sum3A_350 = vector.multi_reduction <add>, %select_n3A_348, %reduce_sum3A_349 [2] : vector<1x16x128xf32> to vector<1x16xf32>
      %broadcast_in_dim3A_351 = vector.shape_cast %reduce_sum3A_350 : vector<1x16xf32> to vector<1x16x1xf32>
      %jit3A_352 = arith.constant 0.000000e+00 : f32
      %broadcast_in_dim3A_353 = vector.broadcast %jit3A_352 : f32 to vector<1x16x128xf32>
      %select_n3A_354 = arith.select %eq3A_345, %select_n3A_337, %broadcast_in_dim3A_353 : vector<1x16x128xi1>, vector<1x16x128xf32>
      %reduce_sum3A_355 = arith.constant dense<0.000000e+00> : vector<1x16xf32>
      %reduce_sum3A_356 = vector.multi_reduction <add>, %select_n3A_354, %reduce_sum3A_355 [2] : vector<1x16x128xf32> to vector<1x16xf32>
      %broadcast_in_dim3A_357 = vector.shape_cast %reduce_sum3A_356 : vector<1x16xf32> to vector<1x16x1xf32>
      %jit3A_358 = arith.constant 0.000000e+00 : f32
      %broadcast_in_dim3A_359 = vector.broadcast %jit3A_358 : f32 to vector<1x16x128xf32>
      %select_n3A_360 = arith.select %eq3A_345, %select_n3A_340, %broadcast_in_dim3A_359 : vector<1x16x128xi1>, vector<1x16x128xf32>
      %reduce_sum3A_361 = arith.constant dense<0.000000e+00> : vector<1x16xf32>
      %reduce_sum3A_362 = vector.multi_reduction <add>, %select_n3A_360, %reduce_sum3A_361 [2] : vector<1x16x128xf32> to vector<1x16xf32>
      %broadcast_in_dim3A_363 = vector.shape_cast %reduce_sum3A_362 : vector<1x16xf32> to vector<1x16x1xf32>
      scf.yield %min3A, %broadcast_in_dim3A_343, %broadcast_in_dim3A_351, %broadcast_in_dim3A_357, %broadcast_in_dim3A_363, %select_n3A_229, %select_n3A_233, %select_n3A_237, %select_n3A_241 : vector<32x16x128xf32>, vector<1x16x1xf32>, vector<1x16x1xf32>, vector<1x16x1xf32>, vector<1x16x1xf32>, vector<16x256xf32>, vector<16x256xf32>, vector<16x256xf32>, vector<16x256xf32>
    }
    %scan3A_202 = arith.constant 256 : i32
    %convert_element_type3A_203 = arith.fptosi %scan3A_201#5 : vector<16x256xf32> to vector<16x256xi32>
    %swap3A = arith.constant 0 : index
    %swap3A_204 = arith.constant 0 : index
    %swap3A_205 = vector.load %arg3[%swap3A, %swap3A_204] : memref<16x256xi32, #tpu.memory_space<vmem>>, vector<16x256xi32>
    tpu.vector_store %arg3[%swap3A, %swap3A_204], %convert_element_type3A_203 {strides = array<i32>} : memref<16x256xi32, #tpu.memory_space<vmem>>, vector<16x256xi32>,
    %swap3A_206 = arith.constant 0 : index
    %swap3A_207 = arith.constant 0 : index
    %swap3A_208 = vector.load %arg4[%swap3A_206, %swap3A_207] : memref<16x256xf32, #tpu.memory_space<vmem>>, vector<16x256xf32>
    tpu.vector_store %arg4[%swap3A_206, %swap3A_207], %scan3A_201#6 {strides = array<i32>} : memref<16x256xf32, #tpu.memory_space<vmem>>, vector<16x256xf32>,
    %swap3A_209 = arith.constant 0 : index
    %swap3A_210 = arith.constant 0 : index
    %swap3A_211 = vector.load %arg5[%swap3A_209, %swap3A_210] : memref<16x256xf32, #tpu.memory_space<vmem>>, vector<16x256xf32>
    tpu.vector_store %arg5[%swap3A_209, %swap3A_210], %scan3A_201#7 {strides = array<i32>} : memref<16x256xf32, #tpu.memory_space<vmem>>, vector<16x256xf32>,
    %swap3A_212 = arith.constant 0 : index
    %swap3A_213 = arith.constant 0 : index
    %swap3A_214 = vector.load %arg6[%swap3A_212, %swap3A_213] : memref<16x256xf32, #tpu.memory_space<vmem>>, vector<16x256xf32>
    tpu.vector_store %arg6[%swap3A_212, %swap3A_213], %scan3A_201#8 {strides = array<i32>} : memref<16x256xf32, #tpu.memory_space<vmem>>, vector<16x256xf32>,
    return
  }
}

module attributes {stable_mosaic.version = 14 : i64} {
  func.func @_knn_kernel(%arg0: i32, %arg1: memref<1x4096x1xf32, #tpu.memory_space<vmem>>, %arg2: memref<1x4096x1xf32, #tpu.memory_space<vmem>>, %arg3: memref<1x4096x1xf32, #tpu.memory_space<vmem>>, %arg4: memref<1x1x256xf32, #tpu.memory_space<vmem>>, %arg5: memref<1x1x256xf32, #tpu.memory_space<vmem>>, %arg6: memref<1x1x256xf32, #tpu.memory_space<vmem>>, %arg7: memref<1x256x32xi32, #tpu.memory_space<vmem>>, %arg8: memref<4096x256xf32, #tpu.memory_space<vmem>>) attributes {dimension_semantics = [#tpu.dimension_semantics<arbitrary>], iteration_bounds = array<i64: 16>, scalar_prefetch = 0 : i64, scratch_operands = 1 : i64, tpu.core_type = #tpu.core_type<tc>, window_params = [{transform_indices = @transform_0, window_bounds = array<i64: 1, 4096, 1>}, {transform_indices = @transform_1, window_bounds = array<i64: 1, 4096, 1>}, {transform_indices = @transform_2, window_bounds = array<i64: 1, 4096, 1>}, {transform_indices = @transform_3, window_bounds = array<i64: 1, 1, 256>}, {transform_indices = @transform_4, window_bounds = array<i64: 1, 1, 256>}, {transform_indices = @transform_5, window_bounds = array<i64: 1, 1, 256>}, {transform_indices = @transform_6, window_bounds = array<i64: 1, 256, 32>}]} {
    %get3A = arith.constant 0 : index
    %get3A_0 = arith.constant 0 : index
    %get3A_1 = arith.constant 0 : index
    %get3A_2 = vector.load %arg1[%get3A, %get3A_0, %get3A_1] : memref<1x4096x1xf32, #tpu.memory_space<vmem>>, vector<1x4096x1xf32>
    %get3A_3 = vector.shape_cast %get3A_2 : vector<1x4096x1xf32> to vector<4096x1xf32>
    %get3A_4 = arith.constant 0 : index
    %get3A_5 = arith.constant 0 : index
    %get3A_6 = arith.constant 0 : index
    %get3A_7 = vector.load %arg2[%get3A_4, %get3A_5, %get3A_6] : memref<1x4096x1xf32, #tpu.memory_space<vmem>>, vector<1x4096x1xf32>
    %get3A_8 = vector.shape_cast %get3A_7 : vector<1x4096x1xf32> to vector<4096x1xf32>
    %get3A_9 = arith.constant 0 : index
    %get3A_10 = arith.constant 0 : index
    %get3A_11 = arith.constant 0 : index
    %get3A_12 = vector.load %arg3[%get3A_9, %get3A_10, %get3A_11] : memref<1x4096x1xf32, #tpu.memory_space<vmem>>, vector<1x4096x1xf32>
    %get3A_13 = vector.shape_cast %get3A_12 : vector<1x4096x1xf32> to vector<4096x1xf32>
    %get3A_14 = arith.constant 0 : index
    %get3A_15 = arith.constant 0 : index
    %get3A_16 = arith.constant 0 : index
    %get3A_17 = vector.load %arg4[%get3A_14, %get3A_15, %get3A_16] : memref<1x1x256xf32, #tpu.memory_space<vmem>>, vector<1x1x256xf32>
    %get3A_18 = vector.shape_cast %get3A_17 : vector<1x1x256xf32> to vector<1x256xf32>
    %get3A_19 = arith.constant 0 : index
    %get3A_20 = arith.constant 0 : index
    %get3A_21 = arith.constant 0 : index
    %get3A_22 = vector.load %arg5[%get3A_19, %get3A_20, %get3A_21] : memref<1x1x256xf32, #tpu.memory_space<vmem>>, vector<1x1x256xf32>
    %get3A_23 = vector.shape_cast %get3A_22 : vector<1x1x256xf32> to vector<1x256xf32>
    %get3A_24 = arith.constant 0 : index
    %get3A_25 = arith.constant 0 : index
    %get3A_26 = arith.constant 0 : index
    %get3A_27 = vector.load %arg6[%get3A_24, %get3A_25, %get3A_26] : memref<1x1x256xf32, #tpu.memory_space<vmem>>, vector<1x1x256xf32>
    %get3A_28 = vector.shape_cast %get3A_27 : vector<1x1x256xf32> to vector<1x256xf32>
    %sub3A = vector.broadcast %get3A_3 : vector<4096x1xf32> to vector<4096x256xf32>
    %sub3A_29 = vector.broadcast %get3A_18 : vector<1x256xf32> to vector<4096x256xf32>
    %sub3A_30 = arith.subf %sub3A, %sub3A_29 : vector<4096x256xf32>
    %integer_pow3A = arith.mulf %sub3A_30, %sub3A_30 : vector<4096x256xf32>
    %sub3A_31 = vector.broadcast %get3A_8 : vector<4096x1xf32> to vector<4096x256xf32>
    %sub3A_32 = vector.broadcast %get3A_23 : vector<1x256xf32> to vector<4096x256xf32>
    %sub3A_33 = arith.subf %sub3A_31, %sub3A_32 : vector<4096x256xf32>
    %integer_pow3A_34 = arith.mulf %sub3A_33, %sub3A_33 : vector<4096x256xf32>
    %add3A = arith.addf %integer_pow3A, %integer_pow3A_34 : vector<4096x256xf32>
    %sub3A_35 = vector.broadcast %get3A_13 : vector<4096x1xf32> to vector<4096x256xf32>
    %sub3A_36 = vector.broadcast %get3A_28 : vector<1x256xf32> to vector<4096x256xf32>
    %sub3A_37 = arith.subf %sub3A_35, %sub3A_36 : vector<4096x256xf32>
    %integer_pow3A_38 = arith.mulf %sub3A_37, %sub3A_37 : vector<4096x256xf32>
    %add3A_39 = arith.addf %add3A, %integer_pow3A_38 : vector<4096x256xf32>
    %swap3A = arith.constant 0 : index
    %swap3A_40 = arith.constant 0 : index
    %swap3A_41 = vector.load %arg8[%swap3A, %swap3A_40] : memref<4096x256xf32, #tpu.memory_space<vmem>>, vector<4096x256xf32>
    tpu.vector_store %arg8[%swap3A, %swap3A_40], %add3A_39 {strides = array<i32>} : memref<4096x256xf32, #tpu.memory_space<vmem>>, vector<4096x256xf32>,
    %iota3A = tpu.iota {dimensions = array<i32: 0>} : vector<128x256xi32>
    %convert_element_type3A = arith.sitofp %iota3A : vector<128x256xi32> to vector<128x256xf32>
    %broadcast_in_dim3A = arith.constant 0x7F800000 : f32
    %broadcast_in_dim3A_42 = vector.broadcast %broadcast_in_dim3A : f32 to vector<32x256xf32>
    %broadcast_in_dim3A_43 = arith.constant 1.07374182E+9 : f32
    %broadcast_in_dim3A_44 = vector.broadcast %broadcast_in_dim3A_43 : f32 to vector<32x256xf32>
    %while3A = arith.constant 0x7F800000 : f32
    %while3A_45 = arith.constant true
    %while3A_46:3 = scf.while (%while3A_54 = %while3A_45, %while3A_55 = %broadcast_in_dim3A_42, %while3A_56 = %broadcast_in_dim3A_44) : (i1, vector<32x256xf32>, vector<32x256xf32>) -> (i1, vector<32x256xf32>, vector<32x256xf32>) {
      scf.condition(%while3A_54) %while3A_54, %while3A_55, %while3A_56 : i1, vector<32x256xf32>, vector<32x256xf32>
    } do {
    ^bb0(%while3A_54: i1, %while3A_55: vector<32x256xf32>, %while3A_56: vector<32x256xf32>):
      %get3A_57 = arith.constant 0 : index
      %get3A_58 = arith.constant 0 : index
      %get3A_59 = vector.load %arg8[%get3A_57, %get3A_58] : memref<4096x256xf32, #tpu.memory_space<vmem>>, vector<128x256xf32>
      %slice3A = vector.extract_strided_slice %get3A_59 {offsets = [0, 0], sizes = [64, 256], strides = [1, 1]} : vector<128x256xf32> to vector<64x256xf32>
      %slice3A_60 = vector.extract_strided_slice %get3A_59 {offsets = [64, 0], sizes = [64, 256], strides = [1, 1]} : vector<128x256xf32> to vector<64x256xf32>
      %min3A = arith.minimumf %slice3A, %slice3A_60 : vector<64x256xf32>
      %slice3A_61 = vector.extract_strided_slice %min3A {offsets = [0, 0], sizes = [32, 256], strides = [1, 1]} : vector<64x256xf32> to vector<32x256xf32>
      %slice3A_62 = vector.extract_strided_slice %min3A {offsets = [32, 0], sizes = [32, 256], strides = [1, 1]} : vector<64x256xf32> to vector<32x256xf32>
      %min3A_63 = arith.minimumf %slice3A_61, %slice3A_62 : vector<32x256xf32>
      %slice3A_64 = vector.extract_strided_slice %min3A_63 {offsets = [0, 0], sizes = [16, 256], strides = [1, 1]} : vector<32x256xf32> to vector<16x256xf32>
      %slice3A_65 = vector.extract_strided_slice %min3A_63 {offsets = [16, 0], sizes = [16, 256], strides = [1, 1]} : vector<32x256xf32> to vector<16x256xf32>
      %min3A_66 = arith.minimumf %slice3A_64, %slice3A_65 : vector<16x256xf32>
      %slice3A_67 = vector.extract_strided_slice %min3A_66 {offsets = [0, 0], sizes = [8, 256], strides = [1, 1]} : vector<16x256xf32> to vector<8x256xf32>
      %slice3A_68 = vector.extract_strided_slice %min3A_66 {offsets = [8, 0], sizes = [8, 256], strides = [1, 1]} : vector<16x256xf32> to vector<8x256xf32>
      %min3A_69 = arith.minimumf %slice3A_67, %slice3A_68 : vector<8x256xf32>
      %reduce_min3A = arith.constant dense<0x7F800000> : vector<256xf32>
      %reduce_min3A_70 = vector.multi_reduction <minimumf>, %min3A_69, %reduce_min3A [0] : vector<8x256xf32> to vector<256xf32>
      %broadcast_in_dim3A_71 = vector.shape_cast %reduce_min3A_70 : vector<256xf32> to vector<1x256xf32>
      %eq3A = vector.broadcast %broadcast_in_dim3A_71 : vector<1x256xf32> to vector<128x256xf32>
      %eq3A_72 = arith.cmpf oeq, %get3A_59, %eq3A : vector<128x256xf32>
      %jit3A = arith.constant 1.280000e+02 : f32
      %broadcast_in_dim3A_73 = vector.broadcast %jit3A : f32 to vector<128x256xf32>
      %select_n3A = arith.select %eq3A_72, %convert_element_type3A, %broadcast_in_dim3A_73 : vector<128x256xi1>, vector<128x256xf32>
      %slice3A_74 = vector.extract_strided_slice %select_n3A {offsets = [0, 0], sizes = [64, 256], strides = [1, 1]} : vector<128x256xf32> to vector<64x256xf32>
      %slice3A_75 = vector.extract_strided_slice %select_n3A {offsets = [64, 0], sizes = [64, 256], strides = [1, 1]} : vector<128x256xf32> to vector<64x256xf32>
      %min3A_76 = arith.minimumf %slice3A_74, %slice3A_75 : vector<64x256xf32>
      %slice3A_77 = vector.extract_strided_slice %min3A_76 {offsets = [0, 0], sizes = [32, 256], strides = [1, 1]} : vector<64x256xf32> to vector<32x256xf32>
      %slice3A_78 = vector.extract_strided_slice %min3A_76 {offsets = [32, 0], sizes = [32, 256], strides = [1, 1]} : vector<64x256xf32> to vector<32x256xf32>
      %min3A_79 = arith.minimumf %slice3A_77, %slice3A_78 : vector<32x256xf32>
      %slice3A_80 = vector.extract_strided_slice %min3A_79 {offsets = [0, 0], sizes = [16, 256], strides = [1, 1]} : vector<32x256xf32> to vector<16x256xf32>
      %slice3A_81 = vector.extract_strided_slice %min3A_79 {offsets = [16, 0], sizes = [16, 256], strides = [1, 1]} : vector<32x256xf32> to vector<16x256xf32>
      %min3A_82 = arith.minimumf %slice3A_80, %slice3A_81 : vector<16x256xf32>
      %slice3A_83 = vector.extract_strided_slice %min3A_82 {offsets = [0, 0], sizes = [8, 256], strides = [1, 1]} : vector<16x256xf32> to vector<8x256xf32>
      %slice3A_84 = vector.extract_strided_slice %min3A_82 {offsets = [8, 0], sizes = [8, 256], strides = [1, 1]} : vector<16x256xf32> to vector<8x256xf32>
      %min3A_85 = arith.minimumf %slice3A_83, %slice3A_84 : vector<8x256xf32>
      %reduce_min3A_86 = arith.constant dense<0x7F800000> : vector<256xf32>
      %reduce_min3A_87 = vector.multi_reduction <minimumf>, %min3A_85, %reduce_min3A_86 [0] : vector<8x256xf32> to vector<256xf32>
      %broadcast_in_dim3A_88 = vector.shape_cast %reduce_min3A_87 : vector<256xf32> to vector<1x256xf32>
      %add3A_89 = arith.constant 0.000000e+00 : f32
      %add3A_90 = vector.broadcast %add3A_89 : f32 to vector<1x256xf32>
      %add3A_91 = arith.addf %broadcast_in_dim3A_88, %add3A_90 : vector<1x256xf32>
      %eq3A_92 = vector.broadcast %broadcast_in_dim3A_88 : vector<1x256xf32> to vector<128x256xf32>
      %eq3A_93 = arith.cmpf oeq, %convert_element_type3A, %eq3A_92 : vector<128x256xf32>
      %broadcast_in_dim3A_94 = vector.broadcast %while3A : f32 to vector<128x256xf32>
      %select_n3A_95 = arith.select %eq3A_93, %broadcast_in_dim3A_94, %get3A_59 : vector<128x256xi1>, vector<128x256xf32>
      %swap3A_96 = arith.constant 0 : index
      %swap3A_97 = arith.constant 0 : index
      %swap3A_98 = vector.load %arg8[%swap3A_96, %swap3A_97] : memref<4096x256xf32, #tpu.memory_space<vmem>>, vector<128x256xf32>
      tpu.vector_store %arg8[%swap3A_96, %swap3A_97], %select_n3A_95 {strides = array<i32>} : memref<4096x256xf32, #tpu.memory_space<vmem>>, vector<128x256xf32>,
      %get3A_99 = arith.constant 128 : index
      %get3A_100 = arith.constant 0 : index
      %get3A_101 = vector.load %arg8[%get3A_99, %get3A_100] : memref<4096x256xf32, #tpu.memory_space<vmem>>, vector<128x256xf32>
      %slice3A_102 = vector.extract_strided_slice %get3A_101 {offsets = [0, 0], sizes = [64, 256], strides = [1, 1]} : vector<128x256xf32> to vector<64x256xf32>
      %slice3A_103 = vector.extract_strided_slice %get3A_101 {offsets = [64, 0], sizes = [64, 256], strides = [1, 1]} : vector<128x256xf32> to vector<64x256xf32>
      %min3A_104 = arith.minimumf %slice3A_102, %slice3A_103 : vector<64x256xf32>
      %slice3A_105 = vector.extract_strided_slice %min3A_104 {offsets = [0, 0], sizes = [32, 256], strides = [1, 1]} : vector<64x256xf32> to vector<32x256xf32>
      %slice3A_106 = vector.extract_strided_slice %min3A_104 {offsets = [32, 0], sizes = [32, 256], strides = [1, 1]} : vector<64x256xf32> to vector<32x256xf32>
      %min3A_107 = arith.minimumf %slice3A_105, %slice3A_106 : vector<32x256xf32>
      %slice3A_108 = vector.extract_strided_slice %min3A_107 {offsets = [0, 0], sizes = [16, 256], strides = [1, 1]} : vector<32x256xf32> to vector<16x256xf32>
      %slice3A_109 = vector.extract_strided_slice %min3A_107 {offsets = [16, 0], sizes = [16, 256], strides = [1, 1]} : vector<32x256xf32> to vector<16x256xf32>
      %min3A_110 = arith.minimumf %slice3A_108, %slice3A_109 : vector<16x256xf32>
      %slice3A_111 = vector.extract_strided_slice %min3A_110 {offsets = [0, 0], sizes = [8, 256], strides = [1, 1]} : vector<16x256xf32> to vector<8x256xf32>
      %slice3A_112 = vector.extract_strided_slice %min3A_110 {offsets = [8, 0], sizes = [8, 256], strides = [1, 1]} : vector<16x256xf32> to vector<8x256xf32>
      %min3A_113 = arith.minimumf %slice3A_111, %slice3A_112 : vector<8x256xf32>
      %reduce_min3A_114 = arith.constant dense<0x7F800000> : vector<256xf32>
      %reduce_min3A_115 = vector.multi_reduction <minimumf>, %min3A_113, %reduce_min3A_114 [0] : vector<8x256xf32> to vector<256xf32>
      %broadcast_in_dim3A_116 = vector.shape_cast %reduce_min3A_115 : vector<256xf32> to vector<1x256xf32>
      %eq3A_117 = vector.broadcast %broadcast_in_dim3A_116 : vector<1x256xf32> to vector<128x256xf32>
      %eq3A_118 = arith.cmpf oeq, %get3A_101, %eq3A_117 : vector<128x256xf32>
      %jit3A_119 = arith.constant 1.280000e+02 : f32
      %broadcast_in_dim3A_120 = vector.broadcast %jit3A_119 : f32 to vector<128x256xf32>
      %select_n3A_121 = arith.select %eq3A_118, %convert_element_type3A, %broadcast_in_dim3A_120 : vector<128x256xi1>, vector<128x256xf32>
      %slice3A_122 = vector.extract_strided_slice %select_n3A_121 {offsets = [0, 0], sizes = [64, 256], strides = [1, 1]} : vector<128x256xf32> to vector<64x256xf32>
      %slice3A_123 = vector.extract_strided_slice %select_n3A_121 {offsets = [64, 0], sizes = [64, 256], strides = [1, 1]} : vector<128x256xf32> to vector<64x256xf32>
      %min3A_124 = arith.minimumf %slice3A_122, %slice3A_123 : vector<64x256xf32>
      %slice3A_125 = vector.extract_strided_slice %min3A_124 {offsets = [0, 0], sizes = [32, 256], strides = [1, 1]} : vector<64x256xf32> to vector<32x256xf32>
      %slice3A_126 = vector.extract_strided_slice %min3A_124 {offsets = [32, 0], sizes = [32, 256], strides = [1, 1]} : vector<64x256xf32> to vector<32x256xf32>
      %min3A_127 = arith.minimumf %slice3A_125, %slice3A_126 : vector<32x256xf32>
      %slice3A_128 = vector.extract_strided_slice %min3A_127 {offsets = [0, 0], sizes = [16, 256], strides = [1, 1]} : vector<32x256xf32> to vector<16x256xf32>
      %slice3A_129 = vector.extract_strided_slice %min3A_127 {offsets = [16, 0], sizes = [16, 256], strides = [1, 1]} : vector<32x256xf32> to vector<16x256xf32>
      %min3A_130 = arith.minimumf %slice3A_128, %slice3A_129 : vector<16x256xf32>
      %slice3A_131 = vector.extract_strided_slice %min3A_130 {offsets = [0, 0], sizes = [8, 256], strides = [1, 1]} : vector<16x256xf32> to vector<8x256xf32>
      %slice3A_132 = vector.extract_strided_slice %min3A_130 {offsets = [8, 0], sizes = [8, 256], strides = [1, 1]} : vector<16x256xf32> to vector<8x256xf32>
      %min3A_133 = arith.minimumf %slice3A_131, %slice3A_132 : vector<8x256xf32>
      %reduce_min3A_134 = arith.constant dense<0x7F800000> : vector<256xf32>
      %reduce_min3A_135 = vector.multi_reduction <minimumf>, %min3A_133, %reduce_min3A_134 [0] : vector<8x256xf32> to vector<256xf32>
      %broadcast_in_dim3A_136 = vector.shape_cast %reduce_min3A_135 : vector<256xf32> to vector<1x256xf32>
      %add3A_137 = arith.constant 1.280000e+02 : f32
      %add3A_138 = vector.broadcast %add3A_137 : f32 to vector<1x256xf32>
      %add3A_139 = arith.addf %broadcast_in_dim3A_136, %add3A_138 : vector<1x256xf32>
      %eq3A_140 = vector.broadcast %broadcast_in_dim3A_136 : vector<1x256xf32> to vector<128x256xf32>
      %eq3A_141 = arith.cmpf oeq, %convert_element_type3A, %eq3A_140 : vector<128x256xf32>
      %broadcast_in_dim3A_142 = vector.broadcast %while3A : f32 to vector<128x256xf32>
      %select_n3A_143 = arith.select %eq3A_141, %broadcast_in_dim3A_142, %get3A_101 : vector<128x256xi1>, vector<128x256xf32>
      %swap3A_144 = arith.constant 128 : index
      %swap3A_145 = arith.constant 0 : index
      %swap3A_146 = vector.load %arg8[%swap3A_144, %swap3A_145] : memref<4096x256xf32, #tpu.memory_space<vmem>>, vector<128x256xf32>
      tpu.vector_store %arg8[%swap3A_144, %swap3A_145], %select_n3A_143 {strides = array<i32>} : memref<4096x256xf32, #tpu.memory_space<vmem>>, vector<128x256xf32>,
      %get3A_147 = arith.constant 256 : index
      %get3A_148 = arith.constant 0 : index
      %get3A_149 = vector.load %arg8[%get3A_147, %get3A_148] : memref<4096x256xf32, #tpu.memory_space<vmem>>, vector<128x256xf32>
      %slice3A_150 = vector.extract_strided_slice %get3A_149 {offsets = [0, 0], sizes = [64, 256], strides = [1, 1]} : vector<128x256xf32> to vector<64x256xf32>
      %slice3A_151 = vector.extract_strided_slice %get3A_149 {offsets = [64, 0], sizes = [64, 256], strides = [1, 1]} : vector<128x256xf32> to vector<64x256xf32>
      %min3A_152 = arith.minimumf %slice3A_150, %slice3A_151 : vector<64x256xf32>
      %slice3A_153 = vector.extract_strided_slice %min3A_152 {offsets = [0, 0], sizes = [32, 256], strides = [1, 1]} : vector<64x256xf32> to vector<32x256xf32>
      %slice3A_154 = vector.extract_strided_slice %min3A_152 {offsets = [32, 0], sizes = [32, 256], strides = [1, 1]} : vector<64x256xf32> to vector<32x256xf32>
      %min3A_155 = arith.minimumf %slice3A_153, %slice3A_154 : vector<32x256xf32>
      %slice3A_156 = vector.extract_strided_slice %min3A_155 {offsets = [0, 0], sizes = [16, 256], strides = [1, 1]} : vector<32x256xf32> to vector<16x256xf32>
      %slice3A_157 = vector.extract_strided_slice %min3A_155 {offsets = [16, 0], sizes = [16, 256], strides = [1, 1]} : vector<32x256xf32> to vector<16x256xf32>
      %min3A_158 = arith.minimumf %slice3A_156, %slice3A_157 : vector<16x256xf32>
      %slice3A_159 = vector.extract_strided_slice %min3A_158 {offsets = [0, 0], sizes = [8, 256], strides = [1, 1]} : vector<16x256xf32> to vector<8x256xf32>
      %slice3A_160 = vector.extract_strided_slice %min3A_158 {offsets = [8, 0], sizes = [8, 256], strides = [1, 1]} : vector<16x256xf32> to vector<8x256xf32>
      %min3A_161 = arith.minimumf %slice3A_159, %slice3A_160 : vector<8x256xf32>
      %reduce_min3A_162 = arith.constant dense<0x7F800000> : vector<256xf32>
      %reduce_min3A_163 = vector.multi_reduction <minimumf>, %min3A_161, %reduce_min3A_162 [0] : vector<8x256xf32> to vector<256xf32>
      %broadcast_in_dim3A_164 = vector.shape_cast %reduce_min3A_163 : vector<256xf32> to vector<1x256xf32>
      %eq3A_165 = vector.broadcast %broadcast_in_dim3A_164 : vector<1x256xf32> to vector<128x256xf32>
      %eq3A_166 = arith.cmpf oeq, %get3A_149, %eq3A_165 : vector<128x256xf32>
      %jit3A_167 = arith.constant 1.280000e+02 : f32
      %broadcast_in_dim3A_168 = vector.broadcast %jit3A_167 : f32 to vector<128x256xf32>
      %select_n3A_169 = arith.select %eq3A_166, %convert_element_type3A, %broadcast_in_dim3A_168 : vector<128x256xi1>, vector<128x256xf32>
      %slice3A_170 = vector.extract_strided_slice %select_n3A_169 {offsets = [0, 0], sizes = [64, 256], strides = [1, 1]} : vector<128x256xf32> to vector<64x256xf32>
      %slice3A_171 = vector.extract_strided_slice %select_n3A_169 {offsets = [64, 0], sizes = [64, 256], strides = [1, 1]} : vector<128x256xf32> to vector<64x256xf32>
      %min3A_172 = arith.minimumf %slice3A_170, %slice3A_171 : vector<64x256xf32>
      %slice3A_173 = vector.extract_strided_slice %min3A_172 {offsets = [0, 0], sizes = [32, 256], strides = [1, 1]} : vector<64x256xf32> to vector<32x256xf32>
      %slice3A_174 = vector.extract_strided_slice %min3A_172 {offsets = [32, 0], sizes = [32, 256], strides = [1, 1]} : vector<64x256xf32> to vector<32x256xf32>
      %min3A_175 = arith.minimumf %slice3A_173, %slice3A_174 : vector<32x256xf32>
      %slice3A_176 = vector.extract_strided_slice %min3A_175 {offsets = [0, 0], sizes = [16, 256], strides = [1, 1]} : vector<32x256xf32> to vector<16x256xf32>
      %slice3A_177 = vector.extract_strided_slice %min3A_175 {offsets = [16, 0], sizes = [16, 256], strides = [1, 1]} : vector<32x256xf32> to vector<16x256xf32>
      %min3A_178 = arith.minimumf %slice3A_176, %slice3A_177 : vector<16x256xf32>
      %slice3A_179 = vector.extract_strided_slice %min3A_178 {offsets = [0, 0], sizes = [8, 256], strides = [1, 1]} : vector<16x256xf32> to vector<8x256xf32>
      %slice3A_180 = vector.extract_strided_slice %min3A_178 {offsets = [8, 0], sizes = [8, 256], strides = [1, 1]} : vector<16x256xf32> to vector<8x256xf32>
      %min3A_181 = arith.minimumf %slice3A_179, %slice3A_180 : vector<8x256xf32>
      %reduce_min3A_182 = arith.constant dense<0x7F800000> : vector<256xf32>
      %reduce_min3A_183 = vector.multi_reduction <minimumf>, %min3A_181, %reduce_min3A_182 [0] : vector<8x256xf32> to vector<256xf32>
      %broadcast_in_dim3A_184 = vector.shape_cast %reduce_min3A_183 : vector<256xf32> to vector<1x256xf32>
      %add3A_185 = arith.constant 2.560000e+02 : f32
      %add3A_186 = vector.broadcast %add3A_185 : f32 to vector<1x256xf32>
      %add3A_187 = arith.addf %broadcast_in_dim3A_184, %add3A_186 : vector<1x256xf32>
      %eq3A_188 = vector.broadcast %broadcast_in_dim3A_184 : vector<1x256xf32> to vector<128x256xf32>
      %eq3A_189 = arith.cmpf oeq, %convert_element_type3A, %eq3A_188 : vector<128x256xf32>
      %broadcast_in_dim3A_190 = vector.broadcast %while3A : f32 to vector<128x256xf32>
      %select_n3A_191 = arith.select %eq3A_189, %broadcast_in_dim3A_190, %get3A_149 : vector<128x256xi1>, vector<128x256xf32>
      %swap3A_192 = arith.constant 256 : index
      %swap3A_193 = arith.constant 0 : index
      %swap3A_194 = vector.load %arg8[%swap3A_192, %swap3A_193] : memref<4096x256xf32, #tpu.memory_space<vmem>>, vector<128x256xf32>
      tpu.vector_store %arg8[%swap3A_192, %swap3A_193], %select_n3A_191 {strides = array<i32>} : memref<4096x256xf32, #tpu.memory_space<vmem>>, vector<128x256xf32>,
      %get3A_195 = arith.constant 384 : index
      %get3A_196 = arith.constant 0 : index
      %get3A_197 = vector.load %arg8[%get3A_195, %get3A_196] : memref<4096x256xf32, #tpu.memory_space<vmem>>, vector<128x256xf32>
      %slice3A_198 = vector.extract_strided_slice %get3A_197 {offsets = [0, 0], sizes = [64, 256], strides = [1, 1]} : vector<128x256xf32> to vector<64x256xf32>
      %slice3A_199 = vector.extract_strided_slice %get3A_197 {offsets = [64, 0], sizes = [64, 256], strides = [1, 1]} : vector<128x256xf32> to vector<64x256xf32>
      %min3A_200 = arith.minimumf %slice3A_198, %slice3A_199 : vector<64x256xf32>
      %slice3A_201 = vector.extract_strided_slice %min3A_200 {offsets = [0, 0], sizes = [32, 256], strides = [1, 1]} : vector<64x256xf32> to vector<32x256xf32>
      %slice3A_202 = vector.extract_strided_slice %min3A_200 {offsets = [32, 0], sizes = [32, 256], strides = [1, 1]} : vector<64x256xf32> to vector<32x256xf32>
      %min3A_203 = arith.minimumf %slice3A_201, %slice3A_202 : vector<32x256xf32>
      %slice3A_204 = vector.extract_strided_slice %min3A_203 {offsets = [0, 0], sizes = [16, 256], strides = [1, 1]} : vector<32x256xf32> to vector<16x256xf32>
      %slice3A_205 = vector.extract_strided_slice %min3A_203 {offsets = [16, 0], sizes = [16, 256], strides = [1, 1]} : vector<32x256xf32> to vector<16x256xf32>
      %min3A_206 = arith.minimumf %slice3A_204, %slice3A_205 : vector<16x256xf32>
      %slice3A_207 = vector.extract_strided_slice %min3A_206 {offsets = [0, 0], sizes = [8, 256], strides = [1, 1]} : vector<16x256xf32> to vector<8x256xf32>
      %slice3A_208 = vector.extract_strided_slice %min3A_206 {offsets = [8, 0], sizes = [8, 256], strides = [1, 1]} : vector<16x256xf32> to vector<8x256xf32>
      %min3A_209 = arith.minimumf %slice3A_207, %slice3A_208 : vector<8x256xf32>
      %reduce_min3A_210 = arith.constant dense<0x7F800000> : vector<256xf32>
      %reduce_min3A_211 = vector.multi_reduction <minimumf>, %min3A_209, %reduce_min3A_210 [0] : vector<8x256xf32> to vector<256xf32>
      %broadcast_in_dim3A_212 = vector.shape_cast %reduce_min3A_211 : vector<256xf32> to vector<1x256xf32>
      %eq3A_213 = vector.broadcast %broadcast_in_dim3A_212 : vector<1x256xf32> to vector<128x256xf32>
      %eq3A_214 = arith.cmpf oeq, %get3A_197, %eq3A_213 : vector<128x256xf32>
      %jit3A_215 = arith.constant 1.280000e+02 : f32
      %broadcast_in_dim3A_216 = vector.broadcast %jit3A_215 : f32 to vector<128x256xf32>
      %select_n3A_217 = arith.select %eq3A_214, %convert_element_type3A, %broadcast_in_dim3A_216 : vector<128x256xi1>, vector<128x256xf32>
      %slice3A_218 = vector.extract_strided_slice %select_n3A_217 {offsets = [0, 0], sizes = [64, 256], strides = [1, 1]} : vector<128x256xf32> to vector<64x256xf32>
      %slice3A_219 = vector.extract_strided_slice %select_n3A_217 {offsets = [64, 0], sizes = [64, 256], strides = [1, 1]} : vector<128x256xf32> to vector<64x256xf32>
      %min3A_220 = arith.minimumf %slice3A_218, %slice3A_219 : vector<64x256xf32>
      %slice3A_221 = vector.extract_strided_slice %min3A_220 {offsets = [0, 0], sizes = [32, 256], strides = [1, 1]} : vector<64x256xf32> to vector<32x256xf32>
      %slice3A_222 = vector.extract_strided_slice %min3A_220 {offsets = [32, 0], sizes = [32, 256], strides = [1, 1]} : vector<64x256xf32> to vector<32x256xf32>
      %min3A_223 = arith.minimumf %slice3A_221, %slice3A_222 : vector<32x256xf32>
      %slice3A_224 = vector.extract_strided_slice %min3A_223 {offsets = [0, 0], sizes = [16, 256], strides = [1, 1]} : vector<32x256xf32> to vector<16x256xf32>
      %slice3A_225 = vector.extract_strided_slice %min3A_223 {offsets = [16, 0], sizes = [16, 256], strides = [1, 1]} : vector<32x256xf32> to vector<16x256xf32>
      %min3A_226 = arith.minimumf %slice3A_224, %slice3A_225 : vector<16x256xf32>
      %slice3A_227 = vector.extract_strided_slice %min3A_226 {offsets = [0, 0], sizes = [8, 256], strides = [1, 1]} : vector<16x256xf32> to vector<8x256xf32>
      %slice3A_228 = vector.extract_strided_slice %min3A_226 {offsets = [8, 0], sizes = [8, 256], strides = [1, 1]} : vector<16x256xf32> to vector<8x256xf32>
      %min3A_229 = arith.minimumf %slice3A_227, %slice3A_228 : vector<8x256xf32>
      %reduce_min3A_230 = arith.constant dense<0x7F800000> : vector<256xf32>
      %reduce_min3A_231 = vector.multi_reduction <minimumf>, %min3A_229, %reduce_min3A_230 [0] : vector<8x256xf32> to vector<256xf32>
      %broadcast_in_dim3A_232 = vector.shape_cast %reduce_min3A_231 : vector<256xf32> to vector<1x256xf32>
      %add3A_233 = arith.constant 3.840000e+02 : f32
      %add3A_234 = vector.broadcast %add3A_233 : f32 to vector<1x256xf32>
      %add3A_235 = arith.addf %broadcast_in_dim3A_232, %add3A_234 : vector<1x256xf32>
      %eq3A_236 = vector.broadcast %broadcast_in_dim3A_232 : vector<1x256xf32> to vector<128x256xf32>
      %eq3A_237 = arith.cmpf oeq, %convert_element_type3A, %eq3A_236 : vector<128x256xf32>
      %broadcast_in_dim3A_238 = vector.broadcast %while3A : f32 to vector<128x256xf32>
      %select_n3A_239 = arith.select %eq3A_237, %broadcast_in_dim3A_238, %get3A_197 : vector<128x256xi1>, vector<128x256xf32>
      %swap3A_240 = arith.constant 384 : index
      %swap3A_241 = arith.constant 0 : index
      %swap3A_242 = vector.load %arg8[%swap3A_240, %swap3A_241] : memref<4096x256xf32, #tpu.memory_space<vmem>>, vector<128x256xf32>
      tpu.vector_store %arg8[%swap3A_240, %swap3A_241], %select_n3A_239 {strides = array<i32>} : memref<4096x256xf32, #tpu.memory_space<vmem>>, vector<128x256xf32>,
      %get3A_243 = arith.constant 512 : index
      %get3A_244 = arith.constant 0 : index
      %get3A_245 = vector.load %arg8[%get3A_243, %get3A_244] : memref<4096x256xf32, #tpu.memory_space<vmem>>, vector<128x256xf32>
      %slice3A_246 = vector.extract_strided_slice %get3A_245 {offsets = [0, 0], sizes = [64, 256], strides = [1, 1]} : vector<128x256xf32> to vector<64x256xf32>
      %slice3A_247 = vector.extract_strided_slice %get3A_245 {offsets = [64, 0], sizes = [64, 256], strides = [1, 1]} : vector<128x256xf32> to vector<64x256xf32>
      %min3A_248 = arith.minimumf %slice3A_246, %slice3A_247 : vector<64x256xf32>
      %slice3A_249 = vector.extract_strided_slice %min3A_248 {offsets = [0, 0], sizes = [32, 256], strides = [1, 1]} : vector<64x256xf32> to vector<32x256xf32>
      %slice3A_250 = vector.extract_strided_slice %min3A_248 {offsets = [32, 0], sizes = [32, 256], strides = [1, 1]} : vector<64x256xf32> to vector<32x256xf32>
      %min3A_251 = arith.minimumf %slice3A_249, %slice3A_250 : vector<32x256xf32>
      %slice3A_252 = vector.extract_strided_slice %min3A_251 {offsets = [0, 0], sizes = [16, 256], strides = [1, 1]} : vector<32x256xf32> to vector<16x256xf32>
      %slice3A_253 = vector.extract_strided_slice %min3A_251 {offsets = [16, 0], sizes = [16, 256], strides = [1, 1]} : vector<32x256xf32> to vector<16x256xf32>
      %min3A_254 = arith.minimumf %slice3A_252, %slice3A_253 : vector<16x256xf32>
      %slice3A_255 = vector.extract_strided_slice %min3A_254 {offsets = [0, 0], sizes = [8, 256], strides = [1, 1]} : vector<16x256xf32> to vector<8x256xf32>
      %slice3A_256 = vector.extract_strided_slice %min3A_254 {offsets = [8, 0], sizes = [8, 256], strides = [1, 1]} : vector<16x256xf32> to vector<8x256xf32>
      %min3A_257 = arith.minimumf %slice3A_255, %slice3A_256 : vector<8x256xf32>
      %reduce_min3A_258 = arith.constant dense<0x7F800000> : vector<256xf32>
      %reduce_min3A_259 = vector.multi_reduction <minimumf>, %min3A_257, %reduce_min3A_258 [0] : vector<8x256xf32> to vector<256xf32>
      %broadcast_in_dim3A_260 = vector.shape_cast %reduce_min3A_259 : vector<256xf32> to vector<1x256xf32>
      %eq3A_261 = vector.broadcast %broadcast_in_dim3A_260 : vector<1x256xf32> to vector<128x256xf32>
      %eq3A_262 = arith.cmpf oeq, %get3A_245, %eq3A_261 : vector<128x256xf32>
      %jit3A_263 = arith.constant 1.280000e+02 : f32
      %broadcast_in_dim3A_264 = vector.broadcast %jit3A_263 : f32 to vector<128x256xf32>
      %select_n3A_265 = arith.select %eq3A_262, %convert_element_type3A, %broadcast_in_dim3A_264 : vector<128x256xi1>, vector<128x256xf32>
      %slice3A_266 = vector.extract_strided_slice %select_n3A_265 {offsets = [0, 0], sizes = [64, 256], strides = [1, 1]} : vector<128x256xf32> to vector<64x256xf32>
      %slice3A_267 = vector.extract_strided_slice %select_n3A_265 {offsets = [64, 0], sizes = [64, 256], strides = [1, 1]} : vector<128x256xf32> to vector<64x256xf32>
      %min3A_268 = arith.minimumf %slice3A_266, %slice3A_267 : vector<64x256xf32>
      %slice3A_269 = vector.extract_strided_slice %min3A_268 {offsets = [0, 0], sizes = [32, 256], strides = [1, 1]} : vector<64x256xf32> to vector<32x256xf32>
      %slice3A_270 = vector.extract_strided_slice %min3A_268 {offsets = [32, 0], sizes = [32, 256], strides = [1, 1]} : vector<64x256xf32> to vector<32x256xf32>
      %min3A_271 = arith.minimumf %slice3A_269, %slice3A_270 : vector<32x256xf32>
      %slice3A_272 = vector.extract_strided_slice %min3A_271 {offsets = [0, 0], sizes = [16, 256], strides = [1, 1]} : vector<32x256xf32> to vector<16x256xf32>
      %slice3A_273 = vector.extract_strided_slice %min3A_271 {offsets = [16, 0], sizes = [16, 256], strides = [1, 1]} : vector<32x256xf32> to vector<16x256xf32>
      %min3A_274 = arith.minimumf %slice3A_272, %slice3A_273 : vector<16x256xf32>
      %slice3A_275 = vector.extract_strided_slice %min3A_274 {offsets = [0, 0], sizes = [8, 256], strides = [1, 1]} : vector<16x256xf32> to vector<8x256xf32>
      %slice3A_276 = vector.extract_strided_slice %min3A_274 {offsets = [8, 0], sizes = [8, 256], strides = [1, 1]} : vector<16x256xf32> to vector<8x256xf32>
      %min3A_277 = arith.minimumf %slice3A_275, %slice3A_276 : vector<8x256xf32>
      %reduce_min3A_278 = arith.constant dense<0x7F800000> : vector<256xf32>
      %reduce_min3A_279 = vector.multi_reduction <minimumf>, %min3A_277, %reduce_min3A_278 [0] : vector<8x256xf32> to vector<256xf32>
      %broadcast_in_dim3A_280 = vector.shape_cast %reduce_min3A_279 : vector<256xf32> to vector<1x256xf32>
      %add3A_281 = arith.constant 5.120000e+02 : f32
      %add3A_282 = vector.broadcast %add3A_281 : f32 to vector<1x256xf32>
      %add3A_283 = arith.addf %broadcast_in_dim3A_280, %add3A_282 : vector<1x256xf32>
      %eq3A_284 = vector.broadcast %broadcast_in_dim3A_280 : vector<1x256xf32> to vector<128x256xf32>
      %eq3A_285 = arith.cmpf oeq, %convert_element_type3A, %eq3A_284 : vector<128x256xf32>
      %broadcast_in_dim3A_286 = vector.broadcast %while3A : f32 to vector<128x256xf32>
      %select_n3A_287 = arith.select %eq3A_285, %broadcast_in_dim3A_286, %get3A_245 : vector<128x256xi1>, vector<128x256xf32>
      %swap3A_288 = arith.constant 512 : index
      %swap3A_289 = arith.constant 0 : index
      %swap3A_290 = vector.load %arg8[%swap3A_288, %swap3A_289] : memref<4096x256xf32, #tpu.memory_space<vmem>>, vector<128x256xf32>
      tpu.vector_store %arg8[%swap3A_288, %swap3A_289], %select_n3A_287 {strides = array<i32>} : memref<4096x256xf32, #tpu.memory_space<vmem>>, vector<128x256xf32>,
      %get3A_291 = arith.constant 640 : index
      %get3A_292 = arith.constant 0 : index
      %get3A_293 = vector.load %arg8[%get3A_291, %get3A_292] : memref<4096x256xf32, #tpu.memory_space<vmem>>, vector<128x256xf32>
      %slice3A_294 = vector.extract_strided_slice %get3A_293 {offsets = [0, 0], sizes = [64, 256], strides = [1, 1]} : vector<128x256xf32> to vector<64x256xf32>
      %slice3A_295 = vector.extract_strided_slice %get3A_293 {offsets = [64, 0], sizes = [64, 256], strides = [1, 1]} : vector<128x256xf32> to vector<64x256xf32>
      %min3A_296 = arith.minimumf %slice3A_294, %slice3A_295 : vector<64x256xf32>
      %slice3A_297 = vector.extract_strided_slice %min3A_296 {offsets = [0, 0], sizes = [32, 256], strides = [1, 1]} : vector<64x256xf32> to vector<32x256xf32>
      %slice3A_298 = vector.extract_strided_slice %min3A_296 {offsets = [32, 0], sizes = [32, 256], strides = [1, 1]} : vector<64x256xf32> to vector<32x256xf32>
      %min3A_299 = arith.minimumf %slice3A_297, %slice3A_298 : vector<32x256xf32>
      %slice3A_300 = vector.extract_strided_slice %min3A_299 {offsets = [0, 0], sizes = [16, 256], strides = [1, 1]} : vector<32x256xf32> to vector<16x256xf32>
      %slice3A_301 = vector.extract_strided_slice %min3A_299 {offsets = [16, 0], sizes = [16, 256], strides = [1, 1]} : vector<32x256xf32> to vector<16x256xf32>
      %min3A_302 = arith.minimumf %slice3A_300, %slice3A_301 : vector<16x256xf32>
      %slice3A_303 = vector.extract_strided_slice %min3A_302 {offsets = [0, 0], sizes = [8, 256], strides = [1, 1]} : vector<16x256xf32> to vector<8x256xf32>
      %slice3A_304 = vector.extract_strided_slice %min3A_302 {offsets = [8, 0], sizes = [8, 256], strides = [1, 1]} : vector<16x256xf32> to vector<8x256xf32>
      %min3A_305 = arith.minimumf %slice3A_303, %slice3A_304 : vector<8x256xf32>
      %reduce_min3A_306 = arith.constant dense<0x7F800000> : vector<256xf32>
      %reduce_min3A_307 = vector.multi_reduction <minimumf>, %min3A_305, %reduce_min3A_306 [0] : vector<8x256xf32> to vector<256xf32>
      %broadcast_in_dim3A_308 = vector.shape_cast %reduce_min3A_307 : vector<256xf32> to vector<1x256xf32>
      %eq3A_309 = vector.broadcast %broadcast_in_dim3A_308 : vector<1x256xf32> to vector<128x256xf32>
      %eq3A_310 = arith.cmpf oeq, %get3A_293, %eq3A_309 : vector<128x256xf32>
      %jit3A_311 = arith.constant 1.280000e+02 : f32
      %broadcast_in_dim3A_312 = vector.broadcast %jit3A_311 : f32 to vector<128x256xf32>
      %select_n3A_313 = arith.select %eq3A_310, %convert_element_type3A, %broadcast_in_dim3A_312 : vector<128x256xi1>, vector<128x256xf32>
      %slice3A_314 = vector.extract_strided_slice %select_n3A_313 {offsets = [0, 0], sizes = [64, 256], strides = [1, 1]} : vector<128x256xf32> to vector<64x256xf32>
      %slice3A_315 = vector.extract_strided_slice %select_n3A_313 {offsets = [64, 0], sizes = [64, 256], strides = [1, 1]} : vector<128x256xf32> to vector<64x256xf32>
      %min3A_316 = arith.minimumf %slice3A_314, %slice3A_315 : vector<64x256xf32>
      %slice3A_317 = vector.extract_strided_slice %min3A_316 {offsets = [0, 0], sizes = [32, 256], strides = [1, 1]} : vector<64x256xf32> to vector<32x256xf32>
      %slice3A_318 = vector.extract_strided_slice %min3A_316 {offsets = [32, 0], sizes = [32, 256], strides = [1, 1]} : vector<64x256xf32> to vector<32x256xf32>
      %min3A_319 = arith.minimumf %slice3A_317, %slice3A_318 : vector<32x256xf32>
      %slice3A_320 = vector.extract_strided_slice %min3A_319 {offsets = [0, 0], sizes = [16, 256], strides = [1, 1]} : vector<32x256xf32> to vector<16x256xf32>
      %slice3A_321 = vector.extract_strided_slice %min3A_319 {offsets = [16, 0], sizes = [16, 256], strides = [1, 1]} : vector<32x256xf32> to vector<16x256xf32>
      %min3A_322 = arith.minimumf %slice3A_320, %slice3A_321 : vector<16x256xf32>
      %slice3A_323 = vector.extract_strided_slice %min3A_322 {offsets = [0, 0], sizes = [8, 256], strides = [1, 1]} : vector<16x256xf32> to vector<8x256xf32>
      %slice3A_324 = vector.extract_strided_slice %min3A_322 {offsets = [8, 0], sizes = [8, 256], strides = [1, 1]} : vector<16x256xf32> to vector<8x256xf32>
      %min3A_325 = arith.minimumf %slice3A_323, %slice3A_324 : vector<8x256xf32>
      %reduce_min3A_326 = arith.constant dense<0x7F800000> : vector<256xf32>
      %reduce_min3A_327 = vector.multi_reduction <minimumf>, %min3A_325, %reduce_min3A_326 [0] : vector<8x256xf32> to vector<256xf32>
      %broadcast_in_dim3A_328 = vector.shape_cast %reduce_min3A_327 : vector<256xf32> to vector<1x256xf32>
      %add3A_329 = arith.constant 6.400000e+02 : f32
      %add3A_330 = vector.broadcast %add3A_329 : f32 to vector<1x256xf32>
      %add3A_331 = arith.addf %broadcast_in_dim3A_328, %add3A_330 : vector<1x256xf32>
      %eq3A_332 = vector.broadcast %broadcast_in_dim3A_328 : vector<1x256xf32> to vector<128x256xf32>
      %eq3A_333 = arith.cmpf oeq, %convert_element_type3A, %eq3A_332 : vector<128x256xf32>
      %broadcast_in_dim3A_334 = vector.broadcast %while3A : f32 to vector<128x256xf32>
      %select_n3A_335 = arith.select %eq3A_333, %broadcast_in_dim3A_334, %get3A_293 : vector<128x256xi1>, vector<128x256xf32>
      %swap3A_336 = arith.constant 640 : index
      %swap3A_337 = arith.constant 0 : index
      %swap3A_338 = vector.load %arg8[%swap3A_336, %swap3A_337] : memref<4096x256xf32, #tpu.memory_space<vmem>>, vector<128x256xf32>
      tpu.vector_store %arg8[%swap3A_336, %swap3A_337], %select_n3A_335 {strides = array<i32>} : memref<4096x256xf32, #tpu.memory_space<vmem>>, vector<128x256xf32>,
      %get3A_339 = arith.constant 768 : index
      %get3A_340 = arith.constant 0 : index
      %get3A_341 = vector.load %arg8[%get3A_339, %get3A_340] : memref<4096x256xf32, #tpu.memory_space<vmem>>, vector<128x256xf32>
      %slice3A_342 = vector.extract_strided_slice %get3A_341 {offsets = [0, 0], sizes = [64, 256], strides = [1, 1]} : vector<128x256xf32> to vector<64x256xf32>
      %slice3A_343 = vector.extract_strided_slice %get3A_341 {offsets = [64, 0], sizes = [64, 256], strides = [1, 1]} : vector<128x256xf32> to vector<64x256xf32>
      %min3A_344 = arith.minimumf %slice3A_342, %slice3A_343 : vector<64x256xf32>
      %slice3A_345 = vector.extract_strided_slice %min3A_344 {offsets = [0, 0], sizes = [32, 256], strides = [1, 1]} : vector<64x256xf32> to vector<32x256xf32>
      %slice3A_346 = vector.extract_strided_slice %min3A_344 {offsets = [32, 0], sizes = [32, 256], strides = [1, 1]} : vector<64x256xf32> to vector<32x256xf32>
      %min3A_347 = arith.minimumf %slice3A_345, %slice3A_346 : vector<32x256xf32>
      %slice3A_348 = vector.extract_strided_slice %min3A_347 {offsets = [0, 0], sizes = [16, 256], strides = [1, 1]} : vector<32x256xf32> to vector<16x256xf32>
      %slice3A_349 = vector.extract_strided_slice %min3A_347 {offsets = [16, 0], sizes = [16, 256], strides = [1, 1]} : vector<32x256xf32> to vector<16x256xf32>
      %min3A_350 = arith.minimumf %slice3A_348, %slice3A_349 : vector<16x256xf32>
      %slice3A_351 = vector.extract_strided_slice %min3A_350 {offsets = [0, 0], sizes = [8, 256], strides = [1, 1]} : vector<16x256xf32> to vector<8x256xf32>
      %slice3A_352 = vector.extract_strided_slice %min3A_350 {offsets = [8, 0], sizes = [8, 256], strides = [1, 1]} : vector<16x256xf32> to vector<8x256xf32>
      %min3A_353 = arith.minimumf %slice3A_351, %slice3A_352 : vector<8x256xf32>
      %reduce_min3A_354 = arith.constant dense<0x7F800000> : vector<256xf32>
      %reduce_min3A_355 = vector.multi_reduction <minimumf>, %min3A_353, %reduce_min3A_354 [0] : vector<8x256xf32> to vector<256xf32>
      %broadcast_in_dim3A_356 = vector.shape_cast %reduce_min3A_355 : vector<256xf32> to vector<1x256xf32>
      %eq3A_357 = vector.broadcast %broadcast_in_dim3A_356 : vector<1x256xf32> to vector<128x256xf32>
      %eq3A_358 = arith.cmpf oeq, %get3A_341, %eq3A_357 : vector<128x256xf32>
      %jit3A_359 = arith.constant 1.280000e+02 : f32
      %broadcast_in_dim3A_360 = vector.broadcast %jit3A_359 : f32 to vector<128x256xf32>
      %select_n3A_361 = arith.select %eq3A_358, %convert_element_type3A, %broadcast_in_dim3A_360 : vector<128x256xi1>, vector<128x256xf32>
      %slice3A_362 = vector.extract_strided_slice %select_n3A_361 {offsets = [0, 0], sizes = [64, 256], strides = [1, 1]} : vector<128x256xf32> to vector<64x256xf32>
      %slice3A_363 = vector.extract_strided_slice %select_n3A_361 {offsets = [64, 0], sizes = [64, 256], strides = [1, 1]} : vector<128x256xf32> to vector<64x256xf32>
      %min3A_364 = arith.minimumf %slice3A_362, %slice3A_363 : vector<64x256xf32>
      %slice3A_365 = vector.extract_strided_slice %min3A_364 {offsets = [0, 0], sizes = [32, 256], strides = [1, 1]} : vector<64x256xf32> to vector<32x256xf32>
      %slice3A_366 = vector.extract_strided_slice %min3A_364 {offsets = [32, 0], sizes = [32, 256], strides = [1, 1]} : vector<64x256xf32> to vector<32x256xf32>
      %min3A_367 = arith.minimumf %slice3A_365, %slice3A_366 : vector<32x256xf32>
      %slice3A_368 = vector.extract_strided_slice %min3A_367 {offsets = [0, 0], sizes = [16, 256], strides = [1, 1]} : vector<32x256xf32> to vector<16x256xf32>
      %slice3A_369 = vector.extract_strided_slice %min3A_367 {offsets = [16, 0], sizes = [16, 256], strides = [1, 1]} : vector<32x256xf32> to vector<16x256xf32>
      %min3A_370 = arith.minimumf %slice3A_368, %slice3A_369 : vector<16x256xf32>
      %slice3A_371 = vector.extract_strided_slice %min3A_370 {offsets = [0, 0], sizes = [8, 256], strides = [1, 1]} : vector<16x256xf32> to vector<8x256xf32>
      %slice3A_372 = vector.extract_strided_slice %min3A_370 {offsets = [8, 0], sizes = [8, 256], strides = [1, 1]} : vector<16x256xf32> to vector<8x256xf32>
      %min3A_373 = arith.minimumf %slice3A_371, %slice3A_372 : vector<8x256xf32>
      %reduce_min3A_374 = arith.constant dense<0x7F800000> : vector<256xf32>
      %reduce_min3A_375 = vector.multi_reduction <minimumf>, %min3A_373, %reduce_min3A_374 [0] : vector<8x256xf32> to vector<256xf32>
      %broadcast_in_dim3A_376 = vector.shape_cast %reduce_min3A_375 : vector<256xf32> to vector<1x256xf32>
      %add3A_377 = arith.constant 7.680000e+02 : f32
      %add3A_378 = vector.broadcast %add3A_377 : f32 to vector<1x256xf32>
      %add3A_379 = arith.addf %broadcast_in_dim3A_376, %add3A_378 : vector<1x256xf32>
      %eq3A_380 = vector.broadcast %broadcast_in_dim3A_376 : vector<1x256xf32> to vector<128x256xf32>
      %eq3A_381 = arith.cmpf oeq, %convert_element_type3A, %eq3A_380 : vector<128x256xf32>
      %broadcast_in_dim3A_382 = vector.broadcast %while3A : f32 to vector<128x256xf32>
      %select_n3A_383 = arith.select %eq3A_381, %broadcast_in_dim3A_382, %get3A_341 : vector<128x256xi1>, vector<128x256xf32>
      %swap3A_384 = arith.constant 768 : index
      %swap3A_385 = arith.constant 0 : index
      %swap3A_386 = vector.load %arg8[%swap3A_384, %swap3A_385] : memref<4096x256xf32, #tpu.memory_space<vmem>>, vector<128x256xf32>
      tpu.vector_store %arg8[%swap3A_384, %swap3A_385], %select_n3A_383 {strides = array<i32>} : memref<4096x256xf32, #tpu.memory_space<vmem>>, vector<128x256xf32>,
      %get3A_387 = arith.constant 896 : index
      %get3A_388 = arith.constant 0 : index
      %get3A_389 = vector.load %arg8[%get3A_387, %get3A_388] : memref<4096x256xf32, #tpu.memory_space<vmem>>, vector<128x256xf32>
      %slice3A_390 = vector.extract_strided_slice %get3A_389 {offsets = [0, 0], sizes = [64, 256], strides = [1, 1]} : vector<128x256xf32> to vector<64x256xf32>
      %slice3A_391 = vector.extract_strided_slice %get3A_389 {offsets = [64, 0], sizes = [64, 256], strides = [1, 1]} : vector<128x256xf32> to vector<64x256xf32>
      %min3A_392 = arith.minimumf %slice3A_390, %slice3A_391 : vector<64x256xf32>
      %slice3A_393 = vector.extract_strided_slice %min3A_392 {offsets = [0, 0], sizes = [32, 256], strides = [1, 1]} : vector<64x256xf32> to vector<32x256xf32>
      %slice3A_394 = vector.extract_strided_slice %min3A_392 {offsets = [32, 0], sizes = [32, 256], strides = [1, 1]} : vector<64x256xf32> to vector<32x256xf32>
      %min3A_395 = arith.minimumf %slice3A_393, %slice3A_394 : vector<32x256xf32>
      %slice3A_396 = vector.extract_strided_slice %min3A_395 {offsets = [0, 0], sizes = [16, 256], strides = [1, 1]} : vector<32x256xf32> to vector<16x256xf32>
      %slice3A_397 = vector.extract_strided_slice %min3A_395 {offsets = [16, 0], sizes = [16, 256], strides = [1, 1]} : vector<32x256xf32> to vector<16x256xf32>
      %min3A_398 = arith.minimumf %slice3A_396, %slice3A_397 : vector<16x256xf32>
      %slice3A_399 = vector.extract_strided_slice %min3A_398 {offsets = [0, 0], sizes = [8, 256], strides = [1, 1]} : vector<16x256xf32> to vector<8x256xf32>
      %slice3A_400 = vector.extract_strided_slice %min3A_398 {offsets = [8, 0], sizes = [8, 256], strides = [1, 1]} : vector<16x256xf32> to vector<8x256xf32>
      %min3A_401 = arith.minimumf %slice3A_399, %slice3A_400 : vector<8x256xf32>
      %reduce_min3A_402 = arith.constant dense<0x7F800000> : vector<256xf32>
      %reduce_min3A_403 = vector.multi_reduction <minimumf>, %min3A_401, %reduce_min3A_402 [0] : vector<8x256xf32> to vector<256xf32>
      %broadcast_in_dim3A_404 = vector.shape_cast %reduce_min3A_403 : vector<256xf32> to vector<1x256xf32>
      %eq3A_405 = vector.broadcast %broadcast_in_dim3A_404 : vector<1x256xf32> to vector<128x256xf32>
      %eq3A_406 = arith.cmpf oeq, %get3A_389, %eq3A_405 : vector<128x256xf32>
      %jit3A_407 = arith.constant 1.280000e+02 : f32
      %broadcast_in_dim3A_408 = vector.broadcast %jit3A_407 : f32 to vector<128x256xf32>
      %select_n3A_409 = arith.select %eq3A_406, %convert_element_type3A, %broadcast_in_dim3A_408 : vector<128x256xi1>, vector<128x256xf32>
      %slice3A_410 = vector.extract_strided_slice %select_n3A_409 {offsets = [0, 0], sizes = [64, 256], strides = [1, 1]} : vector<128x256xf32> to vector<64x256xf32>
      %slice3A_411 = vector.extract_strided_slice %select_n3A_409 {offsets = [64, 0], sizes = [64, 256], strides = [1, 1]} : vector<128x256xf32> to vector<64x256xf32>
      %min3A_412 = arith.minimumf %slice3A_410, %slice3A_411 : vector<64x256xf32>
      %slice3A_413 = vector.extract_strided_slice %min3A_412 {offsets = [0, 0], sizes = [32, 256], strides = [1, 1]} : vector<64x256xf32> to vector<32x256xf32>
      %slice3A_414 = vector.extract_strided_slice %min3A_412 {offsets = [32, 0], sizes = [32, 256], strides = [1, 1]} : vector<64x256xf32> to vector<32x256xf32>
      %min3A_415 = arith.minimumf %slice3A_413, %slice3A_414 : vector<32x256xf32>
      %slice3A_416 = vector.extract_strided_slice %min3A_415 {offsets = [0, 0], sizes = [16, 256], strides = [1, 1]} : vector<32x256xf32> to vector<16x256xf32>
      %slice3A_417 = vector.extract_strided_slice %min3A_415 {offsets = [16, 0], sizes = [16, 256], strides = [1, 1]} : vector<32x256xf32> to vector<16x256xf32>
      %min3A_418 = arith.minimumf %slice3A_416, %slice3A_417 : vector<16x256xf32>
      %slice3A_419 = vector.extract_strided_slice %min3A_418 {offsets = [0, 0], sizes = [8, 256], strides = [1, 1]} : vector<16x256xf32> to vector<8x256xf32>
      %slice3A_420 = vector.extract_strided_slice %min3A_418 {offsets = [8, 0], sizes = [8, 256], strides = [1, 1]} : vector<16x256xf32> to vector<8x256xf32>
      %min3A_421 = arith.minimumf %slice3A_419, %slice3A_420 : vector<8x256xf32>
      %reduce_min3A_422 = arith.constant dense<0x7F800000> : vector<256xf32>
      %reduce_min3A_423 = vector.multi_reduction <minimumf>, %min3A_421, %reduce_min3A_422 [0] : vector<8x256xf32> to vector<256xf32>
      %broadcast_in_dim3A_424 = vector.shape_cast %reduce_min3A_423 : vector<256xf32> to vector<1x256xf32>
      %add3A_425 = arith.constant 8.960000e+02 : f32
      %add3A_426 = vector.broadcast %add3A_425 : f32 to vector<1x256xf32>
      %add3A_427 = arith.addf %broadcast_in_dim3A_424, %add3A_426 : vector<1x256xf32>
      %eq3A_428 = vector.broadcast %broadcast_in_dim3A_424 : vector<1x256xf32> to vector<128x256xf32>
      %eq3A_429 = arith.cmpf oeq, %convert_element_type3A, %eq3A_428 : vector<128x256xf32>
      %broadcast_in_dim3A_430 = vector.broadcast %while3A : f32 to vector<128x256xf32>
      %select_n3A_431 = arith.select %eq3A_429, %broadcast_in_dim3A_430, %get3A_389 : vector<128x256xi1>, vector<128x256xf32>
      %swap3A_432 = arith.constant 896 : index
      %swap3A_433 = arith.constant 0 : index
      %swap3A_434 = vector.load %arg8[%swap3A_432, %swap3A_433] : memref<4096x256xf32, #tpu.memory_space<vmem>>, vector<128x256xf32>
      tpu.vector_store %arg8[%swap3A_432, %swap3A_433], %select_n3A_431 {strides = array<i32>} : memref<4096x256xf32, #tpu.memory_space<vmem>>, vector<128x256xf32>,
      %get3A_435 = arith.constant 1024 : index
      %get3A_436 = arith.constant 0 : index
      %get3A_437 = vector.load %arg8[%get3A_435, %get3A_436] : memref<4096x256xf32, #tpu.memory_space<vmem>>, vector<128x256xf32>
      %slice3A_438 = vector.extract_strided_slice %get3A_437 {offsets = [0, 0], sizes = [64, 256], strides = [1, 1]} : vector<128x256xf32> to vector<64x256xf32>
      %slice3A_439 = vector.extract_strided_slice %get3A_437 {offsets = [64, 0], sizes = [64, 256], strides = [1, 1]} : vector<128x256xf32> to vector<64x256xf32>
      %min3A_440 = arith.minimumf %slice3A_438, %slice3A_439 : vector<64x256xf32>
      %slice3A_441 = vector.extract_strided_slice %min3A_440 {offsets = [0, 0], sizes = [32, 256], strides = [1, 1]} : vector<64x256xf32> to vector<32x256xf32>
      %slice3A_442 = vector.extract_strided_slice %min3A_440 {offsets = [32, 0], sizes = [32, 256], strides = [1, 1]} : vector<64x256xf32> to vector<32x256xf32>
      %min3A_443 = arith.minimumf %slice3A_441, %slice3A_442 : vector<32x256xf32>
      %slice3A_444 = vector.extract_strided_slice %min3A_443 {offsets = [0, 0], sizes = [16, 256], strides = [1, 1]} : vector<32x256xf32> to vector<16x256xf32>
      %slice3A_445 = vector.extract_strided_slice %min3A_443 {offsets = [16, 0], sizes = [16, 256], strides = [1, 1]} : vector<32x256xf32> to vector<16x256xf32>
      %min3A_446 = arith.minimumf %slice3A_444, %slice3A_445 : vector<16x256xf32>
      %slice3A_447 = vector.extract_strided_slice %min3A_446 {offsets = [0, 0], sizes = [8, 256], strides = [1, 1]} : vector<16x256xf32> to vector<8x256xf32>
      %slice3A_448 = vector.extract_strided_slice %min3A_446 {offsets = [8, 0], sizes = [8, 256], strides = [1, 1]} : vector<16x256xf32> to vector<8x256xf32>
      %min3A_449 = arith.minimumf %slice3A_447, %slice3A_448 : vector<8x256xf32>
      %reduce_min3A_450 = arith.constant dense<0x7F800000> : vector<256xf32>
      %reduce_min3A_451 = vector.multi_reduction <minimumf>, %min3A_449, %reduce_min3A_450 [0] : vector<8x256xf32> to vector<256xf32>
      %broadcast_in_dim3A_452 = vector.shape_cast %reduce_min3A_451 : vector<256xf32> to vector<1x256xf32>
      %eq3A_453 = vector.broadcast %broadcast_in_dim3A_452 : vector<1x256xf32> to vector<128x256xf32>
      %eq3A_454 = arith.cmpf oeq, %get3A_437, %eq3A_453 : vector<128x256xf32>
      %jit3A_455 = arith.constant 1.280000e+02 : f32
      %broadcast_in_dim3A_456 = vector.broadcast %jit3A_455 : f32 to vector<128x256xf32>
      %select_n3A_457 = arith.select %eq3A_454, %convert_element_type3A, %broadcast_in_dim3A_456 : vector<128x256xi1>, vector<128x256xf32>
      %slice3A_458 = vector.extract_strided_slice %select_n3A_457 {offsets = [0, 0], sizes = [64, 256], strides = [1, 1]} : vector<128x256xf32> to vector<64x256xf32>
      %slice3A_459 = vector.extract_strided_slice %select_n3A_457 {offsets = [64, 0], sizes = [64, 256], strides = [1, 1]} : vector<128x256xf32> to vector<64x256xf32>
      %min3A_460 = arith.minimumf %slice3A_458, %slice3A_459 : vector<64x256xf32>
      %slice3A_461 = vector.extract_strided_slice %min3A_460 {offsets = [0, 0], sizes = [32, 256], strides = [1, 1]} : vector<64x256xf32> to vector<32x256xf32>
      %slice3A_462 = vector.extract_strided_slice %min3A_460 {offsets = [32, 0], sizes = [32, 256], strides = [1, 1]} : vector<64x256xf32> to vector<32x256xf32>
      %min3A_463 = arith.minimumf %slice3A_461, %slice3A_462 : vector<32x256xf32>
      %slice3A_464 = vector.extract_strided_slice %min3A_463 {offsets = [0, 0], sizes = [16, 256], strides = [1, 1]} : vector<32x256xf32> to vector<16x256xf32>
      %slice3A_465 = vector.extract_strided_slice %min3A_463 {offsets = [16, 0], sizes = [16, 256], strides = [1, 1]} : vector<32x256xf32> to vector<16x256xf32>
      %min3A_466 = arith.minimumf %slice3A_464, %slice3A_465 : vector<16x256xf32>
      %slice3A_467 = vector.extract_strided_slice %min3A_466 {offsets = [0, 0], sizes = [8, 256], strides = [1, 1]} : vector<16x256xf32> to vector<8x256xf32>
      %slice3A_468 = vector.extract_strided_slice %min3A_466 {offsets = [8, 0], sizes = [8, 256], strides = [1, 1]} : vector<16x256xf32> to vector<8x256xf32>
      %min3A_469 = arith.minimumf %slice3A_467, %slice3A_468 : vector<8x256xf32>
      %reduce_min3A_470 = arith.constant dense<0x7F800000> : vector<256xf32>
      %reduce_min3A_471 = vector.multi_reduction <minimumf>, %min3A_469, %reduce_min3A_470 [0] : vector<8x256xf32> to vector<256xf32>
      %broadcast_in_dim3A_472 = vector.shape_cast %reduce_min3A_471 : vector<256xf32> to vector<1x256xf32>
      %add3A_473 = arith.constant 1.024000e+03 : f32
      %add3A_474 = vector.broadcast %add3A_473 : f32 to vector<1x256xf32>
      %add3A_475 = arith.addf %broadcast_in_dim3A_472, %add3A_474 : vector<1x256xf32>
      %eq3A_476 = vector.broadcast %broadcast_in_dim3A_472 : vector<1x256xf32> to vector<128x256xf32>
      %eq3A_477 = arith.cmpf oeq, %convert_element_type3A, %eq3A_476 : vector<128x256xf32>
      %broadcast_in_dim3A_478 = vector.broadcast %while3A : f32 to vector<128x256xf32>
      %select_n3A_479 = arith.select %eq3A_477, %broadcast_in_dim3A_478, %get3A_437 : vector<128x256xi1>, vector<128x256xf32>
      %swap3A_480 = arith.constant 1024 : index
      %swap3A_481 = arith.constant 0 : index
      %swap3A_482 = vector.load %arg8[%swap3A_480, %swap3A_481] : memref<4096x256xf32, #tpu.memory_space<vmem>>, vector<128x256xf32>
      tpu.vector_store %arg8[%swap3A_480, %swap3A_481], %select_n3A_479 {strides = array<i32>} : memref<4096x256xf32, #tpu.memory_space<vmem>>, vector<128x256xf32>,
      %get3A_483 = arith.constant 1152 : index
      %get3A_484 = arith.constant 0 : index
      %get3A_485 = vector.load %arg8[%get3A_483, %get3A_484] : memref<4096x256xf32, #tpu.memory_space<vmem>>, vector<128x256xf32>
      %slice3A_486 = vector.extract_strided_slice %get3A_485 {offsets = [0, 0], sizes = [64, 256], strides = [1, 1]} : vector<128x256xf32> to vector<64x256xf32>
      %slice3A_487 = vector.extract_strided_slice %get3A_485 {offsets = [64, 0], sizes = [64, 256], strides = [1, 1]} : vector<128x256xf32> to vector<64x256xf32>
      %min3A_488 = arith.minimumf %slice3A_486, %slice3A_487 : vector<64x256xf32>
      %slice3A_489 = vector.extract_strided_slice %min3A_488 {offsets = [0, 0], sizes = [32, 256], strides = [1, 1]} : vector<64x256xf32> to vector<32x256xf32>
      %slice3A_490 = vector.extract_strided_slice %min3A_488 {offsets = [32, 0], sizes = [32, 256], strides = [1, 1]} : vector<64x256xf32> to vector<32x256xf32>
      %min3A_491 = arith.minimumf %slice3A_489, %slice3A_490 : vector<32x256xf32>
      %slice3A_492 = vector.extract_strided_slice %min3A_491 {offsets = [0, 0], sizes = [16, 256], strides = [1, 1]} : vector<32x256xf32> to vector<16x256xf32>
      %slice3A_493 = vector.extract_strided_slice %min3A_491 {offsets = [16, 0], sizes = [16, 256], strides = [1, 1]} : vector<32x256xf32> to vector<16x256xf32>
      %min3A_494 = arith.minimumf %slice3A_492, %slice3A_493 : vector<16x256xf32>
      %slice3A_495 = vector.extract_strided_slice %min3A_494 {offsets = [0, 0], sizes = [8, 256], strides = [1, 1]} : vector<16x256xf32> to vector<8x256xf32>
      %slice3A_496 = vector.extract_strided_slice %min3A_494 {offsets = [8, 0], sizes = [8, 256], strides = [1, 1]} : vector<16x256xf32> to vector<8x256xf32>
      %min3A_497 = arith.minimumf %slice3A_495, %slice3A_496 : vector<8x256xf32>
      %reduce_min3A_498 = arith.constant dense<0x7F800000> : vector<256xf32>
      %reduce_min3A_499 = vector.multi_reduction <minimumf>, %min3A_497, %reduce_min3A_498 [0] : vector<8x256xf32> to vector<256xf32>
      %broadcast_in_dim3A_500 = vector.shape_cast %reduce_min3A_499 : vector<256xf32> to vector<1x256xf32>
      %eq3A_501 = vector.broadcast %broadcast_in_dim3A_500 : vector<1x256xf32> to vector<128x256xf32>
      %eq3A_502 = arith.cmpf oeq, %get3A_485, %eq3A_501 : vector<128x256xf32>
      %jit3A_503 = arith.constant 1.280000e+02 : f32
      %broadcast_in_dim3A_504 = vector.broadcast %jit3A_503 : f32 to vector<128x256xf32>
      %select_n3A_505 = arith.select %eq3A_502, %convert_element_type3A, %broadcast_in_dim3A_504 : vector<128x256xi1>, vector<128x256xf32>
      %slice3A_506 = vector.extract_strided_slice %select_n3A_505 {offsets = [0, 0], sizes = [64, 256], strides = [1, 1]} : vector<128x256xf32> to vector<64x256xf32>
      %slice3A_507 = vector.extract_strided_slice %select_n3A_505 {offsets = [64, 0], sizes = [64, 256], strides = [1, 1]} : vector<128x256xf32> to vector<64x256xf32>
      %min3A_508 = arith.minimumf %slice3A_506, %slice3A_507 : vector<64x256xf32>
      %slice3A_509 = vector.extract_strided_slice %min3A_508 {offsets = [0, 0], sizes = [32, 256], strides = [1, 1]} : vector<64x256xf32> to vector<32x256xf32>
      %slice3A_510 = vector.extract_strided_slice %min3A_508 {offsets = [32, 0], sizes = [32, 256], strides = [1, 1]} : vector<64x256xf32> to vector<32x256xf32>
      %min3A_511 = arith.minimumf %slice3A_509, %slice3A_510 : vector<32x256xf32>
      %slice3A_512 = vector.extract_strided_slice %min3A_511 {offsets = [0, 0], sizes = [16, 256], strides = [1, 1]} : vector<32x256xf32> to vector<16x256xf32>
      %slice3A_513 = vector.extract_strided_slice %min3A_511 {offsets = [16, 0], sizes = [16, 256], strides = [1, 1]} : vector<32x256xf32> to vector<16x256xf32>
      %min3A_514 = arith.minimumf %slice3A_512, %slice3A_513 : vector<16x256xf32>
      %slice3A_515 = vector.extract_strided_slice %min3A_514 {offsets = [0, 0], sizes = [8, 256], strides = [1, 1]} : vector<16x256xf32> to vector<8x256xf32>
      %slice3A_516 = vector.extract_strided_slice %min3A_514 {offsets = [8, 0], sizes = [8, 256], strides = [1, 1]} : vector<16x256xf32> to vector<8x256xf32>
      %min3A_517 = arith.minimumf %slice3A_515, %slice3A_516 : vector<8x256xf32>
      %reduce_min3A_518 = arith.constant dense<0x7F800000> : vector<256xf32>
      %reduce_min3A_519 = vector.multi_reduction <minimumf>, %min3A_517, %reduce_min3A_518 [0] : vector<8x256xf32> to vector<256xf32>
      %broadcast_in_dim3A_520 = vector.shape_cast %reduce_min3A_519 : vector<256xf32> to vector<1x256xf32>
      %add3A_521 = arith.constant 1.152000e+03 : f32
      %add3A_522 = vector.broadcast %add3A_521 : f32 to vector<1x256xf32>
      %add3A_523 = arith.addf %broadcast_in_dim3A_520, %add3A_522 : vector<1x256xf32>
      %eq3A_524 = vector.broadcast %broadcast_in_dim3A_520 : vector<1x256xf32> to vector<128x256xf32>
      %eq3A_525 = arith.cmpf oeq, %convert_element_type3A, %eq3A_524 : vector<128x256xf32>
      %broadcast_in_dim3A_526 = vector.broadcast %while3A : f32 to vector<128x256xf32>
      %select_n3A_527 = arith.select %eq3A_525, %broadcast_in_dim3A_526, %get3A_485 : vector<128x256xi1>, vector<128x256xf32>
      %swap3A_528 = arith.constant 1152 : index
      %swap3A_529 = arith.constant 0 : index
      %swap3A_530 = vector.load %arg8[%swap3A_528, %swap3A_529] : memref<4096x256xf32, #tpu.memory_space<vmem>>, vector<128x256xf32>
      tpu.vector_store %arg8[%swap3A_528, %swap3A_529], %select_n3A_527 {strides = array<i32>} : memref<4096x256xf32, #tpu.memory_space<vmem>>, vector<128x256xf32>,
      %get3A_531 = arith.constant 1280 : index
      %get3A_532 = arith.constant 0 : index
      %get3A_533 = vector.load %arg8[%get3A_531, %get3A_532] : memref<4096x256xf32, #tpu.memory_space<vmem>>, vector<128x256xf32>
      %slice3A_534 = vector.extract_strided_slice %get3A_533 {offsets = [0, 0], sizes = [64, 256], strides = [1, 1]} : vector<128x256xf32> to vector<64x256xf32>
      %slice3A_535 = vector.extract_strided_slice %get3A_533 {offsets = [64, 0], sizes = [64, 256], strides = [1, 1]} : vector<128x256xf32> to vector<64x256xf32>
      %min3A_536 = arith.minimumf %slice3A_534, %slice3A_535 : vector<64x256xf32>
      %slice3A_537 = vector.extract_strided_slice %min3A_536 {offsets = [0, 0], sizes = [32, 256], strides = [1, 1]} : vector<64x256xf32> to vector<32x256xf32>
      %slice3A_538 = vector.extract_strided_slice %min3A_536 {offsets = [32, 0], sizes = [32, 256], strides = [1, 1]} : vector<64x256xf32> to vector<32x256xf32>
      %min3A_539 = arith.minimumf %slice3A_537, %slice3A_538 : vector<32x256xf32>
      %slice3A_540 = vector.extract_strided_slice %min3A_539 {offsets = [0, 0], sizes = [16, 256], strides = [1, 1]} : vector<32x256xf32> to vector<16x256xf32>
      %slice3A_541 = vector.extract_strided_slice %min3A_539 {offsets = [16, 0], sizes = [16, 256], strides = [1, 1]} : vector<32x256xf32> to vector<16x256xf32>
      %min3A_542 = arith.minimumf %slice3A_540, %slice3A_541 : vector<16x256xf32>
      %slice3A_543 = vector.extract_strided_slice %min3A_542 {offsets = [0, 0], sizes = [8, 256], strides = [1, 1]} : vector<16x256xf32> to vector<8x256xf32>
      %slice3A_544 = vector.extract_strided_slice %min3A_542 {offsets = [8, 0], sizes = [8, 256], strides = [1, 1]} : vector<16x256xf32> to vector<8x256xf32>
      %min3A_545 = arith.minimumf %slice3A_543, %slice3A_544 : vector<8x256xf32>
      %reduce_min3A_546 = arith.constant dense<0x7F800000> : vector<256xf32>
      %reduce_min3A_547 = vector.multi_reduction <minimumf>, %min3A_545, %reduce_min3A_546 [0] : vector<8x256xf32> to vector<256xf32>
      %broadcast_in_dim3A_548 = vector.shape_cast %reduce_min3A_547 : vector<256xf32> to vector<1x256xf32>
      %eq3A_549 = vector.broadcast %broadcast_in_dim3A_548 : vector<1x256xf32> to vector<128x256xf32>
      %eq3A_550 = arith.cmpf oeq, %get3A_533, %eq3A_549 : vector<128x256xf32>
      %jit3A_551 = arith.constant 1.280000e+02 : f32
      %broadcast_in_dim3A_552 = vector.broadcast %jit3A_551 : f32 to vector<128x256xf32>
      %select_n3A_553 = arith.select %eq3A_550, %convert_element_type3A, %broadcast_in_dim3A_552 : vector<128x256xi1>, vector<128x256xf32>
      %slice3A_554 = vector.extract_strided_slice %select_n3A_553 {offsets = [0, 0], sizes = [64, 256], strides = [1, 1]} : vector<128x256xf32> to vector<64x256xf32>
      %slice3A_555 = vector.extract_strided_slice %select_n3A_553 {offsets = [64, 0], sizes = [64, 256], strides = [1, 1]} : vector<128x256xf32> to vector<64x256xf32>
      %min3A_556 = arith.minimumf %slice3A_554, %slice3A_555 : vector<64x256xf32>
      %slice3A_557 = vector.extract_strided_slice %min3A_556 {offsets = [0, 0], sizes = [32, 256], strides = [1, 1]} : vector<64x256xf32> to vector<32x256xf32>
      %slice3A_558 = vector.extract_strided_slice %min3A_556 {offsets = [32, 0], sizes = [32, 256], strides = [1, 1]} : vector<64x256xf32> to vector<32x256xf32>
      %min3A_559 = arith.minimumf %slice3A_557, %slice3A_558 : vector<32x256xf32>
      %slice3A_560 = vector.extract_strided_slice %min3A_559 {offsets = [0, 0], sizes = [16, 256], strides = [1, 1]} : vector<32x256xf32> to vector<16x256xf32>
      %slice3A_561 = vector.extract_strided_slice %min3A_559 {offsets = [16, 0], sizes = [16, 256], strides = [1, 1]} : vector<32x256xf32> to vector<16x256xf32>
      %min3A_562 = arith.minimumf %slice3A_560, %slice3A_561 : vector<16x256xf32>
      %slice3A_563 = vector.extract_strided_slice %min3A_562 {offsets = [0, 0], sizes = [8, 256], strides = [1, 1]} : vector<16x256xf32> to vector<8x256xf32>
      %slice3A_564 = vector.extract_strided_slice %min3A_562 {offsets = [8, 0], sizes = [8, 256], strides = [1, 1]} : vector<16x256xf32> to vector<8x256xf32>
      %min3A_565 = arith.minimumf %slice3A_563, %slice3A_564 : vector<8x256xf32>
      %reduce_min3A_566 = arith.constant dense<0x7F800000> : vector<256xf32>
      %reduce_min3A_567 = vector.multi_reduction <minimumf>, %min3A_565, %reduce_min3A_566 [0] : vector<8x256xf32> to vector<256xf32>
      %broadcast_in_dim3A_568 = vector.shape_cast %reduce_min3A_567 : vector<256xf32> to vector<1x256xf32>
      %add3A_569 = arith.constant 1.280000e+03 : f32
      %add3A_570 = vector.broadcast %add3A_569 : f32 to vector<1x256xf32>
      %add3A_571 = arith.addf %broadcast_in_dim3A_568, %add3A_570 : vector<1x256xf32>
      %eq3A_572 = vector.broadcast %broadcast_in_dim3A_568 : vector<1x256xf32> to vector<128x256xf32>
      %eq3A_573 = arith.cmpf oeq, %convert_element_type3A, %eq3A_572 : vector<128x256xf32>
      %broadcast_in_dim3A_574 = vector.broadcast %while3A : f32 to vector<128x256xf32>
      %select_n3A_575 = arith.select %eq3A_573, %broadcast_in_dim3A_574, %get3A_533 : vector<128x256xi1>, vector<128x256xf32>
      %swap3A_576 = arith.constant 1280 : index
      %swap3A_577 = arith.constant 0 : index
      %swap3A_578 = vector.load %arg8[%swap3A_576, %swap3A_577] : memref<4096x256xf32, #tpu.memory_space<vmem>>, vector<128x256xf32>
      tpu.vector_store %arg8[%swap3A_576, %swap3A_577], %select_n3A_575 {strides = array<i32>} : memref<4096x256xf32, #tpu.memory_space<vmem>>, vector<128x256xf32>,
      %get3A_579 = arith.constant 1408 : index
      %get3A_580 = arith.constant 0 : index
      %get3A_581 = vector.load %arg8[%get3A_579, %get3A_580] : memref<4096x256xf32, #tpu.memory_space<vmem>>, vector<128x256xf32>
      %slice3A_582 = vector.extract_strided_slice %get3A_581 {offsets = [0, 0], sizes = [64, 256], strides = [1, 1]} : vector<128x256xf32> to vector<64x256xf32>
      %slice3A_583 = vector.extract_strided_slice %get3A_581 {offsets = [64, 0], sizes = [64, 256], strides = [1, 1]} : vector<128x256xf32> to vector<64x256xf32>
      %min3A_584 = arith.minimumf %slice3A_582, %slice3A_583 : vector<64x256xf32>
      %slice3A_585 = vector.extract_strided_slice %min3A_584 {offsets = [0, 0], sizes = [32, 256], strides = [1, 1]} : vector<64x256xf32> to vector<32x256xf32>
      %slice3A_586 = vector.extract_strided_slice %min3A_584 {offsets = [32, 0], sizes = [32, 256], strides = [1, 1]} : vector<64x256xf32> to vector<32x256xf32>
      %min3A_587 = arith.minimumf %slice3A_585, %slice3A_586 : vector<32x256xf32>
      %slice3A_588 = vector.extract_strided_slice %min3A_587 {offsets = [0, 0], sizes = [16, 256], strides = [1, 1]} : vector<32x256xf32> to vector<16x256xf32>
      %slice3A_589 = vector.extract_strided_slice %min3A_587 {offsets = [16, 0], sizes = [16, 256], strides = [1, 1]} : vector<32x256xf32> to vector<16x256xf32>
      %min3A_590 = arith.minimumf %slice3A_588, %slice3A_589 : vector<16x256xf32>
      %slice3A_591 = vector.extract_strided_slice %min3A_590 {offsets = [0, 0], sizes = [8, 256], strides = [1, 1]} : vector<16x256xf32> to vector<8x256xf32>
      %slice3A_592 = vector.extract_strided_slice %min3A_590 {offsets = [8, 0], sizes = [8, 256], strides = [1, 1]} : vector<16x256xf32> to vector<8x256xf32>
      %min3A_593 = arith.minimumf %slice3A_591, %slice3A_592 : vector<8x256xf32>
      %reduce_min3A_594 = arith.constant dense<0x7F800000> : vector<256xf32>
      %reduce_min3A_595 = vector.multi_reduction <minimumf>, %min3A_593, %reduce_min3A_594 [0] : vector<8x256xf32> to vector<256xf32>
      %broadcast_in_dim3A_596 = vector.shape_cast %reduce_min3A_595 : vector<256xf32> to vector<1x256xf32>
      %eq3A_597 = vector.broadcast %broadcast_in_dim3A_596 : vector<1x256xf32> to vector<128x256xf32>
      %eq3A_598 = arith.cmpf oeq, %get3A_581, %eq3A_597 : vector<128x256xf32>
      %jit3A_599 = arith.constant 1.280000e+02 : f32
      %broadcast_in_dim3A_600 = vector.broadcast %jit3A_599 : f32 to vector<128x256xf32>
      %select_n3A_601 = arith.select %eq3A_598, %convert_element_type3A, %broadcast_in_dim3A_600 : vector<128x256xi1>, vector<128x256xf32>
      %slice3A_602 = vector.extract_strided_slice %select_n3A_601 {offsets = [0, 0], sizes = [64, 256], strides = [1, 1]} : vector<128x256xf32> to vector<64x256xf32>
      %slice3A_603 = vector.extract_strided_slice %select_n3A_601 {offsets = [64, 0], sizes = [64, 256], strides = [1, 1]} : vector<128x256xf32> to vector<64x256xf32>
      %min3A_604 = arith.minimumf %slice3A_602, %slice3A_603 : vector<64x256xf32>
      %slice3A_605 = vector.extract_strided_slice %min3A_604 {offsets = [0, 0], sizes = [32, 256], strides = [1, 1]} : vector<64x256xf32> to vector<32x256xf32>
      %slice3A_606 = vector.extract_strided_slice %min3A_604 {offsets = [32, 0], sizes = [32, 256], strides = [1, 1]} : vector<64x256xf32> to vector<32x256xf32>
      %min3A_607 = arith.minimumf %slice3A_605, %slice3A_606 : vector<32x256xf32>
      %slice3A_608 = vector.extract_strided_slice %min3A_607 {offsets = [0, 0], sizes = [16, 256], strides = [1, 1]} : vector<32x256xf32> to vector<16x256xf32>
      %slice3A_609 = vector.extract_strided_slice %min3A_607 {offsets = [16, 0], sizes = [16, 256], strides = [1, 1]} : vector<32x256xf32> to vector<16x256xf32>
      %min3A_610 = arith.minimumf %slice3A_608, %slice3A_609 : vector<16x256xf32>
      %slice3A_611 = vector.extract_strided_slice %min3A_610 {offsets = [0, 0], sizes = [8, 256], strides = [1, 1]} : vector<16x256xf32> to vector<8x256xf32>
      %slice3A_612 = vector.extract_strided_slice %min3A_610 {offsets = [8, 0], sizes = [8, 256], strides = [1, 1]} : vector<16x256xf32> to vector<8x256xf32>
      %min3A_613 = arith.minimumf %slice3A_611, %slice3A_612 : vector<8x256xf32>
      %reduce_min3A_614 = arith.constant dense<0x7F800000> : vector<256xf32>
      %reduce_min3A_615 = vector.multi_reduction <minimumf>, %min3A_613, %reduce_min3A_614 [0] : vector<8x256xf32> to vector<256xf32>
      %broadcast_in_dim3A_616 = vector.shape_cast %reduce_min3A_615 : vector<256xf32> to vector<1x256xf32>
      %add3A_617 = arith.constant 1.408000e+03 : f32
      %add3A_618 = vector.broadcast %add3A_617 : f32 to vector<1x256xf32>
      %add3A_619 = arith.addf %broadcast_in_dim3A_616, %add3A_618 : vector<1x256xf32>
      %eq3A_620 = vector.broadcast %broadcast_in_dim3A_616 : vector<1x256xf32> to vector<128x256xf32>
      %eq3A_621 = arith.cmpf oeq, %convert_element_type3A, %eq3A_620 : vector<128x256xf32>
      %broadcast_in_dim3A_622 = vector.broadcast %while3A : f32 to vector<128x256xf32>
      %select_n3A_623 = arith.select %eq3A_621, %broadcast_in_dim3A_622, %get3A_581 : vector<128x256xi1>, vector<128x256xf32>
      %swap3A_624 = arith.constant 1408 : index
      %swap3A_625 = arith.constant 0 : index
      %swap3A_626 = vector.load %arg8[%swap3A_624, %swap3A_625] : memref<4096x256xf32, #tpu.memory_space<vmem>>, vector<128x256xf32>
      tpu.vector_store %arg8[%swap3A_624, %swap3A_625], %select_n3A_623 {strides = array<i32>} : memref<4096x256xf32, #tpu.memory_space<vmem>>, vector<128x256xf32>,
      %get3A_627 = arith.constant 1536 : index
      %get3A_628 = arith.constant 0 : index
      %get3A_629 = vector.load %arg8[%get3A_627, %get3A_628] : memref<4096x256xf32, #tpu.memory_space<vmem>>, vector<128x256xf32>
      %slice3A_630 = vector.extract_strided_slice %get3A_629 {offsets = [0, 0], sizes = [64, 256], strides = [1, 1]} : vector<128x256xf32> to vector<64x256xf32>
      %slice3A_631 = vector.extract_strided_slice %get3A_629 {offsets = [64, 0], sizes = [64, 256], strides = [1, 1]} : vector<128x256xf32> to vector<64x256xf32>
      %min3A_632 = arith.minimumf %slice3A_630, %slice3A_631 : vector<64x256xf32>
      %slice3A_633 = vector.extract_strided_slice %min3A_632 {offsets = [0, 0], sizes = [32, 256], strides = [1, 1]} : vector<64x256xf32> to vector<32x256xf32>
      %slice3A_634 = vector.extract_strided_slice %min3A_632 {offsets = [32, 0], sizes = [32, 256], strides = [1, 1]} : vector<64x256xf32> to vector<32x256xf32>
      %min3A_635 = arith.minimumf %slice3A_633, %slice3A_634 : vector<32x256xf32>
      %slice3A_636 = vector.extract_strided_slice %min3A_635 {offsets = [0, 0], sizes = [16, 256], strides = [1, 1]} : vector<32x256xf32> to vector<16x256xf32>
      %slice3A_637 = vector.extract_strided_slice %min3A_635 {offsets = [16, 0], sizes = [16, 256], strides = [1, 1]} : vector<32x256xf32> to vector<16x256xf32>
      %min3A_638 = arith.minimumf %slice3A_636, %slice3A_637 : vector<16x256xf32>
      %slice3A_639 = vector.extract_strided_slice %min3A_638 {offsets = [0, 0], sizes = [8, 256], strides = [1, 1]} : vector<16x256xf32> to vector<8x256xf32>
      %slice3A_640 = vector.extract_strided_slice %min3A_638 {offsets = [8, 0], sizes = [8, 256], strides = [1, 1]} : vector<16x256xf32> to vector<8x256xf32>
      %min3A_641 = arith.minimumf %slice3A_639, %slice3A_640 : vector<8x256xf32>
      %reduce_min3A_642 = arith.constant dense<0x7F800000> : vector<256xf32>
      %reduce_min3A_643 = vector.multi_reduction <minimumf>, %min3A_641, %reduce_min3A_642 [0] : vector<8x256xf32> to vector<256xf32>
      %broadcast_in_dim3A_644 = vector.shape_cast %reduce_min3A_643 : vector<256xf32> to vector<1x256xf32>
      %eq3A_645 = vector.broadcast %broadcast_in_dim3A_644 : vector<1x256xf32> to vector<128x256xf32>
      %eq3A_646 = arith.cmpf oeq, %get3A_629, %eq3A_645 : vector<128x256xf32>
      %jit3A_647 = arith.constant 1.280000e+02 : f32
      %broadcast_in_dim3A_648 = vector.broadcast %jit3A_647 : f32 to vector<128x256xf32>
      %select_n3A_649 = arith.select %eq3A_646, %convert_element_type3A, %broadcast_in_dim3A_648 : vector<128x256xi1>, vector<128x256xf32>
      %slice3A_650 = vector.extract_strided_slice %select_n3A_649 {offsets = [0, 0], sizes = [64, 256], strides = [1, 1]} : vector<128x256xf32> to vector<64x256xf32>
      %slice3A_651 = vector.extract_strided_slice %select_n3A_649 {offsets = [64, 0], sizes = [64, 256], strides = [1, 1]} : vector<128x256xf32> to vector<64x256xf32>
      %min3A_652 = arith.minimumf %slice3A_650, %slice3A_651 : vector<64x256xf32>
      %slice3A_653 = vector.extract_strided_slice %min3A_652 {offsets = [0, 0], sizes = [32, 256], strides = [1, 1]} : vector<64x256xf32> to vector<32x256xf32>
      %slice3A_654 = vector.extract_strided_slice %min3A_652 {offsets = [32, 0], sizes = [32, 256], strides = [1, 1]} : vector<64x256xf32> to vector<32x256xf32>
      %min3A_655 = arith.minimumf %slice3A_653, %slice3A_654 : vector<32x256xf32>
      %slice3A_656 = vector.extract_strided_slice %min3A_655 {offsets = [0, 0], sizes = [16, 256], strides = [1, 1]} : vector<32x256xf32> to vector<16x256xf32>
      %slice3A_657 = vector.extract_strided_slice %min3A_655 {offsets = [16, 0], sizes = [16, 256], strides = [1, 1]} : vector<32x256xf32> to vector<16x256xf32>
      %min3A_658 = arith.minimumf %slice3A_656, %slice3A_657 : vector<16x256xf32>
      %slice3A_659 = vector.extract_strided_slice %min3A_658 {offsets = [0, 0], sizes = [8, 256], strides = [1, 1]} : vector<16x256xf32> to vector<8x256xf32>
      %slice3A_660 = vector.extract_strided_slice %min3A_658 {offsets = [8, 0], sizes = [8, 256], strides = [1, 1]} : vector<16x256xf32> to vector<8x256xf32>
      %min3A_661 = arith.minimumf %slice3A_659, %slice3A_660 : vector<8x256xf32>
      %reduce_min3A_662 = arith.constant dense<0x7F800000> : vector<256xf32>
      %reduce_min3A_663 = vector.multi_reduction <minimumf>, %min3A_661, %reduce_min3A_662 [0] : vector<8x256xf32> to vector<256xf32>
      %broadcast_in_dim3A_664 = vector.shape_cast %reduce_min3A_663 : vector<256xf32> to vector<1x256xf32>
      %add3A_665 = arith.constant 1.536000e+03 : f32
      %add3A_666 = vector.broadcast %add3A_665 : f32 to vector<1x256xf32>
      %add3A_667 = arith.addf %broadcast_in_dim3A_664, %add3A_666 : vector<1x256xf32>
      %eq3A_668 = vector.broadcast %broadcast_in_dim3A_664 : vector<1x256xf32> to vector<128x256xf32>
      %eq3A_669 = arith.cmpf oeq, %convert_element_type3A, %eq3A_668 : vector<128x256xf32>
      %broadcast_in_dim3A_670 = vector.broadcast %while3A : f32 to vector<128x256xf32>
      %select_n3A_671 = arith.select %eq3A_669, %broadcast_in_dim3A_670, %get3A_629 : vector<128x256xi1>, vector<128x256xf32>
      %swap3A_672 = arith.constant 1536 : index
      %swap3A_673 = arith.constant 0 : index
      %swap3A_674 = vector.load %arg8[%swap3A_672, %swap3A_673] : memref<4096x256xf32, #tpu.memory_space<vmem>>, vector<128x256xf32>
      tpu.vector_store %arg8[%swap3A_672, %swap3A_673], %select_n3A_671 {strides = array<i32>} : memref<4096x256xf32, #tpu.memory_space<vmem>>, vector<128x256xf32>,
      %get3A_675 = arith.constant 1664 : index
      %get3A_676 = arith.constant 0 : index
      %get3A_677 = vector.load %arg8[%get3A_675, %get3A_676] : memref<4096x256xf32, #tpu.memory_space<vmem>>, vector<128x256xf32>
      %slice3A_678 = vector.extract_strided_slice %get3A_677 {offsets = [0, 0], sizes = [64, 256], strides = [1, 1]} : vector<128x256xf32> to vector<64x256xf32>
      %slice3A_679 = vector.extract_strided_slice %get3A_677 {offsets = [64, 0], sizes = [64, 256], strides = [1, 1]} : vector<128x256xf32> to vector<64x256xf32>
      %min3A_680 = arith.minimumf %slice3A_678, %slice3A_679 : vector<64x256xf32>
      %slice3A_681 = vector.extract_strided_slice %min3A_680 {offsets = [0, 0], sizes = [32, 256], strides = [1, 1]} : vector<64x256xf32> to vector<32x256xf32>
      %slice3A_682 = vector.extract_strided_slice %min3A_680 {offsets = [32, 0], sizes = [32, 256], strides = [1, 1]} : vector<64x256xf32> to vector<32x256xf32>
      %min3A_683 = arith.minimumf %slice3A_681, %slice3A_682 : vector<32x256xf32>
      %slice3A_684 = vector.extract_strided_slice %min3A_683 {offsets = [0, 0], sizes = [16, 256], strides = [1, 1]} : vector<32x256xf32> to vector<16x256xf32>
      %slice3A_685 = vector.extract_strided_slice %min3A_683 {offsets = [16, 0], sizes = [16, 256], strides = [1, 1]} : vector<32x256xf32> to vector<16x256xf32>
      %min3A_686 = arith.minimumf %slice3A_684, %slice3A_685 : vector<16x256xf32>
      %slice3A_687 = vector.extract_strided_slice %min3A_686 {offsets = [0, 0], sizes = [8, 256], strides = [1, 1]} : vector<16x256xf32> to vector<8x256xf32>
      %slice3A_688 = vector.extract_strided_slice %min3A_686 {offsets = [8, 0], sizes = [8, 256], strides = [1, 1]} : vector<16x256xf32> to vector<8x256xf32>
      %min3A_689 = arith.minimumf %slice3A_687, %slice3A_688 : vector<8x256xf32>
      %reduce_min3A_690 = arith.constant dense<0x7F800000> : vector<256xf32>
      %reduce_min3A_691 = vector.multi_reduction <minimumf>, %min3A_689, %reduce_min3A_690 [0] : vector<8x256xf32> to vector<256xf32>
      %broadcast_in_dim3A_692 = vector.shape_cast %reduce_min3A_691 : vector<256xf32> to vector<1x256xf32>
      %eq3A_693 = vector.broadcast %broadcast_in_dim3A_692 : vector<1x256xf32> to vector<128x256xf32>
      %eq3A_694 = arith.cmpf oeq, %get3A_677, %eq3A_693 : vector<128x256xf32>
      %jit3A_695 = arith.constant 1.280000e+02 : f32
      %broadcast_in_dim3A_696 = vector.broadcast %jit3A_695 : f32 to vector<128x256xf32>
      %select_n3A_697 = arith.select %eq3A_694, %convert_element_type3A, %broadcast_in_dim3A_696 : vector<128x256xi1>, vector<128x256xf32>
      %slice3A_698 = vector.extract_strided_slice %select_n3A_697 {offsets = [0, 0], sizes = [64, 256], strides = [1, 1]} : vector<128x256xf32> to vector<64x256xf32>
      %slice3A_699 = vector.extract_strided_slice %select_n3A_697 {offsets = [64, 0], sizes = [64, 256], strides = [1, 1]} : vector<128x256xf32> to vector<64x256xf32>
      %min3A_700 = arith.minimumf %slice3A_698, %slice3A_699 : vector<64x256xf32>
      %slice3A_701 = vector.extract_strided_slice %min3A_700 {offsets = [0, 0], sizes = [32, 256], strides = [1, 1]} : vector<64x256xf32> to vector<32x256xf32>
      %slice3A_702 = vector.extract_strided_slice %min3A_700 {offsets = [32, 0], sizes = [32, 256], strides = [1, 1]} : vector<64x256xf32> to vector<32x256xf32>
      %min3A_703 = arith.minimumf %slice3A_701, %slice3A_702 : vector<32x256xf32>
      %slice3A_704 = vector.extract_strided_slice %min3A_703 {offsets = [0, 0], sizes = [16, 256], strides = [1, 1]} : vector<32x256xf32> to vector<16x256xf32>
      %slice3A_705 = vector.extract_strided_slice %min3A_703 {offsets = [16, 0], sizes = [16, 256], strides = [1, 1]} : vector<32x256xf32> to vector<16x256xf32>
      %min3A_706 = arith.minimumf %slice3A_704, %slice3A_705 : vector<16x256xf32>
      %slice3A_707 = vector.extract_strided_slice %min3A_706 {offsets = [0, 0], sizes = [8, 256], strides = [1, 1]} : vector<16x256xf32> to vector<8x256xf32>
      %slice3A_708 = vector.extract_strided_slice %min3A_706 {offsets = [8, 0], sizes = [8, 256], strides = [1, 1]} : vector<16x256xf32> to vector<8x256xf32>
      %min3A_709 = arith.minimumf %slice3A_707, %slice3A_708 : vector<8x256xf32>
      %reduce_min3A_710 = arith.constant dense<0x7F800000> : vector<256xf32>
      %reduce_min3A_711 = vector.multi_reduction <minimumf>, %min3A_709, %reduce_min3A_710 [0] : vector<8x256xf32> to vector<256xf32>
      %broadcast_in_dim3A_712 = vector.shape_cast %reduce_min3A_711 : vector<256xf32> to vector<1x256xf32>
      %add3A_713 = arith.constant 1.664000e+03 : f32
      %add3A_714 = vector.broadcast %add3A_713 : f32 to vector<1x256xf32>
      %add3A_715 = arith.addf %broadcast_in_dim3A_712, %add3A_714 : vector<1x256xf32>
      %eq3A_716 = vector.broadcast %broadcast_in_dim3A_712 : vector<1x256xf32> to vector<128x256xf32>
      %eq3A_717 = arith.cmpf oeq, %convert_element_type3A, %eq3A_716 : vector<128x256xf32>
      %broadcast_in_dim3A_718 = vector.broadcast %while3A : f32 to vector<128x256xf32>
      %select_n3A_719 = arith.select %eq3A_717, %broadcast_in_dim3A_718, %get3A_677 : vector<128x256xi1>, vector<128x256xf32>
      %swap3A_720 = arith.constant 1664 : index
      %swap3A_721 = arith.constant 0 : index
      %swap3A_722 = vector.load %arg8[%swap3A_720, %swap3A_721] : memref<4096x256xf32, #tpu.memory_space<vmem>>, vector<128x256xf32>
      tpu.vector_store %arg8[%swap3A_720, %swap3A_721], %select_n3A_719 {strides = array<i32>} : memref<4096x256xf32, #tpu.memory_space<vmem>>, vector<128x256xf32>,
      %get3A_723 = arith.constant 1792 : index
      %get3A_724 = arith.constant 0 : index
      %get3A_725 = vector.load %arg8[%get3A_723, %get3A_724] : memref<4096x256xf32, #tpu.memory_space<vmem>>, vector<128x256xf32>
      %slice3A_726 = vector.extract_strided_slice %get3A_725 {offsets = [0, 0], sizes = [64, 256], strides = [1, 1]} : vector<128x256xf32> to vector<64x256xf32>
      %slice3A_727 = vector.extract_strided_slice %get3A_725 {offsets = [64, 0], sizes = [64, 256], strides = [1, 1]} : vector<128x256xf32> to vector<64x256xf32>
      %min3A_728 = arith.minimumf %slice3A_726, %slice3A_727 : vector<64x256xf32>
      %slice3A_729 = vector.extract_strided_slice %min3A_728 {offsets = [0, 0], sizes = [32, 256], strides = [1, 1]} : vector<64x256xf32> to vector<32x256xf32>
      %slice3A_730 = vector.extract_strided_slice %min3A_728 {offsets = [32, 0], sizes = [32, 256], strides = [1, 1]} : vector<64x256xf32> to vector<32x256xf32>
      %min3A_731 = arith.minimumf %slice3A_729, %slice3A_730 : vector<32x256xf32>
      %slice3A_732 = vector.extract_strided_slice %min3A_731 {offsets = [0, 0], sizes = [16, 256], strides = [1, 1]} : vector<32x256xf32> to vector<16x256xf32>
      %slice3A_733 = vector.extract_strided_slice %min3A_731 {offsets = [16, 0], sizes = [16, 256], strides = [1, 1]} : vector<32x256xf32> to vector<16x256xf32>
      %min3A_734 = arith.minimumf %slice3A_732, %slice3A_733 : vector<16x256xf32>
      %slice3A_735 = vector.extract_strided_slice %min3A_734 {offsets = [0, 0], sizes = [8, 256], strides = [1, 1]} : vector<16x256xf32> to vector<8x256xf32>
      %slice3A_736 = vector.extract_strided_slice %min3A_734 {offsets = [8, 0], sizes = [8, 256], strides = [1, 1]} : vector<16x256xf32> to vector<8x256xf32>
      %min3A_737 = arith.minimumf %slice3A_735, %slice3A_736 : vector<8x256xf32>
      %reduce_min3A_738 = arith.constant dense<0x7F800000> : vector<256xf32>
      %reduce_min3A_739 = vector.multi_reduction <minimumf>, %min3A_737, %reduce_min3A_738 [0] : vector<8x256xf32> to vector<256xf32>
      %broadcast_in_dim3A_740 = vector.shape_cast %reduce_min3A_739 : vector<256xf32> to vector<1x256xf32>
      %eq3A_741 = vector.broadcast %broadcast_in_dim3A_740 : vector<1x256xf32> to vector<128x256xf32>
      %eq3A_742 = arith.cmpf oeq, %get3A_725, %eq3A_741 : vector<128x256xf32>
      %jit3A_743 = arith.constant 1.280000e+02 : f32
      %broadcast_in_dim3A_744 = vector.broadcast %jit3A_743 : f32 to vector<128x256xf32>
      %select_n3A_745 = arith.select %eq3A_742, %convert_element_type3A, %broadcast_in_dim3A_744 : vector<128x256xi1>, vector<128x256xf32>
      %slice3A_746 = vector.extract_strided_slice %select_n3A_745 {offsets = [0, 0], sizes = [64, 256], strides = [1, 1]} : vector<128x256xf32> to vector<64x256xf32>
      %slice3A_747 = vector.extract_strided_slice %select_n3A_745 {offsets = [64, 0], sizes = [64, 256], strides = [1, 1]} : vector<128x256xf32> to vector<64x256xf32>
      %min3A_748 = arith.minimumf %slice3A_746, %slice3A_747 : vector<64x256xf32>
      %slice3A_749 = vector.extract_strided_slice %min3A_748 {offsets = [0, 0], sizes = [32, 256], strides = [1, 1]} : vector<64x256xf32> to vector<32x256xf32>
      %slice3A_750 = vector.extract_strided_slice %min3A_748 {offsets = [32, 0], sizes = [32, 256], strides = [1, 1]} : vector<64x256xf32> to vector<32x256xf32>
      %min3A_751 = arith.minimumf %slice3A_749, %slice3A_750 : vector<32x256xf32>
      %slice3A_752 = vector.extract_strided_slice %min3A_751 {offsets = [0, 0], sizes = [16, 256], strides = [1, 1]} : vector<32x256xf32> to vector<16x256xf32>
      %slice3A_753 = vector.extract_strided_slice %min3A_751 {offsets = [16, 0], sizes = [16, 256], strides = [1, 1]} : vector<32x256xf32> to vector<16x256xf32>
      %min3A_754 = arith.minimumf %slice3A_752, %slice3A_753 : vector<16x256xf32>
      %slice3A_755 = vector.extract_strided_slice %min3A_754 {offsets = [0, 0], sizes = [8, 256], strides = [1, 1]} : vector<16x256xf32> to vector<8x256xf32>
      %slice3A_756 = vector.extract_strided_slice %min3A_754 {offsets = [8, 0], sizes = [8, 256], strides = [1, 1]} : vector<16x256xf32> to vector<8x256xf32>
      %min3A_757 = arith.minimumf %slice3A_755, %slice3A_756 : vector<8x256xf32>
      %reduce_min3A_758 = arith.constant dense<0x7F800000> : vector<256xf32>
      %reduce_min3A_759 = vector.multi_reduction <minimumf>, %min3A_757, %reduce_min3A_758 [0] : vector<8x256xf32> to vector<256xf32>
      %broadcast_in_dim3A_760 = vector.shape_cast %reduce_min3A_759 : vector<256xf32> to vector<1x256xf32>
      %add3A_761 = arith.constant 1.792000e+03 : f32
      %add3A_762 = vector.broadcast %add3A_761 : f32 to vector<1x256xf32>
      %add3A_763 = arith.addf %broadcast_in_dim3A_760, %add3A_762 : vector<1x256xf32>
      %eq3A_764 = vector.broadcast %broadcast_in_dim3A_760 : vector<1x256xf32> to vector<128x256xf32>
      %eq3A_765 = arith.cmpf oeq, %convert_element_type3A, %eq3A_764 : vector<128x256xf32>
      %broadcast_in_dim3A_766 = vector.broadcast %while3A : f32 to vector<128x256xf32>
      %select_n3A_767 = arith.select %eq3A_765, %broadcast_in_dim3A_766, %get3A_725 : vector<128x256xi1>, vector<128x256xf32>
      %swap3A_768 = arith.constant 1792 : index
      %swap3A_769 = arith.constant 0 : index
      %swap3A_770 = vector.load %arg8[%swap3A_768, %swap3A_769] : memref<4096x256xf32, #tpu.memory_space<vmem>>, vector<128x256xf32>
      tpu.vector_store %arg8[%swap3A_768, %swap3A_769], %select_n3A_767 {strides = array<i32>} : memref<4096x256xf32, #tpu.memory_space<vmem>>, vector<128x256xf32>,
      %get3A_771 = arith.constant 1920 : index
      %get3A_772 = arith.constant 0 : index
      %get3A_773 = vector.load %arg8[%get3A_771, %get3A_772] : memref<4096x256xf32, #tpu.memory_space<vmem>>, vector<128x256xf32>
      %slice3A_774 = vector.extract_strided_slice %get3A_773 {offsets = [0, 0], sizes = [64, 256], strides = [1, 1]} : vector<128x256xf32> to vector<64x256xf32>
      %slice3A_775 = vector.extract_strided_slice %get3A_773 {offsets = [64, 0], sizes = [64, 256], strides = [1, 1]} : vector<128x256xf32> to vector<64x256xf32>
      %min3A_776 = arith.minimumf %slice3A_774, %slice3A_775 : vector<64x256xf32>
      %slice3A_777 = vector.extract_strided_slice %min3A_776 {offsets = [0, 0], sizes = [32, 256], strides = [1, 1]} : vector<64x256xf32> to vector<32x256xf32>
      %slice3A_778 = vector.extract_strided_slice %min3A_776 {offsets = [32, 0], sizes = [32, 256], strides = [1, 1]} : vector<64x256xf32> to vector<32x256xf32>
      %min3A_779 = arith.minimumf %slice3A_777, %slice3A_778 : vector<32x256xf32>
      %slice3A_780 = vector.extract_strided_slice %min3A_779 {offsets = [0, 0], sizes = [16, 256], strides = [1, 1]} : vector<32x256xf32> to vector<16x256xf32>
      %slice3A_781 = vector.extract_strided_slice %min3A_779 {offsets = [16, 0], sizes = [16, 256], strides = [1, 1]} : vector<32x256xf32> to vector<16x256xf32>
      %min3A_782 = arith.minimumf %slice3A_780, %slice3A_781 : vector<16x256xf32>
      %slice3A_783 = vector.extract_strided_slice %min3A_782 {offsets = [0, 0], sizes = [8, 256], strides = [1, 1]} : vector<16x256xf32> to vector<8x256xf32>
      %slice3A_784 = vector.extract_strided_slice %min3A_782 {offsets = [8, 0], sizes = [8, 256], strides = [1, 1]} : vector<16x256xf32> to vector<8x256xf32>
      %min3A_785 = arith.minimumf %slice3A_783, %slice3A_784 : vector<8x256xf32>
      %reduce_min3A_786 = arith.constant dense<0x7F800000> : vector<256xf32>
      %reduce_min3A_787 = vector.multi_reduction <minimumf>, %min3A_785, %reduce_min3A_786 [0] : vector<8x256xf32> to vector<256xf32>
      %broadcast_in_dim3A_788 = vector.shape_cast %reduce_min3A_787 : vector<256xf32> to vector<1x256xf32>
      %eq3A_789 = vector.broadcast %broadcast_in_dim3A_788 : vector<1x256xf32> to vector<128x256xf32>
      %eq3A_790 = arith.cmpf oeq, %get3A_773, %eq3A_789 : vector<128x256xf32>
      %jit3A_791 = arith.constant 1.280000e+02 : f32
      %broadcast_in_dim3A_792 = vector.broadcast %jit3A_791 : f32 to vector<128x256xf32>
      %select_n3A_793 = arith.select %eq3A_790, %convert_element_type3A, %broadcast_in_dim3A_792 : vector<128x256xi1>, vector<128x256xf32>
      %slice3A_794 = vector.extract_strided_slice %select_n3A_793 {offsets = [0, 0], sizes = [64, 256], strides = [1, 1]} : vector<128x256xf32> to vector<64x256xf32>
      %slice3A_795 = vector.extract_strided_slice %select_n3A_793 {offsets = [64, 0], sizes = [64, 256], strides = [1, 1]} : vector<128x256xf32> to vector<64x256xf32>
      %min3A_796 = arith.minimumf %slice3A_794, %slice3A_795 : vector<64x256xf32>
      %slice3A_797 = vector.extract_strided_slice %min3A_796 {offsets = [0, 0], sizes = [32, 256], strides = [1, 1]} : vector<64x256xf32> to vector<32x256xf32>
      %slice3A_798 = vector.extract_strided_slice %min3A_796 {offsets = [32, 0], sizes = [32, 256], strides = [1, 1]} : vector<64x256xf32> to vector<32x256xf32>
      %min3A_799 = arith.minimumf %slice3A_797, %slice3A_798 : vector<32x256xf32>
      %slice3A_800 = vector.extract_strided_slice %min3A_799 {offsets = [0, 0], sizes = [16, 256], strides = [1, 1]} : vector<32x256xf32> to vector<16x256xf32>
      %slice3A_801 = vector.extract_strided_slice %min3A_799 {offsets = [16, 0], sizes = [16, 256], strides = [1, 1]} : vector<32x256xf32> to vector<16x256xf32>
      %min3A_802 = arith.minimumf %slice3A_800, %slice3A_801 : vector<16x256xf32>
      %slice3A_803 = vector.extract_strided_slice %min3A_802 {offsets = [0, 0], sizes = [8, 256], strides = [1, 1]} : vector<16x256xf32> to vector<8x256xf32>
      %slice3A_804 = vector.extract_strided_slice %min3A_802 {offsets = [8, 0], sizes = [8, 256], strides = [1, 1]} : vector<16x256xf32> to vector<8x256xf32>
      %min3A_805 = arith.minimumf %slice3A_803, %slice3A_804 : vector<8x256xf32>
      %reduce_min3A_806 = arith.constant dense<0x7F800000> : vector<256xf32>
      %reduce_min3A_807 = vector.multi_reduction <minimumf>, %min3A_805, %reduce_min3A_806 [0] : vector<8x256xf32> to vector<256xf32>
      %broadcast_in_dim3A_808 = vector.shape_cast %reduce_min3A_807 : vector<256xf32> to vector<1x256xf32>
      %add3A_809 = arith.constant 1.920000e+03 : f32
      %add3A_810 = vector.broadcast %add3A_809 : f32 to vector<1x256xf32>
      %add3A_811 = arith.addf %broadcast_in_dim3A_808, %add3A_810 : vector<1x256xf32>
      %eq3A_812 = vector.broadcast %broadcast_in_dim3A_808 : vector<1x256xf32> to vector<128x256xf32>
      %eq3A_813 = arith.cmpf oeq, %convert_element_type3A, %eq3A_812 : vector<128x256xf32>
      %broadcast_in_dim3A_814 = vector.broadcast %while3A : f32 to vector<128x256xf32>
      %select_n3A_815 = arith.select %eq3A_813, %broadcast_in_dim3A_814, %get3A_773 : vector<128x256xi1>, vector<128x256xf32>
      %swap3A_816 = arith.constant 1920 : index
      %swap3A_817 = arith.constant 0 : index
      %swap3A_818 = vector.load %arg8[%swap3A_816, %swap3A_817] : memref<4096x256xf32, #tpu.memory_space<vmem>>, vector<128x256xf32>
      tpu.vector_store %arg8[%swap3A_816, %swap3A_817], %select_n3A_815 {strides = array<i32>} : memref<4096x256xf32, #tpu.memory_space<vmem>>, vector<128x256xf32>,
      %get3A_819 = arith.constant 2048 : index
      %get3A_820 = arith.constant 0 : index
      %get3A_821 = vector.load %arg8[%get3A_819, %get3A_820] : memref<4096x256xf32, #tpu.memory_space<vmem>>, vector<128x256xf32>
      %slice3A_822 = vector.extract_strided_slice %get3A_821 {offsets = [0, 0], sizes = [64, 256], strides = [1, 1]} : vector<128x256xf32> to vector<64x256xf32>
      %slice3A_823 = vector.extract_strided_slice %get3A_821 {offsets = [64, 0], sizes = [64, 256], strides = [1, 1]} : vector<128x256xf32> to vector<64x256xf32>
      %min3A_824 = arith.minimumf %slice3A_822, %slice3A_823 : vector<64x256xf32>
      %slice3A_825 = vector.extract_strided_slice %min3A_824 {offsets = [0, 0], sizes = [32, 256], strides = [1, 1]} : vector<64x256xf32> to vector<32x256xf32>
      %slice3A_826 = vector.extract_strided_slice %min3A_824 {offsets = [32, 0], sizes = [32, 256], strides = [1, 1]} : vector<64x256xf32> to vector<32x256xf32>
      %min3A_827 = arith.minimumf %slice3A_825, %slice3A_826 : vector<32x256xf32>
      %slice3A_828 = vector.extract_strided_slice %min3A_827 {offsets = [0, 0], sizes = [16, 256], strides = [1, 1]} : vector<32x256xf32> to vector<16x256xf32>
      %slice3A_829 = vector.extract_strided_slice %min3A_827 {offsets = [16, 0], sizes = [16, 256], strides = [1, 1]} : vector<32x256xf32> to vector<16x256xf32>
      %min3A_830 = arith.minimumf %slice3A_828, %slice3A_829 : vector<16x256xf32>
      %slice3A_831 = vector.extract_strided_slice %min3A_830 {offsets = [0, 0], sizes = [8, 256], strides = [1, 1]} : vector<16x256xf32> to vector<8x256xf32>
      %slice3A_832 = vector.extract_strided_slice %min3A_830 {offsets = [8, 0], sizes = [8, 256], strides = [1, 1]} : vector<16x256xf32> to vector<8x256xf32>
      %min3A_833 = arith.minimumf %slice3A_831, %slice3A_832 : vector<8x256xf32>
      %reduce_min3A_834 = arith.constant dense<0x7F800000> : vector<256xf32>
      %reduce_min3A_835 = vector.multi_reduction <minimumf>, %min3A_833, %reduce_min3A_834 [0] : vector<8x256xf32> to vector<256xf32>
      %broadcast_in_dim3A_836 = vector.shape_cast %reduce_min3A_835 : vector<256xf32> to vector<1x256xf32>
      %eq3A_837 = vector.broadcast %broadcast_in_dim3A_836 : vector<1x256xf32> to vector<128x256xf32>
      %eq3A_838 = arith.cmpf oeq, %get3A_821, %eq3A_837 : vector<128x256xf32>
      %jit3A_839 = arith.constant 1.280000e+02 : f32
      %broadcast_in_dim3A_840 = vector.broadcast %jit3A_839 : f32 to vector<128x256xf32>
      %select_n3A_841 = arith.select %eq3A_838, %convert_element_type3A, %broadcast_in_dim3A_840 : vector<128x256xi1>, vector<128x256xf32>
      %slice3A_842 = vector.extract_strided_slice %select_n3A_841 {offsets = [0, 0], sizes = [64, 256], strides = [1, 1]} : vector<128x256xf32> to vector<64x256xf32>
      %slice3A_843 = vector.extract_strided_slice %select_n3A_841 {offsets = [64, 0], sizes = [64, 256], strides = [1, 1]} : vector<128x256xf32> to vector<64x256xf32>
      %min3A_844 = arith.minimumf %slice3A_842, %slice3A_843 : vector<64x256xf32>
      %slice3A_845 = vector.extract_strided_slice %min3A_844 {offsets = [0, 0], sizes = [32, 256], strides = [1, 1]} : vector<64x256xf32> to vector<32x256xf32>
      %slice3A_846 = vector.extract_strided_slice %min3A_844 {offsets = [32, 0], sizes = [32, 256], strides = [1, 1]} : vector<64x256xf32> to vector<32x256xf32>
      %min3A_847 = arith.minimumf %slice3A_845, %slice3A_846 : vector<32x256xf32>
      %slice3A_848 = vector.extract_strided_slice %min3A_847 {offsets = [0, 0], sizes = [16, 256], strides = [1, 1]} : vector<32x256xf32> to vector<16x256xf32>
      %slice3A_849 = vector.extract_strided_slice %min3A_847 {offsets = [16, 0], sizes = [16, 256], strides = [1, 1]} : vector<32x256xf32> to vector<16x256xf32>
      %min3A_850 = arith.minimumf %slice3A_848, %slice3A_849 : vector<16x256xf32>
      %slice3A_851 = vector.extract_strided_slice %min3A_850 {offsets = [0, 0], sizes = [8, 256], strides = [1, 1]} : vector<16x256xf32> to vector<8x256xf32>
      %slice3A_852 = vector.extract_strided_slice %min3A_850 {offsets = [8, 0], sizes = [8, 256], strides = [1, 1]} : vector<16x256xf32> to vector<8x256xf32>
      %min3A_853 = arith.minimumf %slice3A_851, %slice3A_852 : vector<8x256xf32>
      %reduce_min3A_854 = arith.constant dense<0x7F800000> : vector<256xf32>
      %reduce_min3A_855 = vector.multi_reduction <minimumf>, %min3A_853, %reduce_min3A_854 [0] : vector<8x256xf32> to vector<256xf32>
      %broadcast_in_dim3A_856 = vector.shape_cast %reduce_min3A_855 : vector<256xf32> to vector<1x256xf32>
      %add3A_857 = arith.constant 2.048000e+03 : f32
      %add3A_858 = vector.broadcast %add3A_857 : f32 to vector<1x256xf32>
      %add3A_859 = arith.addf %broadcast_in_dim3A_856, %add3A_858 : vector<1x256xf32>
      %eq3A_860 = vector.broadcast %broadcast_in_dim3A_856 : vector<1x256xf32> to vector<128x256xf32>
      %eq3A_861 = arith.cmpf oeq, %convert_element_type3A, %eq3A_860 : vector<128x256xf32>
      %broadcast_in_dim3A_862 = vector.broadcast %while3A : f32 to vector<128x256xf32>
      %select_n3A_863 = arith.select %eq3A_861, %broadcast_in_dim3A_862, %get3A_821 : vector<128x256xi1>, vector<128x256xf32>
      %swap3A_864 = arith.constant 2048 : index
      %swap3A_865 = arith.constant 0 : index
      %swap3A_866 = vector.load %arg8[%swap3A_864, %swap3A_865] : memref<4096x256xf32, #tpu.memory_space<vmem>>, vector<128x256xf32>
      tpu.vector_store %arg8[%swap3A_864, %swap3A_865], %select_n3A_863 {strides = array<i32>} : memref<4096x256xf32, #tpu.memory_space<vmem>>, vector<128x256xf32>,
      %get3A_867 = arith.constant 2176 : index
      %get3A_868 = arith.constant 0 : index
      %get3A_869 = vector.load %arg8[%get3A_867, %get3A_868] : memref<4096x256xf32, #tpu.memory_space<vmem>>, vector<128x256xf32>
      %slice3A_870 = vector.extract_strided_slice %get3A_869 {offsets = [0, 0], sizes = [64, 256], strides = [1, 1]} : vector<128x256xf32> to vector<64x256xf32>
      %slice3A_871 = vector.extract_strided_slice %get3A_869 {offsets = [64, 0], sizes = [64, 256], strides = [1, 1]} : vector<128x256xf32> to vector<64x256xf32>
      %min3A_872 = arith.minimumf %slice3A_870, %slice3A_871 : vector<64x256xf32>
      %slice3A_873 = vector.extract_strided_slice %min3A_872 {offsets = [0, 0], sizes = [32, 256], strides = [1, 1]} : vector<64x256xf32> to vector<32x256xf32>
      %slice3A_874 = vector.extract_strided_slice %min3A_872 {offsets = [32, 0], sizes = [32, 256], strides = [1, 1]} : vector<64x256xf32> to vector<32x256xf32>
      %min3A_875 = arith.minimumf %slice3A_873, %slice3A_874 : vector<32x256xf32>
      %slice3A_876 = vector.extract_strided_slice %min3A_875 {offsets = [0, 0], sizes = [16, 256], strides = [1, 1]} : vector<32x256xf32> to vector<16x256xf32>
      %slice3A_877 = vector.extract_strided_slice %min3A_875 {offsets = [16, 0], sizes = [16, 256], strides = [1, 1]} : vector<32x256xf32> to vector<16x256xf32>
      %min3A_878 = arith.minimumf %slice3A_876, %slice3A_877 : vector<16x256xf32>
      %slice3A_879 = vector.extract_strided_slice %min3A_878 {offsets = [0, 0], sizes = [8, 256], strides = [1, 1]} : vector<16x256xf32> to vector<8x256xf32>
      %slice3A_880 = vector.extract_strided_slice %min3A_878 {offsets = [8, 0], sizes = [8, 256], strides = [1, 1]} : vector<16x256xf32> to vector<8x256xf32>
      %min3A_881 = arith.minimumf %slice3A_879, %slice3A_880 : vector<8x256xf32>
      %reduce_min3A_882 = arith.constant dense<0x7F800000> : vector<256xf32>
      %reduce_min3A_883 = vector.multi_reduction <minimumf>, %min3A_881, %reduce_min3A_882 [0] : vector<8x256xf32> to vector<256xf32>
      %broadcast_in_dim3A_884 = vector.shape_cast %reduce_min3A_883 : vector<256xf32> to vector<1x256xf32>
      %eq3A_885 = vector.broadcast %broadcast_in_dim3A_884 : vector<1x256xf32> to vector<128x256xf32>
      %eq3A_886 = arith.cmpf oeq, %get3A_869, %eq3A_885 : vector<128x256xf32>
      %jit3A_887 = arith.constant 1.280000e+02 : f32
      %broadcast_in_dim3A_888 = vector.broadcast %jit3A_887 : f32 to vector<128x256xf32>
      %select_n3A_889 = arith.select %eq3A_886, %convert_element_type3A, %broadcast_in_dim3A_888 : vector<128x256xi1>, vector<128x256xf32>
      %slice3A_890 = vector.extract_strided_slice %select_n3A_889 {offsets = [0, 0], sizes = [64, 256], strides = [1, 1]} : vector<128x256xf32> to vector<64x256xf32>
      %slice3A_891 = vector.extract_strided_slice %select_n3A_889 {offsets = [64, 0], sizes = [64, 256], strides = [1, 1]} : vector<128x256xf32> to vector<64x256xf32>
      %min3A_892 = arith.minimumf %slice3A_890, %slice3A_891 : vector<64x256xf32>
      %slice3A_893 = vector.extract_strided_slice %min3A_892 {offsets = [0, 0], sizes = [32, 256], strides = [1, 1]} : vector<64x256xf32> to vector<32x256xf32>
      %slice3A_894 = vector.extract_strided_slice %min3A_892 {offsets = [32, 0], sizes = [32, 256], strides = [1, 1]} : vector<64x256xf32> to vector<32x256xf32>
      %min3A_895 = arith.minimumf %slice3A_893, %slice3A_894 : vector<32x256xf32>
      %slice3A_896 = vector.extract_strided_slice %min3A_895 {offsets = [0, 0], sizes = [16, 256], strides = [1, 1]} : vector<32x256xf32> to vector<16x256xf32>
      %slice3A_897 = vector.extract_strided_slice %min3A_895 {offsets = [16, 0], sizes = [16, 256], strides = [1, 1]} : vector<32x256xf32> to vector<16x256xf32>
      %min3A_898 = arith.minimumf %slice3A_896, %slice3A_897 : vector<16x256xf32>
      %slice3A_899 = vector.extract_strided_slice %min3A_898 {offsets = [0, 0], sizes = [8, 256], strides = [1, 1]} : vector<16x256xf32> to vector<8x256xf32>
      %slice3A_900 = vector.extract_strided_slice %min3A_898 {offsets = [8, 0], sizes = [8, 256], strides = [1, 1]} : vector<16x256xf32> to vector<8x256xf32>
      %min3A_901 = arith.minimumf %slice3A_899, %slice3A_900 : vector<8x256xf32>
      %reduce_min3A_902 = arith.constant dense<0x7F800000> : vector<256xf32>
      %reduce_min3A_903 = vector.multi_reduction <minimumf>, %min3A_901, %reduce_min3A_902 [0] : vector<8x256xf32> to vector<256xf32>
      %broadcast_in_dim3A_904 = vector.shape_cast %reduce_min3A_903 : vector<256xf32> to vector<1x256xf32>
      %add3A_905 = arith.constant 2.176000e+03 : f32
      %add3A_906 = vector.broadcast %add3A_905 : f32 to vector<1x256xf32>
      %add3A_907 = arith.addf %broadcast_in_dim3A_904, %add3A_906 : vector<1x256xf32>
      %eq3A_908 = vector.broadcast %broadcast_in_dim3A_904 : vector<1x256xf32> to vector<128x256xf32>
      %eq3A_909 = arith.cmpf oeq, %convert_element_type3A, %eq3A_908 : vector<128x256xf32>
      %broadcast_in_dim3A_910 = vector.broadcast %while3A : f32 to vector<128x256xf32>
      %select_n3A_911 = arith.select %eq3A_909, %broadcast_in_dim3A_910, %get3A_869 : vector<128x256xi1>, vector<128x256xf32>
      %swap3A_912 = arith.constant 2176 : index
      %swap3A_913 = arith.constant 0 : index
      %swap3A_914 = vector.load %arg8[%swap3A_912, %swap3A_913] : memref<4096x256xf32, #tpu.memory_space<vmem>>, vector<128x256xf32>
      tpu.vector_store %arg8[%swap3A_912, %swap3A_913], %select_n3A_911 {strides = array<i32>} : memref<4096x256xf32, #tpu.memory_space<vmem>>, vector<128x256xf32>,
      %get3A_915 = arith.constant 2304 : index
      %get3A_916 = arith.constant 0 : index
      %get3A_917 = vector.load %arg8[%get3A_915, %get3A_916] : memref<4096x256xf32, #tpu.memory_space<vmem>>, vector<128x256xf32>
      %slice3A_918 = vector.extract_strided_slice %get3A_917 {offsets = [0, 0], sizes = [64, 256], strides = [1, 1]} : vector<128x256xf32> to vector<64x256xf32>
      %slice3A_919 = vector.extract_strided_slice %get3A_917 {offsets = [64, 0], sizes = [64, 256], strides = [1, 1]} : vector<128x256xf32> to vector<64x256xf32>
      %min3A_920 = arith.minimumf %slice3A_918, %slice3A_919 : vector<64x256xf32>
      %slice3A_921 = vector.extract_strided_slice %min3A_920 {offsets = [0, 0], sizes = [32, 256], strides = [1, 1]} : vector<64x256xf32> to vector<32x256xf32>
      %slice3A_922 = vector.extract_strided_slice %min3A_920 {offsets = [32, 0], sizes = [32, 256], strides = [1, 1]} : vector<64x256xf32> to vector<32x256xf32>
      %min3A_923 = arith.minimumf %slice3A_921, %slice3A_922 : vector<32x256xf32>
      %slice3A_924 = vector.extract_strided_slice %min3A_923 {offsets = [0, 0], sizes = [16, 256], strides = [1, 1]} : vector<32x256xf32> to vector<16x256xf32>
      %slice3A_925 = vector.extract_strided_slice %min3A_923 {offsets = [16, 0], sizes = [16, 256], strides = [1, 1]} : vector<32x256xf32> to vector<16x256xf32>
      %min3A_926 = arith.minimumf %slice3A_924, %slice3A_925 : vector<16x256xf32>
      %slice3A_927 = vector.extract_strided_slice %min3A_926 {offsets = [0, 0], sizes = [8, 256], strides = [1, 1]} : vector<16x256xf32> to vector<8x256xf32>
      %slice3A_928 = vector.extract_strided_slice %min3A_926 {offsets = [8, 0], sizes = [8, 256], strides = [1, 1]} : vector<16x256xf32> to vector<8x256xf32>
      %min3A_929 = arith.minimumf %slice3A_927, %slice3A_928 : vector<8x256xf32>
      %reduce_min3A_930 = arith.constant dense<0x7F800000> : vector<256xf32>
      %reduce_min3A_931 = vector.multi_reduction <minimumf>, %min3A_929, %reduce_min3A_930 [0] : vector<8x256xf32> to vector<256xf32>
      %broadcast_in_dim3A_932 = vector.shape_cast %reduce_min3A_931 : vector<256xf32> to vector<1x256xf32>
      %eq3A_933 = vector.broadcast %broadcast_in_dim3A_932 : vector<1x256xf32> to vector<128x256xf32>
      %eq3A_934 = arith.cmpf oeq, %get3A_917, %eq3A_933 : vector<128x256xf32>
      %jit3A_935 = arith.constant 1.280000e+02 : f32
      %broadcast_in_dim3A_936 = vector.broadcast %jit3A_935 : f32 to vector<128x256xf32>
      %select_n3A_937 = arith.select %eq3A_934, %convert_element_type3A, %broadcast_in_dim3A_936 : vector<128x256xi1>, vector<128x256xf32>
      %slice3A_938 = vector.extract_strided_slice %select_n3A_937 {offsets = [0, 0], sizes = [64, 256], strides = [1, 1]} : vector<128x256xf32> to vector<64x256xf32>
      %slice3A_939 = vector.extract_strided_slice %select_n3A_937 {offsets = [64, 0], sizes = [64, 256], strides = [1, 1]} : vector<128x256xf32> to vector<64x256xf32>
      %min3A_940 = arith.minimumf %slice3A_938, %slice3A_939 : vector<64x256xf32>
      %slice3A_941 = vector.extract_strided_slice %min3A_940 {offsets = [0, 0], sizes = [32, 256], strides = [1, 1]} : vector<64x256xf32> to vector<32x256xf32>
      %slice3A_942 = vector.extract_strided_slice %min3A_940 {offsets = [32, 0], sizes = [32, 256], strides = [1, 1]} : vector<64x256xf32> to vector<32x256xf32>
      %min3A_943 = arith.minimumf %slice3A_941, %slice3A_942 : vector<32x256xf32>
      %slice3A_944 = vector.extract_strided_slice %min3A_943 {offsets = [0, 0], sizes = [16, 256], strides = [1, 1]} : vector<32x256xf32> to vector<16x256xf32>
      %slice3A_945 = vector.extract_strided_slice %min3A_943 {offsets = [16, 0], sizes = [16, 256], strides = [1, 1]} : vector<32x256xf32> to vector<16x256xf32>
      %min3A_946 = arith.minimumf %slice3A_944, %slice3A_945 : vector<16x256xf32>
      %slice3A_947 = vector.extract_strided_slice %min3A_946 {offsets = [0, 0], sizes = [8, 256], strides = [1, 1]} : vector<16x256xf32> to vector<8x256xf32>
      %slice3A_948 = vector.extract_strided_slice %min3A_946 {offsets = [8, 0], sizes = [8, 256], strides = [1, 1]} : vector<16x256xf32> to vector<8x256xf32>
      %min3A_949 = arith.minimumf %slice3A_947, %slice3A_948 : vector<8x256xf32>
      %reduce_min3A_950 = arith.constant dense<0x7F800000> : vector<256xf32>
      %reduce_min3A_951 = vector.multi_reduction <minimumf>, %min3A_949, %reduce_min3A_950 [0] : vector<8x256xf32> to vector<256xf32>
      %broadcast_in_dim3A_952 = vector.shape_cast %reduce_min3A_951 : vector<256xf32> to vector<1x256xf32>
      %add3A_953 = arith.constant 2.304000e+03 : f32
      %add3A_954 = vector.broadcast %add3A_953 : f32 to vector<1x256xf32>
      %add3A_955 = arith.addf %broadcast_in_dim3A_952, %add3A_954 : vector<1x256xf32>
      %eq3A_956 = vector.broadcast %broadcast_in_dim3A_952 : vector<1x256xf32> to vector<128x256xf32>
      %eq3A_957 = arith.cmpf oeq, %convert_element_type3A, %eq3A_956 : vector<128x256xf32>
      %broadcast_in_dim3A_958 = vector.broadcast %while3A : f32 to vector<128x256xf32>
      %select_n3A_959 = arith.select %eq3A_957, %broadcast_in_dim3A_958, %get3A_917 : vector<128x256xi1>, vector<128x256xf32>
      %swap3A_960 = arith.constant 2304 : index
      %swap3A_961 = arith.constant 0 : index
      %swap3A_962 = vector.load %arg8[%swap3A_960, %swap3A_961] : memref<4096x256xf32, #tpu.memory_space<vmem>>, vector<128x256xf32>
      tpu.vector_store %arg8[%swap3A_960, %swap3A_961], %select_n3A_959 {strides = array<i32>} : memref<4096x256xf32, #tpu.memory_space<vmem>>, vector<128x256xf32>,
      %get3A_963 = arith.constant 2432 : index
      %get3A_964 = arith.constant 0 : index
      %get3A_965 = vector.load %arg8[%get3A_963, %get3A_964] : memref<4096x256xf32, #tpu.memory_space<vmem>>, vector<128x256xf32>
      %slice3A_966 = vector.extract_strided_slice %get3A_965 {offsets = [0, 0], sizes = [64, 256], strides = [1, 1]} : vector<128x256xf32> to vector<64x256xf32>
      %slice3A_967 = vector.extract_strided_slice %get3A_965 {offsets = [64, 0], sizes = [64, 256], strides = [1, 1]} : vector<128x256xf32> to vector<64x256xf32>
      %min3A_968 = arith.minimumf %slice3A_966, %slice3A_967 : vector<64x256xf32>
      %slice3A_969 = vector.extract_strided_slice %min3A_968 {offsets = [0, 0], sizes = [32, 256], strides = [1, 1]} : vector<64x256xf32> to vector<32x256xf32>
      %slice3A_970 = vector.extract_strided_slice %min3A_968 {offsets = [32, 0], sizes = [32, 256], strides = [1, 1]} : vector<64x256xf32> to vector<32x256xf32>
      %min3A_971 = arith.minimumf %slice3A_969, %slice3A_970 : vector<32x256xf32>
      %slice3A_972 = vector.extract_strided_slice %min3A_971 {offsets = [0, 0], sizes = [16, 256], strides = [1, 1]} : vector<32x256xf32> to vector<16x256xf32>
      %slice3A_973 = vector.extract_strided_slice %min3A_971 {offsets = [16, 0], sizes = [16, 256], strides = [1, 1]} : vector<32x256xf32> to vector<16x256xf32>
      %min3A_974 = arith.minimumf %slice3A_972, %slice3A_973 : vector<16x256xf32>
      %slice3A_975 = vector.extract_strided_slice %min3A_974 {offsets = [0, 0], sizes = [8, 256], strides = [1, 1]} : vector<16x256xf32> to vector<8x256xf32>
      %slice3A_976 = vector.extract_strided_slice %min3A_974 {offsets = [8, 0], sizes = [8, 256], strides = [1, 1]} : vector<16x256xf32> to vector<8x256xf32>
      %min3A_977 = arith.minimumf %slice3A_975, %slice3A_976 : vector<8x256xf32>
      %reduce_min3A_978 = arith.constant dense<0x7F800000> : vector<256xf32>
      %reduce_min3A_979 = vector.multi_reduction <minimumf>, %min3A_977, %reduce_min3A_978 [0] : vector<8x256xf32> to vector<256xf32>
      %broadcast_in_dim3A_980 = vector.shape_cast %reduce_min3A_979 : vector<256xf32> to vector<1x256xf32>
      %eq3A_981 = vector.broadcast %broadcast_in_dim3A_980 : vector<1x256xf32> to vector<128x256xf32>
      %eq3A_982 = arith.cmpf oeq, %get3A_965, %eq3A_981 : vector<128x256xf32>
      %jit3A_983 = arith.constant 1.280000e+02 : f32
      %broadcast_in_dim3A_984 = vector.broadcast %jit3A_983 : f32 to vector<128x256xf32>
      %select_n3A_985 = arith.select %eq3A_982, %convert_element_type3A, %broadcast_in_dim3A_984 : vector<128x256xi1>, vector<128x256xf32>
      %slice3A_986 = vector.extract_strided_slice %select_n3A_985 {offsets = [0, 0], sizes = [64, 256], strides = [1, 1]} : vector<128x256xf32> to vector<64x256xf32>
      %slice3A_987 = vector.extract_strided_slice %select_n3A_985 {offsets = [64, 0], sizes = [64, 256], strides = [1, 1]} : vector<128x256xf32> to vector<64x256xf32>
      %min3A_988 = arith.minimumf %slice3A_986, %slice3A_987 : vector<64x256xf32>
      %slice3A_989 = vector.extract_strided_slice %min3A_988 {offsets = [0, 0], sizes = [32, 256], strides = [1, 1]} : vector<64x256xf32> to vector<32x256xf32>
      %slice3A_990 = vector.extract_strided_slice %min3A_988 {offsets = [32, 0], sizes = [32, 256], strides = [1, 1]} : vector<64x256xf32> to vector<32x256xf32>
      %min3A_991 = arith.minimumf %slice3A_989, %slice3A_990 : vector<32x256xf32>
      %slice3A_992 = vector.extract_strided_slice %min3A_991 {offsets = [0, 0], sizes = [16, 256], strides = [1, 1]} : vector<32x256xf32> to vector<16x256xf32>
      %slice3A_993 = vector.extract_strided_slice %min3A_991 {offsets = [16, 0], sizes = [16, 256], strides = [1, 1]} : vector<32x256xf32> to vector<16x256xf32>
      %min3A_994 = arith.minimumf %slice3A_992, %slice3A_993 : vector<16x256xf32>
      %slice3A_995 = vector.extract_strided_slice %min3A_994 {offsets = [0, 0], sizes = [8, 256], strides = [1, 1]} : vector<16x256xf32> to vector<8x256xf32>
      %slice3A_996 = vector.extract_strided_slice %min3A_994 {offsets = [8, 0], sizes = [8, 256], strides = [1, 1]} : vector<16x256xf32> to vector<8x256xf32>
      %min3A_997 = arith.minimumf %slice3A_995, %slice3A_996 : vector<8x256xf32>
      %reduce_min3A_998 = arith.constant dense<0x7F800000> : vector<256xf32>
      %reduce_min3A_999 = vector.multi_reduction <minimumf>, %min3A_997, %reduce_min3A_998 [0] : vector<8x256xf32> to vector<256xf32>
      %broadcast_in_dim3A_1000 = vector.shape_cast %reduce_min3A_999 : vector<256xf32> to vector<1x256xf32>
      %add3A_1001 = arith.constant 2.432000e+03 : f32
      %add3A_1002 = vector.broadcast %add3A_1001 : f32 to vector<1x256xf32>
      %add3A_1003 = arith.addf %broadcast_in_dim3A_1000, %add3A_1002 : vector<1x256xf32>
      %eq3A_1004 = vector.broadcast %broadcast_in_dim3A_1000 : vector<1x256xf32> to vector<128x256xf32>
      %eq3A_1005 = arith.cmpf oeq, %convert_element_type3A, %eq3A_1004 : vector<128x256xf32>
      %broadcast_in_dim3A_1006 = vector.broadcast %while3A : f32 to vector<128x256xf32>
      %select_n3A_1007 = arith.select %eq3A_1005, %broadcast_in_dim3A_1006, %get3A_965 : vector<128x256xi1>, vector<128x256xf32>
      %swap3A_1008 = arith.constant 2432 : index
      %swap3A_1009 = arith.constant 0 : index
      %swap3A_1010 = vector.load %arg8[%swap3A_1008, %swap3A_1009] : memref<4096x256xf32, #tpu.memory_space<vmem>>, vector<128x256xf32>
      tpu.vector_store %arg8[%swap3A_1008, %swap3A_1009], %select_n3A_1007 {strides = array<i32>} : memref<4096x256xf32, #tpu.memory_space<vmem>>, vector<128x256xf32>,
      %get3A_1011 = arith.constant 2560 : index
      %get3A_1012 = arith.constant 0 : index
      %get3A_1013 = vector.load %arg8[%get3A_1011, %get3A_1012] : memref<4096x256xf32, #tpu.memory_space<vmem>>, vector<128x256xf32>
      %slice3A_1014 = vector.extract_strided_slice %get3A_1013 {offsets = [0, 0], sizes = [64, 256], strides = [1, 1]} : vector<128x256xf32> to vector<64x256xf32>
      %slice3A_1015 = vector.extract_strided_slice %get3A_1013 {offsets = [64, 0], sizes = [64, 256], strides = [1, 1]} : vector<128x256xf32> to vector<64x256xf32>
      %min3A_1016 = arith.minimumf %slice3A_1014, %slice3A_1015 : vector<64x256xf32>
      %slice3A_1017 = vector.extract_strided_slice %min3A_1016 {offsets = [0, 0], sizes = [32, 256], strides = [1, 1]} : vector<64x256xf32> to vector<32x256xf32>
      %slice3A_1018 = vector.extract_strided_slice %min3A_1016 {offsets = [32, 0], sizes = [32, 256], strides = [1, 1]} : vector<64x256xf32> to vector<32x256xf32>
      %min3A_1019 = arith.minimumf %slice3A_1017, %slice3A_1018 : vector<32x256xf32>
      %slice3A_1020 = vector.extract_strided_slice %min3A_1019 {offsets = [0, 0], sizes = [16, 256], strides = [1, 1]} : vector<32x256xf32> to vector<16x256xf32>
      %slice3A_1021 = vector.extract_strided_slice %min3A_1019 {offsets = [16, 0], sizes = [16, 256], strides = [1, 1]} : vector<32x256xf32> to vector<16x256xf32>
      %min3A_1022 = arith.minimumf %slice3A_1020, %slice3A_1021 : vector<16x256xf32>
      %slice3A_1023 = vector.extract_strided_slice %min3A_1022 {offsets = [0, 0], sizes = [8, 256], strides = [1, 1]} : vector<16x256xf32> to vector<8x256xf32>
      %slice3A_1024 = vector.extract_strided_slice %min3A_1022 {offsets = [8, 0], sizes = [8, 256], strides = [1, 1]} : vector<16x256xf32> to vector<8x256xf32>
      %min3A_1025 = arith.minimumf %slice3A_1023, %slice3A_1024 : vector<8x256xf32>
      %reduce_min3A_1026 = arith.constant dense<0x7F800000> : vector<256xf32>
      %reduce_min3A_1027 = vector.multi_reduction <minimumf>, %min3A_1025, %reduce_min3A_1026 [0] : vector<8x256xf32> to vector<256xf32>
      %broadcast_in_dim3A_1028 = vector.shape_cast %reduce_min3A_1027 : vector<256xf32> to vector<1x256xf32>
      %eq3A_1029 = vector.broadcast %broadcast_in_dim3A_1028 : vector<1x256xf32> to vector<128x256xf32>
      %eq3A_1030 = arith.cmpf oeq, %get3A_1013, %eq3A_1029 : vector<128x256xf32>
      %jit3A_1031 = arith.constant 1.280000e+02 : f32
      %broadcast_in_dim3A_1032 = vector.broadcast %jit3A_1031 : f32 to vector<128x256xf32>
      %select_n3A_1033 = arith.select %eq3A_1030, %convert_element_type3A, %broadcast_in_dim3A_1032 : vector<128x256xi1>, vector<128x256xf32>
      %slice3A_1034 = vector.extract_strided_slice %select_n3A_1033 {offsets = [0, 0], sizes = [64, 256], strides = [1, 1]} : vector<128x256xf32> to vector<64x256xf32>
      %slice3A_1035 = vector.extract_strided_slice %select_n3A_1033 {offsets = [64, 0], sizes = [64, 256], strides = [1, 1]} : vector<128x256xf32> to vector<64x256xf32>
      %min3A_1036 = arith.minimumf %slice3A_1034, %slice3A_1035 : vector<64x256xf32>
      %slice3A_1037 = vector.extract_strided_slice %min3A_1036 {offsets = [0, 0], sizes = [32, 256], strides = [1, 1]} : vector<64x256xf32> to vector<32x256xf32>
      %slice3A_1038 = vector.extract_strided_slice %min3A_1036 {offsets = [32, 0], sizes = [32, 256], strides = [1, 1]} : vector<64x256xf32> to vector<32x256xf32>
      %min3A_1039 = arith.minimumf %slice3A_1037, %slice3A_1038 : vector<32x256xf32>
      %slice3A_1040 = vector.extract_strided_slice %min3A_1039 {offsets = [0, 0], sizes = [16, 256], strides = [1, 1]} : vector<32x256xf32> to vector<16x256xf32>
      %slice3A_1041 = vector.extract_strided_slice %min3A_1039 {offsets = [16, 0], sizes = [16, 256], strides = [1, 1]} : vector<32x256xf32> to vector<16x256xf32>
      %min3A_1042 = arith.minimumf %slice3A_1040, %slice3A_1041 : vector<16x256xf32>
      %slice3A_1043 = vector.extract_strided_slice %min3A_1042 {offsets = [0, 0], sizes = [8, 256], strides = [1, 1]} : vector<16x256xf32> to vector<8x256xf32>
      %slice3A_1044 = vector.extract_strided_slice %min3A_1042 {offsets = [8, 0], sizes = [8, 256], strides = [1, 1]} : vector<16x256xf32> to vector<8x256xf32>
      %min3A_1045 = arith.minimumf %slice3A_1043, %slice3A_1044 : vector<8x256xf32>
      %reduce_min3A_1046 = arith.constant dense<0x7F800000> : vector<256xf32>
      %reduce_min3A_1047 = vector.multi_reduction <minimumf>, %min3A_1045, %reduce_min3A_1046 [0] : vector<8x256xf32> to vector<256xf32>
      %broadcast_in_dim3A_1048 = vector.shape_cast %reduce_min3A_1047 : vector<256xf32> to vector<1x256xf32>
      %add3A_1049 = arith.constant 2.560000e+03 : f32
      %add3A_1050 = vector.broadcast %add3A_1049 : f32 to vector<1x256xf32>
      %add3A_1051 = arith.addf %broadcast_in_dim3A_1048, %add3A_1050 : vector<1x256xf32>
      %eq3A_1052 = vector.broadcast %broadcast_in_dim3A_1048 : vector<1x256xf32> to vector<128x256xf32>
      %eq3A_1053 = arith.cmpf oeq, %convert_element_type3A, %eq3A_1052 : vector<128x256xf32>
      %broadcast_in_dim3A_1054 = vector.broadcast %while3A : f32 to vector<128x256xf32>
      %select_n3A_1055 = arith.select %eq3A_1053, %broadcast_in_dim3A_1054, %get3A_1013 : vector<128x256xi1>, vector<128x256xf32>
      %swap3A_1056 = arith.constant 2560 : index
      %swap3A_1057 = arith.constant 0 : index
      %swap3A_1058 = vector.load %arg8[%swap3A_1056, %swap3A_1057] : memref<4096x256xf32, #tpu.memory_space<vmem>>, vector<128x256xf32>
      tpu.vector_store %arg8[%swap3A_1056, %swap3A_1057], %select_n3A_1055 {strides = array<i32>} : memref<4096x256xf32, #tpu.memory_space<vmem>>, vector<128x256xf32>,
      %get3A_1059 = arith.constant 2688 : index
      %get3A_1060 = arith.constant 0 : index
      %get3A_1061 = vector.load %arg8[%get3A_1059, %get3A_1060] : memref<4096x256xf32, #tpu.memory_space<vmem>>, vector<128x256xf32>
      %slice3A_1062 = vector.extract_strided_slice %get3A_1061 {offsets = [0, 0], sizes = [64, 256], strides = [1, 1]} : vector<128x256xf32> to vector<64x256xf32>
      %slice3A_1063 = vector.extract_strided_slice %get3A_1061 {offsets = [64, 0], sizes = [64, 256], strides = [1, 1]} : vector<128x256xf32> to vector<64x256xf32>
      %min3A_1064 = arith.minimumf %slice3A_1062, %slice3A_1063 : vector<64x256xf32>
      %slice3A_1065 = vector.extract_strided_slice %min3A_1064 {offsets = [0, 0], sizes = [32, 256], strides = [1, 1]} : vector<64x256xf32> to vector<32x256xf32>
      %slice3A_1066 = vector.extract_strided_slice %min3A_1064 {offsets = [32, 0], sizes = [32, 256], strides = [1, 1]} : vector<64x256xf32> to vector<32x256xf32>
      %min3A_1067 = arith.minimumf %slice3A_1065, %slice3A_1066 : vector<32x256xf32>
      %slice3A_1068 = vector.extract_strided_slice %min3A_1067 {offsets = [0, 0], sizes = [16, 256], strides = [1, 1]} : vector<32x256xf32> to vector<16x256xf32>
      %slice3A_1069 = vector.extract_strided_slice %min3A_1067 {offsets = [16, 0], sizes = [16, 256], strides = [1, 1]} : vector<32x256xf32> to vector<16x256xf32>
      %min3A_1070 = arith.minimumf %slice3A_1068, %slice3A_1069 : vector<16x256xf32>
      %slice3A_1071 = vector.extract_strided_slice %min3A_1070 {offsets = [0, 0], sizes = [8, 256], strides = [1, 1]} : vector<16x256xf32> to vector<8x256xf32>
      %slice3A_1072 = vector.extract_strided_slice %min3A_1070 {offsets = [8, 0], sizes = [8, 256], strides = [1, 1]} : vector<16x256xf32> to vector<8x256xf32>
      %min3A_1073 = arith.minimumf %slice3A_1071, %slice3A_1072 : vector<8x256xf32>
      %reduce_min3A_1074 = arith.constant dense<0x7F800000> : vector<256xf32>
      %reduce_min3A_1075 = vector.multi_reduction <minimumf>, %min3A_1073, %reduce_min3A_1074 [0] : vector<8x256xf32> to vector<256xf32>
      %broadcast_in_dim3A_1076 = vector.shape_cast %reduce_min3A_1075 : vector<256xf32> to vector<1x256xf32>
      %eq3A_1077 = vector.broadcast %broadcast_in_dim3A_1076 : vector<1x256xf32> to vector<128x256xf32>
      %eq3A_1078 = arith.cmpf oeq, %get3A_1061, %eq3A_1077 : vector<128x256xf32>
      %jit3A_1079 = arith.constant 1.280000e+02 : f32
      %broadcast_in_dim3A_1080 = vector.broadcast %jit3A_1079 : f32 to vector<128x256xf32>
      %select_n3A_1081 = arith.select %eq3A_1078, %convert_element_type3A, %broadcast_in_dim3A_1080 : vector<128x256xi1>, vector<128x256xf32>
      %slice3A_1082 = vector.extract_strided_slice %select_n3A_1081 {offsets = [0, 0], sizes = [64, 256], strides = [1, 1]} : vector<128x256xf32> to vector<64x256xf32>
      %slice3A_1083 = vector.extract_strided_slice %select_n3A_1081 {offsets = [64, 0], sizes = [64, 256], strides = [1, 1]} : vector<128x256xf32> to vector<64x256xf32>
      %min3A_1084 = arith.minimumf %slice3A_1082, %slice3A_1083 : vector<64x256xf32>
      %slice3A_1085 = vector.extract_strided_slice %min3A_1084 {offsets = [0, 0], sizes = [32, 256], strides = [1, 1]} : vector<64x256xf32> to vector<32x256xf32>
      %slice3A_1086 = vector.extract_strided_slice %min3A_1084 {offsets = [32, 0], sizes = [32, 256], strides = [1, 1]} : vector<64x256xf32> to vector<32x256xf32>
      %min3A_1087 = arith.minimumf %slice3A_1085, %slice3A_1086 : vector<32x256xf32>
      %slice3A_1088 = vector.extract_strided_slice %min3A_1087 {offsets = [0, 0], sizes = [16, 256], strides = [1, 1]} : vector<32x256xf32> to vector<16x256xf32>
      %slice3A_1089 = vector.extract_strided_slice %min3A_1087 {offsets = [16, 0], sizes = [16, 256], strides = [1, 1]} : vector<32x256xf32> to vector<16x256xf32>
      %min3A_1090 = arith.minimumf %slice3A_1088, %slice3A_1089 : vector<16x256xf32>
      %slice3A_1091 = vector.extract_strided_slice %min3A_1090 {offsets = [0, 0], sizes = [8, 256], strides = [1, 1]} : vector<16x256xf32> to vector<8x256xf32>
      %slice3A_1092 = vector.extract_strided_slice %min3A_1090 {offsets = [8, 0], sizes = [8, 256], strides = [1, 1]} : vector<16x256xf32> to vector<8x256xf32>
      %min3A_1093 = arith.minimumf %slice3A_1091, %slice3A_1092 : vector<8x256xf32>
      %reduce_min3A_1094 = arith.constant dense<0x7F800000> : vector<256xf32>
      %reduce_min3A_1095 = vector.multi_reduction <minimumf>, %min3A_1093, %reduce_min3A_1094 [0] : vector<8x256xf32> to vector<256xf32>
      %broadcast_in_dim3A_1096 = vector.shape_cast %reduce_min3A_1095 : vector<256xf32> to vector<1x256xf32>
      %add3A_1097 = arith.constant 2.688000e+03 : f32
      %add3A_1098 = vector.broadcast %add3A_1097 : f32 to vector<1x256xf32>
      %add3A_1099 = arith.addf %broadcast_in_dim3A_1096, %add3A_1098 : vector<1x256xf32>
      %eq3A_1100 = vector.broadcast %broadcast_in_dim3A_1096 : vector<1x256xf32> to vector<128x256xf32>
      %eq3A_1101 = arith.cmpf oeq, %convert_element_type3A, %eq3A_1100 : vector<128x256xf32>
      %broadcast_in_dim3A_1102 = vector.broadcast %while3A : f32 to vector<128x256xf32>
      %select_n3A_1103 = arith.select %eq3A_1101, %broadcast_in_dim3A_1102, %get3A_1061 : vector<128x256xi1>, vector<128x256xf32>
      %swap3A_1104 = arith.constant 2688 : index
      %swap3A_1105 = arith.constant 0 : index
      %swap3A_1106 = vector.load %arg8[%swap3A_1104, %swap3A_1105] : memref<4096x256xf32, #tpu.memory_space<vmem>>, vector<128x256xf32>
      tpu.vector_store %arg8[%swap3A_1104, %swap3A_1105], %select_n3A_1103 {strides = array<i32>} : memref<4096x256xf32, #tpu.memory_space<vmem>>, vector<128x256xf32>,
      %get3A_1107 = arith.constant 2816 : index
      %get3A_1108 = arith.constant 0 : index
      %get3A_1109 = vector.load %arg8[%get3A_1107, %get3A_1108] : memref<4096x256xf32, #tpu.memory_space<vmem>>, vector<128x256xf32>
      %slice3A_1110 = vector.extract_strided_slice %get3A_1109 {offsets = [0, 0], sizes = [64, 256], strides = [1, 1]} : vector<128x256xf32> to vector<64x256xf32>
      %slice3A_1111 = vector.extract_strided_slice %get3A_1109 {offsets = [64, 0], sizes = [64, 256], strides = [1, 1]} : vector<128x256xf32> to vector<64x256xf32>
      %min3A_1112 = arith.minimumf %slice3A_1110, %slice3A_1111 : vector<64x256xf32>
      %slice3A_1113 = vector.extract_strided_slice %min3A_1112 {offsets = [0, 0], sizes = [32, 256], strides = [1, 1]} : vector<64x256xf32> to vector<32x256xf32>
      %slice3A_1114 = vector.extract_strided_slice %min3A_1112 {offsets = [32, 0], sizes = [32, 256], strides = [1, 1]} : vector<64x256xf32> to vector<32x256xf32>
      %min3A_1115 = arith.minimumf %slice3A_1113, %slice3A_1114 : vector<32x256xf32>
      %slice3A_1116 = vector.extract_strided_slice %min3A_1115 {offsets = [0, 0], sizes = [16, 256], strides = [1, 1]} : vector<32x256xf32> to vector<16x256xf32>
      %slice3A_1117 = vector.extract_strided_slice %min3A_1115 {offsets = [16, 0], sizes = [16, 256], strides = [1, 1]} : vector<32x256xf32> to vector<16x256xf32>
      %min3A_1118 = arith.minimumf %slice3A_1116, %slice3A_1117 : vector<16x256xf32>
      %slice3A_1119 = vector.extract_strided_slice %min3A_1118 {offsets = [0, 0], sizes = [8, 256], strides = [1, 1]} : vector<16x256xf32> to vector<8x256xf32>
      %slice3A_1120 = vector.extract_strided_slice %min3A_1118 {offsets = [8, 0], sizes = [8, 256], strides = [1, 1]} : vector<16x256xf32> to vector<8x256xf32>
      %min3A_1121 = arith.minimumf %slice3A_1119, %slice3A_1120 : vector<8x256xf32>
      %reduce_min3A_1122 = arith.constant dense<0x7F800000> : vector<256xf32>
      %reduce_min3A_1123 = vector.multi_reduction <minimumf>, %min3A_1121, %reduce_min3A_1122 [0] : vector<8x256xf32> to vector<256xf32>
      %broadcast_in_dim3A_1124 = vector.shape_cast %reduce_min3A_1123 : vector<256xf32> to vector<1x256xf32>
      %eq3A_1125 = vector.broadcast %broadcast_in_dim3A_1124 : vector<1x256xf32> to vector<128x256xf32>
      %eq3A_1126 = arith.cmpf oeq, %get3A_1109, %eq3A_1125 : vector<128x256xf32>
      %jit3A_1127 = arith.constant 1.280000e+02 : f32
      %broadcast_in_dim3A_1128 = vector.broadcast %jit3A_1127 : f32 to vector<128x256xf32>
      %select_n3A_1129 = arith.select %eq3A_1126, %convert_element_type3A, %broadcast_in_dim3A_1128 : vector<128x256xi1>, vector<128x256xf32>
      %slice3A_1130 = vector.extract_strided_slice %select_n3A_1129 {offsets = [0, 0], sizes = [64, 256], strides = [1, 1]} : vector<128x256xf32> to vector<64x256xf32>
      %slice3A_1131 = vector.extract_strided_slice %select_n3A_1129 {offsets = [64, 0], sizes = [64, 256], strides = [1, 1]} : vector<128x256xf32> to vector<64x256xf32>
      %min3A_1132 = arith.minimumf %slice3A_1130, %slice3A_1131 : vector<64x256xf32>
      %slice3A_1133 = vector.extract_strided_slice %min3A_1132 {offsets = [0, 0], sizes = [32, 256], strides = [1, 1]} : vector<64x256xf32> to vector<32x256xf32>
      %slice3A_1134 = vector.extract_strided_slice %min3A_1132 {offsets = [32, 0], sizes = [32, 256], strides = [1, 1]} : vector<64x256xf32> to vector<32x256xf32>
      %min3A_1135 = arith.minimumf %slice3A_1133, %slice3A_1134 : vector<32x256xf32>
      %slice3A_1136 = vector.extract_strided_slice %min3A_1135 {offsets = [0, 0], sizes = [16, 256], strides = [1, 1]} : vector<32x256xf32> to vector<16x256xf32>
      %slice3A_1137 = vector.extract_strided_slice %min3A_1135 {offsets = [16, 0], sizes = [16, 256], strides = [1, 1]} : vector<32x256xf32> to vector<16x256xf32>
      %min3A_1138 = arith.minimumf %slice3A_1136, %slice3A_1137 : vector<16x256xf32>
      %slice3A_1139 = vector.extract_strided_slice %min3A_1138 {offsets = [0, 0], sizes = [8, 256], strides = [1, 1]} : vector<16x256xf32> to vector<8x256xf32>
      %slice3A_1140 = vector.extract_strided_slice %min3A_1138 {offsets = [8, 0], sizes = [8, 256], strides = [1, 1]} : vector<16x256xf32> to vector<8x256xf32>
      %min3A_1141 = arith.minimumf %slice3A_1139, %slice3A_1140 : vector<8x256xf32>
      %reduce_min3A_1142 = arith.constant dense<0x7F800000> : vector<256xf32>
      %reduce_min3A_1143 = vector.multi_reduction <minimumf>, %min3A_1141, %reduce_min3A_1142 [0] : vector<8x256xf32> to vector<256xf32>
      %broadcast_in_dim3A_1144 = vector.shape_cast %reduce_min3A_1143 : vector<256xf32> to vector<1x256xf32>
      %add3A_1145 = arith.constant 2.816000e+03 : f32
      %add3A_1146 = vector.broadcast %add3A_1145 : f32 to vector<1x256xf32>
      %add3A_1147 = arith.addf %broadcast_in_dim3A_1144, %add3A_1146 : vector<1x256xf32>
      %eq3A_1148 = vector.broadcast %broadcast_in_dim3A_1144 : vector<1x256xf32> to vector<128x256xf32>
      %eq3A_1149 = arith.cmpf oeq, %convert_element_type3A, %eq3A_1148 : vector<128x256xf32>
      %broadcast_in_dim3A_1150 = vector.broadcast %while3A : f32 to vector<128x256xf32>
      %select_n3A_1151 = arith.select %eq3A_1149, %broadcast_in_dim3A_1150, %get3A_1109 : vector<128x256xi1>, vector<128x256xf32>
      %swap3A_1152 = arith.constant 2816 : index
      %swap3A_1153 = arith.constant 0 : index
      %swap3A_1154 = vector.load %arg8[%swap3A_1152, %swap3A_1153] : memref<4096x256xf32, #tpu.memory_space<vmem>>, vector<128x256xf32>
      tpu.vector_store %arg8[%swap3A_1152, %swap3A_1153], %select_n3A_1151 {strides = array<i32>} : memref<4096x256xf32, #tpu.memory_space<vmem>>, vector<128x256xf32>,
      %get3A_1155 = arith.constant 2944 : index
      %get3A_1156 = arith.constant 0 : index
      %get3A_1157 = vector.load %arg8[%get3A_1155, %get3A_1156] : memref<4096x256xf32, #tpu.memory_space<vmem>>, vector<128x256xf32>
      %slice3A_1158 = vector.extract_strided_slice %get3A_1157 {offsets = [0, 0], sizes = [64, 256], strides = [1, 1]} : vector<128x256xf32> to vector<64x256xf32>
      %slice3A_1159 = vector.extract_strided_slice %get3A_1157 {offsets = [64, 0], sizes = [64, 256], strides = [1, 1]} : vector<128x256xf32> to vector<64x256xf32>
      %min3A_1160 = arith.minimumf %slice3A_1158, %slice3A_1159 : vector<64x256xf32>
      %slice3A_1161 = vector.extract_strided_slice %min3A_1160 {offsets = [0, 0], sizes = [32, 256], strides = [1, 1]} : vector<64x256xf32> to vector<32x256xf32>
      %slice3A_1162 = vector.extract_strided_slice %min3A_1160 {offsets = [32, 0], sizes = [32, 256], strides = [1, 1]} : vector<64x256xf32> to vector<32x256xf32>
      %min3A_1163 = arith.minimumf %slice3A_1161, %slice3A_1162 : vector<32x256xf32>
      %slice3A_1164 = vector.extract_strided_slice %min3A_1163 {offsets = [0, 0], sizes = [16, 256], strides = [1, 1]} : vector<32x256xf32> to vector<16x256xf32>
      %slice3A_1165 = vector.extract_strided_slice %min3A_1163 {offsets = [16, 0], sizes = [16, 256], strides = [1, 1]} : vector<32x256xf32> to vector<16x256xf32>
      %min3A_1166 = arith.minimumf %slice3A_1164, %slice3A_1165 : vector<16x256xf32>
      %slice3A_1167 = vector.extract_strided_slice %min3A_1166 {offsets = [0, 0], sizes = [8, 256], strides = [1, 1]} : vector<16x256xf32> to vector<8x256xf32>
      %slice3A_1168 = vector.extract_strided_slice %min3A_1166 {offsets = [8, 0], sizes = [8, 256], strides = [1, 1]} : vector<16x256xf32> to vector<8x256xf32>
      %min3A_1169 = arith.minimumf %slice3A_1167, %slice3A_1168 : vector<8x256xf32>
      %reduce_min3A_1170 = arith.constant dense<0x7F800000> : vector<256xf32>
      %reduce_min3A_1171 = vector.multi_reduction <minimumf>, %min3A_1169, %reduce_min3A_1170 [0] : vector<8x256xf32> to vector<256xf32>
      %broadcast_in_dim3A_1172 = vector.shape_cast %reduce_min3A_1171 : vector<256xf32> to vector<1x256xf32>
      %eq3A_1173 = vector.broadcast %broadcast_in_dim3A_1172 : vector<1x256xf32> to vector<128x256xf32>
      %eq3A_1174 = arith.cmpf oeq, %get3A_1157, %eq3A_1173 : vector<128x256xf32>
      %jit3A_1175 = arith.constant 1.280000e+02 : f32
      %broadcast_in_dim3A_1176 = vector.broadcast %jit3A_1175 : f32 to vector<128x256xf32>
      %select_n3A_1177 = arith.select %eq3A_1174, %convert_element_type3A, %broadcast_in_dim3A_1176 : vector<128x256xi1>, vector<128x256xf32>
      %slice3A_1178 = vector.extract_strided_slice %select_n3A_1177 {offsets = [0, 0], sizes = [64, 256], strides = [1, 1]} : vector<128x256xf32> to vector<64x256xf32>
      %slice3A_1179 = vector.extract_strided_slice %select_n3A_1177 {offsets = [64, 0], sizes = [64, 256], strides = [1, 1]} : vector<128x256xf32> to vector<64x256xf32>
      %min3A_1180 = arith.minimumf %slice3A_1178, %slice3A_1179 : vector<64x256xf32>
      %slice3A_1181 = vector.extract_strided_slice %min3A_1180 {offsets = [0, 0], sizes = [32, 256], strides = [1, 1]} : vector<64x256xf32> to vector<32x256xf32>
      %slice3A_1182 = vector.extract_strided_slice %min3A_1180 {offsets = [32, 0], sizes = [32, 256], strides = [1, 1]} : vector<64x256xf32> to vector<32x256xf32>
      %min3A_1183 = arith.minimumf %slice3A_1181, %slice3A_1182 : vector<32x256xf32>
      %slice3A_1184 = vector.extract_strided_slice %min3A_1183 {offsets = [0, 0], sizes = [16, 256], strides = [1, 1]} : vector<32x256xf32> to vector<16x256xf32>
      %slice3A_1185 = vector.extract_strided_slice %min3A_1183 {offsets = [16, 0], sizes = [16, 256], strides = [1, 1]} : vector<32x256xf32> to vector<16x256xf32>
      %min3A_1186 = arith.minimumf %slice3A_1184, %slice3A_1185 : vector<16x256xf32>
      %slice3A_1187 = vector.extract_strided_slice %min3A_1186 {offsets = [0, 0], sizes = [8, 256], strides = [1, 1]} : vector<16x256xf32> to vector<8x256xf32>
      %slice3A_1188 = vector.extract_strided_slice %min3A_1186 {offsets = [8, 0], sizes = [8, 256], strides = [1, 1]} : vector<16x256xf32> to vector<8x256xf32>
      %min3A_1189 = arith.minimumf %slice3A_1187, %slice3A_1188 : vector<8x256xf32>
      %reduce_min3A_1190 = arith.constant dense<0x7F800000> : vector<256xf32>
      %reduce_min3A_1191 = vector.multi_reduction <minimumf>, %min3A_1189, %reduce_min3A_1190 [0] : vector<8x256xf32> to vector<256xf32>
      %broadcast_in_dim3A_1192 = vector.shape_cast %reduce_min3A_1191 : vector<256xf32> to vector<1x256xf32>
      %add3A_1193 = arith.constant 2.944000e+03 : f32
      %add3A_1194 = vector.broadcast %add3A_1193 : f32 to vector<1x256xf32>
      %add3A_1195 = arith.addf %broadcast_in_dim3A_1192, %add3A_1194 : vector<1x256xf32>
      %eq3A_1196 = vector.broadcast %broadcast_in_dim3A_1192 : vector<1x256xf32> to vector<128x256xf32>
      %eq3A_1197 = arith.cmpf oeq, %convert_element_type3A, %eq3A_1196 : vector<128x256xf32>
      %broadcast_in_dim3A_1198 = vector.broadcast %while3A : f32 to vector<128x256xf32>
      %select_n3A_1199 = arith.select %eq3A_1197, %broadcast_in_dim3A_1198, %get3A_1157 : vector<128x256xi1>, vector<128x256xf32>
      %swap3A_1200 = arith.constant 2944 : index
      %swap3A_1201 = arith.constant 0 : index
      %swap3A_1202 = vector.load %arg8[%swap3A_1200, %swap3A_1201] : memref<4096x256xf32, #tpu.memory_space<vmem>>, vector<128x256xf32>
      tpu.vector_store %arg8[%swap3A_1200, %swap3A_1201], %select_n3A_1199 {strides = array<i32>} : memref<4096x256xf32, #tpu.memory_space<vmem>>, vector<128x256xf32>,
      %get3A_1203 = arith.constant 3072 : index
      %get3A_1204 = arith.constant 0 : index
      %get3A_1205 = vector.load %arg8[%get3A_1203, %get3A_1204] : memref<4096x256xf32, #tpu.memory_space<vmem>>, vector<128x256xf32>
      %slice3A_1206 = vector.extract_strided_slice %get3A_1205 {offsets = [0, 0], sizes = [64, 256], strides = [1, 1]} : vector<128x256xf32> to vector<64x256xf32>
      %slice3A_1207 = vector.extract_strided_slice %get3A_1205 {offsets = [64, 0], sizes = [64, 256], strides = [1, 1]} : vector<128x256xf32> to vector<64x256xf32>
      %min3A_1208 = arith.minimumf %slice3A_1206, %slice3A_1207 : vector<64x256xf32>
      %slice3A_1209 = vector.extract_strided_slice %min3A_1208 {offsets = [0, 0], sizes = [32, 256], strides = [1, 1]} : vector<64x256xf32> to vector<32x256xf32>
      %slice3A_1210 = vector.extract_strided_slice %min3A_1208 {offsets = [32, 0], sizes = [32, 256], strides = [1, 1]} : vector<64x256xf32> to vector<32x256xf32>
      %min3A_1211 = arith.minimumf %slice3A_1209, %slice3A_1210 : vector<32x256xf32>
      %slice3A_1212 = vector.extract_strided_slice %min3A_1211 {offsets = [0, 0], sizes = [16, 256], strides = [1, 1]} : vector<32x256xf32> to vector<16x256xf32>
      %slice3A_1213 = vector.extract_strided_slice %min3A_1211 {offsets = [16, 0], sizes = [16, 256], strides = [1, 1]} : vector<32x256xf32> to vector<16x256xf32>
      %min3A_1214 = arith.minimumf %slice3A_1212, %slice3A_1213 : vector<16x256xf32>
      %slice3A_1215 = vector.extract_strided_slice %min3A_1214 {offsets = [0, 0], sizes = [8, 256], strides = [1, 1]} : vector<16x256xf32> to vector<8x256xf32>
      %slice3A_1216 = vector.extract_strided_slice %min3A_1214 {offsets = [8, 0], sizes = [8, 256], strides = [1, 1]} : vector<16x256xf32> to vector<8x256xf32>
      %min3A_1217 = arith.minimumf %slice3A_1215, %slice3A_1216 : vector<8x256xf32>
      %reduce_min3A_1218 = arith.constant dense<0x7F800000> : vector<256xf32>
      %reduce_min3A_1219 = vector.multi_reduction <minimumf>, %min3A_1217, %reduce_min3A_1218 [0] : vector<8x256xf32> to vector<256xf32>
      %broadcast_in_dim3A_1220 = vector.shape_cast %reduce_min3A_1219 : vector<256xf32> to vector<1x256xf32>
      %eq3A_1221 = vector.broadcast %broadcast_in_dim3A_1220 : vector<1x256xf32> to vector<128x256xf32>
      %eq3A_1222 = arith.cmpf oeq, %get3A_1205, %eq3A_1221 : vector<128x256xf32>
      %jit3A_1223 = arith.constant 1.280000e+02 : f32
      %broadcast_in_dim3A_1224 = vector.broadcast %jit3A_1223 : f32 to vector<128x256xf32>
      %select_n3A_1225 = arith.select %eq3A_1222, %convert_element_type3A, %broadcast_in_dim3A_1224 : vector<128x256xi1>, vector<128x256xf32>
      %slice3A_1226 = vector.extract_strided_slice %select_n3A_1225 {offsets = [0, 0], sizes = [64, 256], strides = [1, 1]} : vector<128x256xf32> to vector<64x256xf32>
      %slice3A_1227 = vector.extract_strided_slice %select_n3A_1225 {offsets = [64, 0], sizes = [64, 256], strides = [1, 1]} : vector<128x256xf32> to vector<64x256xf32>
      %min3A_1228 = arith.minimumf %slice3A_1226, %slice3A_1227 : vector<64x256xf32>
      %slice3A_1229 = vector.extract_strided_slice %min3A_1228 {offsets = [0, 0], sizes = [32, 256], strides = [1, 1]} : vector<64x256xf32> to vector<32x256xf32>
      %slice3A_1230 = vector.extract_strided_slice %min3A_1228 {offsets = [32, 0], sizes = [32, 256], strides = [1, 1]} : vector<64x256xf32> to vector<32x256xf32>
      %min3A_1231 = arith.minimumf %slice3A_1229, %slice3A_1230 : vector<32x256xf32>
      %slice3A_1232 = vector.extract_strided_slice %min3A_1231 {offsets = [0, 0], sizes = [16, 256], strides = [1, 1]} : vector<32x256xf32> to vector<16x256xf32>
      %slice3A_1233 = vector.extract_strided_slice %min3A_1231 {offsets = [16, 0], sizes = [16, 256], strides = [1, 1]} : vector<32x256xf32> to vector<16x256xf32>
      %min3A_1234 = arith.minimumf %slice3A_1232, %slice3A_1233 : vector<16x256xf32>
      %slice3A_1235 = vector.extract_strided_slice %min3A_1234 {offsets = [0, 0], sizes = [8, 256], strides = [1, 1]} : vector<16x256xf32> to vector<8x256xf32>
      %slice3A_1236 = vector.extract_strided_slice %min3A_1234 {offsets = [8, 0], sizes = [8, 256], strides = [1, 1]} : vector<16x256xf32> to vector<8x256xf32>
      %min3A_1237 = arith.minimumf %slice3A_1235, %slice3A_1236 : vector<8x256xf32>
      %reduce_min3A_1238 = arith.constant dense<0x7F800000> : vector<256xf32>
      %reduce_min3A_1239 = vector.multi_reduction <minimumf>, %min3A_1237, %reduce_min3A_1238 [0] : vector<8x256xf32> to vector<256xf32>
      %broadcast_in_dim3A_1240 = vector.shape_cast %reduce_min3A_1239 : vector<256xf32> to vector<1x256xf32>
      %add3A_1241 = arith.constant 3.072000e+03 : f32
      %add3A_1242 = vector.broadcast %add3A_1241 : f32 to vector<1x256xf32>
      %add3A_1243 = arith.addf %broadcast_in_dim3A_1240, %add3A_1242 : vector<1x256xf32>
      %eq3A_1244 = vector.broadcast %broadcast_in_dim3A_1240 : vector<1x256xf32> to vector<128x256xf32>
      %eq3A_1245 = arith.cmpf oeq, %convert_element_type3A, %eq3A_1244 : vector<128x256xf32>
      %broadcast_in_dim3A_1246 = vector.broadcast %while3A : f32 to vector<128x256xf32>
      %select_n3A_1247 = arith.select %eq3A_1245, %broadcast_in_dim3A_1246, %get3A_1205 : vector<128x256xi1>, vector<128x256xf32>
      %swap3A_1248 = arith.constant 3072 : index
      %swap3A_1249 = arith.constant 0 : index
      %swap3A_1250 = vector.load %arg8[%swap3A_1248, %swap3A_1249] : memref<4096x256xf32, #tpu.memory_space<vmem>>, vector<128x256xf32>
      tpu.vector_store %arg8[%swap3A_1248, %swap3A_1249], %select_n3A_1247 {strides = array<i32>} : memref<4096x256xf32, #tpu.memory_space<vmem>>, vector<128x256xf32>,
      %get3A_1251 = arith.constant 3200 : index
      %get3A_1252 = arith.constant 0 : index
      %get3A_1253 = vector.load %arg8[%get3A_1251, %get3A_1252] : memref<4096x256xf32, #tpu.memory_space<vmem>>, vector<128x256xf32>
      %slice3A_1254 = vector.extract_strided_slice %get3A_1253 {offsets = [0, 0], sizes = [64, 256], strides = [1, 1]} : vector<128x256xf32> to vector<64x256xf32>
      %slice3A_1255 = vector.extract_strided_slice %get3A_1253 {offsets = [64, 0], sizes = [64, 256], strides = [1, 1]} : vector<128x256xf32> to vector<64x256xf32>
      %min3A_1256 = arith.minimumf %slice3A_1254, %slice3A_1255 : vector<64x256xf32>
      %slice3A_1257 = vector.extract_strided_slice %min3A_1256 {offsets = [0, 0], sizes = [32, 256], strides = [1, 1]} : vector<64x256xf32> to vector<32x256xf32>
      %slice3A_1258 = vector.extract_strided_slice %min3A_1256 {offsets = [32, 0], sizes = [32, 256], strides = [1, 1]} : vector<64x256xf32> to vector<32x256xf32>
      %min3A_1259 = arith.minimumf %slice3A_1257, %slice3A_1258 : vector<32x256xf32>
      %slice3A_1260 = vector.extract_strided_slice %min3A_1259 {offsets = [0, 0], sizes = [16, 256], strides = [1, 1]} : vector<32x256xf32> to vector<16x256xf32>
      %slice3A_1261 = vector.extract_strided_slice %min3A_1259 {offsets = [16, 0], sizes = [16, 256], strides = [1, 1]} : vector<32x256xf32> to vector<16x256xf32>
      %min3A_1262 = arith.minimumf %slice3A_1260, %slice3A_1261 : vector<16x256xf32>
      %slice3A_1263 = vector.extract_strided_slice %min3A_1262 {offsets = [0, 0], sizes = [8, 256], strides = [1, 1]} : vector<16x256xf32> to vector<8x256xf32>
      %slice3A_1264 = vector.extract_strided_slice %min3A_1262 {offsets = [8, 0], sizes = [8, 256], strides = [1, 1]} : vector<16x256xf32> to vector<8x256xf32>
      %min3A_1265 = arith.minimumf %slice3A_1263, %slice3A_1264 : vector<8x256xf32>
      %reduce_min3A_1266 = arith.constant dense<0x7F800000> : vector<256xf32>
      %reduce_min3A_1267 = vector.multi_reduction <minimumf>, %min3A_1265, %reduce_min3A_1266 [0] : vector<8x256xf32> to vector<256xf32>
      %broadcast_in_dim3A_1268 = vector.shape_cast %reduce_min3A_1267 : vector<256xf32> to vector<1x256xf32>
      %eq3A_1269 = vector.broadcast %broadcast_in_dim3A_1268 : vector<1x256xf32> to vector<128x256xf32>
      %eq3A_1270 = arith.cmpf oeq, %get3A_1253, %eq3A_1269 : vector<128x256xf32>
      %jit3A_1271 = arith.constant 1.280000e+02 : f32
      %broadcast_in_dim3A_1272 = vector.broadcast %jit3A_1271 : f32 to vector<128x256xf32>
      %select_n3A_1273 = arith.select %eq3A_1270, %convert_element_type3A, %broadcast_in_dim3A_1272 : vector<128x256xi1>, vector<128x256xf32>
      %slice3A_1274 = vector.extract_strided_slice %select_n3A_1273 {offsets = [0, 0], sizes = [64, 256], strides = [1, 1]} : vector<128x256xf32> to vector<64x256xf32>
      %slice3A_1275 = vector.extract_strided_slice %select_n3A_1273 {offsets = [64, 0], sizes = [64, 256], strides = [1, 1]} : vector<128x256xf32> to vector<64x256xf32>
      %min3A_1276 = arith.minimumf %slice3A_1274, %slice3A_1275 : vector<64x256xf32>
      %slice3A_1277 = vector.extract_strided_slice %min3A_1276 {offsets = [0, 0], sizes = [32, 256], strides = [1, 1]} : vector<64x256xf32> to vector<32x256xf32>
      %slice3A_1278 = vector.extract_strided_slice %min3A_1276 {offsets = [32, 0], sizes = [32, 256], strides = [1, 1]} : vector<64x256xf32> to vector<32x256xf32>
      %min3A_1279 = arith.minimumf %slice3A_1277, %slice3A_1278 : vector<32x256xf32>
      %slice3A_1280 = vector.extract_strided_slice %min3A_1279 {offsets = [0, 0], sizes = [16, 256], strides = [1, 1]} : vector<32x256xf32> to vector<16x256xf32>
      %slice3A_1281 = vector.extract_strided_slice %min3A_1279 {offsets = [16, 0], sizes = [16, 256], strides = [1, 1]} : vector<32x256xf32> to vector<16x256xf32>
      %min3A_1282 = arith.minimumf %slice3A_1280, %slice3A_1281 : vector<16x256xf32>
      %slice3A_1283 = vector.extract_strided_slice %min3A_1282 {offsets = [0, 0], sizes = [8, 256], strides = [1, 1]} : vector<16x256xf32> to vector<8x256xf32>
      %slice3A_1284 = vector.extract_strided_slice %min3A_1282 {offsets = [8, 0], sizes = [8, 256], strides = [1, 1]} : vector<16x256xf32> to vector<8x256xf32>
      %min3A_1285 = arith.minimumf %slice3A_1283, %slice3A_1284 : vector<8x256xf32>
      %reduce_min3A_1286 = arith.constant dense<0x7F800000> : vector<256xf32>
      %reduce_min3A_1287 = vector.multi_reduction <minimumf>, %min3A_1285, %reduce_min3A_1286 [0] : vector<8x256xf32> to vector<256xf32>
      %broadcast_in_dim3A_1288 = vector.shape_cast %reduce_min3A_1287 : vector<256xf32> to vector<1x256xf32>
      %add3A_1289 = arith.constant 3.200000e+03 : f32
      %add3A_1290 = vector.broadcast %add3A_1289 : f32 to vector<1x256xf32>
      %add3A_1291 = arith.addf %broadcast_in_dim3A_1288, %add3A_1290 : vector<1x256xf32>
      %eq3A_1292 = vector.broadcast %broadcast_in_dim3A_1288 : vector<1x256xf32> to vector<128x256xf32>
      %eq3A_1293 = arith.cmpf oeq, %convert_element_type3A, %eq3A_1292 : vector<128x256xf32>
      %broadcast_in_dim3A_1294 = vector.broadcast %while3A : f32 to vector<128x256xf32>
      %select_n3A_1295 = arith.select %eq3A_1293, %broadcast_in_dim3A_1294, %get3A_1253 : vector<128x256xi1>, vector<128x256xf32>
      %swap3A_1296 = arith.constant 3200 : index
      %swap3A_1297 = arith.constant 0 : index
      %swap3A_1298 = vector.load %arg8[%swap3A_1296, %swap3A_1297] : memref<4096x256xf32, #tpu.memory_space<vmem>>, vector<128x256xf32>
      tpu.vector_store %arg8[%swap3A_1296, %swap3A_1297], %select_n3A_1295 {strides = array<i32>} : memref<4096x256xf32, #tpu.memory_space<vmem>>, vector<128x256xf32>,
      %get3A_1299 = arith.constant 3328 : index
      %get3A_1300 = arith.constant 0 : index
      %get3A_1301 = vector.load %arg8[%get3A_1299, %get3A_1300] : memref<4096x256xf32, #tpu.memory_space<vmem>>, vector<128x256xf32>
      %slice3A_1302 = vector.extract_strided_slice %get3A_1301 {offsets = [0, 0], sizes = [64, 256], strides = [1, 1]} : vector<128x256xf32> to vector<64x256xf32>
      %slice3A_1303 = vector.extract_strided_slice %get3A_1301 {offsets = [64, 0], sizes = [64, 256], strides = [1, 1]} : vector<128x256xf32> to vector<64x256xf32>
      %min3A_1304 = arith.minimumf %slice3A_1302, %slice3A_1303 : vector<64x256xf32>
      %slice3A_1305 = vector.extract_strided_slice %min3A_1304 {offsets = [0, 0], sizes = [32, 256], strides = [1, 1]} : vector<64x256xf32> to vector<32x256xf32>
      %slice3A_1306 = vector.extract_strided_slice %min3A_1304 {offsets = [32, 0], sizes = [32, 256], strides = [1, 1]} : vector<64x256xf32> to vector<32x256xf32>
      %min3A_1307 = arith.minimumf %slice3A_1305, %slice3A_1306 : vector<32x256xf32>
      %slice3A_1308 = vector.extract_strided_slice %min3A_1307 {offsets = [0, 0], sizes = [16, 256], strides = [1, 1]} : vector<32x256xf32> to vector<16x256xf32>
      %slice3A_1309 = vector.extract_strided_slice %min3A_1307 {offsets = [16, 0], sizes = [16, 256], strides = [1, 1]} : vector<32x256xf32> to vector<16x256xf32>
      %min3A_1310 = arith.minimumf %slice3A_1308, %slice3A_1309 : vector<16x256xf32>
      %slice3A_1311 = vector.extract_strided_slice %min3A_1310 {offsets = [0, 0], sizes = [8, 256], strides = [1, 1]} : vector<16x256xf32> to vector<8x256xf32>
      %slice3A_1312 = vector.extract_strided_slice %min3A_1310 {offsets = [8, 0], sizes = [8, 256], strides = [1, 1]} : vector<16x256xf32> to vector<8x256xf32>
      %min3A_1313 = arith.minimumf %slice3A_1311, %slice3A_1312 : vector<8x256xf32>
      %reduce_min3A_1314 = arith.constant dense<0x7F800000> : vector<256xf32>
      %reduce_min3A_1315 = vector.multi_reduction <minimumf>, %min3A_1313, %reduce_min3A_1314 [0] : vector<8x256xf32> to vector<256xf32>
      %broadcast_in_dim3A_1316 = vector.shape_cast %reduce_min3A_1315 : vector<256xf32> to vector<1x256xf32>
      %eq3A_1317 = vector.broadcast %broadcast_in_dim3A_1316 : vector<1x256xf32> to vector<128x256xf32>
      %eq3A_1318 = arith.cmpf oeq, %get3A_1301, %eq3A_1317 : vector<128x256xf32>
      %jit3A_1319 = arith.constant 1.280000e+02 : f32
      %broadcast_in_dim3A_1320 = vector.broadcast %jit3A_1319 : f32 to vector<128x256xf32>
      %select_n3A_1321 = arith.select %eq3A_1318, %convert_element_type3A, %broadcast_in_dim3A_1320 : vector<128x256xi1>, vector<128x256xf32>
      %slice3A_1322 = vector.extract_strided_slice %select_n3A_1321 {offsets = [0, 0], sizes = [64, 256], strides = [1, 1]} : vector<128x256xf32> to vector<64x256xf32>
      %slice3A_1323 = vector.extract_strided_slice %select_n3A_1321 {offsets = [64, 0], sizes = [64, 256], strides = [1, 1]} : vector<128x256xf32> to vector<64x256xf32>
      %min3A_1324 = arith.minimumf %slice3A_1322, %slice3A_1323 : vector<64x256xf32>
      %slice3A_1325 = vector.extract_strided_slice %min3A_1324 {offsets = [0, 0], sizes = [32, 256], strides = [1, 1]} : vector<64x256xf32> to vector<32x256xf32>
      %slice3A_1326 = vector.extract_strided_slice %min3A_1324 {offsets = [32, 0], sizes = [32, 256], strides = [1, 1]} : vector<64x256xf32> to vector<32x256xf32>
      %min3A_1327 = arith.minimumf %slice3A_1325, %slice3A_1326 : vector<32x256xf32>
      %slice3A_1328 = vector.extract_strided_slice %min3A_1327 {offsets = [0, 0], sizes = [16, 256], strides = [1, 1]} : vector<32x256xf32> to vector<16x256xf32>
      %slice3A_1329 = vector.extract_strided_slice %min3A_1327 {offsets = [16, 0], sizes = [16, 256], strides = [1, 1]} : vector<32x256xf32> to vector<16x256xf32>
      %min3A_1330 = arith.minimumf %slice3A_1328, %slice3A_1329 : vector<16x256xf32>
      %slice3A_1331 = vector.extract_strided_slice %min3A_1330 {offsets = [0, 0], sizes = [8, 256], strides = [1, 1]} : vector<16x256xf32> to vector<8x256xf32>
      %slice3A_1332 = vector.extract_strided_slice %min3A_1330 {offsets = [8, 0], sizes = [8, 256], strides = [1, 1]} : vector<16x256xf32> to vector<8x256xf32>
      %min3A_1333 = arith.minimumf %slice3A_1331, %slice3A_1332 : vector<8x256xf32>
      %reduce_min3A_1334 = arith.constant dense<0x7F800000> : vector<256xf32>
      %reduce_min3A_1335 = vector.multi_reduction <minimumf>, %min3A_1333, %reduce_min3A_1334 [0] : vector<8x256xf32> to vector<256xf32>
      %broadcast_in_dim3A_1336 = vector.shape_cast %reduce_min3A_1335 : vector<256xf32> to vector<1x256xf32>
      %add3A_1337 = arith.constant 3.328000e+03 : f32
      %add3A_1338 = vector.broadcast %add3A_1337 : f32 to vector<1x256xf32>
      %add3A_1339 = arith.addf %broadcast_in_dim3A_1336, %add3A_1338 : vector<1x256xf32>
      %eq3A_1340 = vector.broadcast %broadcast_in_dim3A_1336 : vector<1x256xf32> to vector<128x256xf32>
      %eq3A_1341 = arith.cmpf oeq, %convert_element_type3A, %eq3A_1340 : vector<128x256xf32>
      %broadcast_in_dim3A_1342 = vector.broadcast %while3A : f32 to vector<128x256xf32>
      %select_n3A_1343 = arith.select %eq3A_1341, %broadcast_in_dim3A_1342, %get3A_1301 : vector<128x256xi1>, vector<128x256xf32>
      %swap3A_1344 = arith.constant 3328 : index
      %swap3A_1345 = arith.constant 0 : index
      %swap3A_1346 = vector.load %arg8[%swap3A_1344, %swap3A_1345] : memref<4096x256xf32, #tpu.memory_space<vmem>>, vector<128x256xf32>
      tpu.vector_store %arg8[%swap3A_1344, %swap3A_1345], %select_n3A_1343 {strides = array<i32>} : memref<4096x256xf32, #tpu.memory_space<vmem>>, vector<128x256xf32>,
      %get3A_1347 = arith.constant 3456 : index
      %get3A_1348 = arith.constant 0 : index
      %get3A_1349 = vector.load %arg8[%get3A_1347, %get3A_1348] : memref<4096x256xf32, #tpu.memory_space<vmem>>, vector<128x256xf32>
      %slice3A_1350 = vector.extract_strided_slice %get3A_1349 {offsets = [0, 0], sizes = [64, 256], strides = [1, 1]} : vector<128x256xf32> to vector<64x256xf32>
      %slice3A_1351 = vector.extract_strided_slice %get3A_1349 {offsets = [64, 0], sizes = [64, 256], strides = [1, 1]} : vector<128x256xf32> to vector<64x256xf32>
      %min3A_1352 = arith.minimumf %slice3A_1350, %slice3A_1351 : vector<64x256xf32>
      %slice3A_1353 = vector.extract_strided_slice %min3A_1352 {offsets = [0, 0], sizes = [32, 256], strides = [1, 1]} : vector<64x256xf32> to vector<32x256xf32>
      %slice3A_1354 = vector.extract_strided_slice %min3A_1352 {offsets = [32, 0], sizes = [32, 256], strides = [1, 1]} : vector<64x256xf32> to vector<32x256xf32>
      %min3A_1355 = arith.minimumf %slice3A_1353, %slice3A_1354 : vector<32x256xf32>
      %slice3A_1356 = vector.extract_strided_slice %min3A_1355 {offsets = [0, 0], sizes = [16, 256], strides = [1, 1]} : vector<32x256xf32> to vector<16x256xf32>
      %slice3A_1357 = vector.extract_strided_slice %min3A_1355 {offsets = [16, 0], sizes = [16, 256], strides = [1, 1]} : vector<32x256xf32> to vector<16x256xf32>
      %min3A_1358 = arith.minimumf %slice3A_1356, %slice3A_1357 : vector<16x256xf32>
      %slice3A_1359 = vector.extract_strided_slice %min3A_1358 {offsets = [0, 0], sizes = [8, 256], strides = [1, 1]} : vector<16x256xf32> to vector<8x256xf32>
      %slice3A_1360 = vector.extract_strided_slice %min3A_1358 {offsets = [8, 0], sizes = [8, 256], strides = [1, 1]} : vector<16x256xf32> to vector<8x256xf32>
      %min3A_1361 = arith.minimumf %slice3A_1359, %slice3A_1360 : vector<8x256xf32>
      %reduce_min3A_1362 = arith.constant dense<0x7F800000> : vector<256xf32>
      %reduce_min3A_1363 = vector.multi_reduction <minimumf>, %min3A_1361, %reduce_min3A_1362 [0] : vector<8x256xf32> to vector<256xf32>
      %broadcast_in_dim3A_1364 = vector.shape_cast %reduce_min3A_1363 : vector<256xf32> to vector<1x256xf32>
      %eq3A_1365 = vector.broadcast %broadcast_in_dim3A_1364 : vector<1x256xf32> to vector<128x256xf32>
      %eq3A_1366 = arith.cmpf oeq, %get3A_1349, %eq3A_1365 : vector<128x256xf32>
      %jit3A_1367 = arith.constant 1.280000e+02 : f32
      %broadcast_in_dim3A_1368 = vector.broadcast %jit3A_1367 : f32 to vector<128x256xf32>
      %select_n3A_1369 = arith.select %eq3A_1366, %convert_element_type3A, %broadcast_in_dim3A_1368 : vector<128x256xi1>, vector<128x256xf32>
      %slice3A_1370 = vector.extract_strided_slice %select_n3A_1369 {offsets = [0, 0], sizes = [64, 256], strides = [1, 1]} : vector<128x256xf32> to vector<64x256xf32>
      %slice3A_1371 = vector.extract_strided_slice %select_n3A_1369 {offsets = [64, 0], sizes = [64, 256], strides = [1, 1]} : vector<128x256xf32> to vector<64x256xf32>
      %min3A_1372 = arith.minimumf %slice3A_1370, %slice3A_1371 : vector<64x256xf32>
      %slice3A_1373 = vector.extract_strided_slice %min3A_1372 {offsets = [0, 0], sizes = [32, 256], strides = [1, 1]} : vector<64x256xf32> to vector<32x256xf32>
      %slice3A_1374 = vector.extract_strided_slice %min3A_1372 {offsets = [32, 0], sizes = [32, 256], strides = [1, 1]} : vector<64x256xf32> to vector<32x256xf32>
      %min3A_1375 = arith.minimumf %slice3A_1373, %slice3A_1374 : vector<32x256xf32>
      %slice3A_1376 = vector.extract_strided_slice %min3A_1375 {offsets = [0, 0], sizes = [16, 256], strides = [1, 1]} : vector<32x256xf32> to vector<16x256xf32>
      %slice3A_1377 = vector.extract_strided_slice %min3A_1375 {offsets = [16, 0], sizes = [16, 256], strides = [1, 1]} : vector<32x256xf32> to vector<16x256xf32>
      %min3A_1378 = arith.minimumf %slice3A_1376, %slice3A_1377 : vector<16x256xf32>
      %slice3A_1379 = vector.extract_strided_slice %min3A_1378 {offsets = [0, 0], sizes = [8, 256], strides = [1, 1]} : vector<16x256xf32> to vector<8x256xf32>
      %slice3A_1380 = vector.extract_strided_slice %min3A_1378 {offsets = [8, 0], sizes = [8, 256], strides = [1, 1]} : vector<16x256xf32> to vector<8x256xf32>
      %min3A_1381 = arith.minimumf %slice3A_1379, %slice3A_1380 : vector<8x256xf32>
      %reduce_min3A_1382 = arith.constant dense<0x7F800000> : vector<256xf32>
      %reduce_min3A_1383 = vector.multi_reduction <minimumf>, %min3A_1381, %reduce_min3A_1382 [0] : vector<8x256xf32> to vector<256xf32>
      %broadcast_in_dim3A_1384 = vector.shape_cast %reduce_min3A_1383 : vector<256xf32> to vector<1x256xf32>
      %add3A_1385 = arith.constant 3.456000e+03 : f32
      %add3A_1386 = vector.broadcast %add3A_1385 : f32 to vector<1x256xf32>
      %add3A_1387 = arith.addf %broadcast_in_dim3A_1384, %add3A_1386 : vector<1x256xf32>
      %eq3A_1388 = vector.broadcast %broadcast_in_dim3A_1384 : vector<1x256xf32> to vector<128x256xf32>
      %eq3A_1389 = arith.cmpf oeq, %convert_element_type3A, %eq3A_1388 : vector<128x256xf32>
      %broadcast_in_dim3A_1390 = vector.broadcast %while3A : f32 to vector<128x256xf32>
      %select_n3A_1391 = arith.select %eq3A_1389, %broadcast_in_dim3A_1390, %get3A_1349 : vector<128x256xi1>, vector<128x256xf32>
      %swap3A_1392 = arith.constant 3456 : index
      %swap3A_1393 = arith.constant 0 : index
      %swap3A_1394 = vector.load %arg8[%swap3A_1392, %swap3A_1393] : memref<4096x256xf32, #tpu.memory_space<vmem>>, vector<128x256xf32>
      tpu.vector_store %arg8[%swap3A_1392, %swap3A_1393], %select_n3A_1391 {strides = array<i32>} : memref<4096x256xf32, #tpu.memory_space<vmem>>, vector<128x256xf32>,
      %get3A_1395 = arith.constant 3584 : index
      %get3A_1396 = arith.constant 0 : index
      %get3A_1397 = vector.load %arg8[%get3A_1395, %get3A_1396] : memref<4096x256xf32, #tpu.memory_space<vmem>>, vector<128x256xf32>
      %slice3A_1398 = vector.extract_strided_slice %get3A_1397 {offsets = [0, 0], sizes = [64, 256], strides = [1, 1]} : vector<128x256xf32> to vector<64x256xf32>
      %slice3A_1399 = vector.extract_strided_slice %get3A_1397 {offsets = [64, 0], sizes = [64, 256], strides = [1, 1]} : vector<128x256xf32> to vector<64x256xf32>
      %min3A_1400 = arith.minimumf %slice3A_1398, %slice3A_1399 : vector<64x256xf32>
      %slice3A_1401 = vector.extract_strided_slice %min3A_1400 {offsets = [0, 0], sizes = [32, 256], strides = [1, 1]} : vector<64x256xf32> to vector<32x256xf32>
      %slice3A_1402 = vector.extract_strided_slice %min3A_1400 {offsets = [32, 0], sizes = [32, 256], strides = [1, 1]} : vector<64x256xf32> to vector<32x256xf32>
      %min3A_1403 = arith.minimumf %slice3A_1401, %slice3A_1402 : vector<32x256xf32>
      %slice3A_1404 = vector.extract_strided_slice %min3A_1403 {offsets = [0, 0], sizes = [16, 256], strides = [1, 1]} : vector<32x256xf32> to vector<16x256xf32>
      %slice3A_1405 = vector.extract_strided_slice %min3A_1403 {offsets = [16, 0], sizes = [16, 256], strides = [1, 1]} : vector<32x256xf32> to vector<16x256xf32>
      %min3A_1406 = arith.minimumf %slice3A_1404, %slice3A_1405 : vector<16x256xf32>
      %slice3A_1407 = vector.extract_strided_slice %min3A_1406 {offsets = [0, 0], sizes = [8, 256], strides = [1, 1]} : vector<16x256xf32> to vector<8x256xf32>
      %slice3A_1408 = vector.extract_strided_slice %min3A_1406 {offsets = [8, 0], sizes = [8, 256], strides = [1, 1]} : vector<16x256xf32> to vector<8x256xf32>
      %min3A_1409 = arith.minimumf %slice3A_1407, %slice3A_1408 : vector<8x256xf32>
      %reduce_min3A_1410 = arith.constant dense<0x7F800000> : vector<256xf32>
      %reduce_min3A_1411 = vector.multi_reduction <minimumf>, %min3A_1409, %reduce_min3A_1410 [0] : vector<8x256xf32> to vector<256xf32>
      %broadcast_in_dim3A_1412 = vector.shape_cast %reduce_min3A_1411 : vector<256xf32> to vector<1x256xf32>
      %eq3A_1413 = vector.broadcast %broadcast_in_dim3A_1412 : vector<1x256xf32> to vector<128x256xf32>
      %eq3A_1414 = arith.cmpf oeq, %get3A_1397, %eq3A_1413 : vector<128x256xf32>
      %jit3A_1415 = arith.constant 1.280000e+02 : f32
      %broadcast_in_dim3A_1416 = vector.broadcast %jit3A_1415 : f32 to vector<128x256xf32>
      %select_n3A_1417 = arith.select %eq3A_1414, %convert_element_type3A, %broadcast_in_dim3A_1416 : vector<128x256xi1>, vector<128x256xf32>
      %slice3A_1418 = vector.extract_strided_slice %select_n3A_1417 {offsets = [0, 0], sizes = [64, 256], strides = [1, 1]} : vector<128x256xf32> to vector<64x256xf32>
      %slice3A_1419 = vector.extract_strided_slice %select_n3A_1417 {offsets = [64, 0], sizes = [64, 256], strides = [1, 1]} : vector<128x256xf32> to vector<64x256xf32>
      %min3A_1420 = arith.minimumf %slice3A_1418, %slice3A_1419 : vector<64x256xf32>
      %slice3A_1421 = vector.extract_strided_slice %min3A_1420 {offsets = [0, 0], sizes = [32, 256], strides = [1, 1]} : vector<64x256xf32> to vector<32x256xf32>
      %slice3A_1422 = vector.extract_strided_slice %min3A_1420 {offsets = [32, 0], sizes = [32, 256], strides = [1, 1]} : vector<64x256xf32> to vector<32x256xf32>
      %min3A_1423 = arith.minimumf %slice3A_1421, %slice3A_1422 : vector<32x256xf32>
      %slice3A_1424 = vector.extract_strided_slice %min3A_1423 {offsets = [0, 0], sizes = [16, 256], strides = [1, 1]} : vector<32x256xf32> to vector<16x256xf32>
      %slice3A_1425 = vector.extract_strided_slice %min3A_1423 {offsets = [16, 0], sizes = [16, 256], strides = [1, 1]} : vector<32x256xf32> to vector<16x256xf32>
      %min3A_1426 = arith.minimumf %slice3A_1424, %slice3A_1425 : vector<16x256xf32>
      %slice3A_1427 = vector.extract_strided_slice %min3A_1426 {offsets = [0, 0], sizes = [8, 256], strides = [1, 1]} : vector<16x256xf32> to vector<8x256xf32>
      %slice3A_1428 = vector.extract_strided_slice %min3A_1426 {offsets = [8, 0], sizes = [8, 256], strides = [1, 1]} : vector<16x256xf32> to vector<8x256xf32>
      %min3A_1429 = arith.minimumf %slice3A_1427, %slice3A_1428 : vector<8x256xf32>
      %reduce_min3A_1430 = arith.constant dense<0x7F800000> : vector<256xf32>
      %reduce_min3A_1431 = vector.multi_reduction <minimumf>, %min3A_1429, %reduce_min3A_1430 [0] : vector<8x256xf32> to vector<256xf32>
      %broadcast_in_dim3A_1432 = vector.shape_cast %reduce_min3A_1431 : vector<256xf32> to vector<1x256xf32>
      %add3A_1433 = arith.constant 3.584000e+03 : f32
      %add3A_1434 = vector.broadcast %add3A_1433 : f32 to vector<1x256xf32>
      %add3A_1435 = arith.addf %broadcast_in_dim3A_1432, %add3A_1434 : vector<1x256xf32>
      %eq3A_1436 = vector.broadcast %broadcast_in_dim3A_1432 : vector<1x256xf32> to vector<128x256xf32>
      %eq3A_1437 = arith.cmpf oeq, %convert_element_type3A, %eq3A_1436 : vector<128x256xf32>
      %broadcast_in_dim3A_1438 = vector.broadcast %while3A : f32 to vector<128x256xf32>
      %select_n3A_1439 = arith.select %eq3A_1437, %broadcast_in_dim3A_1438, %get3A_1397 : vector<128x256xi1>, vector<128x256xf32>
      %swap3A_1440 = arith.constant 3584 : index
      %swap3A_1441 = arith.constant 0 : index
      %swap3A_1442 = vector.load %arg8[%swap3A_1440, %swap3A_1441] : memref<4096x256xf32, #tpu.memory_space<vmem>>, vector<128x256xf32>
      tpu.vector_store %arg8[%swap3A_1440, %swap3A_1441], %select_n3A_1439 {strides = array<i32>} : memref<4096x256xf32, #tpu.memory_space<vmem>>, vector<128x256xf32>,
      %get3A_1443 = arith.constant 3712 : index
      %get3A_1444 = arith.constant 0 : index
      %get3A_1445 = vector.load %arg8[%get3A_1443, %get3A_1444] : memref<4096x256xf32, #tpu.memory_space<vmem>>, vector<128x256xf32>
      %slice3A_1446 = vector.extract_strided_slice %get3A_1445 {offsets = [0, 0], sizes = [64, 256], strides = [1, 1]} : vector<128x256xf32> to vector<64x256xf32>
      %slice3A_1447 = vector.extract_strided_slice %get3A_1445 {offsets = [64, 0], sizes = [64, 256], strides = [1, 1]} : vector<128x256xf32> to vector<64x256xf32>
      %min3A_1448 = arith.minimumf %slice3A_1446, %slice3A_1447 : vector<64x256xf32>
      %slice3A_1449 = vector.extract_strided_slice %min3A_1448 {offsets = [0, 0], sizes = [32, 256], strides = [1, 1]} : vector<64x256xf32> to vector<32x256xf32>
      %slice3A_1450 = vector.extract_strided_slice %min3A_1448 {offsets = [32, 0], sizes = [32, 256], strides = [1, 1]} : vector<64x256xf32> to vector<32x256xf32>
      %min3A_1451 = arith.minimumf %slice3A_1449, %slice3A_1450 : vector<32x256xf32>
      %slice3A_1452 = vector.extract_strided_slice %min3A_1451 {offsets = [0, 0], sizes = [16, 256], strides = [1, 1]} : vector<32x256xf32> to vector<16x256xf32>
      %slice3A_1453 = vector.extract_strided_slice %min3A_1451 {offsets = [16, 0], sizes = [16, 256], strides = [1, 1]} : vector<32x256xf32> to vector<16x256xf32>
      %min3A_1454 = arith.minimumf %slice3A_1452, %slice3A_1453 : vector<16x256xf32>
      %slice3A_1455 = vector.extract_strided_slice %min3A_1454 {offsets = [0, 0], sizes = [8, 256], strides = [1, 1]} : vector<16x256xf32> to vector<8x256xf32>
      %slice3A_1456 = vector.extract_strided_slice %min3A_1454 {offsets = [8, 0], sizes = [8, 256], strides = [1, 1]} : vector<16x256xf32> to vector<8x256xf32>
      %min3A_1457 = arith.minimumf %slice3A_1455, %slice3A_1456 : vector<8x256xf32>
      %reduce_min3A_1458 = arith.constant dense<0x7F800000> : vector<256xf32>
      %reduce_min3A_1459 = vector.multi_reduction <minimumf>, %min3A_1457, %reduce_min3A_1458 [0] : vector<8x256xf32> to vector<256xf32>
      %broadcast_in_dim3A_1460 = vector.shape_cast %reduce_min3A_1459 : vector<256xf32> to vector<1x256xf32>
      %eq3A_1461 = vector.broadcast %broadcast_in_dim3A_1460 : vector<1x256xf32> to vector<128x256xf32>
      %eq3A_1462 = arith.cmpf oeq, %get3A_1445, %eq3A_1461 : vector<128x256xf32>
      %jit3A_1463 = arith.constant 1.280000e+02 : f32
      %broadcast_in_dim3A_1464 = vector.broadcast %jit3A_1463 : f32 to vector<128x256xf32>
      %select_n3A_1465 = arith.select %eq3A_1462, %convert_element_type3A, %broadcast_in_dim3A_1464 : vector<128x256xi1>, vector<128x256xf32>
      %slice3A_1466 = vector.extract_strided_slice %select_n3A_1465 {offsets = [0, 0], sizes = [64, 256], strides = [1, 1]} : vector<128x256xf32> to vector<64x256xf32>
      %slice3A_1467 = vector.extract_strided_slice %select_n3A_1465 {offsets = [64, 0], sizes = [64, 256], strides = [1, 1]} : vector<128x256xf32> to vector<64x256xf32>
      %min3A_1468 = arith.minimumf %slice3A_1466, %slice3A_1467 : vector<64x256xf32>
      %slice3A_1469 = vector.extract_strided_slice %min3A_1468 {offsets = [0, 0], sizes = [32, 256], strides = [1, 1]} : vector<64x256xf32> to vector<32x256xf32>
      %slice3A_1470 = vector.extract_strided_slice %min3A_1468 {offsets = [32, 0], sizes = [32, 256], strides = [1, 1]} : vector<64x256xf32> to vector<32x256xf32>
      %min3A_1471 = arith.minimumf %slice3A_1469, %slice3A_1470 : vector<32x256xf32>
      %slice3A_1472 = vector.extract_strided_slice %min3A_1471 {offsets = [0, 0], sizes = [16, 256], strides = [1, 1]} : vector<32x256xf32> to vector<16x256xf32>
      %slice3A_1473 = vector.extract_strided_slice %min3A_1471 {offsets = [16, 0], sizes = [16, 256], strides = [1, 1]} : vector<32x256xf32> to vector<16x256xf32>
      %min3A_1474 = arith.minimumf %slice3A_1472, %slice3A_1473 : vector<16x256xf32>
      %slice3A_1475 = vector.extract_strided_slice %min3A_1474 {offsets = [0, 0], sizes = [8, 256], strides = [1, 1]} : vector<16x256xf32> to vector<8x256xf32>
      %slice3A_1476 = vector.extract_strided_slice %min3A_1474 {offsets = [8, 0], sizes = [8, 256], strides = [1, 1]} : vector<16x256xf32> to vector<8x256xf32>
      %min3A_1477 = arith.minimumf %slice3A_1475, %slice3A_1476 : vector<8x256xf32>
      %reduce_min3A_1478 = arith.constant dense<0x7F800000> : vector<256xf32>
      %reduce_min3A_1479 = vector.multi_reduction <minimumf>, %min3A_1477, %reduce_min3A_1478 [0] : vector<8x256xf32> to vector<256xf32>
      %broadcast_in_dim3A_1480 = vector.shape_cast %reduce_min3A_1479 : vector<256xf32> to vector<1x256xf32>
      %add3A_1481 = arith.constant 3.712000e+03 : f32
      %add3A_1482 = vector.broadcast %add3A_1481 : f32 to vector<1x256xf32>
      %add3A_1483 = arith.addf %broadcast_in_dim3A_1480, %add3A_1482 : vector<1x256xf32>
      %eq3A_1484 = vector.broadcast %broadcast_in_dim3A_1480 : vector<1x256xf32> to vector<128x256xf32>
      %eq3A_1485 = arith.cmpf oeq, %convert_element_type3A, %eq3A_1484 : vector<128x256xf32>
      %broadcast_in_dim3A_1486 = vector.broadcast %while3A : f32 to vector<128x256xf32>
      %select_n3A_1487 = arith.select %eq3A_1485, %broadcast_in_dim3A_1486, %get3A_1445 : vector<128x256xi1>, vector<128x256xf32>
      %swap3A_1488 = arith.constant 3712 : index
      %swap3A_1489 = arith.constant 0 : index
      %swap3A_1490 = vector.load %arg8[%swap3A_1488, %swap3A_1489] : memref<4096x256xf32, #tpu.memory_space<vmem>>, vector<128x256xf32>
      tpu.vector_store %arg8[%swap3A_1488, %swap3A_1489], %select_n3A_1487 {strides = array<i32>} : memref<4096x256xf32, #tpu.memory_space<vmem>>, vector<128x256xf32>,
      %get3A_1491 = arith.constant 3840 : index
      %get3A_1492 = arith.constant 0 : index
      %get3A_1493 = vector.load %arg8[%get3A_1491, %get3A_1492] : memref<4096x256xf32, #tpu.memory_space<vmem>>, vector<128x256xf32>
      %slice3A_1494 = vector.extract_strided_slice %get3A_1493 {offsets = [0, 0], sizes = [64, 256], strides = [1, 1]} : vector<128x256xf32> to vector<64x256xf32>
      %slice3A_1495 = vector.extract_strided_slice %get3A_1493 {offsets = [64, 0], sizes = [64, 256], strides = [1, 1]} : vector<128x256xf32> to vector<64x256xf32>
      %min3A_1496 = arith.minimumf %slice3A_1494, %slice3A_1495 : vector<64x256xf32>
      %slice3A_1497 = vector.extract_strided_slice %min3A_1496 {offsets = [0, 0], sizes = [32, 256], strides = [1, 1]} : vector<64x256xf32> to vector<32x256xf32>
      %slice3A_1498 = vector.extract_strided_slice %min3A_1496 {offsets = [32, 0], sizes = [32, 256], strides = [1, 1]} : vector<64x256xf32> to vector<32x256xf32>
      %min3A_1499 = arith.minimumf %slice3A_1497, %slice3A_1498 : vector<32x256xf32>
      %slice3A_1500 = vector.extract_strided_slice %min3A_1499 {offsets = [0, 0], sizes = [16, 256], strides = [1, 1]} : vector<32x256xf32> to vector<16x256xf32>
      %slice3A_1501 = vector.extract_strided_slice %min3A_1499 {offsets = [16, 0], sizes = [16, 256], strides = [1, 1]} : vector<32x256xf32> to vector<16x256xf32>
      %min3A_1502 = arith.minimumf %slice3A_1500, %slice3A_1501 : vector<16x256xf32>
      %slice3A_1503 = vector.extract_strided_slice %min3A_1502 {offsets = [0, 0], sizes = [8, 256], strides = [1, 1]} : vector<16x256xf32> to vector<8x256xf32>
      %slice3A_1504 = vector.extract_strided_slice %min3A_1502 {offsets = [8, 0], sizes = [8, 256], strides = [1, 1]} : vector<16x256xf32> to vector<8x256xf32>
      %min3A_1505 = arith.minimumf %slice3A_1503, %slice3A_1504 : vector<8x256xf32>
      %reduce_min3A_1506 = arith.constant dense<0x7F800000> : vector<256xf32>
      %reduce_min3A_1507 = vector.multi_reduction <minimumf>, %min3A_1505, %reduce_min3A_1506 [0] : vector<8x256xf32> to vector<256xf32>
      %broadcast_in_dim3A_1508 = vector.shape_cast %reduce_min3A_1507 : vector<256xf32> to vector<1x256xf32>
      %eq3A_1509 = vector.broadcast %broadcast_in_dim3A_1508 : vector<1x256xf32> to vector<128x256xf32>
      %eq3A_1510 = arith.cmpf oeq, %get3A_1493, %eq3A_1509 : vector<128x256xf32>
      %jit3A_1511 = arith.constant 1.280000e+02 : f32
      %broadcast_in_dim3A_1512 = vector.broadcast %jit3A_1511 : f32 to vector<128x256xf32>
      %select_n3A_1513 = arith.select %eq3A_1510, %convert_element_type3A, %broadcast_in_dim3A_1512 : vector<128x256xi1>, vector<128x256xf32>
      %slice3A_1514 = vector.extract_strided_slice %select_n3A_1513 {offsets = [0, 0], sizes = [64, 256], strides = [1, 1]} : vector<128x256xf32> to vector<64x256xf32>
      %slice3A_1515 = vector.extract_strided_slice %select_n3A_1513 {offsets = [64, 0], sizes = [64, 256], strides = [1, 1]} : vector<128x256xf32> to vector<64x256xf32>
      %min3A_1516 = arith.minimumf %slice3A_1514, %slice3A_1515 : vector<64x256xf32>
      %slice3A_1517 = vector.extract_strided_slice %min3A_1516 {offsets = [0, 0], sizes = [32, 256], strides = [1, 1]} : vector<64x256xf32> to vector<32x256xf32>
      %slice3A_1518 = vector.extract_strided_slice %min3A_1516 {offsets = [32, 0], sizes = [32, 256], strides = [1, 1]} : vector<64x256xf32> to vector<32x256xf32>
      %min3A_1519 = arith.minimumf %slice3A_1517, %slice3A_1518 : vector<32x256xf32>
      %slice3A_1520 = vector.extract_strided_slice %min3A_1519 {offsets = [0, 0], sizes = [16, 256], strides = [1, 1]} : vector<32x256xf32> to vector<16x256xf32>
      %slice3A_1521 = vector.extract_strided_slice %min3A_1519 {offsets = [16, 0], sizes = [16, 256], strides = [1, 1]} : vector<32x256xf32> to vector<16x256xf32>
      %min3A_1522 = arith.minimumf %slice3A_1520, %slice3A_1521 : vector<16x256xf32>
      %slice3A_1523 = vector.extract_strided_slice %min3A_1522 {offsets = [0, 0], sizes = [8, 256], strides = [1, 1]} : vector<16x256xf32> to vector<8x256xf32>
      %slice3A_1524 = vector.extract_strided_slice %min3A_1522 {offsets = [8, 0], sizes = [8, 256], strides = [1, 1]} : vector<16x256xf32> to vector<8x256xf32>
      %min3A_1525 = arith.minimumf %slice3A_1523, %slice3A_1524 : vector<8x256xf32>
      %reduce_min3A_1526 = arith.constant dense<0x7F800000> : vector<256xf32>
      %reduce_min3A_1527 = vector.multi_reduction <minimumf>, %min3A_1525, %reduce_min3A_1526 [0] : vector<8x256xf32> to vector<256xf32>
      %broadcast_in_dim3A_1528 = vector.shape_cast %reduce_min3A_1527 : vector<256xf32> to vector<1x256xf32>
      %add3A_1529 = arith.constant 3.840000e+03 : f32
      %add3A_1530 = vector.broadcast %add3A_1529 : f32 to vector<1x256xf32>
      %add3A_1531 = arith.addf %broadcast_in_dim3A_1528, %add3A_1530 : vector<1x256xf32>
      %eq3A_1532 = vector.broadcast %broadcast_in_dim3A_1528 : vector<1x256xf32> to vector<128x256xf32>
      %eq3A_1533 = arith.cmpf oeq, %convert_element_type3A, %eq3A_1532 : vector<128x256xf32>
      %broadcast_in_dim3A_1534 = vector.broadcast %while3A : f32 to vector<128x256xf32>
      %select_n3A_1535 = arith.select %eq3A_1533, %broadcast_in_dim3A_1534, %get3A_1493 : vector<128x256xi1>, vector<128x256xf32>
      %swap3A_1536 = arith.constant 3840 : index
      %swap3A_1537 = arith.constant 0 : index
      %swap3A_1538 = vector.load %arg8[%swap3A_1536, %swap3A_1537] : memref<4096x256xf32, #tpu.memory_space<vmem>>, vector<128x256xf32>
      tpu.vector_store %arg8[%swap3A_1536, %swap3A_1537], %select_n3A_1535 {strides = array<i32>} : memref<4096x256xf32, #tpu.memory_space<vmem>>, vector<128x256xf32>,
      %get3A_1539 = arith.constant 3968 : index
      %get3A_1540 = arith.constant 0 : index
      %get3A_1541 = vector.load %arg8[%get3A_1539, %get3A_1540] : memref<4096x256xf32, #tpu.memory_space<vmem>>, vector<128x256xf32>
      %slice3A_1542 = vector.extract_strided_slice %get3A_1541 {offsets = [0, 0], sizes = [64, 256], strides = [1, 1]} : vector<128x256xf32> to vector<64x256xf32>
      %slice3A_1543 = vector.extract_strided_slice %get3A_1541 {offsets = [64, 0], sizes = [64, 256], strides = [1, 1]} : vector<128x256xf32> to vector<64x256xf32>
      %min3A_1544 = arith.minimumf %slice3A_1542, %slice3A_1543 : vector<64x256xf32>
      %slice3A_1545 = vector.extract_strided_slice %min3A_1544 {offsets = [0, 0], sizes = [32, 256], strides = [1, 1]} : vector<64x256xf32> to vector<32x256xf32>
      %slice3A_1546 = vector.extract_strided_slice %min3A_1544 {offsets = [32, 0], sizes = [32, 256], strides = [1, 1]} : vector<64x256xf32> to vector<32x256xf32>
      %min3A_1547 = arith.minimumf %slice3A_1545, %slice3A_1546 : vector<32x256xf32>
      %slice3A_1548 = vector.extract_strided_slice %min3A_1547 {offsets = [0, 0], sizes = [16, 256], strides = [1, 1]} : vector<32x256xf32> to vector<16x256xf32>
      %slice3A_1549 = vector.extract_strided_slice %min3A_1547 {offsets = [16, 0], sizes = [16, 256], strides = [1, 1]} : vector<32x256xf32> to vector<16x256xf32>
      %min3A_1550 = arith.minimumf %slice3A_1548, %slice3A_1549 : vector<16x256xf32>
      %slice3A_1551 = vector.extract_strided_slice %min3A_1550 {offsets = [0, 0], sizes = [8, 256], strides = [1, 1]} : vector<16x256xf32> to vector<8x256xf32>
      %slice3A_1552 = vector.extract_strided_slice %min3A_1550 {offsets = [8, 0], sizes = [8, 256], strides = [1, 1]} : vector<16x256xf32> to vector<8x256xf32>
      %min3A_1553 = arith.minimumf %slice3A_1551, %slice3A_1552 : vector<8x256xf32>
      %reduce_min3A_1554 = arith.constant dense<0x7F800000> : vector<256xf32>
      %reduce_min3A_1555 = vector.multi_reduction <minimumf>, %min3A_1553, %reduce_min3A_1554 [0] : vector<8x256xf32> to vector<256xf32>
      %broadcast_in_dim3A_1556 = vector.shape_cast %reduce_min3A_1555 : vector<256xf32> to vector<1x256xf32>
      %eq3A_1557 = vector.broadcast %broadcast_in_dim3A_1556 : vector<1x256xf32> to vector<128x256xf32>
      %eq3A_1558 = arith.cmpf oeq, %get3A_1541, %eq3A_1557 : vector<128x256xf32>
      %jit3A_1559 = arith.constant 1.280000e+02 : f32
      %broadcast_in_dim3A_1560 = vector.broadcast %jit3A_1559 : f32 to vector<128x256xf32>
      %select_n3A_1561 = arith.select %eq3A_1558, %convert_element_type3A, %broadcast_in_dim3A_1560 : vector<128x256xi1>, vector<128x256xf32>
      %slice3A_1562 = vector.extract_strided_slice %select_n3A_1561 {offsets = [0, 0], sizes = [64, 256], strides = [1, 1]} : vector<128x256xf32> to vector<64x256xf32>
      %slice3A_1563 = vector.extract_strided_slice %select_n3A_1561 {offsets = [64, 0], sizes = [64, 256], strides = [1, 1]} : vector<128x256xf32> to vector<64x256xf32>
      %min3A_1564 = arith.minimumf %slice3A_1562, %slice3A_1563 : vector<64x256xf32>
      %slice3A_1565 = vector.extract_strided_slice %min3A_1564 {offsets = [0, 0], sizes = [32, 256], strides = [1, 1]} : vector<64x256xf32> to vector<32x256xf32>
      %slice3A_1566 = vector.extract_strided_slice %min3A_1564 {offsets = [32, 0], sizes = [32, 256], strides = [1, 1]} : vector<64x256xf32> to vector<32x256xf32>
      %min3A_1567 = arith.minimumf %slice3A_1565, %slice3A_1566 : vector<32x256xf32>
      %slice3A_1568 = vector.extract_strided_slice %min3A_1567 {offsets = [0, 0], sizes = [16, 256], strides = [1, 1]} : vector<32x256xf32> to vector<16x256xf32>
      %slice3A_1569 = vector.extract_strided_slice %min3A_1567 {offsets = [16, 0], sizes = [16, 256], strides = [1, 1]} : vector<32x256xf32> to vector<16x256xf32>
      %min3A_1570 = arith.minimumf %slice3A_1568, %slice3A_1569 : vector<16x256xf32>
      %slice3A_1571 = vector.extract_strided_slice %min3A_1570 {offsets = [0, 0], sizes = [8, 256], strides = [1, 1]} : vector<16x256xf32> to vector<8x256xf32>
      %slice3A_1572 = vector.extract_strided_slice %min3A_1570 {offsets = [8, 0], sizes = [8, 256], strides = [1, 1]} : vector<16x256xf32> to vector<8x256xf32>
      %min3A_1573 = arith.minimumf %slice3A_1571, %slice3A_1572 : vector<8x256xf32>
      %reduce_min3A_1574 = arith.constant dense<0x7F800000> : vector<256xf32>
      %reduce_min3A_1575 = vector.multi_reduction <minimumf>, %min3A_1573, %reduce_min3A_1574 [0] : vector<8x256xf32> to vector<256xf32>
      %broadcast_in_dim3A_1576 = vector.shape_cast %reduce_min3A_1575 : vector<256xf32> to vector<1x256xf32>
      %add3A_1577 = arith.constant 3.968000e+03 : f32
      %add3A_1578 = vector.broadcast %add3A_1577 : f32 to vector<1x256xf32>
      %add3A_1579 = arith.addf %broadcast_in_dim3A_1576, %add3A_1578 : vector<1x256xf32>
      %eq3A_1580 = vector.broadcast %broadcast_in_dim3A_1576 : vector<1x256xf32> to vector<128x256xf32>
      %eq3A_1581 = arith.cmpf oeq, %convert_element_type3A, %eq3A_1580 : vector<128x256xf32>
      %broadcast_in_dim3A_1582 = vector.broadcast %while3A : f32 to vector<128x256xf32>
      %select_n3A_1583 = arith.select %eq3A_1581, %broadcast_in_dim3A_1582, %get3A_1541 : vector<128x256xi1>, vector<128x256xf32>
      %swap3A_1584 = arith.constant 3968 : index
      %swap3A_1585 = arith.constant 0 : index
      %swap3A_1586 = vector.load %arg8[%swap3A_1584, %swap3A_1585] : memref<4096x256xf32, #tpu.memory_space<vmem>>, vector<128x256xf32>
      tpu.vector_store %arg8[%swap3A_1584, %swap3A_1585], %select_n3A_1583 {strides = array<i32>} : memref<4096x256xf32, #tpu.memory_space<vmem>>, vector<128x256xf32>,
      %concatenate3A = tpu.concatenate %broadcast_in_dim3A_71, %broadcast_in_dim3A_116, %broadcast_in_dim3A_164, %broadcast_in_dim3A_212, %broadcast_in_dim3A_260, %broadcast_in_dim3A_308, %broadcast_in_dim3A_356, %broadcast_in_dim3A_404, %broadcast_in_dim3A_452, %broadcast_in_dim3A_500, %broadcast_in_dim3A_548, %broadcast_in_dim3A_596, %broadcast_in_dim3A_644, %broadcast_in_dim3A_692, %broadcast_in_dim3A_740, %broadcast_in_dim3A_788, %broadcast_in_dim3A_836, %broadcast_in_dim3A_884, %broadcast_in_dim3A_932, %broadcast_in_dim3A_980, %broadcast_in_dim3A_1028, %broadcast_in_dim3A_1076, %broadcast_in_dim3A_1124, %broadcast_in_dim3A_1172, %broadcast_in_dim3A_1220, %broadcast_in_dim3A_1268, %broadcast_in_dim3A_1316, %broadcast_in_dim3A_1364, %broadcast_in_dim3A_1412, %broadcast_in_dim3A_1460, %broadcast_in_dim3A_1508, %broadcast_in_dim3A_1556 in 0 : vector<1x256xf32>, vector<1x256xf32>, vector<1x256xf32>, vector<1x256xf32>, vector<1x256xf32>, vector<1x256xf32>, vector<1x256xf32>, vector<1x256xf32>, vector<1x256xf32>, vector<1x256xf32>, vector<1x256xf32>, vector<1x256xf32>, vector<1x256xf32>, vector<1x256xf32>, vector<1x256xf32>, vector<1x256xf32>, vector<1x256xf32>, vector<1x256xf32>, vector<1x256xf32>, vector<1x256xf32>, vector<1x256xf32>, vector<1x256xf32>, vector<1x256xf32>, vector<1x256xf32>, vector<1x256xf32>, vector<1x256xf32>, vector<1x256xf32>, vector<1x256xf32>, vector<1x256xf32>, vector<1x256xf32>, vector<1x256xf32>, vector<1x256xf32> -> vector<32x256xf32>
      %concatenate3A_1587 = tpu.concatenate %add3A_91, %add3A_139, %add3A_187, %add3A_235, %add3A_283, %add3A_331, %add3A_379, %add3A_427, %add3A_475, %add3A_523, %add3A_571, %add3A_619, %add3A_667, %add3A_715, %add3A_763, %add3A_811, %add3A_859, %add3A_907, %add3A_955, %add3A_1003, %add3A_1051, %add3A_1099, %add3A_1147, %add3A_1195, %add3A_1243, %add3A_1291, %add3A_1339, %add3A_1387, %add3A_1435, %add3A_1483, %add3A_1531, %add3A_1579 in 0 : vector<1x256xf32>, vector<1x256xf32>, vector<1x256xf32>, vector<1x256xf32>, vector<1x256xf32>, vector<1x256xf32>, vector<1x256xf32>, vector<1x256xf32>, vector<1x256xf32>, vector<1x256xf32>, vector<1x256xf32>, vector<1x256xf32>, vector<1x256xf32>, vector<1x256xf32>, vector<1x256xf32>, vector<1x256xf32>, vector<1x256xf32>, vector<1x256xf32>, vector<1x256xf32>, vector<1x256xf32>, vector<1x256xf32>, vector<1x256xf32>, vector<1x256xf32>, vector<1x256xf32>, vector<1x256xf32>, vector<1x256xf32>, vector<1x256xf32>, vector<1x256xf32>, vector<1x256xf32>, vector<1x256xf32>, vector<1x256xf32>, vector<1x256xf32> -> vector<32x256xf32>
      %slice3A_1588 = vector.extract_strided_slice %while3A_55 {offsets = [31, 0], sizes = [1, 256], strides = [1, 1]} : vector<32x256xf32> to vector<1x256xf32>
      %slice3A_1589 = vector.extract_strided_slice %while3A_56 {offsets = [31, 0], sizes = [1, 256], strides = [1, 1]} : vector<32x256xf32> to vector<1x256xf32>
      %lt3A = vector.broadcast %slice3A_1588 : vector<1x256xf32> to vector<32x256xf32>
      %lt3A_1590 = arith.cmpf olt, %concatenate3A, %lt3A : vector<32x256xf32>
      %eq3A_1591 = vector.broadcast %slice3A_1588 : vector<1x256xf32> to vector<32x256xf32>
      %eq3A_1592 = arith.cmpf oeq, %concatenate3A, %eq3A_1591 : vector<32x256xf32>
      %lt3A_1593 = vector.broadcast %slice3A_1589 : vector<1x256xf32> to vector<32x256xf32>
      %lt3A_1594 = arith.cmpf olt, %concatenate3A_1587, %lt3A_1593 : vector<32x256xf32>
      %and3A = arith.andi %eq3A_1592, %lt3A_1594 : vector<32x256xi1>
      %or3A = arith.ori %lt3A_1590, %and3A : vector<32x256xi1>
      %reduce_or3A = arith.constant 1.000000e+00 : f32
      %reduce_or3A_1595 = arith.constant 0.000000e+00 : f32
      %reduce_or3A_1596 = vector.broadcast %reduce_or3A : f32 to vector<32x256xf32>
      %reduce_or3A_1597 = vector.broadcast %reduce_or3A_1595 : f32 to vector<32x256xf32>
      %reduce_or3A_1598 = arith.select %or3A, %reduce_or3A_1596, %reduce_or3A_1597 : vector<32x256xi1>, vector<32x256xf32>
      %reduce_or3A_1599 = vector.shape_cast %reduce_or3A_1598 : vector<32x256xf32> to vector<1x32x256xf32>
      %reduce_or3A_1600 = arith.constant dense<0xFF800000> : vector<1xf32>
      %reduce_or3A_1601 = vector.multi_reduction <maximumf>, %reduce_or3A_1599, %reduce_or3A_1600 [1, 2] : vector<1x32x256xf32> to vector<1xf32>
      %reduce_or3A_1602 = vector.shape_cast %reduce_or3A_1601 : vector<1xf32> to vector<1x1x1xf32>
      %reduce_or3A_1603 = vector.extract %reduce_or3A_1602[0, 0, 0] : f32 from vector<1x1x1xf32>
      %reduce_or3A_1604 = arith.constant 0.000000e+00 : f32
      %reduce_or3A_1605 = arith.cmpf ogt, %reduce_or3A_1603, %reduce_or3A_1604 : f32
      %iota3A_1606 = tpu.iota {dimensions = array<i32: 0>} : vector<32x1xi32>
      %and3A_1607 = arith.constant 1 : i32
      %and3A_1608 = vector.broadcast %and3A_1607 : i32 to vector<32x1xi32>
      %and3A_1609 = arith.andi %iota3A_1606, %and3A_1608 : vector<32x1xi32>
      %ne3A = arith.constant 0 : i32
      %ne3A_1610 = vector.broadcast %ne3A : i32 to vector<32x1xi32>
      %ne3A_1611 = arith.cmpi ne, %and3A_1609, %ne3A_1610 : vector<32x1xi32>
      %and3A_1612 = arith.constant 1 : i32
      %and3A_1613 = vector.broadcast %and3A_1612 : i32 to vector<32x1xi32>
      %and3A_1614 = arith.andi %iota3A_1606, %and3A_1613 : vector<32x1xi32>
      %eq3A_1615 = arith.constant 0 : i32
      %eq3A_1616 = vector.broadcast %eq3A_1615 : i32 to vector<32x1xi32>
      %eq3A_1617 = arith.cmpi eq, %and3A_1614, %eq3A_1616 : vector<32x1xi32>
      %and3A_1618 = arith.constant 2 : i32
      %and3A_1619 = vector.broadcast %and3A_1618 : i32 to vector<32x1xi32>
      %and3A_1620 = arith.andi %iota3A_1606, %and3A_1619 : vector<32x1xi32>
      %eq3A_1621 = arith.constant 0 : i32
      %eq3A_1622 = vector.broadcast %eq3A_1621 : i32 to vector<32x1xi32>
      %eq3A_1623 = arith.cmpi eq, %and3A_1620, %eq3A_1622 : vector<32x1xi32>
      %eq3A_1624 = arith.xori %eq3A_1617, %eq3A_1623 : vector<32x1xi1>
      %eq3A_1625 = arith.constant dense<true> : vector<32x1xi1>
      %eq3A_1626 = arith.xori %eq3A_1624, %eq3A_1625 : vector<32x1xi1>
      %not3A = arith.constant dense<true> : vector<32x1xi1>
      %not3A_1627 = arith.xori %eq3A_1626, %not3A : vector<32x1xi1>
      %slice3A_1628 = vector.extract_strided_slice %concatenate3A {offsets = [31, 0], sizes = [1, 256], strides = [1, 1]} : vector<32x256xf32> to vector<1x256xf32>
      %slice3A_1629 = vector.extract_strided_slice %concatenate3A {offsets = [0, 0], sizes = [31, 256], strides = [1, 1]} : vector<32x256xf32> to vector<31x256xf32>
      %concatenate3A_1630 = tpu.concatenate %slice3A_1628, %slice3A_1629 in 0 : vector<1x256xf32>, vector<31x256xf32> -> vector<32x256xf32>
      %slice3A_1631 = vector.extract_strided_slice %concatenate3A {offsets = [1, 0], sizes = [31, 256], strides = [1, 1]} : vector<32x256xf32> to vector<31x256xf32>
      %slice3A_1632 = vector.extract_strided_slice %concatenate3A {offsets = [0, 0], sizes = [1, 256], strides = [1, 1]} : vector<32x256xf32> to vector<1x256xf32>
      %concatenate3A_1633 = tpu.concatenate %slice3A_1631, %slice3A_1632 in 0 : vector<31x256xf32>, vector<1x256xf32> -> vector<32x256xf32>
      %broadcast_in_dim3A_1634 = vector.shape_cast %ne3A_1611 : vector<32x1xi1> to vector<32x1xi1>
      %broadcast_in_dim3A_1635 = vector.broadcast %broadcast_in_dim3A_1634 : vector<32x1xi1> to vector<32x256xi1>
      %select_n3A_1636 = arith.select %broadcast_in_dim3A_1635, %concatenate3A_1630, %concatenate3A_1633 : vector<32x256xi1>, vector<32x256xf32>
      %slice3A_1637 = vector.extract_strided_slice %concatenate3A_1587 {offsets = [31, 0], sizes = [1, 256], strides = [1, 1]} : vector<32x256xf32> to vector<1x256xf32>
      %slice3A_1638 = vector.extract_strided_slice %concatenate3A_1587 {offsets = [0, 0], sizes = [31, 256], strides = [1, 1]} : vector<32x256xf32> to vector<31x256xf32>
      %concatenate3A_1639 = tpu.concatenate %slice3A_1637, %slice3A_1638 in 0 : vector<1x256xf32>, vector<31x256xf32> -> vector<32x256xf32>
      %slice3A_1640 = vector.extract_strided_slice %concatenate3A_1587 {offsets = [1, 0], sizes = [31, 256], strides = [1, 1]} : vector<32x256xf32> to vector<31x256xf32>
      %slice3A_1641 = vector.extract_strided_slice %concatenate3A_1587 {offsets = [0, 0], sizes = [1, 256], strides = [1, 1]} : vector<32x256xf32> to vector<1x256xf32>
      %concatenate3A_1642 = tpu.concatenate %slice3A_1640, %slice3A_1641 in 0 : vector<31x256xf32>, vector<1x256xf32> -> vector<32x256xf32>
      %broadcast_in_dim3A_1643 = vector.shape_cast %ne3A_1611 : vector<32x1xi1> to vector<32x1xi1>
      %broadcast_in_dim3A_1644 = vector.broadcast %broadcast_in_dim3A_1643 : vector<32x1xi1> to vector<32x256xi1>
      %select_n3A_1645 = arith.select %broadcast_in_dim3A_1644, %concatenate3A_1639, %concatenate3A_1642 : vector<32x256xi1>, vector<32x256xf32>
      %lt3A_1646 = arith.cmpf olt, %concatenate3A, %select_n3A_1636 : vector<32x256xf32>
      %eq3A_1647 = arith.cmpf oeq, %concatenate3A, %select_n3A_1636 : vector<32x256xf32>
      %lt3A_1648 = arith.cmpf olt, %concatenate3A_1587, %select_n3A_1645 : vector<32x256xf32>
      %and3A_1649 = arith.andi %eq3A_1647, %lt3A_1648 : vector<32x256xi1>
      %or3A_1650 = arith.ori %lt3A_1646, %and3A_1649 : vector<32x256xi1>
      %xor3A = vector.broadcast %not3A_1627 : vector<32x1xi1> to vector<32x256xi1>
      %xor3A_1651 = arith.xori %xor3A, %or3A_1650 : vector<32x256xi1>
      %select_n3A_1652 = arith.select %xor3A_1651, %select_n3A_1636, %concatenate3A : vector<32x256xi1>, vector<32x256xf32>
      %select_n3A_1653 = arith.select %xor3A_1651, %select_n3A_1645, %concatenate3A_1587 : vector<32x256xi1>, vector<32x256xf32>
      %iota3A_1654 = tpu.iota {dimensions = array<i32: 0>} : vector<32x1xi32>
      %and3A_1655 = arith.constant 2 : i32
      %and3A_1656 = vector.broadcast %and3A_1655 : i32 to vector<32x1xi32>
      %and3A_1657 = arith.andi %iota3A_1654, %and3A_1656 : vector<32x1xi32>
      %ne3A_1658 = arith.constant 0 : i32
      %ne3A_1659 = vector.broadcast %ne3A_1658 : i32 to vector<32x1xi32>
      %ne3A_1660 = arith.cmpi ne, %and3A_1657, %ne3A_1659 : vector<32x1xi32>
      %and3A_1661 = arith.constant 2 : i32
      %and3A_1662 = vector.broadcast %and3A_1661 : i32 to vector<32x1xi32>
      %and3A_1663 = arith.andi %iota3A_1654, %and3A_1662 : vector<32x1xi32>
      %eq3A_1664 = arith.constant 0 : i32
      %eq3A_1665 = vector.broadcast %eq3A_1664 : i32 to vector<32x1xi32>
      %eq3A_1666 = arith.cmpi eq, %and3A_1663, %eq3A_1665 : vector<32x1xi32>
      %and3A_1667 = arith.constant 4 : i32
      %and3A_1668 = vector.broadcast %and3A_1667 : i32 to vector<32x1xi32>
      %and3A_1669 = arith.andi %iota3A_1654, %and3A_1668 : vector<32x1xi32>
      %eq3A_1670 = arith.constant 0 : i32
      %eq3A_1671 = vector.broadcast %eq3A_1670 : i32 to vector<32x1xi32>
      %eq3A_1672 = arith.cmpi eq, %and3A_1669, %eq3A_1671 : vector<32x1xi32>
      %eq3A_1673 = arith.xori %eq3A_1666, %eq3A_1672 : vector<32x1xi1>
      %eq3A_1674 = arith.constant dense<true> : vector<32x1xi1>
      %eq3A_1675 = arith.xori %eq3A_1673, %eq3A_1674 : vector<32x1xi1>
      %not3A_1676 = arith.constant dense<true> : vector<32x1xi1>
      %not3A_1677 = arith.xori %eq3A_1675, %not3A_1676 : vector<32x1xi1>
      %slice3A_1678 = vector.extract_strided_slice %select_n3A_1652 {offsets = [30, 0], sizes = [2, 256], strides = [1, 1]} : vector<32x256xf32> to vector<2x256xf32>
      %slice3A_1679 = vector.extract_strided_slice %select_n3A_1652 {offsets = [0, 0], sizes = [30, 256], strides = [1, 1]} : vector<32x256xf32> to vector<30x256xf32>
      %concatenate3A_1680 = tpu.concatenate %slice3A_1678, %slice3A_1679 in 0 : vector<2x256xf32>, vector<30x256xf32> -> vector<32x256xf32>
      %slice3A_1681 = vector.extract_strided_slice %select_n3A_1652 {offsets = [2, 0], sizes = [30, 256], strides = [1, 1]} : vector<32x256xf32> to vector<30x256xf32>
      %slice3A_1682 = vector.extract_strided_slice %select_n3A_1652 {offsets = [0, 0], sizes = [2, 256], strides = [1, 1]} : vector<32x256xf32> to vector<2x256xf32>
      %concatenate3A_1683 = tpu.concatenate %slice3A_1681, %slice3A_1682 in 0 : vector<30x256xf32>, vector<2x256xf32> -> vector<32x256xf32>
      %broadcast_in_dim3A_1684 = vector.shape_cast %ne3A_1660 : vector<32x1xi1> to vector<32x1xi1>
      %broadcast_in_dim3A_1685 = vector.broadcast %broadcast_in_dim3A_1684 : vector<32x1xi1> to vector<32x256xi1>
      %select_n3A_1686 = arith.select %broadcast_in_dim3A_1685, %concatenate3A_1680, %concatenate3A_1683 : vector<32x256xi1>, vector<32x256xf32>
      %slice3A_1687 = vector.extract_strided_slice %select_n3A_1653 {offsets = [30, 0], sizes = [2, 256], strides = [1, 1]} : vector<32x256xf32> to vector<2x256xf32>
      %slice3A_1688 = vector.extract_strided_slice %select_n3A_1653 {offsets = [0, 0], sizes = [30, 256], strides = [1, 1]} : vector<32x256xf32> to vector<30x256xf32>
      %concatenate3A_1689 = tpu.concatenate %slice3A_1687, %slice3A_1688 in 0 : vector<2x256xf32>, vector<30x256xf32> -> vector<32x256xf32>
      %slice3A_1690 = vector.extract_strided_slice %select_n3A_1653 {offsets = [2, 0], sizes = [30, 256], strides = [1, 1]} : vector<32x256xf32> to vector<30x256xf32>
      %slice3A_1691 = vector.extract_strided_slice %select_n3A_1653 {offsets = [0, 0], sizes = [2, 256], strides = [1, 1]} : vector<32x256xf32> to vector<2x256xf32>
      %concatenate3A_1692 = tpu.concatenate %slice3A_1690, %slice3A_1691 in 0 : vector<30x256xf32>, vector<2x256xf32> -> vector<32x256xf32>
      %broadcast_in_dim3A_1693 = vector.shape_cast %ne3A_1660 : vector<32x1xi1> to vector<32x1xi1>
      %broadcast_in_dim3A_1694 = vector.broadcast %broadcast_in_dim3A_1693 : vector<32x1xi1> to vector<32x256xi1>
      %select_n3A_1695 = arith.select %broadcast_in_dim3A_1694, %concatenate3A_1689, %concatenate3A_1692 : vector<32x256xi1>, vector<32x256xf32>
      %lt3A_1696 = arith.cmpf olt, %select_n3A_1652, %select_n3A_1686 : vector<32x256xf32>
      %eq3A_1697 = arith.cmpf oeq, %select_n3A_1652, %select_n3A_1686 : vector<32x256xf32>
      %lt3A_1698 = arith.cmpf olt, %select_n3A_1653, %select_n3A_1695 : vector<32x256xf32>
      %and3A_1699 = arith.andi %eq3A_1697, %lt3A_1698 : vector<32x256xi1>
      %or3A_1700 = arith.ori %lt3A_1696, %and3A_1699 : vector<32x256xi1>
      %xor3A_1701 = vector.broadcast %not3A_1677 : vector<32x1xi1> to vector<32x256xi1>
      %xor3A_1702 = arith.xori %xor3A_1701, %or3A_1700 : vector<32x256xi1>
      %select_n3A_1703 = arith.select %xor3A_1702, %select_n3A_1686, %select_n3A_1652 : vector<32x256xi1>, vector<32x256xf32>
      %select_n3A_1704 = arith.select %xor3A_1702, %select_n3A_1695, %select_n3A_1653 : vector<32x256xi1>, vector<32x256xf32>
      %iota3A_1705 = tpu.iota {dimensions = array<i32: 0>} : vector<32x1xi32>
      %and3A_1706 = arith.constant 1 : i32
      %and3A_1707 = vector.broadcast %and3A_1706 : i32 to vector<32x1xi32>
      %and3A_1708 = arith.andi %iota3A_1705, %and3A_1707 : vector<32x1xi32>
      %ne3A_1709 = arith.constant 0 : i32
      %ne3A_1710 = vector.broadcast %ne3A_1709 : i32 to vector<32x1xi32>
      %ne3A_1711 = arith.cmpi ne, %and3A_1708, %ne3A_1710 : vector<32x1xi32>
      %and3A_1712 = arith.constant 1 : i32
      %and3A_1713 = vector.broadcast %and3A_1712 : i32 to vector<32x1xi32>
      %and3A_1714 = arith.andi %iota3A_1705, %and3A_1713 : vector<32x1xi32>
      %eq3A_1715 = arith.constant 0 : i32
      %eq3A_1716 = vector.broadcast %eq3A_1715 : i32 to vector<32x1xi32>
      %eq3A_1717 = arith.cmpi eq, %and3A_1714, %eq3A_1716 : vector<32x1xi32>
      %and3A_1718 = arith.constant 4 : i32
      %and3A_1719 = vector.broadcast %and3A_1718 : i32 to vector<32x1xi32>
      %and3A_1720 = arith.andi %iota3A_1705, %and3A_1719 : vector<32x1xi32>
      %eq3A_1721 = arith.constant 0 : i32
      %eq3A_1722 = vector.broadcast %eq3A_1721 : i32 to vector<32x1xi32>
      %eq3A_1723 = arith.cmpi eq, %and3A_1720, %eq3A_1722 : vector<32x1xi32>
      %eq3A_1724 = arith.xori %eq3A_1717, %eq3A_1723 : vector<32x1xi1>
      %eq3A_1725 = arith.constant dense<true> : vector<32x1xi1>
      %eq3A_1726 = arith.xori %eq3A_1724, %eq3A_1725 : vector<32x1xi1>
      %not3A_1727 = arith.constant dense<true> : vector<32x1xi1>
      %not3A_1728 = arith.xori %eq3A_1726, %not3A_1727 : vector<32x1xi1>
      %slice3A_1729 = vector.extract_strided_slice %select_n3A_1703 {offsets = [31, 0], sizes = [1, 256], strides = [1, 1]} : vector<32x256xf32> to vector<1x256xf32>
      %slice3A_1730 = vector.extract_strided_slice %select_n3A_1703 {offsets = [0, 0], sizes = [31, 256], strides = [1, 1]} : vector<32x256xf32> to vector<31x256xf32>
      %concatenate3A_1731 = tpu.concatenate %slice3A_1729, %slice3A_1730 in 0 : vector<1x256xf32>, vector<31x256xf32> -> vector<32x256xf32>
      %slice3A_1732 = vector.extract_strided_slice %select_n3A_1703 {offsets = [1, 0], sizes = [31, 256], strides = [1, 1]} : vector<32x256xf32> to vector<31x256xf32>
      %slice3A_1733 = vector.extract_strided_slice %select_n3A_1703 {offsets = [0, 0], sizes = [1, 256], strides = [1, 1]} : vector<32x256xf32> to vector<1x256xf32>
      %concatenate3A_1734 = tpu.concatenate %slice3A_1732, %slice3A_1733 in 0 : vector<31x256xf32>, vector<1x256xf32> -> vector<32x256xf32>
      %broadcast_in_dim3A_1735 = vector.shape_cast %ne3A_1711 : vector<32x1xi1> to vector<32x1xi1>
      %broadcast_in_dim3A_1736 = vector.broadcast %broadcast_in_dim3A_1735 : vector<32x1xi1> to vector<32x256xi1>
      %select_n3A_1737 = arith.select %broadcast_in_dim3A_1736, %concatenate3A_1731, %concatenate3A_1734 : vector<32x256xi1>, vector<32x256xf32>
      %slice3A_1738 = vector.extract_strided_slice %select_n3A_1704 {offsets = [31, 0], sizes = [1, 256], strides = [1, 1]} : vector<32x256xf32> to vector<1x256xf32>
      %slice3A_1739 = vector.extract_strided_slice %select_n3A_1704 {offsets = [0, 0], sizes = [31, 256], strides = [1, 1]} : vector<32x256xf32> to vector<31x256xf32>
      %concatenate3A_1740 = tpu.concatenate %slice3A_1738, %slice3A_1739 in 0 : vector<1x256xf32>, vector<31x256xf32> -> vector<32x256xf32>
      %slice3A_1741 = vector.extract_strided_slice %select_n3A_1704 {offsets = [1, 0], sizes = [31, 256], strides = [1, 1]} : vector<32x256xf32> to vector<31x256xf32>
      %slice3A_1742 = vector.extract_strided_slice %select_n3A_1704 {offsets = [0, 0], sizes = [1, 256], strides = [1, 1]} : vector<32x256xf32> to vector<1x256xf32>
      %concatenate3A_1743 = tpu.concatenate %slice3A_1741, %slice3A_1742 in 0 : vector<31x256xf32>, vector<1x256xf32> -> vector<32x256xf32>
      %broadcast_in_dim3A_1744 = vector.shape_cast %ne3A_1711 : vector<32x1xi1> to vector<32x1xi1>
      %broadcast_in_dim3A_1745 = vector.broadcast %broadcast_in_dim3A_1744 : vector<32x1xi1> to vector<32x256xi1>
      %select_n3A_1746 = arith.select %broadcast_in_dim3A_1745, %concatenate3A_1740, %concatenate3A_1743 : vector<32x256xi1>, vector<32x256xf32>
      %lt3A_1747 = arith.cmpf olt, %select_n3A_1703, %select_n3A_1737 : vector<32x256xf32>
      %eq3A_1748 = arith.cmpf oeq, %select_n3A_1703, %select_n3A_1737 : vector<32x256xf32>
      %lt3A_1749 = arith.cmpf olt, %select_n3A_1704, %select_n3A_1746 : vector<32x256xf32>
      %and3A_1750 = arith.andi %eq3A_1748, %lt3A_1749 : vector<32x256xi1>
      %or3A_1751 = arith.ori %lt3A_1747, %and3A_1750 : vector<32x256xi1>
      %xor3A_1752 = vector.broadcast %not3A_1728 : vector<32x1xi1> to vector<32x256xi1>
      %xor3A_1753 = arith.xori %xor3A_1752, %or3A_1751 : vector<32x256xi1>
      %select_n3A_1754 = arith.select %xor3A_1753, %select_n3A_1737, %select_n3A_1703 : vector<32x256xi1>, vector<32x256xf32>
      %select_n3A_1755 = arith.select %xor3A_1753, %select_n3A_1746, %select_n3A_1704 : vector<32x256xi1>, vector<32x256xf32>
      %iota3A_1756 = tpu.iota {dimensions = array<i32: 0>} : vector<32x1xi32>
      %and3A_1757 = arith.constant 4 : i32
      %and3A_1758 = vector.broadcast %and3A_1757 : i32 to vector<32x1xi32>
      %and3A_1759 = arith.andi %iota3A_1756, %and3A_1758 : vector<32x1xi32>
      %ne3A_1760 = arith.constant 0 : i32
      %ne3A_1761 = vector.broadcast %ne3A_1760 : i32 to vector<32x1xi32>
      %ne3A_1762 = arith.cmpi ne, %and3A_1759, %ne3A_1761 : vector<32x1xi32>
      %and3A_1763 = arith.constant 4 : i32
      %and3A_1764 = vector.broadcast %and3A_1763 : i32 to vector<32x1xi32>
      %and3A_1765 = arith.andi %iota3A_1756, %and3A_1764 : vector<32x1xi32>
      %eq3A_1766 = arith.constant 0 : i32
      %eq3A_1767 = vector.broadcast %eq3A_1766 : i32 to vector<32x1xi32>
      %eq3A_1768 = arith.cmpi eq, %and3A_1765, %eq3A_1767 : vector<32x1xi32>
      %and3A_1769 = arith.constant 8 : i32
      %and3A_1770 = vector.broadcast %and3A_1769 : i32 to vector<32x1xi32>
      %and3A_1771 = arith.andi %iota3A_1756, %and3A_1770 : vector<32x1xi32>
      %eq3A_1772 = arith.constant 0 : i32
      %eq3A_1773 = vector.broadcast %eq3A_1772 : i32 to vector<32x1xi32>
      %eq3A_1774 = arith.cmpi eq, %and3A_1771, %eq3A_1773 : vector<32x1xi32>
      %eq3A_1775 = arith.xori %eq3A_1768, %eq3A_1774 : vector<32x1xi1>
      %eq3A_1776 = arith.constant dense<true> : vector<32x1xi1>
      %eq3A_1777 = arith.xori %eq3A_1775, %eq3A_1776 : vector<32x1xi1>
      %not3A_1778 = arith.constant dense<true> : vector<32x1xi1>
      %not3A_1779 = arith.xori %eq3A_1777, %not3A_1778 : vector<32x1xi1>
      %slice3A_1780 = vector.extract_strided_slice %select_n3A_1754 {offsets = [28, 0], sizes = [4, 256], strides = [1, 1]} : vector<32x256xf32> to vector<4x256xf32>
      %slice3A_1781 = vector.extract_strided_slice %select_n3A_1754 {offsets = [0, 0], sizes = [28, 256], strides = [1, 1]} : vector<32x256xf32> to vector<28x256xf32>
      %concatenate3A_1782 = tpu.concatenate %slice3A_1780, %slice3A_1781 in 0 : vector<4x256xf32>, vector<28x256xf32> -> vector<32x256xf32>
      %slice3A_1783 = vector.extract_strided_slice %select_n3A_1754 {offsets = [4, 0], sizes = [28, 256], strides = [1, 1]} : vector<32x256xf32> to vector<28x256xf32>
      %slice3A_1784 = vector.extract_strided_slice %select_n3A_1754 {offsets = [0, 0], sizes = [4, 256], strides = [1, 1]} : vector<32x256xf32> to vector<4x256xf32>
      %concatenate3A_1785 = tpu.concatenate %slice3A_1783, %slice3A_1784 in 0 : vector<28x256xf32>, vector<4x256xf32> -> vector<32x256xf32>
      %broadcast_in_dim3A_1786 = vector.shape_cast %ne3A_1762 : vector<32x1xi1> to vector<32x1xi1>
      %broadcast_in_dim3A_1787 = vector.broadcast %broadcast_in_dim3A_1786 : vector<32x1xi1> to vector<32x256xi1>
      %select_n3A_1788 = arith.select %broadcast_in_dim3A_1787, %concatenate3A_1782, %concatenate3A_1785 : vector<32x256xi1>, vector<32x256xf32>
      %slice3A_1789 = vector.extract_strided_slice %select_n3A_1755 {offsets = [28, 0], sizes = [4, 256], strides = [1, 1]} : vector<32x256xf32> to vector<4x256xf32>
      %slice3A_1790 = vector.extract_strided_slice %select_n3A_1755 {offsets = [0, 0], sizes = [28, 256], strides = [1, 1]} : vector<32x256xf32> to vector<28x256xf32>
      %concatenate3A_1791 = tpu.concatenate %slice3A_1789, %slice3A_1790 in 0 : vector<4x256xf32>, vector<28x256xf32> -> vector<32x256xf32>
      %slice3A_1792 = vector.extract_strided_slice %select_n3A_1755 {offsets = [4, 0], sizes = [28, 256], strides = [1, 1]} : vector<32x256xf32> to vector<28x256xf32>
      %slice3A_1793 = vector.extract_strided_slice %select_n3A_1755 {offsets = [0, 0], sizes = [4, 256], strides = [1, 1]} : vector<32x256xf32> to vector<4x256xf32>
      %concatenate3A_1794 = tpu.concatenate %slice3A_1792, %slice3A_1793 in 0 : vector<28x256xf32>, vector<4x256xf32> -> vector<32x256xf32>
      %broadcast_in_dim3A_1795 = vector.shape_cast %ne3A_1762 : vector<32x1xi1> to vector<32x1xi1>
      %broadcast_in_dim3A_1796 = vector.broadcast %broadcast_in_dim3A_1795 : vector<32x1xi1> to vector<32x256xi1>
      %select_n3A_1797 = arith.select %broadcast_in_dim3A_1796, %concatenate3A_1791, %concatenate3A_1794 : vector<32x256xi1>, vector<32x256xf32>
      %lt3A_1798 = arith.cmpf olt, %select_n3A_1754, %select_n3A_1788 : vector<32x256xf32>
      %eq3A_1799 = arith.cmpf oeq, %select_n3A_1754, %select_n3A_1788 : vector<32x256xf32>
      %lt3A_1800 = arith.cmpf olt, %select_n3A_1755, %select_n3A_1797 : vector<32x256xf32>
      %and3A_1801 = arith.andi %eq3A_1799, %lt3A_1800 : vector<32x256xi1>
      %or3A_1802 = arith.ori %lt3A_1798, %and3A_1801 : vector<32x256xi1>
      %xor3A_1803 = vector.broadcast %not3A_1779 : vector<32x1xi1> to vector<32x256xi1>
      %xor3A_1804 = arith.xori %xor3A_1803, %or3A_1802 : vector<32x256xi1>
      %select_n3A_1805 = arith.select %xor3A_1804, %select_n3A_1788, %select_n3A_1754 : vector<32x256xi1>, vector<32x256xf32>
      %select_n3A_1806 = arith.select %xor3A_1804, %select_n3A_1797, %select_n3A_1755 : vector<32x256xi1>, vector<32x256xf32>
      %iota3A_1807 = tpu.iota {dimensions = array<i32: 0>} : vector<32x1xi32>
      %and3A_1808 = arith.constant 2 : i32
      %and3A_1809 = vector.broadcast %and3A_1808 : i32 to vector<32x1xi32>
      %and3A_1810 = arith.andi %iota3A_1807, %and3A_1809 : vector<32x1xi32>
      %ne3A_1811 = arith.constant 0 : i32
      %ne3A_1812 = vector.broadcast %ne3A_1811 : i32 to vector<32x1xi32>
      %ne3A_1813 = arith.cmpi ne, %and3A_1810, %ne3A_1812 : vector<32x1xi32>
      %and3A_1814 = arith.constant 2 : i32
      %and3A_1815 = vector.broadcast %and3A_1814 : i32 to vector<32x1xi32>
      %and3A_1816 = arith.andi %iota3A_1807, %and3A_1815 : vector<32x1xi32>
      %eq3A_1817 = arith.constant 0 : i32
      %eq3A_1818 = vector.broadcast %eq3A_1817 : i32 to vector<32x1xi32>
      %eq3A_1819 = arith.cmpi eq, %and3A_1816, %eq3A_1818 : vector<32x1xi32>
      %and3A_1820 = arith.constant 8 : i32
      %and3A_1821 = vector.broadcast %and3A_1820 : i32 to vector<32x1xi32>
      %and3A_1822 = arith.andi %iota3A_1807, %and3A_1821 : vector<32x1xi32>
      %eq3A_1823 = arith.constant 0 : i32
      %eq3A_1824 = vector.broadcast %eq3A_1823 : i32 to vector<32x1xi32>
      %eq3A_1825 = arith.cmpi eq, %and3A_1822, %eq3A_1824 : vector<32x1xi32>
      %eq3A_1826 = arith.xori %eq3A_1819, %eq3A_1825 : vector<32x1xi1>
      %eq3A_1827 = arith.constant dense<true> : vector<32x1xi1>
      %eq3A_1828 = arith.xori %eq3A_1826, %eq3A_1827 : vector<32x1xi1>
      %not3A_1829 = arith.constant dense<true> : vector<32x1xi1>
      %not3A_1830 = arith.xori %eq3A_1828, %not3A_1829 : vector<32x1xi1>
      %slice3A_1831 = vector.extract_strided_slice %select_n3A_1805 {offsets = [30, 0], sizes = [2, 256], strides = [1, 1]} : vector<32x256xf32> to vector<2x256xf32>
      %slice3A_1832 = vector.extract_strided_slice %select_n3A_1805 {offsets = [0, 0], sizes = [30, 256], strides = [1, 1]} : vector<32x256xf32> to vector<30x256xf32>
      %concatenate3A_1833 = tpu.concatenate %slice3A_1831, %slice3A_1832 in 0 : vector<2x256xf32>, vector<30x256xf32> -> vector<32x256xf32>
      %slice3A_1834 = vector.extract_strided_slice %select_n3A_1805 {offsets = [2, 0], sizes = [30, 256], strides = [1, 1]} : vector<32x256xf32> to vector<30x256xf32>
      %slice3A_1835 = vector.extract_strided_slice %select_n3A_1805 {offsets = [0, 0], sizes = [2, 256], strides = [1, 1]} : vector<32x256xf32> to vector<2x256xf32>
      %concatenate3A_1836 = tpu.concatenate %slice3A_1834, %slice3A_1835 in 0 : vector<30x256xf32>, vector<2x256xf32> -> vector<32x256xf32>
      %broadcast_in_dim3A_1837 = vector.shape_cast %ne3A_1813 : vector<32x1xi1> to vector<32x1xi1>
      %broadcast_in_dim3A_1838 = vector.broadcast %broadcast_in_dim3A_1837 : vector<32x1xi1> to vector<32x256xi1>
      %select_n3A_1839 = arith.select %broadcast_in_dim3A_1838, %concatenate3A_1833, %concatenate3A_1836 : vector<32x256xi1>, vector<32x256xf32>
      %slice3A_1840 = vector.extract_strided_slice %select_n3A_1806 {offsets = [30, 0], sizes = [2, 256], strides = [1, 1]} : vector<32x256xf32> to vector<2x256xf32>
      %slice3A_1841 = vector.extract_strided_slice %select_n3A_1806 {offsets = [0, 0], sizes = [30, 256], strides = [1, 1]} : vector<32x256xf32> to vector<30x256xf32>
      %concatenate3A_1842 = tpu.concatenate %slice3A_1840, %slice3A_1841 in 0 : vector<2x256xf32>, vector<30x256xf32> -> vector<32x256xf32>
      %slice3A_1843 = vector.extract_strided_slice %select_n3A_1806 {offsets = [2, 0], sizes = [30, 256], strides = [1, 1]} : vector<32x256xf32> to vector<30x256xf32>
      %slice3A_1844 = vector.extract_strided_slice %select_n3A_1806 {offsets = [0, 0], sizes = [2, 256], strides = [1, 1]} : vector<32x256xf32> to vector<2x256xf32>
      %concatenate3A_1845 = tpu.concatenate %slice3A_1843, %slice3A_1844 in 0 : vector<30x256xf32>, vector<2x256xf32> -> vector<32x256xf32>
      %broadcast_in_dim3A_1846 = vector.shape_cast %ne3A_1813 : vector<32x1xi1> to vector<32x1xi1>
      %broadcast_in_dim3A_1847 = vector.broadcast %broadcast_in_dim3A_1846 : vector<32x1xi1> to vector<32x256xi1>
      %select_n3A_1848 = arith.select %broadcast_in_dim3A_1847, %concatenate3A_1842, %concatenate3A_1845 : vector<32x256xi1>, vector<32x256xf32>
      %lt3A_1849 = arith.cmpf olt, %select_n3A_1805, %select_n3A_1839 : vector<32x256xf32>
      %eq3A_1850 = arith.cmpf oeq, %select_n3A_1805, %select_n3A_1839 : vector<32x256xf32>
      %lt3A_1851 = arith.cmpf olt, %select_n3A_1806, %select_n3A_1848 : vector<32x256xf32>
      %and3A_1852 = arith.andi %eq3A_1850, %lt3A_1851 : vector<32x256xi1>
      %or3A_1853 = arith.ori %lt3A_1849, %and3A_1852 : vector<32x256xi1>
      %xor3A_1854 = vector.broadcast %not3A_1830 : vector<32x1xi1> to vector<32x256xi1>
      %xor3A_1855 = arith.xori %xor3A_1854, %or3A_1853 : vector<32x256xi1>
      %select_n3A_1856 = arith.select %xor3A_1855, %select_n3A_1839, %select_n3A_1805 : vector<32x256xi1>, vector<32x256xf32>
      %select_n3A_1857 = arith.select %xor3A_1855, %select_n3A_1848, %select_n3A_1806 : vector<32x256xi1>, vector<32x256xf32>
      %iota3A_1858 = tpu.iota {dimensions = array<i32: 0>} : vector<32x1xi32>
      %and3A_1859 = arith.constant 1 : i32
      %and3A_1860 = vector.broadcast %and3A_1859 : i32 to vector<32x1xi32>
      %and3A_1861 = arith.andi %iota3A_1858, %and3A_1860 : vector<32x1xi32>
      %ne3A_1862 = arith.constant 0 : i32
      %ne3A_1863 = vector.broadcast %ne3A_1862 : i32 to vector<32x1xi32>
      %ne3A_1864 = arith.cmpi ne, %and3A_1861, %ne3A_1863 : vector<32x1xi32>
      %and3A_1865 = arith.constant 1 : i32
      %and3A_1866 = vector.broadcast %and3A_1865 : i32 to vector<32x1xi32>
      %and3A_1867 = arith.andi %iota3A_1858, %and3A_1866 : vector<32x1xi32>
      %eq3A_1868 = arith.constant 0 : i32
      %eq3A_1869 = vector.broadcast %eq3A_1868 : i32 to vector<32x1xi32>
      %eq3A_1870 = arith.cmpi eq, %and3A_1867, %eq3A_1869 : vector<32x1xi32>
      %and3A_1871 = arith.constant 8 : i32
      %and3A_1872 = vector.broadcast %and3A_1871 : i32 to vector<32x1xi32>
      %and3A_1873 = arith.andi %iota3A_1858, %and3A_1872 : vector<32x1xi32>
      %eq3A_1874 = arith.constant 0 : i32
      %eq3A_1875 = vector.broadcast %eq3A_1874 : i32 to vector<32x1xi32>
      %eq3A_1876 = arith.cmpi eq, %and3A_1873, %eq3A_1875 : vector<32x1xi32>
      %eq3A_1877 = arith.xori %eq3A_1870, %eq3A_1876 : vector<32x1xi1>
      %eq3A_1878 = arith.constant dense<true> : vector<32x1xi1>
      %eq3A_1879 = arith.xori %eq3A_1877, %eq3A_1878 : vector<32x1xi1>
      %not3A_1880 = arith.constant dense<true> : vector<32x1xi1>
      %not3A_1881 = arith.xori %eq3A_1879, %not3A_1880 : vector<32x1xi1>
      %slice3A_1882 = vector.extract_strided_slice %select_n3A_1856 {offsets = [31, 0], sizes = [1, 256], strides = [1, 1]} : vector<32x256xf32> to vector<1x256xf32>
      %slice3A_1883 = vector.extract_strided_slice %select_n3A_1856 {offsets = [0, 0], sizes = [31, 256], strides = [1, 1]} : vector<32x256xf32> to vector<31x256xf32>
      %concatenate3A_1884 = tpu.concatenate %slice3A_1882, %slice3A_1883 in 0 : vector<1x256xf32>, vector<31x256xf32> -> vector<32x256xf32>
      %slice3A_1885 = vector.extract_strided_slice %select_n3A_1856 {offsets = [1, 0], sizes = [31, 256], strides = [1, 1]} : vector<32x256xf32> to vector<31x256xf32>
      %slice3A_1886 = vector.extract_strided_slice %select_n3A_1856 {offsets = [0, 0], sizes = [1, 256], strides = [1, 1]} : vector<32x256xf32> to vector<1x256xf32>
      %concatenate3A_1887 = tpu.concatenate %slice3A_1885, %slice3A_1886 in 0 : vector<31x256xf32>, vector<1x256xf32> -> vector<32x256xf32>
      %broadcast_in_dim3A_1888 = vector.shape_cast %ne3A_1864 : vector<32x1xi1> to vector<32x1xi1>
      %broadcast_in_dim3A_1889 = vector.broadcast %broadcast_in_dim3A_1888 : vector<32x1xi1> to vector<32x256xi1>
      %select_n3A_1890 = arith.select %broadcast_in_dim3A_1889, %concatenate3A_1884, %concatenate3A_1887 : vector<32x256xi1>, vector<32x256xf32>
      %slice3A_1891 = vector.extract_strided_slice %select_n3A_1857 {offsets = [31, 0], sizes = [1, 256], strides = [1, 1]} : vector<32x256xf32> to vector<1x256xf32>
      %slice3A_1892 = vector.extract_strided_slice %select_n3A_1857 {offsets = [0, 0], sizes = [31, 256], strides = [1, 1]} : vector<32x256xf32> to vector<31x256xf32>
      %concatenate3A_1893 = tpu.concatenate %slice3A_1891, %slice3A_1892 in 0 : vector<1x256xf32>, vector<31x256xf32> -> vector<32x256xf32>
      %slice3A_1894 = vector.extract_strided_slice %select_n3A_1857 {offsets = [1, 0], sizes = [31, 256], strides = [1, 1]} : vector<32x256xf32> to vector<31x256xf32>
      %slice3A_1895 = vector.extract_strided_slice %select_n3A_1857 {offsets = [0, 0], sizes = [1, 256], strides = [1, 1]} : vector<32x256xf32> to vector<1x256xf32>
      %concatenate3A_1896 = tpu.concatenate %slice3A_1894, %slice3A_1895 in 0 : vector<31x256xf32>, vector<1x256xf32> -> vector<32x256xf32>
      %broadcast_in_dim3A_1897 = vector.shape_cast %ne3A_1864 : vector<32x1xi1> to vector<32x1xi1>
      %broadcast_in_dim3A_1898 = vector.broadcast %broadcast_in_dim3A_1897 : vector<32x1xi1> to vector<32x256xi1>
      %select_n3A_1899 = arith.select %broadcast_in_dim3A_1898, %concatenate3A_1893, %concatenate3A_1896 : vector<32x256xi1>, vector<32x256xf32>
      %lt3A_1900 = arith.cmpf olt, %select_n3A_1856, %select_n3A_1890 : vector<32x256xf32>
      %eq3A_1901 = arith.cmpf oeq, %select_n3A_1856, %select_n3A_1890 : vector<32x256xf32>
      %lt3A_1902 = arith.cmpf olt, %select_n3A_1857, %select_n3A_1899 : vector<32x256xf32>
      %and3A_1903 = arith.andi %eq3A_1901, %lt3A_1902 : vector<32x256xi1>
      %or3A_1904 = arith.ori %lt3A_1900, %and3A_1903 : vector<32x256xi1>
      %xor3A_1905 = vector.broadcast %not3A_1881 : vector<32x1xi1> to vector<32x256xi1>
      %xor3A_1906 = arith.xori %xor3A_1905, %or3A_1904 : vector<32x256xi1>
      %select_n3A_1907 = arith.select %xor3A_1906, %select_n3A_1890, %select_n3A_1856 : vector<32x256xi1>, vector<32x256xf32>
      %select_n3A_1908 = arith.select %xor3A_1906, %select_n3A_1899, %select_n3A_1857 : vector<32x256xi1>, vector<32x256xf32>
      %iota3A_1909 = tpu.iota {dimensions = array<i32: 0>} : vector<32x1xi32>
      %and3A_1910 = arith.constant 8 : i32
      %and3A_1911 = vector.broadcast %and3A_1910 : i32 to vector<32x1xi32>
      %and3A_1912 = arith.andi %iota3A_1909, %and3A_1911 : vector<32x1xi32>
      %ne3A_1913 = arith.constant 0 : i32
      %ne3A_1914 = vector.broadcast %ne3A_1913 : i32 to vector<32x1xi32>
      %ne3A_1915 = arith.cmpi ne, %and3A_1912, %ne3A_1914 : vector<32x1xi32>
      %and3A_1916 = arith.constant 8 : i32
      %and3A_1917 = vector.broadcast %and3A_1916 : i32 to vector<32x1xi32>
      %and3A_1918 = arith.andi %iota3A_1909, %and3A_1917 : vector<32x1xi32>
      %eq3A_1919 = arith.constant 0 : i32
      %eq3A_1920 = vector.broadcast %eq3A_1919 : i32 to vector<32x1xi32>
      %eq3A_1921 = arith.cmpi eq, %and3A_1918, %eq3A_1920 : vector<32x1xi32>
      %and3A_1922 = arith.constant 16 : i32
      %and3A_1923 = vector.broadcast %and3A_1922 : i32 to vector<32x1xi32>
      %and3A_1924 = arith.andi %iota3A_1909, %and3A_1923 : vector<32x1xi32>
      %eq3A_1925 = arith.constant 0 : i32
      %eq3A_1926 = vector.broadcast %eq3A_1925 : i32 to vector<32x1xi32>
      %eq3A_1927 = arith.cmpi eq, %and3A_1924, %eq3A_1926 : vector<32x1xi32>
      %eq3A_1928 = arith.xori %eq3A_1921, %eq3A_1927 : vector<32x1xi1>
      %eq3A_1929 = arith.constant dense<true> : vector<32x1xi1>
      %eq3A_1930 = arith.xori %eq3A_1928, %eq3A_1929 : vector<32x1xi1>
      %not3A_1931 = arith.constant dense<true> : vector<32x1xi1>
      %not3A_1932 = arith.xori %eq3A_1930, %not3A_1931 : vector<32x1xi1>
      %slice3A_1933 = vector.extract_strided_slice %select_n3A_1907 {offsets = [24, 0], sizes = [8, 256], strides = [1, 1]} : vector<32x256xf32> to vector<8x256xf32>
      %slice3A_1934 = vector.extract_strided_slice %select_n3A_1907 {offsets = [0, 0], sizes = [24, 256], strides = [1, 1]} : vector<32x256xf32> to vector<24x256xf32>
      %concatenate3A_1935 = tpu.concatenate %slice3A_1933, %slice3A_1934 in 0 : vector<8x256xf32>, vector<24x256xf32> -> vector<32x256xf32>
      %slice3A_1936 = vector.extract_strided_slice %select_n3A_1907 {offsets = [8, 0], sizes = [24, 256], strides = [1, 1]} : vector<32x256xf32> to vector<24x256xf32>
      %slice3A_1937 = vector.extract_strided_slice %select_n3A_1907 {offsets = [0, 0], sizes = [8, 256], strides = [1, 1]} : vector<32x256xf32> to vector<8x256xf32>
      %concatenate3A_1938 = tpu.concatenate %slice3A_1936, %slice3A_1937 in 0 : vector<24x256xf32>, vector<8x256xf32> -> vector<32x256xf32>
      %broadcast_in_dim3A_1939 = vector.shape_cast %ne3A_1915 : vector<32x1xi1> to vector<32x1xi1>
      %broadcast_in_dim3A_1940 = vector.broadcast %broadcast_in_dim3A_1939 : vector<32x1xi1> to vector<32x256xi1>
      %select_n3A_1941 = arith.select %broadcast_in_dim3A_1940, %concatenate3A_1935, %concatenate3A_1938 : vector<32x256xi1>, vector<32x256xf32>
      %slice3A_1942 = vector.extract_strided_slice %select_n3A_1908 {offsets = [24, 0], sizes = [8, 256], strides = [1, 1]} : vector<32x256xf32> to vector<8x256xf32>
      %slice3A_1943 = vector.extract_strided_slice %select_n3A_1908 {offsets = [0, 0], sizes = [24, 256], strides = [1, 1]} : vector<32x256xf32> to vector<24x256xf32>
      %concatenate3A_1944 = tpu.concatenate %slice3A_1942, %slice3A_1943 in 0 : vector<8x256xf32>, vector<24x256xf32> -> vector<32x256xf32>
      %slice3A_1945 = vector.extract_strided_slice %select_n3A_1908 {offsets = [8, 0], sizes = [24, 256], strides = [1, 1]} : vector<32x256xf32> to vector<24x256xf32>
      %slice3A_1946 = vector.extract_strided_slice %select_n3A_1908 {offsets = [0, 0], sizes = [8, 256], strides = [1, 1]} : vector<32x256xf32> to vector<8x256xf32>
      %concatenate3A_1947 = tpu.concatenate %slice3A_1945, %slice3A_1946 in 0 : vector<24x256xf32>, vector<8x256xf32> -> vector<32x256xf32>
      %broadcast_in_dim3A_1948 = vector.shape_cast %ne3A_1915 : vector<32x1xi1> to vector<32x1xi1>
      %broadcast_in_dim3A_1949 = vector.broadcast %broadcast_in_dim3A_1948 : vector<32x1xi1> to vector<32x256xi1>
      %select_n3A_1950 = arith.select %broadcast_in_dim3A_1949, %concatenate3A_1944, %concatenate3A_1947 : vector<32x256xi1>, vector<32x256xf32>
      %lt3A_1951 = arith.cmpf olt, %select_n3A_1907, %select_n3A_1941 : vector<32x256xf32>
      %eq3A_1952 = arith.cmpf oeq, %select_n3A_1907, %select_n3A_1941 : vector<32x256xf32>
      %lt3A_1953 = arith.cmpf olt, %select_n3A_1908, %select_n3A_1950 : vector<32x256xf32>
      %and3A_1954 = arith.andi %eq3A_1952, %lt3A_1953 : vector<32x256xi1>
      %or3A_1955 = arith.ori %lt3A_1951, %and3A_1954 : vector<32x256xi1>
      %xor3A_1956 = vector.broadcast %not3A_1932 : vector<32x1xi1> to vector<32x256xi1>
      %xor3A_1957 = arith.xori %xor3A_1956, %or3A_1955 : vector<32x256xi1>
      %select_n3A_1958 = arith.select %xor3A_1957, %select_n3A_1941, %select_n3A_1907 : vector<32x256xi1>, vector<32x256xf32>
      %select_n3A_1959 = arith.select %xor3A_1957, %select_n3A_1950, %select_n3A_1908 : vector<32x256xi1>, vector<32x256xf32>
      %iota3A_1960 = tpu.iota {dimensions = array<i32: 0>} : vector<32x1xi32>
      %and3A_1961 = arith.constant 4 : i32
      %and3A_1962 = vector.broadcast %and3A_1961 : i32 to vector<32x1xi32>
      %and3A_1963 = arith.andi %iota3A_1960, %and3A_1962 : vector<32x1xi32>
      %ne3A_1964 = arith.constant 0 : i32
      %ne3A_1965 = vector.broadcast %ne3A_1964 : i32 to vector<32x1xi32>
      %ne3A_1966 = arith.cmpi ne, %and3A_1963, %ne3A_1965 : vector<32x1xi32>
      %and3A_1967 = arith.constant 4 : i32
      %and3A_1968 = vector.broadcast %and3A_1967 : i32 to vector<32x1xi32>
      %and3A_1969 = arith.andi %iota3A_1960, %and3A_1968 : vector<32x1xi32>
      %eq3A_1970 = arith.constant 0 : i32
      %eq3A_1971 = vector.broadcast %eq3A_1970 : i32 to vector<32x1xi32>
      %eq3A_1972 = arith.cmpi eq, %and3A_1969, %eq3A_1971 : vector<32x1xi32>
      %and3A_1973 = arith.constant 16 : i32
      %and3A_1974 = vector.broadcast %and3A_1973 : i32 to vector<32x1xi32>
      %and3A_1975 = arith.andi %iota3A_1960, %and3A_1974 : vector<32x1xi32>
      %eq3A_1976 = arith.constant 0 : i32
      %eq3A_1977 = vector.broadcast %eq3A_1976 : i32 to vector<32x1xi32>
      %eq3A_1978 = arith.cmpi eq, %and3A_1975, %eq3A_1977 : vector<32x1xi32>
      %eq3A_1979 = arith.xori %eq3A_1972, %eq3A_1978 : vector<32x1xi1>
      %eq3A_1980 = arith.constant dense<true> : vector<32x1xi1>
      %eq3A_1981 = arith.xori %eq3A_1979, %eq3A_1980 : vector<32x1xi1>
      %not3A_1982 = arith.constant dense<true> : vector<32x1xi1>
      %not3A_1983 = arith.xori %eq3A_1981, %not3A_1982 : vector<32x1xi1>
      %slice3A_1984 = vector.extract_strided_slice %select_n3A_1958 {offsets = [28, 0], sizes = [4, 256], strides = [1, 1]} : vector<32x256xf32> to vector<4x256xf32>
      %slice3A_1985 = vector.extract_strided_slice %select_n3A_1958 {offsets = [0, 0], sizes = [28, 256], strides = [1, 1]} : vector<32x256xf32> to vector<28x256xf32>
      %concatenate3A_1986 = tpu.concatenate %slice3A_1984, %slice3A_1985 in 0 : vector<4x256xf32>, vector<28x256xf32> -> vector<32x256xf32>
      %slice3A_1987 = vector.extract_strided_slice %select_n3A_1958 {offsets = [4, 0], sizes = [28, 256], strides = [1, 1]} : vector<32x256xf32> to vector<28x256xf32>
      %slice3A_1988 = vector.extract_strided_slice %select_n3A_1958 {offsets = [0, 0], sizes = [4, 256], strides = [1, 1]} : vector<32x256xf32> to vector<4x256xf32>
      %concatenate3A_1989 = tpu.concatenate %slice3A_1987, %slice3A_1988 in 0 : vector<28x256xf32>, vector<4x256xf32> -> vector<32x256xf32>
      %broadcast_in_dim3A_1990 = vector.shape_cast %ne3A_1966 : vector<32x1xi1> to vector<32x1xi1>
      %broadcast_in_dim3A_1991 = vector.broadcast %broadcast_in_dim3A_1990 : vector<32x1xi1> to vector<32x256xi1>
      %select_n3A_1992 = arith.select %broadcast_in_dim3A_1991, %concatenate3A_1986, %concatenate3A_1989 : vector<32x256xi1>, vector<32x256xf32>
      %slice3A_1993 = vector.extract_strided_slice %select_n3A_1959 {offsets = [28, 0], sizes = [4, 256], strides = [1, 1]} : vector<32x256xf32> to vector<4x256xf32>
      %slice3A_1994 = vector.extract_strided_slice %select_n3A_1959 {offsets = [0, 0], sizes = [28, 256], strides = [1, 1]} : vector<32x256xf32> to vector<28x256xf32>
      %concatenate3A_1995 = tpu.concatenate %slice3A_1993, %slice3A_1994 in 0 : vector<4x256xf32>, vector<28x256xf32> -> vector<32x256xf32>
      %slice3A_1996 = vector.extract_strided_slice %select_n3A_1959 {offsets = [4, 0], sizes = [28, 256], strides = [1, 1]} : vector<32x256xf32> to vector<28x256xf32>
      %slice3A_1997 = vector.extract_strided_slice %select_n3A_1959 {offsets = [0, 0], sizes = [4, 256], strides = [1, 1]} : vector<32x256xf32> to vector<4x256xf32>
      %concatenate3A_1998 = tpu.concatenate %slice3A_1996, %slice3A_1997 in 0 : vector<28x256xf32>, vector<4x256xf32> -> vector<32x256xf32>
      %broadcast_in_dim3A_1999 = vector.shape_cast %ne3A_1966 : vector<32x1xi1> to vector<32x1xi1>
      %broadcast_in_dim3A_2000 = vector.broadcast %broadcast_in_dim3A_1999 : vector<32x1xi1> to vector<32x256xi1>
      %select_n3A_2001 = arith.select %broadcast_in_dim3A_2000, %concatenate3A_1995, %concatenate3A_1998 : vector<32x256xi1>, vector<32x256xf32>
      %lt3A_2002 = arith.cmpf olt, %select_n3A_1958, %select_n3A_1992 : vector<32x256xf32>
      %eq3A_2003 = arith.cmpf oeq, %select_n3A_1958, %select_n3A_1992 : vector<32x256xf32>
      %lt3A_2004 = arith.cmpf olt, %select_n3A_1959, %select_n3A_2001 : vector<32x256xf32>
      %and3A_2005 = arith.andi %eq3A_2003, %lt3A_2004 : vector<32x256xi1>
      %or3A_2006 = arith.ori %lt3A_2002, %and3A_2005 : vector<32x256xi1>
      %xor3A_2007 = vector.broadcast %not3A_1983 : vector<32x1xi1> to vector<32x256xi1>
      %xor3A_2008 = arith.xori %xor3A_2007, %or3A_2006 : vector<32x256xi1>
      %select_n3A_2009 = arith.select %xor3A_2008, %select_n3A_1992, %select_n3A_1958 : vector<32x256xi1>, vector<32x256xf32>
      %select_n3A_2010 = arith.select %xor3A_2008, %select_n3A_2001, %select_n3A_1959 : vector<32x256xi1>, vector<32x256xf32>
      %iota3A_2011 = tpu.iota {dimensions = array<i32: 0>} : vector<32x1xi32>
      %and3A_2012 = arith.constant 2 : i32
      %and3A_2013 = vector.broadcast %and3A_2012 : i32 to vector<32x1xi32>
      %and3A_2014 = arith.andi %iota3A_2011, %and3A_2013 : vector<32x1xi32>
      %ne3A_2015 = arith.constant 0 : i32
      %ne3A_2016 = vector.broadcast %ne3A_2015 : i32 to vector<32x1xi32>
      %ne3A_2017 = arith.cmpi ne, %and3A_2014, %ne3A_2016 : vector<32x1xi32>
      %and3A_2018 = arith.constant 2 : i32
      %and3A_2019 = vector.broadcast %and3A_2018 : i32 to vector<32x1xi32>
      %and3A_2020 = arith.andi %iota3A_2011, %and3A_2019 : vector<32x1xi32>
      %eq3A_2021 = arith.constant 0 : i32
      %eq3A_2022 = vector.broadcast %eq3A_2021 : i32 to vector<32x1xi32>
      %eq3A_2023 = arith.cmpi eq, %and3A_2020, %eq3A_2022 : vector<32x1xi32>
      %and3A_2024 = arith.constant 16 : i32
      %and3A_2025 = vector.broadcast %and3A_2024 : i32 to vector<32x1xi32>
      %and3A_2026 = arith.andi %iota3A_2011, %and3A_2025 : vector<32x1xi32>
      %eq3A_2027 = arith.constant 0 : i32
      %eq3A_2028 = vector.broadcast %eq3A_2027 : i32 to vector<32x1xi32>
      %eq3A_2029 = arith.cmpi eq, %and3A_2026, %eq3A_2028 : vector<32x1xi32>
      %eq3A_2030 = arith.xori %eq3A_2023, %eq3A_2029 : vector<32x1xi1>
      %eq3A_2031 = arith.constant dense<true> : vector<32x1xi1>
      %eq3A_2032 = arith.xori %eq3A_2030, %eq3A_2031 : vector<32x1xi1>
      %not3A_2033 = arith.constant dense<true> : vector<32x1xi1>
      %not3A_2034 = arith.xori %eq3A_2032, %not3A_2033 : vector<32x1xi1>
      %slice3A_2035 = vector.extract_strided_slice %select_n3A_2009 {offsets = [30, 0], sizes = [2, 256], strides = [1, 1]} : vector<32x256xf32> to vector<2x256xf32>
      %slice3A_2036 = vector.extract_strided_slice %select_n3A_2009 {offsets = [0, 0], sizes = [30, 256], strides = [1, 1]} : vector<32x256xf32> to vector<30x256xf32>
      %concatenate3A_2037 = tpu.concatenate %slice3A_2035, %slice3A_2036 in 0 : vector<2x256xf32>, vector<30x256xf32> -> vector<32x256xf32>
      %slice3A_2038 = vector.extract_strided_slice %select_n3A_2009 {offsets = [2, 0], sizes = [30, 256], strides = [1, 1]} : vector<32x256xf32> to vector<30x256xf32>
      %slice3A_2039 = vector.extract_strided_slice %select_n3A_2009 {offsets = [0, 0], sizes = [2, 256], strides = [1, 1]} : vector<32x256xf32> to vector<2x256xf32>
      %concatenate3A_2040 = tpu.concatenate %slice3A_2038, %slice3A_2039 in 0 : vector<30x256xf32>, vector<2x256xf32> -> vector<32x256xf32>
      %broadcast_in_dim3A_2041 = vector.shape_cast %ne3A_2017 : vector<32x1xi1> to vector<32x1xi1>
      %broadcast_in_dim3A_2042 = vector.broadcast %broadcast_in_dim3A_2041 : vector<32x1xi1> to vector<32x256xi1>
      %select_n3A_2043 = arith.select %broadcast_in_dim3A_2042, %concatenate3A_2037, %concatenate3A_2040 : vector<32x256xi1>, vector<32x256xf32>
      %slice3A_2044 = vector.extract_strided_slice %select_n3A_2010 {offsets = [30, 0], sizes = [2, 256], strides = [1, 1]} : vector<32x256xf32> to vector<2x256xf32>
      %slice3A_2045 = vector.extract_strided_slice %select_n3A_2010 {offsets = [0, 0], sizes = [30, 256], strides = [1, 1]} : vector<32x256xf32> to vector<30x256xf32>
      %concatenate3A_2046 = tpu.concatenate %slice3A_2044, %slice3A_2045 in 0 : vector<2x256xf32>, vector<30x256xf32> -> vector<32x256xf32>
      %slice3A_2047 = vector.extract_strided_slice %select_n3A_2010 {offsets = [2, 0], sizes = [30, 256], strides = [1, 1]} : vector<32x256xf32> to vector<30x256xf32>
      %slice3A_2048 = vector.extract_strided_slice %select_n3A_2010 {offsets = [0, 0], sizes = [2, 256], strides = [1, 1]} : vector<32x256xf32> to vector<2x256xf32>
      %concatenate3A_2049 = tpu.concatenate %slice3A_2047, %slice3A_2048 in 0 : vector<30x256xf32>, vector<2x256xf32> -> vector<32x256xf32>
      %broadcast_in_dim3A_2050 = vector.shape_cast %ne3A_2017 : vector<32x1xi1> to vector<32x1xi1>
      %broadcast_in_dim3A_2051 = vector.broadcast %broadcast_in_dim3A_2050 : vector<32x1xi1> to vector<32x256xi1>
      %select_n3A_2052 = arith.select %broadcast_in_dim3A_2051, %concatenate3A_2046, %concatenate3A_2049 : vector<32x256xi1>, vector<32x256xf32>
      %lt3A_2053 = arith.cmpf olt, %select_n3A_2009, %select_n3A_2043 : vector<32x256xf32>
      %eq3A_2054 = arith.cmpf oeq, %select_n3A_2009, %select_n3A_2043 : vector<32x256xf32>
      %lt3A_2055 = arith.cmpf olt, %select_n3A_2010, %select_n3A_2052 : vector<32x256xf32>
      %and3A_2056 = arith.andi %eq3A_2054, %lt3A_2055 : vector<32x256xi1>
      %or3A_2057 = arith.ori %lt3A_2053, %and3A_2056 : vector<32x256xi1>
      %xor3A_2058 = vector.broadcast %not3A_2034 : vector<32x1xi1> to vector<32x256xi1>
      %xor3A_2059 = arith.xori %xor3A_2058, %or3A_2057 : vector<32x256xi1>
      %select_n3A_2060 = arith.select %xor3A_2059, %select_n3A_2043, %select_n3A_2009 : vector<32x256xi1>, vector<32x256xf32>
      %select_n3A_2061 = arith.select %xor3A_2059, %select_n3A_2052, %select_n3A_2010 : vector<32x256xi1>, vector<32x256xf32>
      %iota3A_2062 = tpu.iota {dimensions = array<i32: 0>} : vector<32x1xi32>
      %and3A_2063 = arith.constant 1 : i32
      %and3A_2064 = vector.broadcast %and3A_2063 : i32 to vector<32x1xi32>
      %and3A_2065 = arith.andi %iota3A_2062, %and3A_2064 : vector<32x1xi32>
      %ne3A_2066 = arith.constant 0 : i32
      %ne3A_2067 = vector.broadcast %ne3A_2066 : i32 to vector<32x1xi32>
      %ne3A_2068 = arith.cmpi ne, %and3A_2065, %ne3A_2067 : vector<32x1xi32>
      %and3A_2069 = arith.constant 1 : i32
      %and3A_2070 = vector.broadcast %and3A_2069 : i32 to vector<32x1xi32>
      %and3A_2071 = arith.andi %iota3A_2062, %and3A_2070 : vector<32x1xi32>
      %eq3A_2072 = arith.constant 0 : i32
      %eq3A_2073 = vector.broadcast %eq3A_2072 : i32 to vector<32x1xi32>
      %eq3A_2074 = arith.cmpi eq, %and3A_2071, %eq3A_2073 : vector<32x1xi32>
      %and3A_2075 = arith.constant 16 : i32
      %and3A_2076 = vector.broadcast %and3A_2075 : i32 to vector<32x1xi32>
      %and3A_2077 = arith.andi %iota3A_2062, %and3A_2076 : vector<32x1xi32>
      %eq3A_2078 = arith.constant 0 : i32
      %eq3A_2079 = vector.broadcast %eq3A_2078 : i32 to vector<32x1xi32>
      %eq3A_2080 = arith.cmpi eq, %and3A_2077, %eq3A_2079 : vector<32x1xi32>
      %eq3A_2081 = arith.xori %eq3A_2074, %eq3A_2080 : vector<32x1xi1>
      %eq3A_2082 = arith.constant dense<true> : vector<32x1xi1>
      %eq3A_2083 = arith.xori %eq3A_2081, %eq3A_2082 : vector<32x1xi1>
      %not3A_2084 = arith.constant dense<true> : vector<32x1xi1>
      %not3A_2085 = arith.xori %eq3A_2083, %not3A_2084 : vector<32x1xi1>
      %slice3A_2086 = vector.extract_strided_slice %select_n3A_2060 {offsets = [31, 0], sizes = [1, 256], strides = [1, 1]} : vector<32x256xf32> to vector<1x256xf32>
      %slice3A_2087 = vector.extract_strided_slice %select_n3A_2060 {offsets = [0, 0], sizes = [31, 256], strides = [1, 1]} : vector<32x256xf32> to vector<31x256xf32>
      %concatenate3A_2088 = tpu.concatenate %slice3A_2086, %slice3A_2087 in 0 : vector<1x256xf32>, vector<31x256xf32> -> vector<32x256xf32>
      %slice3A_2089 = vector.extract_strided_slice %select_n3A_2060 {offsets = [1, 0], sizes = [31, 256], strides = [1, 1]} : vector<32x256xf32> to vector<31x256xf32>
      %slice3A_2090 = vector.extract_strided_slice %select_n3A_2060 {offsets = [0, 0], sizes = [1, 256], strides = [1, 1]} : vector<32x256xf32> to vector<1x256xf32>
      %concatenate3A_2091 = tpu.concatenate %slice3A_2089, %slice3A_2090 in 0 : vector<31x256xf32>, vector<1x256xf32> -> vector<32x256xf32>
      %broadcast_in_dim3A_2092 = vector.shape_cast %ne3A_2068 : vector<32x1xi1> to vector<32x1xi1>
      %broadcast_in_dim3A_2093 = vector.broadcast %broadcast_in_dim3A_2092 : vector<32x1xi1> to vector<32x256xi1>
      %select_n3A_2094 = arith.select %broadcast_in_dim3A_2093, %concatenate3A_2088, %concatenate3A_2091 : vector<32x256xi1>, vector<32x256xf32>
      %slice3A_2095 = vector.extract_strided_slice %select_n3A_2061 {offsets = [31, 0], sizes = [1, 256], strides = [1, 1]} : vector<32x256xf32> to vector<1x256xf32>
      %slice3A_2096 = vector.extract_strided_slice %select_n3A_2061 {offsets = [0, 0], sizes = [31, 256], strides = [1, 1]} : vector<32x256xf32> to vector<31x256xf32>
      %concatenate3A_2097 = tpu.concatenate %slice3A_2095, %slice3A_2096 in 0 : vector<1x256xf32>, vector<31x256xf32> -> vector<32x256xf32>
      %slice3A_2098 = vector.extract_strided_slice %select_n3A_2061 {offsets = [1, 0], sizes = [31, 256], strides = [1, 1]} : vector<32x256xf32> to vector<31x256xf32>
      %slice3A_2099 = vector.extract_strided_slice %select_n3A_2061 {offsets = [0, 0], sizes = [1, 256], strides = [1, 1]} : vector<32x256xf32> to vector<1x256xf32>
      %concatenate3A_2100 = tpu.concatenate %slice3A_2098, %slice3A_2099 in 0 : vector<31x256xf32>, vector<1x256xf32> -> vector<32x256xf32>
      %broadcast_in_dim3A_2101 = vector.shape_cast %ne3A_2068 : vector<32x1xi1> to vector<32x1xi1>
      %broadcast_in_dim3A_2102 = vector.broadcast %broadcast_in_dim3A_2101 : vector<32x1xi1> to vector<32x256xi1>
      %select_n3A_2103 = arith.select %broadcast_in_dim3A_2102, %concatenate3A_2097, %concatenate3A_2100 : vector<32x256xi1>, vector<32x256xf32>
      %lt3A_2104 = arith.cmpf olt, %select_n3A_2060, %select_n3A_2094 : vector<32x256xf32>
      %eq3A_2105 = arith.cmpf oeq, %select_n3A_2060, %select_n3A_2094 : vector<32x256xf32>
      %lt3A_2106 = arith.cmpf olt, %select_n3A_2061, %select_n3A_2103 : vector<32x256xf32>
      %and3A_2107 = arith.andi %eq3A_2105, %lt3A_2106 : vector<32x256xi1>
      %or3A_2108 = arith.ori %lt3A_2104, %and3A_2107 : vector<32x256xi1>
      %xor3A_2109 = vector.broadcast %not3A_2085 : vector<32x1xi1> to vector<32x256xi1>
      %xor3A_2110 = arith.xori %xor3A_2109, %or3A_2108 : vector<32x256xi1>
      %select_n3A_2111 = arith.select %xor3A_2110, %select_n3A_2094, %select_n3A_2060 : vector<32x256xi1>, vector<32x256xf32>
      %select_n3A_2112 = arith.select %xor3A_2110, %select_n3A_2103, %select_n3A_2061 : vector<32x256xi1>, vector<32x256xf32>
      %iota3A_2113 = tpu.iota {dimensions = array<i32: 0>} : vector<32x1xi32>
      %and3A_2114 = arith.constant 16 : i32
      %and3A_2115 = vector.broadcast %and3A_2114 : i32 to vector<32x1xi32>
      %and3A_2116 = arith.andi %iota3A_2113, %and3A_2115 : vector<32x1xi32>
      %ne3A_2117 = arith.constant 0 : i32
      %ne3A_2118 = vector.broadcast %ne3A_2117 : i32 to vector<32x1xi32>
      %ne3A_2119 = arith.cmpi ne, %and3A_2116, %ne3A_2118 : vector<32x1xi32>
      %and3A_2120 = arith.constant 16 : i32
      %and3A_2121 = vector.broadcast %and3A_2120 : i32 to vector<32x1xi32>
      %and3A_2122 = arith.andi %iota3A_2113, %and3A_2121 : vector<32x1xi32>
      %eq3A_2123 = arith.constant 0 : i32
      %eq3A_2124 = vector.broadcast %eq3A_2123 : i32 to vector<32x1xi32>
      %eq3A_2125 = arith.cmpi eq, %and3A_2122, %eq3A_2124 : vector<32x1xi32>
      %and3A_2126 = arith.constant 32 : i32
      %and3A_2127 = vector.broadcast %and3A_2126 : i32 to vector<32x1xi32>
      %and3A_2128 = arith.andi %iota3A_2113, %and3A_2127 : vector<32x1xi32>
      %eq3A_2129 = arith.constant 0 : i32
      %eq3A_2130 = vector.broadcast %eq3A_2129 : i32 to vector<32x1xi32>
      %eq3A_2131 = arith.cmpi eq, %and3A_2128, %eq3A_2130 : vector<32x1xi32>
      %eq3A_2132 = arith.xori %eq3A_2125, %eq3A_2131 : vector<32x1xi1>
      %eq3A_2133 = arith.constant dense<true> : vector<32x1xi1>
      %eq3A_2134 = arith.xori %eq3A_2132, %eq3A_2133 : vector<32x1xi1>
      %not3A_2135 = arith.constant dense<true> : vector<32x1xi1>
      %not3A_2136 = arith.xori %eq3A_2134, %not3A_2135 : vector<32x1xi1>
      %slice3A_2137 = vector.extract_strided_slice %select_n3A_2111 {offsets = [16, 0], sizes = [16, 256], strides = [1, 1]} : vector<32x256xf32> to vector<16x256xf32>
      %slice3A_2138 = vector.extract_strided_slice %select_n3A_2111 {offsets = [0, 0], sizes = [16, 256], strides = [1, 1]} : vector<32x256xf32> to vector<16x256xf32>
      %concatenate3A_2139 = tpu.concatenate %slice3A_2137, %slice3A_2138 in 0 : vector<16x256xf32>, vector<16x256xf32> -> vector<32x256xf32>
      %slice3A_2140 = vector.extract_strided_slice %select_n3A_2111 {offsets = [16, 0], sizes = [16, 256], strides = [1, 1]} : vector<32x256xf32> to vector<16x256xf32>
      %slice3A_2141 = vector.extract_strided_slice %select_n3A_2111 {offsets = [0, 0], sizes = [16, 256], strides = [1, 1]} : vector<32x256xf32> to vector<16x256xf32>
      %concatenate3A_2142 = tpu.concatenate %slice3A_2140, %slice3A_2141 in 0 : vector<16x256xf32>, vector<16x256xf32> -> vector<32x256xf32>
      %broadcast_in_dim3A_2143 = vector.shape_cast %ne3A_2119 : vector<32x1xi1> to vector<32x1xi1>
      %broadcast_in_dim3A_2144 = vector.broadcast %broadcast_in_dim3A_2143 : vector<32x1xi1> to vector<32x256xi1>
      %select_n3A_2145 = arith.select %broadcast_in_dim3A_2144, %concatenate3A_2139, %concatenate3A_2142 : vector<32x256xi1>, vector<32x256xf32>
      %slice3A_2146 = vector.extract_strided_slice %select_n3A_2112 {offsets = [16, 0], sizes = [16, 256], strides = [1, 1]} : vector<32x256xf32> to vector<16x256xf32>
      %slice3A_2147 = vector.extract_strided_slice %select_n3A_2112 {offsets = [0, 0], sizes = [16, 256], strides = [1, 1]} : vector<32x256xf32> to vector<16x256xf32>
      %concatenate3A_2148 = tpu.concatenate %slice3A_2146, %slice3A_2147 in 0 : vector<16x256xf32>, vector<16x256xf32> -> vector<32x256xf32>
      %slice3A_2149 = vector.extract_strided_slice %select_n3A_2112 {offsets = [16, 0], sizes = [16, 256], strides = [1, 1]} : vector<32x256xf32> to vector<16x256xf32>
      %slice3A_2150 = vector.extract_strided_slice %select_n3A_2112 {offsets = [0, 0], sizes = [16, 256], strides = [1, 1]} : vector<32x256xf32> to vector<16x256xf32>
      %concatenate3A_2151 = tpu.concatenate %slice3A_2149, %slice3A_2150 in 0 : vector<16x256xf32>, vector<16x256xf32> -> vector<32x256xf32>
      %broadcast_in_dim3A_2152 = vector.shape_cast %ne3A_2119 : vector<32x1xi1> to vector<32x1xi1>
      %broadcast_in_dim3A_2153 = vector.broadcast %broadcast_in_dim3A_2152 : vector<32x1xi1> to vector<32x256xi1>
      %select_n3A_2154 = arith.select %broadcast_in_dim3A_2153, %concatenate3A_2148, %concatenate3A_2151 : vector<32x256xi1>, vector<32x256xf32>
      %lt3A_2155 = arith.cmpf olt, %select_n3A_2111, %select_n3A_2145 : vector<32x256xf32>
      %eq3A_2156 = arith.cmpf oeq, %select_n3A_2111, %select_n3A_2145 : vector<32x256xf32>
      %lt3A_2157 = arith.cmpf olt, %select_n3A_2112, %select_n3A_2154 : vector<32x256xf32>
      %and3A_2158 = arith.andi %eq3A_2156, %lt3A_2157 : vector<32x256xi1>
      %or3A_2159 = arith.ori %lt3A_2155, %and3A_2158 : vector<32x256xi1>
      %xor3A_2160 = vector.broadcast %not3A_2136 : vector<32x1xi1> to vector<32x256xi1>
      %xor3A_2161 = arith.xori %xor3A_2160, %or3A_2159 : vector<32x256xi1>
      %select_n3A_2162 = arith.select %xor3A_2161, %select_n3A_2145, %select_n3A_2111 : vector<32x256xi1>, vector<32x256xf32>
      %select_n3A_2163 = arith.select %xor3A_2161, %select_n3A_2154, %select_n3A_2112 : vector<32x256xi1>, vector<32x256xf32>
      %iota3A_2164 = tpu.iota {dimensions = array<i32: 0>} : vector<32x1xi32>
      %and3A_2165 = arith.constant 8 : i32
      %and3A_2166 = vector.broadcast %and3A_2165 : i32 to vector<32x1xi32>
      %and3A_2167 = arith.andi %iota3A_2164, %and3A_2166 : vector<32x1xi32>
      %ne3A_2168 = arith.constant 0 : i32
      %ne3A_2169 = vector.broadcast %ne3A_2168 : i32 to vector<32x1xi32>
      %ne3A_2170 = arith.cmpi ne, %and3A_2167, %ne3A_2169 : vector<32x1xi32>
      %and3A_2171 = arith.constant 8 : i32
      %and3A_2172 = vector.broadcast %and3A_2171 : i32 to vector<32x1xi32>
      %and3A_2173 = arith.andi %iota3A_2164, %and3A_2172 : vector<32x1xi32>
      %eq3A_2174 = arith.constant 0 : i32
      %eq3A_2175 = vector.broadcast %eq3A_2174 : i32 to vector<32x1xi32>
      %eq3A_2176 = arith.cmpi eq, %and3A_2173, %eq3A_2175 : vector<32x1xi32>
      %and3A_2177 = arith.constant 32 : i32
      %and3A_2178 = vector.broadcast %and3A_2177 : i32 to vector<32x1xi32>
      %and3A_2179 = arith.andi %iota3A_2164, %and3A_2178 : vector<32x1xi32>
      %eq3A_2180 = arith.constant 0 : i32
      %eq3A_2181 = vector.broadcast %eq3A_2180 : i32 to vector<32x1xi32>
      %eq3A_2182 = arith.cmpi eq, %and3A_2179, %eq3A_2181 : vector<32x1xi32>
      %eq3A_2183 = arith.xori %eq3A_2176, %eq3A_2182 : vector<32x1xi1>
      %eq3A_2184 = arith.constant dense<true> : vector<32x1xi1>
      %eq3A_2185 = arith.xori %eq3A_2183, %eq3A_2184 : vector<32x1xi1>
      %not3A_2186 = arith.constant dense<true> : vector<32x1xi1>
      %not3A_2187 = arith.xori %eq3A_2185, %not3A_2186 : vector<32x1xi1>
      %slice3A_2188 = vector.extract_strided_slice %select_n3A_2162 {offsets = [24, 0], sizes = [8, 256], strides = [1, 1]} : vector<32x256xf32> to vector<8x256xf32>
      %slice3A_2189 = vector.extract_strided_slice %select_n3A_2162 {offsets = [0, 0], sizes = [24, 256], strides = [1, 1]} : vector<32x256xf32> to vector<24x256xf32>
      %concatenate3A_2190 = tpu.concatenate %slice3A_2188, %slice3A_2189 in 0 : vector<8x256xf32>, vector<24x256xf32> -> vector<32x256xf32>
      %slice3A_2191 = vector.extract_strided_slice %select_n3A_2162 {offsets = [8, 0], sizes = [24, 256], strides = [1, 1]} : vector<32x256xf32> to vector<24x256xf32>
      %slice3A_2192 = vector.extract_strided_slice %select_n3A_2162 {offsets = [0, 0], sizes = [8, 256], strides = [1, 1]} : vector<32x256xf32> to vector<8x256xf32>
      %concatenate3A_2193 = tpu.concatenate %slice3A_2191, %slice3A_2192 in 0 : vector<24x256xf32>, vector<8x256xf32> -> vector<32x256xf32>
      %broadcast_in_dim3A_2194 = vector.shape_cast %ne3A_2170 : vector<32x1xi1> to vector<32x1xi1>
      %broadcast_in_dim3A_2195 = vector.broadcast %broadcast_in_dim3A_2194 : vector<32x1xi1> to vector<32x256xi1>
      %select_n3A_2196 = arith.select %broadcast_in_dim3A_2195, %concatenate3A_2190, %concatenate3A_2193 : vector<32x256xi1>, vector<32x256xf32>
      %slice3A_2197 = vector.extract_strided_slice %select_n3A_2163 {offsets = [24, 0], sizes = [8, 256], strides = [1, 1]} : vector<32x256xf32> to vector<8x256xf32>
      %slice3A_2198 = vector.extract_strided_slice %select_n3A_2163 {offsets = [0, 0], sizes = [24, 256], strides = [1, 1]} : vector<32x256xf32> to vector<24x256xf32>
      %concatenate3A_2199 = tpu.concatenate %slice3A_2197, %slice3A_2198 in 0 : vector<8x256xf32>, vector<24x256xf32> -> vector<32x256xf32>
      %slice3A_2200 = vector.extract_strided_slice %select_n3A_2163 {offsets = [8, 0], sizes = [24, 256], strides = [1, 1]} : vector<32x256xf32> to vector<24x256xf32>
      %slice3A_2201 = vector.extract_strided_slice %select_n3A_2163 {offsets = [0, 0], sizes = [8, 256], strides = [1, 1]} : vector<32x256xf32> to vector<8x256xf32>
      %concatenate3A_2202 = tpu.concatenate %slice3A_2200, %slice3A_2201 in 0 : vector<24x256xf32>, vector<8x256xf32> -> vector<32x256xf32>
      %broadcast_in_dim3A_2203 = vector.shape_cast %ne3A_2170 : vector<32x1xi1> to vector<32x1xi1>
      %broadcast_in_dim3A_2204 = vector.broadcast %broadcast_in_dim3A_2203 : vector<32x1xi1> to vector<32x256xi1>
      %select_n3A_2205 = arith.select %broadcast_in_dim3A_2204, %concatenate3A_2199, %concatenate3A_2202 : vector<32x256xi1>, vector<32x256xf32>
      %lt3A_2206 = arith.cmpf olt, %select_n3A_2162, %select_n3A_2196 : vector<32x256xf32>
      %eq3A_2207 = arith.cmpf oeq, %select_n3A_2162, %select_n3A_2196 : vector<32x256xf32>
      %lt3A_2208 = arith.cmpf olt, %select_n3A_2163, %select_n3A_2205 : vector<32x256xf32>
      %and3A_2209 = arith.andi %eq3A_2207, %lt3A_2208 : vector<32x256xi1>
      %or3A_2210 = arith.ori %lt3A_2206, %and3A_2209 : vector<32x256xi1>
      %xor3A_2211 = vector.broadcast %not3A_2187 : vector<32x1xi1> to vector<32x256xi1>
      %xor3A_2212 = arith.xori %xor3A_2211, %or3A_2210 : vector<32x256xi1>
      %select_n3A_2213 = arith.select %xor3A_2212, %select_n3A_2196, %select_n3A_2162 : vector<32x256xi1>, vector<32x256xf32>
      %select_n3A_2214 = arith.select %xor3A_2212, %select_n3A_2205, %select_n3A_2163 : vector<32x256xi1>, vector<32x256xf32>
      %iota3A_2215 = tpu.iota {dimensions = array<i32: 0>} : vector<32x1xi32>
      %and3A_2216 = arith.constant 4 : i32
      %and3A_2217 = vector.broadcast %and3A_2216 : i32 to vector<32x1xi32>
      %and3A_2218 = arith.andi %iota3A_2215, %and3A_2217 : vector<32x1xi32>
      %ne3A_2219 = arith.constant 0 : i32
      %ne3A_2220 = vector.broadcast %ne3A_2219 : i32 to vector<32x1xi32>
      %ne3A_2221 = arith.cmpi ne, %and3A_2218, %ne3A_2220 : vector<32x1xi32>
      %and3A_2222 = arith.constant 4 : i32
      %and3A_2223 = vector.broadcast %and3A_2222 : i32 to vector<32x1xi32>
      %and3A_2224 = arith.andi %iota3A_2215, %and3A_2223 : vector<32x1xi32>
      %eq3A_2225 = arith.constant 0 : i32
      %eq3A_2226 = vector.broadcast %eq3A_2225 : i32 to vector<32x1xi32>
      %eq3A_2227 = arith.cmpi eq, %and3A_2224, %eq3A_2226 : vector<32x1xi32>
      %and3A_2228 = arith.constant 32 : i32
      %and3A_2229 = vector.broadcast %and3A_2228 : i32 to vector<32x1xi32>
      %and3A_2230 = arith.andi %iota3A_2215, %and3A_2229 : vector<32x1xi32>
      %eq3A_2231 = arith.constant 0 : i32
      %eq3A_2232 = vector.broadcast %eq3A_2231 : i32 to vector<32x1xi32>
      %eq3A_2233 = arith.cmpi eq, %and3A_2230, %eq3A_2232 : vector<32x1xi32>
      %eq3A_2234 = arith.xori %eq3A_2227, %eq3A_2233 : vector<32x1xi1>
      %eq3A_2235 = arith.constant dense<true> : vector<32x1xi1>
      %eq3A_2236 = arith.xori %eq3A_2234, %eq3A_2235 : vector<32x1xi1>
      %not3A_2237 = arith.constant dense<true> : vector<32x1xi1>
      %not3A_2238 = arith.xori %eq3A_2236, %not3A_2237 : vector<32x1xi1>
      %slice3A_2239 = vector.extract_strided_slice %select_n3A_2213 {offsets = [28, 0], sizes = [4, 256], strides = [1, 1]} : vector<32x256xf32> to vector<4x256xf32>
      %slice3A_2240 = vector.extract_strided_slice %select_n3A_2213 {offsets = [0, 0], sizes = [28, 256], strides = [1, 1]} : vector<32x256xf32> to vector<28x256xf32>
      %concatenate3A_2241 = tpu.concatenate %slice3A_2239, %slice3A_2240 in 0 : vector<4x256xf32>, vector<28x256xf32> -> vector<32x256xf32>
      %slice3A_2242 = vector.extract_strided_slice %select_n3A_2213 {offsets = [4, 0], sizes = [28, 256], strides = [1, 1]} : vector<32x256xf32> to vector<28x256xf32>
      %slice3A_2243 = vector.extract_strided_slice %select_n3A_2213 {offsets = [0, 0], sizes = [4, 256], strides = [1, 1]} : vector<32x256xf32> to vector<4x256xf32>
      %concatenate3A_2244 = tpu.concatenate %slice3A_2242, %slice3A_2243 in 0 : vector<28x256xf32>, vector<4x256xf32> -> vector<32x256xf32>
      %broadcast_in_dim3A_2245 = vector.shape_cast %ne3A_2221 : vector<32x1xi1> to vector<32x1xi1>
      %broadcast_in_dim3A_2246 = vector.broadcast %broadcast_in_dim3A_2245 : vector<32x1xi1> to vector<32x256xi1>
      %select_n3A_2247 = arith.select %broadcast_in_dim3A_2246, %concatenate3A_2241, %concatenate3A_2244 : vector<32x256xi1>, vector<32x256xf32>
      %slice3A_2248 = vector.extract_strided_slice %select_n3A_2214 {offsets = [28, 0], sizes = [4, 256], strides = [1, 1]} : vector<32x256xf32> to vector<4x256xf32>
      %slice3A_2249 = vector.extract_strided_slice %select_n3A_2214 {offsets = [0, 0], sizes = [28, 256], strides = [1, 1]} : vector<32x256xf32> to vector<28x256xf32>
      %concatenate3A_2250 = tpu.concatenate %slice3A_2248, %slice3A_2249 in 0 : vector<4x256xf32>, vector<28x256xf32> -> vector<32x256xf32>
      %slice3A_2251 = vector.extract_strided_slice %select_n3A_2214 {offsets = [4, 0], sizes = [28, 256], strides = [1, 1]} : vector<32x256xf32> to vector<28x256xf32>
      %slice3A_2252 = vector.extract_strided_slice %select_n3A_2214 {offsets = [0, 0], sizes = [4, 256], strides = [1, 1]} : vector<32x256xf32> to vector<4x256xf32>
      %concatenate3A_2253 = tpu.concatenate %slice3A_2251, %slice3A_2252 in 0 : vector<28x256xf32>, vector<4x256xf32> -> vector<32x256xf32>
      %broadcast_in_dim3A_2254 = vector.shape_cast %ne3A_2221 : vector<32x1xi1> to vector<32x1xi1>
      %broadcast_in_dim3A_2255 = vector.broadcast %broadcast_in_dim3A_2254 : vector<32x1xi1> to vector<32x256xi1>
      %select_n3A_2256 = arith.select %broadcast_in_dim3A_2255, %concatenate3A_2250, %concatenate3A_2253 : vector<32x256xi1>, vector<32x256xf32>
      %lt3A_2257 = arith.cmpf olt, %select_n3A_2213, %select_n3A_2247 : vector<32x256xf32>
      %eq3A_2258 = arith.cmpf oeq, %select_n3A_2213, %select_n3A_2247 : vector<32x256xf32>
      %lt3A_2259 = arith.cmpf olt, %select_n3A_2214, %select_n3A_2256 : vector<32x256xf32>
      %and3A_2260 = arith.andi %eq3A_2258, %lt3A_2259 : vector<32x256xi1>
      %or3A_2261 = arith.ori %lt3A_2257, %and3A_2260 : vector<32x256xi1>
      %xor3A_2262 = vector.broadcast %not3A_2238 : vector<32x1xi1> to vector<32x256xi1>
      %xor3A_2263 = arith.xori %xor3A_2262, %or3A_2261 : vector<32x256xi1>
      %select_n3A_2264 = arith.select %xor3A_2263, %select_n3A_2247, %select_n3A_2213 : vector<32x256xi1>, vector<32x256xf32>
      %select_n3A_2265 = arith.select %xor3A_2263, %select_n3A_2256, %select_n3A_2214 : vector<32x256xi1>, vector<32x256xf32>
      %iota3A_2266 = tpu.iota {dimensions = array<i32: 0>} : vector<32x1xi32>
      %and3A_2267 = arith.constant 2 : i32
      %and3A_2268 = vector.broadcast %and3A_2267 : i32 to vector<32x1xi32>
      %and3A_2269 = arith.andi %iota3A_2266, %and3A_2268 : vector<32x1xi32>
      %ne3A_2270 = arith.constant 0 : i32
      %ne3A_2271 = vector.broadcast %ne3A_2270 : i32 to vector<32x1xi32>
      %ne3A_2272 = arith.cmpi ne, %and3A_2269, %ne3A_2271 : vector<32x1xi32>
      %and3A_2273 = arith.constant 2 : i32
      %and3A_2274 = vector.broadcast %and3A_2273 : i32 to vector<32x1xi32>
      %and3A_2275 = arith.andi %iota3A_2266, %and3A_2274 : vector<32x1xi32>
      %eq3A_2276 = arith.constant 0 : i32
      %eq3A_2277 = vector.broadcast %eq3A_2276 : i32 to vector<32x1xi32>
      %eq3A_2278 = arith.cmpi eq, %and3A_2275, %eq3A_2277 : vector<32x1xi32>
      %and3A_2279 = arith.constant 32 : i32
      %and3A_2280 = vector.broadcast %and3A_2279 : i32 to vector<32x1xi32>
      %and3A_2281 = arith.andi %iota3A_2266, %and3A_2280 : vector<32x1xi32>
      %eq3A_2282 = arith.constant 0 : i32
      %eq3A_2283 = vector.broadcast %eq3A_2282 : i32 to vector<32x1xi32>
      %eq3A_2284 = arith.cmpi eq, %and3A_2281, %eq3A_2283 : vector<32x1xi32>
      %eq3A_2285 = arith.xori %eq3A_2278, %eq3A_2284 : vector<32x1xi1>
      %eq3A_2286 = arith.constant dense<true> : vector<32x1xi1>
      %eq3A_2287 = arith.xori %eq3A_2285, %eq3A_2286 : vector<32x1xi1>
      %not3A_2288 = arith.constant dense<true> : vector<32x1xi1>
      %not3A_2289 = arith.xori %eq3A_2287, %not3A_2288 : vector<32x1xi1>
      %slice3A_2290 = vector.extract_strided_slice %select_n3A_2264 {offsets = [30, 0], sizes = [2, 256], strides = [1, 1]} : vector<32x256xf32> to vector<2x256xf32>
      %slice3A_2291 = vector.extract_strided_slice %select_n3A_2264 {offsets = [0, 0], sizes = [30, 256], strides = [1, 1]} : vector<32x256xf32> to vector<30x256xf32>
      %concatenate3A_2292 = tpu.concatenate %slice3A_2290, %slice3A_2291 in 0 : vector<2x256xf32>, vector<30x256xf32> -> vector<32x256xf32>
      %slice3A_2293 = vector.extract_strided_slice %select_n3A_2264 {offsets = [2, 0], sizes = [30, 256], strides = [1, 1]} : vector<32x256xf32> to vector<30x256xf32>
      %slice3A_2294 = vector.extract_strided_slice %select_n3A_2264 {offsets = [0, 0], sizes = [2, 256], strides = [1, 1]} : vector<32x256xf32> to vector<2x256xf32>
      %concatenate3A_2295 = tpu.concatenate %slice3A_2293, %slice3A_2294 in 0 : vector<30x256xf32>, vector<2x256xf32> -> vector<32x256xf32>
      %broadcast_in_dim3A_2296 = vector.shape_cast %ne3A_2272 : vector<32x1xi1> to vector<32x1xi1>
      %broadcast_in_dim3A_2297 = vector.broadcast %broadcast_in_dim3A_2296 : vector<32x1xi1> to vector<32x256xi1>
      %select_n3A_2298 = arith.select %broadcast_in_dim3A_2297, %concatenate3A_2292, %concatenate3A_2295 : vector<32x256xi1>, vector<32x256xf32>
      %slice3A_2299 = vector.extract_strided_slice %select_n3A_2265 {offsets = [30, 0], sizes = [2, 256], strides = [1, 1]} : vector<32x256xf32> to vector<2x256xf32>
      %slice3A_2300 = vector.extract_strided_slice %select_n3A_2265 {offsets = [0, 0], sizes = [30, 256], strides = [1, 1]} : vector<32x256xf32> to vector<30x256xf32>
      %concatenate3A_2301 = tpu.concatenate %slice3A_2299, %slice3A_2300 in 0 : vector<2x256xf32>, vector<30x256xf32> -> vector<32x256xf32>
      %slice3A_2302 = vector.extract_strided_slice %select_n3A_2265 {offsets = [2, 0], sizes = [30, 256], strides = [1, 1]} : vector<32x256xf32> to vector<30x256xf32>
      %slice3A_2303 = vector.extract_strided_slice %select_n3A_2265 {offsets = [0, 0], sizes = [2, 256], strides = [1, 1]} : vector<32x256xf32> to vector<2x256xf32>
      %concatenate3A_2304 = tpu.concatenate %slice3A_2302, %slice3A_2303 in 0 : vector<30x256xf32>, vector<2x256xf32> -> vector<32x256xf32>
      %broadcast_in_dim3A_2305 = vector.shape_cast %ne3A_2272 : vector<32x1xi1> to vector<32x1xi1>
      %broadcast_in_dim3A_2306 = vector.broadcast %broadcast_in_dim3A_2305 : vector<32x1xi1> to vector<32x256xi1>
      %select_n3A_2307 = arith.select %broadcast_in_dim3A_2306, %concatenate3A_2301, %concatenate3A_2304 : vector<32x256xi1>, vector<32x256xf32>
      %lt3A_2308 = arith.cmpf olt, %select_n3A_2264, %select_n3A_2298 : vector<32x256xf32>
      %eq3A_2309 = arith.cmpf oeq, %select_n3A_2264, %select_n3A_2298 : vector<32x256xf32>
      %lt3A_2310 = arith.cmpf olt, %select_n3A_2265, %select_n3A_2307 : vector<32x256xf32>
      %and3A_2311 = arith.andi %eq3A_2309, %lt3A_2310 : vector<32x256xi1>
      %or3A_2312 = arith.ori %lt3A_2308, %and3A_2311 : vector<32x256xi1>
      %xor3A_2313 = vector.broadcast %not3A_2289 : vector<32x1xi1> to vector<32x256xi1>
      %xor3A_2314 = arith.xori %xor3A_2313, %or3A_2312 : vector<32x256xi1>
      %select_n3A_2315 = arith.select %xor3A_2314, %select_n3A_2298, %select_n3A_2264 : vector<32x256xi1>, vector<32x256xf32>
      %select_n3A_2316 = arith.select %xor3A_2314, %select_n3A_2307, %select_n3A_2265 : vector<32x256xi1>, vector<32x256xf32>
      %iota3A_2317 = tpu.iota {dimensions = array<i32: 0>} : vector<32x1xi32>
      %and3A_2318 = arith.constant 1 : i32
      %and3A_2319 = vector.broadcast %and3A_2318 : i32 to vector<32x1xi32>
      %and3A_2320 = arith.andi %iota3A_2317, %and3A_2319 : vector<32x1xi32>
      %ne3A_2321 = arith.constant 0 : i32
      %ne3A_2322 = vector.broadcast %ne3A_2321 : i32 to vector<32x1xi32>
      %ne3A_2323 = arith.cmpi ne, %and3A_2320, %ne3A_2322 : vector<32x1xi32>
      %and3A_2324 = arith.constant 1 : i32
      %and3A_2325 = vector.broadcast %and3A_2324 : i32 to vector<32x1xi32>
      %and3A_2326 = arith.andi %iota3A_2317, %and3A_2325 : vector<32x1xi32>
      %eq3A_2327 = arith.constant 0 : i32
      %eq3A_2328 = vector.broadcast %eq3A_2327 : i32 to vector<32x1xi32>
      %eq3A_2329 = arith.cmpi eq, %and3A_2326, %eq3A_2328 : vector<32x1xi32>
      %and3A_2330 = arith.constant 32 : i32
      %and3A_2331 = vector.broadcast %and3A_2330 : i32 to vector<32x1xi32>
      %and3A_2332 = arith.andi %iota3A_2317, %and3A_2331 : vector<32x1xi32>
      %eq3A_2333 = arith.constant 0 : i32
      %eq3A_2334 = vector.broadcast %eq3A_2333 : i32 to vector<32x1xi32>
      %eq3A_2335 = arith.cmpi eq, %and3A_2332, %eq3A_2334 : vector<32x1xi32>
      %eq3A_2336 = arith.xori %eq3A_2329, %eq3A_2335 : vector<32x1xi1>
      %eq3A_2337 = arith.constant dense<true> : vector<32x1xi1>
      %eq3A_2338 = arith.xori %eq3A_2336, %eq3A_2337 : vector<32x1xi1>
      %not3A_2339 = arith.constant dense<true> : vector<32x1xi1>
      %not3A_2340 = arith.xori %eq3A_2338, %not3A_2339 : vector<32x1xi1>
      %slice3A_2341 = vector.extract_strided_slice %select_n3A_2315 {offsets = [31, 0], sizes = [1, 256], strides = [1, 1]} : vector<32x256xf32> to vector<1x256xf32>
      %slice3A_2342 = vector.extract_strided_slice %select_n3A_2315 {offsets = [0, 0], sizes = [31, 256], strides = [1, 1]} : vector<32x256xf32> to vector<31x256xf32>
      %concatenate3A_2343 = tpu.concatenate %slice3A_2341, %slice3A_2342 in 0 : vector<1x256xf32>, vector<31x256xf32> -> vector<32x256xf32>
      %slice3A_2344 = vector.extract_strided_slice %select_n3A_2315 {offsets = [1, 0], sizes = [31, 256], strides = [1, 1]} : vector<32x256xf32> to vector<31x256xf32>
      %slice3A_2345 = vector.extract_strided_slice %select_n3A_2315 {offsets = [0, 0], sizes = [1, 256], strides = [1, 1]} : vector<32x256xf32> to vector<1x256xf32>
      %concatenate3A_2346 = tpu.concatenate %slice3A_2344, %slice3A_2345 in 0 : vector<31x256xf32>, vector<1x256xf32> -> vector<32x256xf32>
      %broadcast_in_dim3A_2347 = vector.shape_cast %ne3A_2323 : vector<32x1xi1> to vector<32x1xi1>
      %broadcast_in_dim3A_2348 = vector.broadcast %broadcast_in_dim3A_2347 : vector<32x1xi1> to vector<32x256xi1>
      %select_n3A_2349 = arith.select %broadcast_in_dim3A_2348, %concatenate3A_2343, %concatenate3A_2346 : vector<32x256xi1>, vector<32x256xf32>
      %slice3A_2350 = vector.extract_strided_slice %select_n3A_2316 {offsets = [31, 0], sizes = [1, 256], strides = [1, 1]} : vector<32x256xf32> to vector<1x256xf32>
      %slice3A_2351 = vector.extract_strided_slice %select_n3A_2316 {offsets = [0, 0], sizes = [31, 256], strides = [1, 1]} : vector<32x256xf32> to vector<31x256xf32>
      %concatenate3A_2352 = tpu.concatenate %slice3A_2350, %slice3A_2351 in 0 : vector<1x256xf32>, vector<31x256xf32> -> vector<32x256xf32>
      %slice3A_2353 = vector.extract_strided_slice %select_n3A_2316 {offsets = [1, 0], sizes = [31, 256], strides = [1, 1]} : vector<32x256xf32> to vector<31x256xf32>
      %slice3A_2354 = vector.extract_strided_slice %select_n3A_2316 {offsets = [0, 0], sizes = [1, 256], strides = [1, 1]} : vector<32x256xf32> to vector<1x256xf32>
      %concatenate3A_2355 = tpu.concatenate %slice3A_2353, %slice3A_2354 in 0 : vector<31x256xf32>, vector<1x256xf32> -> vector<32x256xf32>
      %broadcast_in_dim3A_2356 = vector.shape_cast %ne3A_2323 : vector<32x1xi1> to vector<32x1xi1>
      %broadcast_in_dim3A_2357 = vector.broadcast %broadcast_in_dim3A_2356 : vector<32x1xi1> to vector<32x256xi1>
      %select_n3A_2358 = arith.select %broadcast_in_dim3A_2357, %concatenate3A_2352, %concatenate3A_2355 : vector<32x256xi1>, vector<32x256xf32>
      %lt3A_2359 = arith.cmpf olt, %select_n3A_2315, %select_n3A_2349 : vector<32x256xf32>
      %eq3A_2360 = arith.cmpf oeq, %select_n3A_2315, %select_n3A_2349 : vector<32x256xf32>
      %lt3A_2361 = arith.cmpf olt, %select_n3A_2316, %select_n3A_2358 : vector<32x256xf32>
      %and3A_2362 = arith.andi %eq3A_2360, %lt3A_2361 : vector<32x256xi1>
      %or3A_2363 = arith.ori %lt3A_2359, %and3A_2362 : vector<32x256xi1>
      %xor3A_2364 = vector.broadcast %not3A_2340 : vector<32x1xi1> to vector<32x256xi1>
      %xor3A_2365 = arith.xori %xor3A_2364, %or3A_2363 : vector<32x256xi1>
      %select_n3A_2366 = arith.select %xor3A_2365, %select_n3A_2349, %select_n3A_2315 : vector<32x256xi1>, vector<32x256xf32>
      %select_n3A_2367 = arith.select %xor3A_2365, %select_n3A_2358, %select_n3A_2316 : vector<32x256xi1>, vector<32x256xf32>
      %lt3A_2368 = arith.cmpf olt, %while3A_55, %select_n3A_2366 : vector<32x256xf32>
      %eq3A_2369 = arith.cmpf oeq, %while3A_55, %select_n3A_2366 : vector<32x256xf32>
      %lt3A_2370 = arith.cmpf olt, %while3A_56, %select_n3A_2367 : vector<32x256xf32>
      %and3A_2371 = arith.andi %eq3A_2369, %lt3A_2370 : vector<32x256xi1>
      %or3A_2372 = arith.ori %lt3A_2368, %and3A_2371 : vector<32x256xi1>
      %select_n3A_2373 = arith.select %or3A_2372, %while3A_55, %select_n3A_2366 : vector<32x256xi1>, vector<32x256xf32>
      %select_n3A_2374 = arith.select %or3A_2372, %while3A_56, %select_n3A_2367 : vector<32x256xi1>, vector<32x256xf32>
      %iota3A_2375 = tpu.iota {dimensions = array<i32: 0>} : vector<32x1xi32>
      %and3A_2376 = arith.constant 16 : i32
      %and3A_2377 = vector.broadcast %and3A_2376 : i32 to vector<32x1xi32>
      %and3A_2378 = arith.andi %iota3A_2375, %and3A_2377 : vector<32x1xi32>
      %ne3A_2379 = arith.constant 0 : i32
      %ne3A_2380 = vector.broadcast %ne3A_2379 : i32 to vector<32x1xi32>
      %ne3A_2381 = arith.cmpi ne, %and3A_2378, %ne3A_2380 : vector<32x1xi32>
      %and3A_2382 = arith.constant 16 : i32
      %and3A_2383 = vector.broadcast %and3A_2382 : i32 to vector<32x1xi32>
      %and3A_2384 = arith.andi %iota3A_2375, %and3A_2383 : vector<32x1xi32>
      %eq3A_2385 = arith.constant 0 : i32
      %eq3A_2386 = vector.broadcast %eq3A_2385 : i32 to vector<32x1xi32>
      %eq3A_2387 = arith.cmpi eq, %and3A_2384, %eq3A_2386 : vector<32x1xi32>
      %and3A_2388 = arith.constant 64 : i32
      %and3A_2389 = vector.broadcast %and3A_2388 : i32 to vector<32x1xi32>
      %and3A_2390 = arith.andi %iota3A_2375, %and3A_2389 : vector<32x1xi32>
      %eq3A_2391 = arith.constant 0 : i32
      %eq3A_2392 = vector.broadcast %eq3A_2391 : i32 to vector<32x1xi32>
      %eq3A_2393 = arith.cmpi eq, %and3A_2390, %eq3A_2392 : vector<32x1xi32>
      %eq3A_2394 = arith.xori %eq3A_2387, %eq3A_2393 : vector<32x1xi1>
      %eq3A_2395 = arith.constant dense<true> : vector<32x1xi1>
      %eq3A_2396 = arith.xori %eq3A_2394, %eq3A_2395 : vector<32x1xi1>
      %slice3A_2397 = vector.extract_strided_slice %select_n3A_2373 {offsets = [16, 0], sizes = [16, 256], strides = [1, 1]} : vector<32x256xf32> to vector<16x256xf32>
      %slice3A_2398 = vector.extract_strided_slice %select_n3A_2373 {offsets = [0, 0], sizes = [16, 256], strides = [1, 1]} : vector<32x256xf32> to vector<16x256xf32>
      %concatenate3A_2399 = tpu.concatenate %slice3A_2397, %slice3A_2398 in 0 : vector<16x256xf32>, vector<16x256xf32> -> vector<32x256xf32>
      %slice3A_2400 = vector.extract_strided_slice %select_n3A_2373 {offsets = [16, 0], sizes = [16, 256], strides = [1, 1]} : vector<32x256xf32> to vector<16x256xf32>
      %slice3A_2401 = vector.extract_strided_slice %select_n3A_2373 {offsets = [0, 0], sizes = [16, 256], strides = [1, 1]} : vector<32x256xf32> to vector<16x256xf32>
      %concatenate3A_2402 = tpu.concatenate %slice3A_2400, %slice3A_2401 in 0 : vector<16x256xf32>, vector<16x256xf32> -> vector<32x256xf32>
      %broadcast_in_dim3A_2403 = vector.shape_cast %ne3A_2381 : vector<32x1xi1> to vector<32x1xi1>
      %broadcast_in_dim3A_2404 = vector.broadcast %broadcast_in_dim3A_2403 : vector<32x1xi1> to vector<32x256xi1>
      %select_n3A_2405 = arith.select %broadcast_in_dim3A_2404, %concatenate3A_2399, %concatenate3A_2402 : vector<32x256xi1>, vector<32x256xf32>
      %slice3A_2406 = vector.extract_strided_slice %select_n3A_2374 {offsets = [16, 0], sizes = [16, 256], strides = [1, 1]} : vector<32x256xf32> to vector<16x256xf32>
      %slice3A_2407 = vector.extract_strided_slice %select_n3A_2374 {offsets = [0, 0], sizes = [16, 256], strides = [1, 1]} : vector<32x256xf32> to vector<16x256xf32>
      %concatenate3A_2408 = tpu.concatenate %slice3A_2406, %slice3A_2407 in 0 : vector<16x256xf32>, vector<16x256xf32> -> vector<32x256xf32>
      %slice3A_2409 = vector.extract_strided_slice %select_n3A_2374 {offsets = [16, 0], sizes = [16, 256], strides = [1, 1]} : vector<32x256xf32> to vector<16x256xf32>
      %slice3A_2410 = vector.extract_strided_slice %select_n3A_2374 {offsets = [0, 0], sizes = [16, 256], strides = [1, 1]} : vector<32x256xf32> to vector<16x256xf32>
      %concatenate3A_2411 = tpu.concatenate %slice3A_2409, %slice3A_2410 in 0 : vector<16x256xf32>, vector<16x256xf32> -> vector<32x256xf32>
      %broadcast_in_dim3A_2412 = vector.shape_cast %ne3A_2381 : vector<32x1xi1> to vector<32x1xi1>
      %broadcast_in_dim3A_2413 = vector.broadcast %broadcast_in_dim3A_2412 : vector<32x1xi1> to vector<32x256xi1>
      %select_n3A_2414 = arith.select %broadcast_in_dim3A_2413, %concatenate3A_2408, %concatenate3A_2411 : vector<32x256xi1>, vector<32x256xf32>
      %lt3A_2415 = arith.cmpf olt, %select_n3A_2373, %select_n3A_2405 : vector<32x256xf32>
      %eq3A_2416 = arith.cmpf oeq, %select_n3A_2373, %select_n3A_2405 : vector<32x256xf32>
      %lt3A_2417 = arith.cmpf olt, %select_n3A_2374, %select_n3A_2414 : vector<32x256xf32>
      %and3A_2418 = arith.andi %eq3A_2416, %lt3A_2417 : vector<32x256xi1>
      %or3A_2419 = arith.ori %lt3A_2415, %and3A_2418 : vector<32x256xi1>
      %xor3A_2420 = vector.broadcast %eq3A_2396 : vector<32x1xi1> to vector<32x256xi1>
      %xor3A_2421 = arith.xori %xor3A_2420, %or3A_2419 : vector<32x256xi1>
      %select_n3A_2422 = arith.select %xor3A_2421, %select_n3A_2405, %select_n3A_2373 : vector<32x256xi1>, vector<32x256xf32>
      %select_n3A_2423 = arith.select %xor3A_2421, %select_n3A_2414, %select_n3A_2374 : vector<32x256xi1>, vector<32x256xf32>
      %iota3A_2424 = tpu.iota {dimensions = array<i32: 0>} : vector<32x1xi32>
      %and3A_2425 = arith.constant 8 : i32
      %and3A_2426 = vector.broadcast %and3A_2425 : i32 to vector<32x1xi32>
      %and3A_2427 = arith.andi %iota3A_2424, %and3A_2426 : vector<32x1xi32>
      %ne3A_2428 = arith.constant 0 : i32
      %ne3A_2429 = vector.broadcast %ne3A_2428 : i32 to vector<32x1xi32>
      %ne3A_2430 = arith.cmpi ne, %and3A_2427, %ne3A_2429 : vector<32x1xi32>
      %and3A_2431 = arith.constant 8 : i32
      %and3A_2432 = vector.broadcast %and3A_2431 : i32 to vector<32x1xi32>
      %and3A_2433 = arith.andi %iota3A_2424, %and3A_2432 : vector<32x1xi32>
      %eq3A_2434 = arith.constant 0 : i32
      %eq3A_2435 = vector.broadcast %eq3A_2434 : i32 to vector<32x1xi32>
      %eq3A_2436 = arith.cmpi eq, %and3A_2433, %eq3A_2435 : vector<32x1xi32>
      %and3A_2437 = arith.constant 64 : i32
      %and3A_2438 = vector.broadcast %and3A_2437 : i32 to vector<32x1xi32>
      %and3A_2439 = arith.andi %iota3A_2424, %and3A_2438 : vector<32x1xi32>
      %eq3A_2440 = arith.constant 0 : i32
      %eq3A_2441 = vector.broadcast %eq3A_2440 : i32 to vector<32x1xi32>
      %eq3A_2442 = arith.cmpi eq, %and3A_2439, %eq3A_2441 : vector<32x1xi32>
      %eq3A_2443 = arith.xori %eq3A_2436, %eq3A_2442 : vector<32x1xi1>
      %eq3A_2444 = arith.constant dense<true> : vector<32x1xi1>
      %eq3A_2445 = arith.xori %eq3A_2443, %eq3A_2444 : vector<32x1xi1>
      %slice3A_2446 = vector.extract_strided_slice %select_n3A_2422 {offsets = [24, 0], sizes = [8, 256], strides = [1, 1]} : vector<32x256xf32> to vector<8x256xf32>
      %slice3A_2447 = vector.extract_strided_slice %select_n3A_2422 {offsets = [0, 0], sizes = [24, 256], strides = [1, 1]} : vector<32x256xf32> to vector<24x256xf32>
      %concatenate3A_2448 = tpu.concatenate %slice3A_2446, %slice3A_2447 in 0 : vector<8x256xf32>, vector<24x256xf32> -> vector<32x256xf32>
      %slice3A_2449 = vector.extract_strided_slice %select_n3A_2422 {offsets = [8, 0], sizes = [24, 256], strides = [1, 1]} : vector<32x256xf32> to vector<24x256xf32>
      %slice3A_2450 = vector.extract_strided_slice %select_n3A_2422 {offsets = [0, 0], sizes = [8, 256], strides = [1, 1]} : vector<32x256xf32> to vector<8x256xf32>
      %concatenate3A_2451 = tpu.concatenate %slice3A_2449, %slice3A_2450 in 0 : vector<24x256xf32>, vector<8x256xf32> -> vector<32x256xf32>
      %broadcast_in_dim3A_2452 = vector.shape_cast %ne3A_2430 : vector<32x1xi1> to vector<32x1xi1>
      %broadcast_in_dim3A_2453 = vector.broadcast %broadcast_in_dim3A_2452 : vector<32x1xi1> to vector<32x256xi1>
      %select_n3A_2454 = arith.select %broadcast_in_dim3A_2453, %concatenate3A_2448, %concatenate3A_2451 : vector<32x256xi1>, vector<32x256xf32>
      %slice3A_2455 = vector.extract_strided_slice %select_n3A_2423 {offsets = [24, 0], sizes = [8, 256], strides = [1, 1]} : vector<32x256xf32> to vector<8x256xf32>
      %slice3A_2456 = vector.extract_strided_slice %select_n3A_2423 {offsets = [0, 0], sizes = [24, 256], strides = [1, 1]} : vector<32x256xf32> to vector<24x256xf32>
      %concatenate3A_2457 = tpu.concatenate %slice3A_2455, %slice3A_2456 in 0 : vector<8x256xf32>, vector<24x256xf32> -> vector<32x256xf32>
      %slice3A_2458 = vector.extract_strided_slice %select_n3A_2423 {offsets = [8, 0], sizes = [24, 256], strides = [1, 1]} : vector<32x256xf32> to vector<24x256xf32>
      %slice3A_2459 = vector.extract_strided_slice %select_n3A_2423 {offsets = [0, 0], sizes = [8, 256], strides = [1, 1]} : vector<32x256xf32> to vector<8x256xf32>
      %concatenate3A_2460 = tpu.concatenate %slice3A_2458, %slice3A_2459 in 0 : vector<24x256xf32>, vector<8x256xf32> -> vector<32x256xf32>
      %broadcast_in_dim3A_2461 = vector.shape_cast %ne3A_2430 : vector<32x1xi1> to vector<32x1xi1>
      %broadcast_in_dim3A_2462 = vector.broadcast %broadcast_in_dim3A_2461 : vector<32x1xi1> to vector<32x256xi1>
      %select_n3A_2463 = arith.select %broadcast_in_dim3A_2462, %concatenate3A_2457, %concatenate3A_2460 : vector<32x256xi1>, vector<32x256xf32>
      %lt3A_2464 = arith.cmpf olt, %select_n3A_2422, %select_n3A_2454 : vector<32x256xf32>
      %eq3A_2465 = arith.cmpf oeq, %select_n3A_2422, %select_n3A_2454 : vector<32x256xf32>
      %lt3A_2466 = arith.cmpf olt, %select_n3A_2423, %select_n3A_2463 : vector<32x256xf32>
      %and3A_2467 = arith.andi %eq3A_2465, %lt3A_2466 : vector<32x256xi1>
      %or3A_2468 = arith.ori %lt3A_2464, %and3A_2467 : vector<32x256xi1>
      %xor3A_2469 = vector.broadcast %eq3A_2445 : vector<32x1xi1> to vector<32x256xi1>
      %xor3A_2470 = arith.xori %xor3A_2469, %or3A_2468 : vector<32x256xi1>
      %select_n3A_2471 = arith.select %xor3A_2470, %select_n3A_2454, %select_n3A_2422 : vector<32x256xi1>, vector<32x256xf32>
      %select_n3A_2472 = arith.select %xor3A_2470, %select_n3A_2463, %select_n3A_2423 : vector<32x256xi1>, vector<32x256xf32>
      %iota3A_2473 = tpu.iota {dimensions = array<i32: 0>} : vector<32x1xi32>
      %and3A_2474 = arith.constant 4 : i32
      %and3A_2475 = vector.broadcast %and3A_2474 : i32 to vector<32x1xi32>
      %and3A_2476 = arith.andi %iota3A_2473, %and3A_2475 : vector<32x1xi32>
      %ne3A_2477 = arith.constant 0 : i32
      %ne3A_2478 = vector.broadcast %ne3A_2477 : i32 to vector<32x1xi32>
      %ne3A_2479 = arith.cmpi ne, %and3A_2476, %ne3A_2478 : vector<32x1xi32>
      %and3A_2480 = arith.constant 4 : i32
      %and3A_2481 = vector.broadcast %and3A_2480 : i32 to vector<32x1xi32>
      %and3A_2482 = arith.andi %iota3A_2473, %and3A_2481 : vector<32x1xi32>
      %eq3A_2483 = arith.constant 0 : i32
      %eq3A_2484 = vector.broadcast %eq3A_2483 : i32 to vector<32x1xi32>
      %eq3A_2485 = arith.cmpi eq, %and3A_2482, %eq3A_2484 : vector<32x1xi32>
      %and3A_2486 = arith.constant 64 : i32
      %and3A_2487 = vector.broadcast %and3A_2486 : i32 to vector<32x1xi32>
      %and3A_2488 = arith.andi %iota3A_2473, %and3A_2487 : vector<32x1xi32>
      %eq3A_2489 = arith.constant 0 : i32
      %eq3A_2490 = vector.broadcast %eq3A_2489 : i32 to vector<32x1xi32>
      %eq3A_2491 = arith.cmpi eq, %and3A_2488, %eq3A_2490 : vector<32x1xi32>
      %eq3A_2492 = arith.xori %eq3A_2485, %eq3A_2491 : vector<32x1xi1>
      %eq3A_2493 = arith.constant dense<true> : vector<32x1xi1>
      %eq3A_2494 = arith.xori %eq3A_2492, %eq3A_2493 : vector<32x1xi1>
      %slice3A_2495 = vector.extract_strided_slice %select_n3A_2471 {offsets = [28, 0], sizes = [4, 256], strides = [1, 1]} : vector<32x256xf32> to vector<4x256xf32>
      %slice3A_2496 = vector.extract_strided_slice %select_n3A_2471 {offsets = [0, 0], sizes = [28, 256], strides = [1, 1]} : vector<32x256xf32> to vector<28x256xf32>
      %concatenate3A_2497 = tpu.concatenate %slice3A_2495, %slice3A_2496 in 0 : vector<4x256xf32>, vector<28x256xf32> -> vector<32x256xf32>
      %slice3A_2498 = vector.extract_strided_slice %select_n3A_2471 {offsets = [4, 0], sizes = [28, 256], strides = [1, 1]} : vector<32x256xf32> to vector<28x256xf32>
      %slice3A_2499 = vector.extract_strided_slice %select_n3A_2471 {offsets = [0, 0], sizes = [4, 256], strides = [1, 1]} : vector<32x256xf32> to vector<4x256xf32>
      %concatenate3A_2500 = tpu.concatenate %slice3A_2498, %slice3A_2499 in 0 : vector<28x256xf32>, vector<4x256xf32> -> vector<32x256xf32>
      %broadcast_in_dim3A_2501 = vector.shape_cast %ne3A_2479 : vector<32x1xi1> to vector<32x1xi1>
      %broadcast_in_dim3A_2502 = vector.broadcast %broadcast_in_dim3A_2501 : vector<32x1xi1> to vector<32x256xi1>
      %select_n3A_2503 = arith.select %broadcast_in_dim3A_2502, %concatenate3A_2497, %concatenate3A_2500 : vector<32x256xi1>, vector<32x256xf32>
      %slice3A_2504 = vector.extract_strided_slice %select_n3A_2472 {offsets = [28, 0], sizes = [4, 256], strides = [1, 1]} : vector<32x256xf32> to vector<4x256xf32>
      %slice3A_2505 = vector.extract_strided_slice %select_n3A_2472 {offsets = [0, 0], sizes = [28, 256], strides = [1, 1]} : vector<32x256xf32> to vector<28x256xf32>
      %concatenate3A_2506 = tpu.concatenate %slice3A_2504, %slice3A_2505 in 0 : vector<4x256xf32>, vector<28x256xf32> -> vector<32x256xf32>
      %slice3A_2507 = vector.extract_strided_slice %select_n3A_2472 {offsets = [4, 0], sizes = [28, 256], strides = [1, 1]} : vector<32x256xf32> to vector<28x256xf32>
      %slice3A_2508 = vector.extract_strided_slice %select_n3A_2472 {offsets = [0, 0], sizes = [4, 256], strides = [1, 1]} : vector<32x256xf32> to vector<4x256xf32>
      %concatenate3A_2509 = tpu.concatenate %slice3A_2507, %slice3A_2508 in 0 : vector<28x256xf32>, vector<4x256xf32> -> vector<32x256xf32>
      %broadcast_in_dim3A_2510 = vector.shape_cast %ne3A_2479 : vector<32x1xi1> to vector<32x1xi1>
      %broadcast_in_dim3A_2511 = vector.broadcast %broadcast_in_dim3A_2510 : vector<32x1xi1> to vector<32x256xi1>
      %select_n3A_2512 = arith.select %broadcast_in_dim3A_2511, %concatenate3A_2506, %concatenate3A_2509 : vector<32x256xi1>, vector<32x256xf32>
      %lt3A_2513 = arith.cmpf olt, %select_n3A_2471, %select_n3A_2503 : vector<32x256xf32>
      %eq3A_2514 = arith.cmpf oeq, %select_n3A_2471, %select_n3A_2503 : vector<32x256xf32>
      %lt3A_2515 = arith.cmpf olt, %select_n3A_2472, %select_n3A_2512 : vector<32x256xf32>
      %and3A_2516 = arith.andi %eq3A_2514, %lt3A_2515 : vector<32x256xi1>
      %or3A_2517 = arith.ori %lt3A_2513, %and3A_2516 : vector<32x256xi1>
      %xor3A_2518 = vector.broadcast %eq3A_2494 : vector<32x1xi1> to vector<32x256xi1>
      %xor3A_2519 = arith.xori %xor3A_2518, %or3A_2517 : vector<32x256xi1>
      %select_n3A_2520 = arith.select %xor3A_2519, %select_n3A_2503, %select_n3A_2471 : vector<32x256xi1>, vector<32x256xf32>
      %select_n3A_2521 = arith.select %xor3A_2519, %select_n3A_2512, %select_n3A_2472 : vector<32x256xi1>, vector<32x256xf32>
      %iota3A_2522 = tpu.iota {dimensions = array<i32: 0>} : vector<32x1xi32>
      %and3A_2523 = arith.constant 2 : i32
      %and3A_2524 = vector.broadcast %and3A_2523 : i32 to vector<32x1xi32>
      %and3A_2525 = arith.andi %iota3A_2522, %and3A_2524 : vector<32x1xi32>
      %ne3A_2526 = arith.constant 0 : i32
      %ne3A_2527 = vector.broadcast %ne3A_2526 : i32 to vector<32x1xi32>
      %ne3A_2528 = arith.cmpi ne, %and3A_2525, %ne3A_2527 : vector<32x1xi32>
      %and3A_2529 = arith.constant 2 : i32
      %and3A_2530 = vector.broadcast %and3A_2529 : i32 to vector<32x1xi32>
      %and3A_2531 = arith.andi %iota3A_2522, %and3A_2530 : vector<32x1xi32>
      %eq3A_2532 = arith.constant 0 : i32
      %eq3A_2533 = vector.broadcast %eq3A_2532 : i32 to vector<32x1xi32>
      %eq3A_2534 = arith.cmpi eq, %and3A_2531, %eq3A_2533 : vector<32x1xi32>
      %and3A_2535 = arith.constant 64 : i32
      %and3A_2536 = vector.broadcast %and3A_2535 : i32 to vector<32x1xi32>
      %and3A_2537 = arith.andi %iota3A_2522, %and3A_2536 : vector<32x1xi32>
      %eq3A_2538 = arith.constant 0 : i32
      %eq3A_2539 = vector.broadcast %eq3A_2538 : i32 to vector<32x1xi32>
      %eq3A_2540 = arith.cmpi eq, %and3A_2537, %eq3A_2539 : vector<32x1xi32>
      %eq3A_2541 = arith.xori %eq3A_2534, %eq3A_2540 : vector<32x1xi1>
      %eq3A_2542 = arith.constant dense<true> : vector<32x1xi1>
      %eq3A_2543 = arith.xori %eq3A_2541, %eq3A_2542 : vector<32x1xi1>
      %slice3A_2544 = vector.extract_strided_slice %select_n3A_2520 {offsets = [30, 0], sizes = [2, 256], strides = [1, 1]} : vector<32x256xf32> to vector<2x256xf32>
      %slice3A_2545 = vector.extract_strided_slice %select_n3A_2520 {offsets = [0, 0], sizes = [30, 256], strides = [1, 1]} : vector<32x256xf32> to vector<30x256xf32>
      %concatenate3A_2546 = tpu.concatenate %slice3A_2544, %slice3A_2545 in 0 : vector<2x256xf32>, vector<30x256xf32> -> vector<32x256xf32>
      %slice3A_2547 = vector.extract_strided_slice %select_n3A_2520 {offsets = [2, 0], sizes = [30, 256], strides = [1, 1]} : vector<32x256xf32> to vector<30x256xf32>
      %slice3A_2548 = vector.extract_strided_slice %select_n3A_2520 {offsets = [0, 0], sizes = [2, 256], strides = [1, 1]} : vector<32x256xf32> to vector<2x256xf32>
      %concatenate3A_2549 = tpu.concatenate %slice3A_2547, %slice3A_2548 in 0 : vector<30x256xf32>, vector<2x256xf32> -> vector<32x256xf32>
      %broadcast_in_dim3A_2550 = vector.shape_cast %ne3A_2528 : vector<32x1xi1> to vector<32x1xi1>
      %broadcast_in_dim3A_2551 = vector.broadcast %broadcast_in_dim3A_2550 : vector<32x1xi1> to vector<32x256xi1>
      %select_n3A_2552 = arith.select %broadcast_in_dim3A_2551, %concatenate3A_2546, %concatenate3A_2549 : vector<32x256xi1>, vector<32x256xf32>
      %slice3A_2553 = vector.extract_strided_slice %select_n3A_2521 {offsets = [30, 0], sizes = [2, 256], strides = [1, 1]} : vector<32x256xf32> to vector<2x256xf32>
      %slice3A_2554 = vector.extract_strided_slice %select_n3A_2521 {offsets = [0, 0], sizes = [30, 256], strides = [1, 1]} : vector<32x256xf32> to vector<30x256xf32>
      %concatenate3A_2555 = tpu.concatenate %slice3A_2553, %slice3A_2554 in 0 : vector<2x256xf32>, vector<30x256xf32> -> vector<32x256xf32>
      %slice3A_2556 = vector.extract_strided_slice %select_n3A_2521 {offsets = [2, 0], sizes = [30, 256], strides = [1, 1]} : vector<32x256xf32> to vector<30x256xf32>
      %slice3A_2557 = vector.extract_strided_slice %select_n3A_2521 {offsets = [0, 0], sizes = [2, 256], strides = [1, 1]} : vector<32x256xf32> to vector<2x256xf32>
      %concatenate3A_2558 = tpu.concatenate %slice3A_2556, %slice3A_2557 in 0 : vector<30x256xf32>, vector<2x256xf32> -> vector<32x256xf32>
      %broadcast_in_dim3A_2559 = vector.shape_cast %ne3A_2528 : vector<32x1xi1> to vector<32x1xi1>
      %broadcast_in_dim3A_2560 = vector.broadcast %broadcast_in_dim3A_2559 : vector<32x1xi1> to vector<32x256xi1>
      %select_n3A_2561 = arith.select %broadcast_in_dim3A_2560, %concatenate3A_2555, %concatenate3A_2558 : vector<32x256xi1>, vector<32x256xf32>
      %lt3A_2562 = arith.cmpf olt, %select_n3A_2520, %select_n3A_2552 : vector<32x256xf32>
      %eq3A_2563 = arith.cmpf oeq, %select_n3A_2520, %select_n3A_2552 : vector<32x256xf32>
      %lt3A_2564 = arith.cmpf olt, %select_n3A_2521, %select_n3A_2561 : vector<32x256xf32>
      %and3A_2565 = arith.andi %eq3A_2563, %lt3A_2564 : vector<32x256xi1>
      %or3A_2566 = arith.ori %lt3A_2562, %and3A_2565 : vector<32x256xi1>
      %xor3A_2567 = vector.broadcast %eq3A_2543 : vector<32x1xi1> to vector<32x256xi1>
      %xor3A_2568 = arith.xori %xor3A_2567, %or3A_2566 : vector<32x256xi1>
      %select_n3A_2569 = arith.select %xor3A_2568, %select_n3A_2552, %select_n3A_2520 : vector<32x256xi1>, vector<32x256xf32>
      %select_n3A_2570 = arith.select %xor3A_2568, %select_n3A_2561, %select_n3A_2521 : vector<32x256xi1>, vector<32x256xf32>
      %iota3A_2571 = tpu.iota {dimensions = array<i32: 0>} : vector<32x1xi32>
      %and3A_2572 = arith.constant 1 : i32
      %and3A_2573 = vector.broadcast %and3A_2572 : i32 to vector<32x1xi32>
      %and3A_2574 = arith.andi %iota3A_2571, %and3A_2573 : vector<32x1xi32>
      %ne3A_2575 = arith.constant 0 : i32
      %ne3A_2576 = vector.broadcast %ne3A_2575 : i32 to vector<32x1xi32>
      %ne3A_2577 = arith.cmpi ne, %and3A_2574, %ne3A_2576 : vector<32x1xi32>
      %and3A_2578 = arith.constant 1 : i32
      %and3A_2579 = vector.broadcast %and3A_2578 : i32 to vector<32x1xi32>
      %and3A_2580 = arith.andi %iota3A_2571, %and3A_2579 : vector<32x1xi32>
      %eq3A_2581 = arith.constant 0 : i32
      %eq3A_2582 = vector.broadcast %eq3A_2581 : i32 to vector<32x1xi32>
      %eq3A_2583 = arith.cmpi eq, %and3A_2580, %eq3A_2582 : vector<32x1xi32>
      %and3A_2584 = arith.constant 64 : i32
      %and3A_2585 = vector.broadcast %and3A_2584 : i32 to vector<32x1xi32>
      %and3A_2586 = arith.andi %iota3A_2571, %and3A_2585 : vector<32x1xi32>
      %eq3A_2587 = arith.constant 0 : i32
      %eq3A_2588 = vector.broadcast %eq3A_2587 : i32 to vector<32x1xi32>
      %eq3A_2589 = arith.cmpi eq, %and3A_2586, %eq3A_2588 : vector<32x1xi32>
      %eq3A_2590 = arith.xori %eq3A_2583, %eq3A_2589 : vector<32x1xi1>
      %eq3A_2591 = arith.constant dense<true> : vector<32x1xi1>
      %eq3A_2592 = arith.xori %eq3A_2590, %eq3A_2591 : vector<32x1xi1>
      %slice3A_2593 = vector.extract_strided_slice %select_n3A_2569 {offsets = [31, 0], sizes = [1, 256], strides = [1, 1]} : vector<32x256xf32> to vector<1x256xf32>
      %slice3A_2594 = vector.extract_strided_slice %select_n3A_2569 {offsets = [0, 0], sizes = [31, 256], strides = [1, 1]} : vector<32x256xf32> to vector<31x256xf32>
      %concatenate3A_2595 = tpu.concatenate %slice3A_2593, %slice3A_2594 in 0 : vector<1x256xf32>, vector<31x256xf32> -> vector<32x256xf32>
      %slice3A_2596 = vector.extract_strided_slice %select_n3A_2569 {offsets = [1, 0], sizes = [31, 256], strides = [1, 1]} : vector<32x256xf32> to vector<31x256xf32>
      %slice3A_2597 = vector.extract_strided_slice %select_n3A_2569 {offsets = [0, 0], sizes = [1, 256], strides = [1, 1]} : vector<32x256xf32> to vector<1x256xf32>
      %concatenate3A_2598 = tpu.concatenate %slice3A_2596, %slice3A_2597 in 0 : vector<31x256xf32>, vector<1x256xf32> -> vector<32x256xf32>
      %broadcast_in_dim3A_2599 = vector.shape_cast %ne3A_2577 : vector<32x1xi1> to vector<32x1xi1>
      %broadcast_in_dim3A_2600 = vector.broadcast %broadcast_in_dim3A_2599 : vector<32x1xi1> to vector<32x256xi1>
      %select_n3A_2601 = arith.select %broadcast_in_dim3A_2600, %concatenate3A_2595, %concatenate3A_2598 : vector<32x256xi1>, vector<32x256xf32>
      %slice3A_2602 = vector.extract_strided_slice %select_n3A_2570 {offsets = [31, 0], sizes = [1, 256], strides = [1, 1]} : vector<32x256xf32> to vector<1x256xf32>
      %slice3A_2603 = vector.extract_strided_slice %select_n3A_2570 {offsets = [0, 0], sizes = [31, 256], strides = [1, 1]} : vector<32x256xf32> to vector<31x256xf32>
      %concatenate3A_2604 = tpu.concatenate %slice3A_2602, %slice3A_2603 in 0 : vector<1x256xf32>, vector<31x256xf32> -> vector<32x256xf32>
      %slice3A_2605 = vector.extract_strided_slice %select_n3A_2570 {offsets = [1, 0], sizes = [31, 256], strides = [1, 1]} : vector<32x256xf32> to vector<31x256xf32>
      %slice3A_2606 = vector.extract_strided_slice %select_n3A_2570 {offsets = [0, 0], sizes = [1, 256], strides = [1, 1]} : vector<32x256xf32> to vector<1x256xf32>
      %concatenate3A_2607 = tpu.concatenate %slice3A_2605, %slice3A_2606 in 0 : vector<31x256xf32>, vector<1x256xf32> -> vector<32x256xf32>
      %broadcast_in_dim3A_2608 = vector.shape_cast %ne3A_2577 : vector<32x1xi1> to vector<32x1xi1>
      %broadcast_in_dim3A_2609 = vector.broadcast %broadcast_in_dim3A_2608 : vector<32x1xi1> to vector<32x256xi1>
      %select_n3A_2610 = arith.select %broadcast_in_dim3A_2609, %concatenate3A_2604, %concatenate3A_2607 : vector<32x256xi1>, vector<32x256xf32>
      %lt3A_2611 = arith.cmpf olt, %select_n3A_2569, %select_n3A_2601 : vector<32x256xf32>
      %eq3A_2612 = arith.cmpf oeq, %select_n3A_2569, %select_n3A_2601 : vector<32x256xf32>
      %lt3A_2613 = arith.cmpf olt, %select_n3A_2570, %select_n3A_2610 : vector<32x256xf32>
      %and3A_2614 = arith.andi %eq3A_2612, %lt3A_2613 : vector<32x256xi1>
      %or3A_2615 = arith.ori %lt3A_2611, %and3A_2614 : vector<32x256xi1>
      %xor3A_2616 = vector.broadcast %eq3A_2592 : vector<32x1xi1> to vector<32x256xi1>
      %xor3A_2617 = arith.xori %xor3A_2616, %or3A_2615 : vector<32x256xi1>
      %select_n3A_2618 = arith.select %xor3A_2617, %select_n3A_2601, %select_n3A_2569 : vector<32x256xi1>, vector<32x256xf32>
      %select_n3A_2619 = arith.select %xor3A_2617, %select_n3A_2610, %select_n3A_2570 : vector<32x256xi1>, vector<32x256xf32>
      scf.yield %reduce_or3A_1605, %select_n3A_2618, %select_n3A_2619 : i1, vector<32x256xf32>, vector<32x256xf32>
    }
    %transpose3A = tpu.transpose %while3A_46#2, [1, 0] : vector<32x256xf32> -> vector<256x32xf32>
    %convert_element_type3A_47 = arith.fptosi %transpose3A : vector<256x32xf32> to vector<256x32xi32>
    %swap3A_48 = arith.constant 0 : index
    %swap3A_49 = arith.constant 0 : index
    %swap3A_50 = arith.constant 0 : index
    %swap3A_51 = vector.load %arg7[%swap3A_48, %swap3A_49, %swap3A_50] : memref<1x256x32xi32, #tpu.memory_space<vmem>>, vector<1x256x32xi32>
    %swap3A_52 = vector.shape_cast %swap3A_51 : vector<1x256x32xi32> to vector<256x32xi32>
    %swap3A_53 = vector.shape_cast %convert_element_type3A_47 : vector<256x32xi32> to vector<1x256x32xi32>
    tpu.vector_store %arg7[%swap3A_48, %swap3A_49, %swap3A_50], %swap3A_53 {strides = array<i32>} : memref<1x256x32xi32, #tpu.memory_space<vmem>>, vector<1x256x32xi32>,
    return
  }
  func.func @transform_0(%arg0: i32) -> (i32, i32, i32) {
    %c0_i32 = arith.constant 0 : i32
    %c0_i32_0 = arith.constant 0 : i32
    %c0_i32_1 = arith.constant 0 : i32
    return %arg0, %c0_i32, %c0_i32_0 : i32, i32, i32
  }
  func.func @transform_1(%arg0: i32) -> (i32, i32, i32) {
    %c0_i32 = arith.constant 0 : i32
    %c0_i32_0 = arith.constant 0 : i32
    %c0_i32_1 = arith.constant 0 : i32
    return %arg0, %c0_i32, %c0_i32_0 : i32, i32, i32
  }
  func.func @transform_2(%arg0: i32) -> (i32, i32, i32) {
    %c0_i32 = arith.constant 0 : i32
    %c0_i32_0 = arith.constant 0 : i32
    %c0_i32_1 = arith.constant 0 : i32
    return %arg0, %c0_i32, %c0_i32_0 : i32, i32, i32
  }
  func.func @transform_3(%arg0: i32) -> (i32, i32, i32) {
    %c0_i32 = arith.constant 0 : i32
    %c0_i32_0 = arith.constant 0 : i32
    %c0_i32_1 = arith.constant 0 : i32
    return %arg0, %c0_i32, %c0_i32_0 : i32, i32, i32
  }
  func.func @transform_4(%arg0: i32) -> (i32, i32, i32) {
    %c0_i32 = arith.constant 0 : i32
    %c0_i32_0 = arith.constant 0 : i32
    %c0_i32_1 = arith.constant 0 : i32
    return %arg0, %c0_i32, %c0_i32_0 : i32, i32, i32
  }
  func.func @transform_5(%arg0: i32) -> (i32, i32, i32) {
    %c0_i32 = arith.constant 0 : i32
    %c0_i32_0 = arith.constant 0 : i32
    %c0_i32_1 = arith.constant 0 : i32
    return %arg0, %c0_i32, %c0_i32_0 : i32, i32, i32
  }
  func.func @transform_6(%arg0: i32) -> (i32, i32, i32) {
    %c0_i32 = arith.constant 0 : i32
    %c0_i32_0 = arith.constant 0 : i32
    %c0_i32_1 = arith.constant 0 : i32
    return %arg0, %c0_i32, %c0_i32_0 : i32, i32, i32
  }
}

module attributes {stable_mosaic.version = 14 : i64} {
  func.func @_mlp_kernel(%arg0: i32, %arg1: memref<1x32x256xf32, #tpu.memory_space<vmem>>, %arg2: memref<1x32x256xf32, #tpu.memory_space<vmem>>, %arg3: memref<1x32x256xf32, #tpu.memory_space<vmem>>, %arg4: memref<128x3xf32, #tpu.memory_space<vmem>>, %arg5: memref<128x1xf32, #tpu.memory_space<vmem>>, %arg6: memref<384x128xf32, #tpu.memory_space<vmem>>, %arg7: memref<384x1xf32, #tpu.memory_space<vmem>>, %arg8: memref<1x384x256xf32, #tpu.memory_space<vmem>>) attributes {dimension_semantics = [#tpu.dimension_semantics<arbitrary>], iteration_bounds = array<i64: 16>, scalar_prefetch = 0 : i64, scratch_operands = 0 : i64, tpu.core_type = #tpu.core_type<tc>, window_params = [{transform_indices = @transform_0, window_bounds = array<i64: 1, 32, 256>}, {transform_indices = @transform_1, window_bounds = array<i64: 1, 32, 256>}, {transform_indices = @transform_2, window_bounds = array<i64: 1, 32, 256>}, {pipeline_mode = #tpu.pipeline_mode<synchronous>, transform_indices = @transform_3, window_bounds = array<i64: 128, 3>}, {pipeline_mode = #tpu.pipeline_mode<synchronous>, transform_indices = @transform_4, window_bounds = array<i64: 128, 1>}, {pipeline_mode = #tpu.pipeline_mode<synchronous>, transform_indices = @transform_5, window_bounds = array<i64: 384, 128>}, {pipeline_mode = #tpu.pipeline_mode<synchronous>, transform_indices = @transform_6, window_bounds = array<i64: 384, 1>}, {transform_indices = @transform_7, window_bounds = array<i64: 1, 384, 256>}]} {
    %get3A = arith.constant 0 : index
    %get3A_0 = arith.constant 0 : index
    %get3A_1 = arith.constant 0 : index
    %get3A_2 = vector.load %arg1[%get3A, %get3A_0, %get3A_1] : memref<1x32x256xf32, #tpu.memory_space<vmem>>, vector<1x32x256xf32>
    %get3A_3 = vector.shape_cast %get3A_2 : vector<1x32x256xf32> to vector<32x256xf32>
    %get3A_4 = arith.constant 0 : index
    %get3A_5 = arith.constant 0 : index
    %get3A_6 = arith.constant 0 : index
    %get3A_7 = vector.load %arg2[%get3A_4, %get3A_5, %get3A_6] : memref<1x32x256xf32, #tpu.memory_space<vmem>>, vector<1x32x256xf32>
    %get3A_8 = vector.shape_cast %get3A_7 : vector<1x32x256xf32> to vector<32x256xf32>
    %get3A_9 = arith.constant 0 : index
    %get3A_10 = arith.constant 0 : index
    %get3A_11 = arith.constant 0 : index
    %get3A_12 = vector.load %arg3[%get3A_9, %get3A_10, %get3A_11] : memref<1x32x256xf32, #tpu.memory_space<vmem>>, vector<1x32x256xf32>
    %get3A_13 = vector.shape_cast %get3A_12 : vector<1x32x256xf32> to vector<32x256xf32>
    %get3A_14 = arith.constant 0 : index
    %get3A_15 = arith.constant 0 : index
    %get3A_16 = vector.load %arg4[%get3A_14, %get3A_15] : memref<128x3xf32, #tpu.memory_space<vmem>>, vector<128x1xf32>
    %get3A_17 = arith.constant 0 : index
    %get3A_18 = arith.constant 1 : index
    %get3A_19 = vector.load %arg4[%get3A_17, %get3A_18] : memref<128x3xf32, #tpu.memory_space<vmem>>, vector<128x1xf32>
    %get3A_20 = arith.constant 0 : index
    %get3A_21 = arith.constant 2 : index
    %get3A_22 = vector.load %arg4[%get3A_20, %get3A_21] : memref<128x3xf32, #tpu.memory_space<vmem>>, vector<128x1xf32>
    %get3A_23 = arith.constant 0 : index
    %get3A_24 = arith.constant 0 : index
    %get3A_25 = vector.load %arg5[%get3A_23, %get3A_24] : memref<128x1xf32, #tpu.memory_space<vmem>>, vector<128x1xf32>
    %get3A_26 = arith.constant 0 : index
    %get3A_27 = arith.constant 0 : index
    %get3A_28 = vector.load %arg6[%get3A_26, %get3A_27] : memref<384x128xf32, #tpu.memory_space<vmem>>, vector<384x128xf32>
    %get3A_29 = arith.constant 0 : index
    %get3A_30 = arith.constant 0 : index
    %get3A_31 = vector.load %arg7[%get3A_29, %get3A_30] : memref<384x1xf32, #tpu.memory_space<vmem>>, vector<384x1xf32>
    %slice3A = vector.extract_strided_slice %get3A_3 {offsets = [0, 0], sizes = [1, 256], strides = [1, 1]} : vector<32x256xf32> to vector<1x256xf32>
    %slice3A_32 = vector.extract_strided_slice %get3A_8 {offsets = [0, 0], sizes = [1, 256], strides = [1, 1]} : vector<32x256xf32> to vector<1x256xf32>
    %slice3A_33 = vector.extract_strided_slice %get3A_13 {offsets = [0, 0], sizes = [1, 256], strides = [1, 1]} : vector<32x256xf32> to vector<1x256xf32>
    %mul3A = vector.broadcast %get3A_16 : vector<128x1xf32> to vector<128x256xf32>
    %mul3A_34 = vector.broadcast %slice3A : vector<1x256xf32> to vector<128x256xf32>
    %mul3A_35 = arith.mulf %mul3A, %mul3A_34 : vector<128x256xf32>
    %mul3A_36 = vector.broadcast %get3A_19 : vector<128x1xf32> to vector<128x256xf32>
    %mul3A_37 = vector.broadcast %slice3A_32 : vector<1x256xf32> to vector<128x256xf32>
    %mul3A_38 = arith.mulf %mul3A_36, %mul3A_37 : vector<128x256xf32>
    %add3A = arith.addf %mul3A_35, %mul3A_38 : vector<128x256xf32>
    %mul3A_39 = vector.broadcast %get3A_22 : vector<128x1xf32> to vector<128x256xf32>
    %mul3A_40 = vector.broadcast %slice3A_33 : vector<1x256xf32> to vector<128x256xf32>
    %mul3A_41 = arith.mulf %mul3A_39, %mul3A_40 : vector<128x256xf32>
    %add3A_42 = arith.addf %add3A, %mul3A_41 : vector<128x256xf32>
    %add3A_43 = vector.broadcast %get3A_25 : vector<128x1xf32> to vector<128x256xf32>
    %add3A_44 = arith.addf %add3A_42, %add3A_43 : vector<128x256xf32>
    %mul3A_45 = arith.constant 5.000000e-01 : f32
    %mul3A_46 = vector.broadcast %mul3A_45 : f32 to vector<128x256xf32>
    %mul3A_47 = arith.mulf %mul3A_46, %add3A_44 : vector<128x256xf32>
    %mul3A_48 = arith.constant 0.707106769 : f32
    %mul3A_49 = vector.broadcast %mul3A_48 : f32 to vector<128x256xf32>
    %mul3A_50 = arith.mulf %add3A_44, %mul3A_49 : vector<128x256xf32>
    %erf3A = math.erf %mul3A_50 : vector<128x256xf32>
    %add3A_51 = arith.constant 1.000000e+00 : f32
    %add3A_52 = vector.broadcast %add3A_51 : f32 to vector<128x256xf32>
    %add3A_53 = arith.addf %add3A_52, %erf3A : vector<128x256xf32>
    %mul3A_54 = arith.mulf %mul3A_47, %add3A_53 : vector<128x256xf32>
    %dot_general3A = arith.constant dense<0.000000e+00> : vector<384x256xf32>
    %dot_general3A_55 = tpu.matmul %get3A_28, %mul3A_54, %dot_general3A {dimension_numbers = #tpu.dot_dimension_numbers<[1], [0], [0], [1], [0, 0, 1, 1], [], []>, transpose_lhs_hint = false} : vector<384x128xf32>, vector<128x256xf32>, vector<384x256xf32> -> vector<384x256xf32>
    %slice3A_56 = vector.extract_strided_slice %get3A_3 {offsets = [1, 0], sizes = [1, 256], strides = [1, 1]} : vector<32x256xf32> to vector<1x256xf32>
    %slice3A_57 = vector.extract_strided_slice %get3A_8 {offsets = [1, 0], sizes = [1, 256], strides = [1, 1]} : vector<32x256xf32> to vector<1x256xf32>
    %slice3A_58 = vector.extract_strided_slice %get3A_13 {offsets = [1, 0], sizes = [1, 256], strides = [1, 1]} : vector<32x256xf32> to vector<1x256xf32>
    %mul3A_59 = vector.broadcast %get3A_16 : vector<128x1xf32> to vector<128x256xf32>
    %mul3A_60 = vector.broadcast %slice3A_56 : vector<1x256xf32> to vector<128x256xf32>
    %mul3A_61 = arith.mulf %mul3A_59, %mul3A_60 : vector<128x256xf32>
    %mul3A_62 = vector.broadcast %get3A_19 : vector<128x1xf32> to vector<128x256xf32>
    %mul3A_63 = vector.broadcast %slice3A_57 : vector<1x256xf32> to vector<128x256xf32>
    %mul3A_64 = arith.mulf %mul3A_62, %mul3A_63 : vector<128x256xf32>
    %add3A_65 = arith.addf %mul3A_61, %mul3A_64 : vector<128x256xf32>
    %mul3A_66 = vector.broadcast %get3A_22 : vector<128x1xf32> to vector<128x256xf32>
    %mul3A_67 = vector.broadcast %slice3A_58 : vector<1x256xf32> to vector<128x256xf32>
    %mul3A_68 = arith.mulf %mul3A_66, %mul3A_67 : vector<128x256xf32>
    %add3A_69 = arith.addf %add3A_65, %mul3A_68 : vector<128x256xf32>
    %add3A_70 = vector.broadcast %get3A_25 : vector<128x1xf32> to vector<128x256xf32>
    %add3A_71 = arith.addf %add3A_69, %add3A_70 : vector<128x256xf32>
    %mul3A_72 = arith.constant 5.000000e-01 : f32
    %mul3A_73 = vector.broadcast %mul3A_72 : f32 to vector<128x256xf32>
    %mul3A_74 = arith.mulf %mul3A_73, %add3A_71 : vector<128x256xf32>
    %mul3A_75 = arith.constant 0.707106769 : f32
    %mul3A_76 = vector.broadcast %mul3A_75 : f32 to vector<128x256xf32>
    %mul3A_77 = arith.mulf %add3A_71, %mul3A_76 : vector<128x256xf32>
    %erf3A_78 = math.erf %mul3A_77 : vector<128x256xf32>
    %add3A_79 = arith.constant 1.000000e+00 : f32
    %add3A_80 = vector.broadcast %add3A_79 : f32 to vector<128x256xf32>
    %add3A_81 = arith.addf %add3A_80, %erf3A_78 : vector<128x256xf32>
    %mul3A_82 = arith.mulf %mul3A_74, %add3A_81 : vector<128x256xf32>
    %dot_general3A_83 = arith.constant dense<0.000000e+00> : vector<384x256xf32>
    %dot_general3A_84 = tpu.matmul %get3A_28, %mul3A_82, %dot_general3A_83 {dimension_numbers = #tpu.dot_dimension_numbers<[1], [0], [0], [1], [0, 0, 1, 1], [], []>, transpose_lhs_hint = false} : vector<384x128xf32>, vector<128x256xf32>, vector<384x256xf32> -> vector<384x256xf32>
    %max3A = arith.maximumf %dot_general3A_55, %dot_general3A_84 : vector<384x256xf32>
    %slice3A_85 = vector.extract_strided_slice %get3A_3 {offsets = [2, 0], sizes = [1, 256], strides = [1, 1]} : vector<32x256xf32> to vector<1x256xf32>
    %slice3A_86 = vector.extract_strided_slice %get3A_8 {offsets = [2, 0], sizes = [1, 256], strides = [1, 1]} : vector<32x256xf32> to vector<1x256xf32>
    %slice3A_87 = vector.extract_strided_slice %get3A_13 {offsets = [2, 0], sizes = [1, 256], strides = [1, 1]} : vector<32x256xf32> to vector<1x256xf32>
    %mul3A_88 = vector.broadcast %get3A_16 : vector<128x1xf32> to vector<128x256xf32>
    %mul3A_89 = vector.broadcast %slice3A_85 : vector<1x256xf32> to vector<128x256xf32>
    %mul3A_90 = arith.mulf %mul3A_88, %mul3A_89 : vector<128x256xf32>
    %mul3A_91 = vector.broadcast %get3A_19 : vector<128x1xf32> to vector<128x256xf32>
    %mul3A_92 = vector.broadcast %slice3A_86 : vector<1x256xf32> to vector<128x256xf32>
    %mul3A_93 = arith.mulf %mul3A_91, %mul3A_92 : vector<128x256xf32>
    %add3A_94 = arith.addf %mul3A_90, %mul3A_93 : vector<128x256xf32>
    %mul3A_95 = vector.broadcast %get3A_22 : vector<128x1xf32> to vector<128x256xf32>
    %mul3A_96 = vector.broadcast %slice3A_87 : vector<1x256xf32> to vector<128x256xf32>
    %mul3A_97 = arith.mulf %mul3A_95, %mul3A_96 : vector<128x256xf32>
    %add3A_98 = arith.addf %add3A_94, %mul3A_97 : vector<128x256xf32>
    %add3A_99 = vector.broadcast %get3A_25 : vector<128x1xf32> to vector<128x256xf32>
    %add3A_100 = arith.addf %add3A_98, %add3A_99 : vector<128x256xf32>
    %mul3A_101 = arith.constant 5.000000e-01 : f32
    %mul3A_102 = vector.broadcast %mul3A_101 : f32 to vector<128x256xf32>
    %mul3A_103 = arith.mulf %mul3A_102, %add3A_100 : vector<128x256xf32>
    %mul3A_104 = arith.constant 0.707106769 : f32
    %mul3A_105 = vector.broadcast %mul3A_104 : f32 to vector<128x256xf32>
    %mul3A_106 = arith.mulf %add3A_100, %mul3A_105 : vector<128x256xf32>
    %erf3A_107 = math.erf %mul3A_106 : vector<128x256xf32>
    %add3A_108 = arith.constant 1.000000e+00 : f32
    %add3A_109 = vector.broadcast %add3A_108 : f32 to vector<128x256xf32>
    %add3A_110 = arith.addf %add3A_109, %erf3A_107 : vector<128x256xf32>
    %mul3A_111 = arith.mulf %mul3A_103, %add3A_110 : vector<128x256xf32>
    %dot_general3A_112 = arith.constant dense<0.000000e+00> : vector<384x256xf32>
    %dot_general3A_113 = tpu.matmul %get3A_28, %mul3A_111, %dot_general3A_112 {dimension_numbers = #tpu.dot_dimension_numbers<[1], [0], [0], [1], [0, 0, 1, 1], [], []>, transpose_lhs_hint = false} : vector<384x128xf32>, vector<128x256xf32>, vector<384x256xf32> -> vector<384x256xf32>
    %max3A_114 = arith.maximumf %max3A, %dot_general3A_113 : vector<384x256xf32>
    %slice3A_115 = vector.extract_strided_slice %get3A_3 {offsets = [3, 0], sizes = [1, 256], strides = [1, 1]} : vector<32x256xf32> to vector<1x256xf32>
    %slice3A_116 = vector.extract_strided_slice %get3A_8 {offsets = [3, 0], sizes = [1, 256], strides = [1, 1]} : vector<32x256xf32> to vector<1x256xf32>
    %slice3A_117 = vector.extract_strided_slice %get3A_13 {offsets = [3, 0], sizes = [1, 256], strides = [1, 1]} : vector<32x256xf32> to vector<1x256xf32>
    %mul3A_118 = vector.broadcast %get3A_16 : vector<128x1xf32> to vector<128x256xf32>
    %mul3A_119 = vector.broadcast %slice3A_115 : vector<1x256xf32> to vector<128x256xf32>
    %mul3A_120 = arith.mulf %mul3A_118, %mul3A_119 : vector<128x256xf32>
    %mul3A_121 = vector.broadcast %get3A_19 : vector<128x1xf32> to vector<128x256xf32>
    %mul3A_122 = vector.broadcast %slice3A_116 : vector<1x256xf32> to vector<128x256xf32>
    %mul3A_123 = arith.mulf %mul3A_121, %mul3A_122 : vector<128x256xf32>
    %add3A_124 = arith.addf %mul3A_120, %mul3A_123 : vector<128x256xf32>
    %mul3A_125 = vector.broadcast %get3A_22 : vector<128x1xf32> to vector<128x256xf32>
    %mul3A_126 = vector.broadcast %slice3A_117 : vector<1x256xf32> to vector<128x256xf32>
    %mul3A_127 = arith.mulf %mul3A_125, %mul3A_126 : vector<128x256xf32>
    %add3A_128 = arith.addf %add3A_124, %mul3A_127 : vector<128x256xf32>
    %add3A_129 = vector.broadcast %get3A_25 : vector<128x1xf32> to vector<128x256xf32>
    %add3A_130 = arith.addf %add3A_128, %add3A_129 : vector<128x256xf32>
    %mul3A_131 = arith.constant 5.000000e-01 : f32
    %mul3A_132 = vector.broadcast %mul3A_131 : f32 to vector<128x256xf32>
    %mul3A_133 = arith.mulf %mul3A_132, %add3A_130 : vector<128x256xf32>
    %mul3A_134 = arith.constant 0.707106769 : f32
    %mul3A_135 = vector.broadcast %mul3A_134 : f32 to vector<128x256xf32>
    %mul3A_136 = arith.mulf %add3A_130, %mul3A_135 : vector<128x256xf32>
    %erf3A_137 = math.erf %mul3A_136 : vector<128x256xf32>
    %add3A_138 = arith.constant 1.000000e+00 : f32
    %add3A_139 = vector.broadcast %add3A_138 : f32 to vector<128x256xf32>
    %add3A_140 = arith.addf %add3A_139, %erf3A_137 : vector<128x256xf32>
    %mul3A_141 = arith.mulf %mul3A_133, %add3A_140 : vector<128x256xf32>
    %dot_general3A_142 = arith.constant dense<0.000000e+00> : vector<384x256xf32>
    %dot_general3A_143 = tpu.matmul %get3A_28, %mul3A_141, %dot_general3A_142 {dimension_numbers = #tpu.dot_dimension_numbers<[1], [0], [0], [1], [0, 0, 1, 1], [], []>, transpose_lhs_hint = false} : vector<384x128xf32>, vector<128x256xf32>, vector<384x256xf32> -> vector<384x256xf32>
    %max3A_144 = arith.maximumf %max3A_114, %dot_general3A_143 : vector<384x256xf32>
    %slice3A_145 = vector.extract_strided_slice %get3A_3 {offsets = [4, 0], sizes = [1, 256], strides = [1, 1]} : vector<32x256xf32> to vector<1x256xf32>
    %slice3A_146 = vector.extract_strided_slice %get3A_8 {offsets = [4, 0], sizes = [1, 256], strides = [1, 1]} : vector<32x256xf32> to vector<1x256xf32>
    %slice3A_147 = vector.extract_strided_slice %get3A_13 {offsets = [4, 0], sizes = [1, 256], strides = [1, 1]} : vector<32x256xf32> to vector<1x256xf32>
    %mul3A_148 = vector.broadcast %get3A_16 : vector<128x1xf32> to vector<128x256xf32>
    %mul3A_149 = vector.broadcast %slice3A_145 : vector<1x256xf32> to vector<128x256xf32>
    %mul3A_150 = arith.mulf %mul3A_148, %mul3A_149 : vector<128x256xf32>
    %mul3A_151 = vector.broadcast %get3A_19 : vector<128x1xf32> to vector<128x256xf32>
    %mul3A_152 = vector.broadcast %slice3A_146 : vector<1x256xf32> to vector<128x256xf32>
    %mul3A_153 = arith.mulf %mul3A_151, %mul3A_152 : vector<128x256xf32>
    %add3A_154 = arith.addf %mul3A_150, %mul3A_153 : vector<128x256xf32>
    %mul3A_155 = vector.broadcast %get3A_22 : vector<128x1xf32> to vector<128x256xf32>
    %mul3A_156 = vector.broadcast %slice3A_147 : vector<1x256xf32> to vector<128x256xf32>
    %mul3A_157 = arith.mulf %mul3A_155, %mul3A_156 : vector<128x256xf32>
    %add3A_158 = arith.addf %add3A_154, %mul3A_157 : vector<128x256xf32>
    %add3A_159 = vector.broadcast %get3A_25 : vector<128x1xf32> to vector<128x256xf32>
    %add3A_160 = arith.addf %add3A_158, %add3A_159 : vector<128x256xf32>
    %mul3A_161 = arith.constant 5.000000e-01 : f32
    %mul3A_162 = vector.broadcast %mul3A_161 : f32 to vector<128x256xf32>
    %mul3A_163 = arith.mulf %mul3A_162, %add3A_160 : vector<128x256xf32>
    %mul3A_164 = arith.constant 0.707106769 : f32
    %mul3A_165 = vector.broadcast %mul3A_164 : f32 to vector<128x256xf32>
    %mul3A_166 = arith.mulf %add3A_160, %mul3A_165 : vector<128x256xf32>
    %erf3A_167 = math.erf %mul3A_166 : vector<128x256xf32>
    %add3A_168 = arith.constant 1.000000e+00 : f32
    %add3A_169 = vector.broadcast %add3A_168 : f32 to vector<128x256xf32>
    %add3A_170 = arith.addf %add3A_169, %erf3A_167 : vector<128x256xf32>
    %mul3A_171 = arith.mulf %mul3A_163, %add3A_170 : vector<128x256xf32>
    %dot_general3A_172 = arith.constant dense<0.000000e+00> : vector<384x256xf32>
    %dot_general3A_173 = tpu.matmul %get3A_28, %mul3A_171, %dot_general3A_172 {dimension_numbers = #tpu.dot_dimension_numbers<[1], [0], [0], [1], [0, 0, 1, 1], [], []>, transpose_lhs_hint = false} : vector<384x128xf32>, vector<128x256xf32>, vector<384x256xf32> -> vector<384x256xf32>
    %max3A_174 = arith.maximumf %max3A_144, %dot_general3A_173 : vector<384x256xf32>
    %slice3A_175 = vector.extract_strided_slice %get3A_3 {offsets = [5, 0], sizes = [1, 256], strides = [1, 1]} : vector<32x256xf32> to vector<1x256xf32>
    %slice3A_176 = vector.extract_strided_slice %get3A_8 {offsets = [5, 0], sizes = [1, 256], strides = [1, 1]} : vector<32x256xf32> to vector<1x256xf32>
    %slice3A_177 = vector.extract_strided_slice %get3A_13 {offsets = [5, 0], sizes = [1, 256], strides = [1, 1]} : vector<32x256xf32> to vector<1x256xf32>
    %mul3A_178 = vector.broadcast %get3A_16 : vector<128x1xf32> to vector<128x256xf32>
    %mul3A_179 = vector.broadcast %slice3A_175 : vector<1x256xf32> to vector<128x256xf32>
    %mul3A_180 = arith.mulf %mul3A_178, %mul3A_179 : vector<128x256xf32>
    %mul3A_181 = vector.broadcast %get3A_19 : vector<128x1xf32> to vector<128x256xf32>
    %mul3A_182 = vector.broadcast %slice3A_176 : vector<1x256xf32> to vector<128x256xf32>
    %mul3A_183 = arith.mulf %mul3A_181, %mul3A_182 : vector<128x256xf32>
    %add3A_184 = arith.addf %mul3A_180, %mul3A_183 : vector<128x256xf32>
    %mul3A_185 = vector.broadcast %get3A_22 : vector<128x1xf32> to vector<128x256xf32>
    %mul3A_186 = vector.broadcast %slice3A_177 : vector<1x256xf32> to vector<128x256xf32>
    %mul3A_187 = arith.mulf %mul3A_185, %mul3A_186 : vector<128x256xf32>
    %add3A_188 = arith.addf %add3A_184, %mul3A_187 : vector<128x256xf32>
    %add3A_189 = vector.broadcast %get3A_25 : vector<128x1xf32> to vector<128x256xf32>
    %add3A_190 = arith.addf %add3A_188, %add3A_189 : vector<128x256xf32>
    %mul3A_191 = arith.constant 5.000000e-01 : f32
    %mul3A_192 = vector.broadcast %mul3A_191 : f32 to vector<128x256xf32>
    %mul3A_193 = arith.mulf %mul3A_192, %add3A_190 : vector<128x256xf32>
    %mul3A_194 = arith.constant 0.707106769 : f32
    %mul3A_195 = vector.broadcast %mul3A_194 : f32 to vector<128x256xf32>
    %mul3A_196 = arith.mulf %add3A_190, %mul3A_195 : vector<128x256xf32>
    %erf3A_197 = math.erf %mul3A_196 : vector<128x256xf32>
    %add3A_198 = arith.constant 1.000000e+00 : f32
    %add3A_199 = vector.broadcast %add3A_198 : f32 to vector<128x256xf32>
    %add3A_200 = arith.addf %add3A_199, %erf3A_197 : vector<128x256xf32>
    %mul3A_201 = arith.mulf %mul3A_193, %add3A_200 : vector<128x256xf32>
    %dot_general3A_202 = arith.constant dense<0.000000e+00> : vector<384x256xf32>
    %dot_general3A_203 = tpu.matmul %get3A_28, %mul3A_201, %dot_general3A_202 {dimension_numbers = #tpu.dot_dimension_numbers<[1], [0], [0], [1], [0, 0, 1, 1], [], []>, transpose_lhs_hint = false} : vector<384x128xf32>, vector<128x256xf32>, vector<384x256xf32> -> vector<384x256xf32>
    %max3A_204 = arith.maximumf %max3A_174, %dot_general3A_203 : vector<384x256xf32>
    %slice3A_205 = vector.extract_strided_slice %get3A_3 {offsets = [6, 0], sizes = [1, 256], strides = [1, 1]} : vector<32x256xf32> to vector<1x256xf32>
    %slice3A_206 = vector.extract_strided_slice %get3A_8 {offsets = [6, 0], sizes = [1, 256], strides = [1, 1]} : vector<32x256xf32> to vector<1x256xf32>
    %slice3A_207 = vector.extract_strided_slice %get3A_13 {offsets = [6, 0], sizes = [1, 256], strides = [1, 1]} : vector<32x256xf32> to vector<1x256xf32>
    %mul3A_208 = vector.broadcast %get3A_16 : vector<128x1xf32> to vector<128x256xf32>
    %mul3A_209 = vector.broadcast %slice3A_205 : vector<1x256xf32> to vector<128x256xf32>
    %mul3A_210 = arith.mulf %mul3A_208, %mul3A_209 : vector<128x256xf32>
    %mul3A_211 = vector.broadcast %get3A_19 : vector<128x1xf32> to vector<128x256xf32>
    %mul3A_212 = vector.broadcast %slice3A_206 : vector<1x256xf32> to vector<128x256xf32>
    %mul3A_213 = arith.mulf %mul3A_211, %mul3A_212 : vector<128x256xf32>
    %add3A_214 = arith.addf %mul3A_210, %mul3A_213 : vector<128x256xf32>
    %mul3A_215 = vector.broadcast %get3A_22 : vector<128x1xf32> to vector<128x256xf32>
    %mul3A_216 = vector.broadcast %slice3A_207 : vector<1x256xf32> to vector<128x256xf32>
    %mul3A_217 = arith.mulf %mul3A_215, %mul3A_216 : vector<128x256xf32>
    %add3A_218 = arith.addf %add3A_214, %mul3A_217 : vector<128x256xf32>
    %add3A_219 = vector.broadcast %get3A_25 : vector<128x1xf32> to vector<128x256xf32>
    %add3A_220 = arith.addf %add3A_218, %add3A_219 : vector<128x256xf32>
    %mul3A_221 = arith.constant 5.000000e-01 : f32
    %mul3A_222 = vector.broadcast %mul3A_221 : f32 to vector<128x256xf32>
    %mul3A_223 = arith.mulf %mul3A_222, %add3A_220 : vector<128x256xf32>
    %mul3A_224 = arith.constant 0.707106769 : f32
    %mul3A_225 = vector.broadcast %mul3A_224 : f32 to vector<128x256xf32>
    %mul3A_226 = arith.mulf %add3A_220, %mul3A_225 : vector<128x256xf32>
    %erf3A_227 = math.erf %mul3A_226 : vector<128x256xf32>
    %add3A_228 = arith.constant 1.000000e+00 : f32
    %add3A_229 = vector.broadcast %add3A_228 : f32 to vector<128x256xf32>
    %add3A_230 = arith.addf %add3A_229, %erf3A_227 : vector<128x256xf32>
    %mul3A_231 = arith.mulf %mul3A_223, %add3A_230 : vector<128x256xf32>
    %dot_general3A_232 = arith.constant dense<0.000000e+00> : vector<384x256xf32>
    %dot_general3A_233 = tpu.matmul %get3A_28, %mul3A_231, %dot_general3A_232 {dimension_numbers = #tpu.dot_dimension_numbers<[1], [0], [0], [1], [0, 0, 1, 1], [], []>, transpose_lhs_hint = false} : vector<384x128xf32>, vector<128x256xf32>, vector<384x256xf32> -> vector<384x256xf32>
    %max3A_234 = arith.maximumf %max3A_204, %dot_general3A_233 : vector<384x256xf32>
    %slice3A_235 = vector.extract_strided_slice %get3A_3 {offsets = [7, 0], sizes = [1, 256], strides = [1, 1]} : vector<32x256xf32> to vector<1x256xf32>
    %slice3A_236 = vector.extract_strided_slice %get3A_8 {offsets = [7, 0], sizes = [1, 256], strides = [1, 1]} : vector<32x256xf32> to vector<1x256xf32>
    %slice3A_237 = vector.extract_strided_slice %get3A_13 {offsets = [7, 0], sizes = [1, 256], strides = [1, 1]} : vector<32x256xf32> to vector<1x256xf32>
    %mul3A_238 = vector.broadcast %get3A_16 : vector<128x1xf32> to vector<128x256xf32>
    %mul3A_239 = vector.broadcast %slice3A_235 : vector<1x256xf32> to vector<128x256xf32>
    %mul3A_240 = arith.mulf %mul3A_238, %mul3A_239 : vector<128x256xf32>
    %mul3A_241 = vector.broadcast %get3A_19 : vector<128x1xf32> to vector<128x256xf32>
    %mul3A_242 = vector.broadcast %slice3A_236 : vector<1x256xf32> to vector<128x256xf32>
    %mul3A_243 = arith.mulf %mul3A_241, %mul3A_242 : vector<128x256xf32>
    %add3A_244 = arith.addf %mul3A_240, %mul3A_243 : vector<128x256xf32>
    %mul3A_245 = vector.broadcast %get3A_22 : vector<128x1xf32> to vector<128x256xf32>
    %mul3A_246 = vector.broadcast %slice3A_237 : vector<1x256xf32> to vector<128x256xf32>
    %mul3A_247 = arith.mulf %mul3A_245, %mul3A_246 : vector<128x256xf32>
    %add3A_248 = arith.addf %add3A_244, %mul3A_247 : vector<128x256xf32>
    %add3A_249 = vector.broadcast %get3A_25 : vector<128x1xf32> to vector<128x256xf32>
    %add3A_250 = arith.addf %add3A_248, %add3A_249 : vector<128x256xf32>
    %mul3A_251 = arith.constant 5.000000e-01 : f32
    %mul3A_252 = vector.broadcast %mul3A_251 : f32 to vector<128x256xf32>
    %mul3A_253 = arith.mulf %mul3A_252, %add3A_250 : vector<128x256xf32>
    %mul3A_254 = arith.constant 0.707106769 : f32
    %mul3A_255 = vector.broadcast %mul3A_254 : f32 to vector<128x256xf32>
    %mul3A_256 = arith.mulf %add3A_250, %mul3A_255 : vector<128x256xf32>
    %erf3A_257 = math.erf %mul3A_256 : vector<128x256xf32>
    %add3A_258 = arith.constant 1.000000e+00 : f32
    %add3A_259 = vector.broadcast %add3A_258 : f32 to vector<128x256xf32>
    %add3A_260 = arith.addf %add3A_259, %erf3A_257 : vector<128x256xf32>
    %mul3A_261 = arith.mulf %mul3A_253, %add3A_260 : vector<128x256xf32>
    %dot_general3A_262 = arith.constant dense<0.000000e+00> : vector<384x256xf32>
    %dot_general3A_263 = tpu.matmul %get3A_28, %mul3A_261, %dot_general3A_262 {dimension_numbers = #tpu.dot_dimension_numbers<[1], [0], [0], [1], [0, 0, 1, 1], [], []>, transpose_lhs_hint = false} : vector<384x128xf32>, vector<128x256xf32>, vector<384x256xf32> -> vector<384x256xf32>
    %max3A_264 = arith.maximumf %max3A_234, %dot_general3A_263 : vector<384x256xf32>
    %slice3A_265 = vector.extract_strided_slice %get3A_3 {offsets = [8, 0], sizes = [1, 256], strides = [1, 1]} : vector<32x256xf32> to vector<1x256xf32>
    %slice3A_266 = vector.extract_strided_slice %get3A_8 {offsets = [8, 0], sizes = [1, 256], strides = [1, 1]} : vector<32x256xf32> to vector<1x256xf32>
    %slice3A_267 = vector.extract_strided_slice %get3A_13 {offsets = [8, 0], sizes = [1, 256], strides = [1, 1]} : vector<32x256xf32> to vector<1x256xf32>
    %mul3A_268 = vector.broadcast %get3A_16 : vector<128x1xf32> to vector<128x256xf32>
    %mul3A_269 = vector.broadcast %slice3A_265 : vector<1x256xf32> to vector<128x256xf32>
    %mul3A_270 = arith.mulf %mul3A_268, %mul3A_269 : vector<128x256xf32>
    %mul3A_271 = vector.broadcast %get3A_19 : vector<128x1xf32> to vector<128x256xf32>
    %mul3A_272 = vector.broadcast %slice3A_266 : vector<1x256xf32> to vector<128x256xf32>
    %mul3A_273 = arith.mulf %mul3A_271, %mul3A_272 : vector<128x256xf32>
    %add3A_274 = arith.addf %mul3A_270, %mul3A_273 : vector<128x256xf32>
    %mul3A_275 = vector.broadcast %get3A_22 : vector<128x1xf32> to vector<128x256xf32>
    %mul3A_276 = vector.broadcast %slice3A_267 : vector<1x256xf32> to vector<128x256xf32>
    %mul3A_277 = arith.mulf %mul3A_275, %mul3A_276 : vector<128x256xf32>
    %add3A_278 = arith.addf %add3A_274, %mul3A_277 : vector<128x256xf32>
    %add3A_279 = vector.broadcast %get3A_25 : vector<128x1xf32> to vector<128x256xf32>
    %add3A_280 = arith.addf %add3A_278, %add3A_279 : vector<128x256xf32>
    %mul3A_281 = arith.constant 5.000000e-01 : f32
    %mul3A_282 = vector.broadcast %mul3A_281 : f32 to vector<128x256xf32>
    %mul3A_283 = arith.mulf %mul3A_282, %add3A_280 : vector<128x256xf32>
    %mul3A_284 = arith.constant 0.707106769 : f32
    %mul3A_285 = vector.broadcast %mul3A_284 : f32 to vector<128x256xf32>
    %mul3A_286 = arith.mulf %add3A_280, %mul3A_285 : vector<128x256xf32>
    %erf3A_287 = math.erf %mul3A_286 : vector<128x256xf32>
    %add3A_288 = arith.constant 1.000000e+00 : f32
    %add3A_289 = vector.broadcast %add3A_288 : f32 to vector<128x256xf32>
    %add3A_290 = arith.addf %add3A_289, %erf3A_287 : vector<128x256xf32>
    %mul3A_291 = arith.mulf %mul3A_283, %add3A_290 : vector<128x256xf32>
    %dot_general3A_292 = arith.constant dense<0.000000e+00> : vector<384x256xf32>
    %dot_general3A_293 = tpu.matmul %get3A_28, %mul3A_291, %dot_general3A_292 {dimension_numbers = #tpu.dot_dimension_numbers<[1], [0], [0], [1], [0, 0, 1, 1], [], []>, transpose_lhs_hint = false} : vector<384x128xf32>, vector<128x256xf32>, vector<384x256xf32> -> vector<384x256xf32>
    %max3A_294 = arith.maximumf %max3A_264, %dot_general3A_293 : vector<384x256xf32>
    %slice3A_295 = vector.extract_strided_slice %get3A_3 {offsets = [9, 0], sizes = [1, 256], strides = [1, 1]} : vector<32x256xf32> to vector<1x256xf32>
    %slice3A_296 = vector.extract_strided_slice %get3A_8 {offsets = [9, 0], sizes = [1, 256], strides = [1, 1]} : vector<32x256xf32> to vector<1x256xf32>
    %slice3A_297 = vector.extract_strided_slice %get3A_13 {offsets = [9, 0], sizes = [1, 256], strides = [1, 1]} : vector<32x256xf32> to vector<1x256xf32>
    %mul3A_298 = vector.broadcast %get3A_16 : vector<128x1xf32> to vector<128x256xf32>
    %mul3A_299 = vector.broadcast %slice3A_295 : vector<1x256xf32> to vector<128x256xf32>
    %mul3A_300 = arith.mulf %mul3A_298, %mul3A_299 : vector<128x256xf32>
    %mul3A_301 = vector.broadcast %get3A_19 : vector<128x1xf32> to vector<128x256xf32>
    %mul3A_302 = vector.broadcast %slice3A_296 : vector<1x256xf32> to vector<128x256xf32>
    %mul3A_303 = arith.mulf %mul3A_301, %mul3A_302 : vector<128x256xf32>
    %add3A_304 = arith.addf %mul3A_300, %mul3A_303 : vector<128x256xf32>
    %mul3A_305 = vector.broadcast %get3A_22 : vector<128x1xf32> to vector<128x256xf32>
    %mul3A_306 = vector.broadcast %slice3A_297 : vector<1x256xf32> to vector<128x256xf32>
    %mul3A_307 = arith.mulf %mul3A_305, %mul3A_306 : vector<128x256xf32>
    %add3A_308 = arith.addf %add3A_304, %mul3A_307 : vector<128x256xf32>
    %add3A_309 = vector.broadcast %get3A_25 : vector<128x1xf32> to vector<128x256xf32>
    %add3A_310 = arith.addf %add3A_308, %add3A_309 : vector<128x256xf32>
    %mul3A_311 = arith.constant 5.000000e-01 : f32
    %mul3A_312 = vector.broadcast %mul3A_311 : f32 to vector<128x256xf32>
    %mul3A_313 = arith.mulf %mul3A_312, %add3A_310 : vector<128x256xf32>
    %mul3A_314 = arith.constant 0.707106769 : f32
    %mul3A_315 = vector.broadcast %mul3A_314 : f32 to vector<128x256xf32>
    %mul3A_316 = arith.mulf %add3A_310, %mul3A_315 : vector<128x256xf32>
    %erf3A_317 = math.erf %mul3A_316 : vector<128x256xf32>
    %add3A_318 = arith.constant 1.000000e+00 : f32
    %add3A_319 = vector.broadcast %add3A_318 : f32 to vector<128x256xf32>
    %add3A_320 = arith.addf %add3A_319, %erf3A_317 : vector<128x256xf32>
    %mul3A_321 = arith.mulf %mul3A_313, %add3A_320 : vector<128x256xf32>
    %dot_general3A_322 = arith.constant dense<0.000000e+00> : vector<384x256xf32>
    %dot_general3A_323 = tpu.matmul %get3A_28, %mul3A_321, %dot_general3A_322 {dimension_numbers = #tpu.dot_dimension_numbers<[1], [0], [0], [1], [0, 0, 1, 1], [], []>, transpose_lhs_hint = false} : vector<384x128xf32>, vector<128x256xf32>, vector<384x256xf32> -> vector<384x256xf32>
    %max3A_324 = arith.maximumf %max3A_294, %dot_general3A_323 : vector<384x256xf32>
    %slice3A_325 = vector.extract_strided_slice %get3A_3 {offsets = [10, 0], sizes = [1, 256], strides = [1, 1]} : vector<32x256xf32> to vector<1x256xf32>
    %slice3A_326 = vector.extract_strided_slice %get3A_8 {offsets = [10, 0], sizes = [1, 256], strides = [1, 1]} : vector<32x256xf32> to vector<1x256xf32>
    %slice3A_327 = vector.extract_strided_slice %get3A_13 {offsets = [10, 0], sizes = [1, 256], strides = [1, 1]} : vector<32x256xf32> to vector<1x256xf32>
    %mul3A_328 = vector.broadcast %get3A_16 : vector<128x1xf32> to vector<128x256xf32>
    %mul3A_329 = vector.broadcast %slice3A_325 : vector<1x256xf32> to vector<128x256xf32>
    %mul3A_330 = arith.mulf %mul3A_328, %mul3A_329 : vector<128x256xf32>
    %mul3A_331 = vector.broadcast %get3A_19 : vector<128x1xf32> to vector<128x256xf32>
    %mul3A_332 = vector.broadcast %slice3A_326 : vector<1x256xf32> to vector<128x256xf32>
    %mul3A_333 = arith.mulf %mul3A_331, %mul3A_332 : vector<128x256xf32>
    %add3A_334 = arith.addf %mul3A_330, %mul3A_333 : vector<128x256xf32>
    %mul3A_335 = vector.broadcast %get3A_22 : vector<128x1xf32> to vector<128x256xf32>
    %mul3A_336 = vector.broadcast %slice3A_327 : vector<1x256xf32> to vector<128x256xf32>
    %mul3A_337 = arith.mulf %mul3A_335, %mul3A_336 : vector<128x256xf32>
    %add3A_338 = arith.addf %add3A_334, %mul3A_337 : vector<128x256xf32>
    %add3A_339 = vector.broadcast %get3A_25 : vector<128x1xf32> to vector<128x256xf32>
    %add3A_340 = arith.addf %add3A_338, %add3A_339 : vector<128x256xf32>
    %mul3A_341 = arith.constant 5.000000e-01 : f32
    %mul3A_342 = vector.broadcast %mul3A_341 : f32 to vector<128x256xf32>
    %mul3A_343 = arith.mulf %mul3A_342, %add3A_340 : vector<128x256xf32>
    %mul3A_344 = arith.constant 0.707106769 : f32
    %mul3A_345 = vector.broadcast %mul3A_344 : f32 to vector<128x256xf32>
    %mul3A_346 = arith.mulf %add3A_340, %mul3A_345 : vector<128x256xf32>
    %erf3A_347 = math.erf %mul3A_346 : vector<128x256xf32>
    %add3A_348 = arith.constant 1.000000e+00 : f32
    %add3A_349 = vector.broadcast %add3A_348 : f32 to vector<128x256xf32>
    %add3A_350 = arith.addf %add3A_349, %erf3A_347 : vector<128x256xf32>
    %mul3A_351 = arith.mulf %mul3A_343, %add3A_350 : vector<128x256xf32>
    %dot_general3A_352 = arith.constant dense<0.000000e+00> : vector<384x256xf32>
    %dot_general3A_353 = tpu.matmul %get3A_28, %mul3A_351, %dot_general3A_352 {dimension_numbers = #tpu.dot_dimension_numbers<[1], [0], [0], [1], [0, 0, 1, 1], [], []>, transpose_lhs_hint = false} : vector<384x128xf32>, vector<128x256xf32>, vector<384x256xf32> -> vector<384x256xf32>
    %max3A_354 = arith.maximumf %max3A_324, %dot_general3A_353 : vector<384x256xf32>
    %slice3A_355 = vector.extract_strided_slice %get3A_3 {offsets = [11, 0], sizes = [1, 256], strides = [1, 1]} : vector<32x256xf32> to vector<1x256xf32>
    %slice3A_356 = vector.extract_strided_slice %get3A_8 {offsets = [11, 0], sizes = [1, 256], strides = [1, 1]} : vector<32x256xf32> to vector<1x256xf32>
    %slice3A_357 = vector.extract_strided_slice %get3A_13 {offsets = [11, 0], sizes = [1, 256], strides = [1, 1]} : vector<32x256xf32> to vector<1x256xf32>
    %mul3A_358 = vector.broadcast %get3A_16 : vector<128x1xf32> to vector<128x256xf32>
    %mul3A_359 = vector.broadcast %slice3A_355 : vector<1x256xf32> to vector<128x256xf32>
    %mul3A_360 = arith.mulf %mul3A_358, %mul3A_359 : vector<128x256xf32>
    %mul3A_361 = vector.broadcast %get3A_19 : vector<128x1xf32> to vector<128x256xf32>
    %mul3A_362 = vector.broadcast %slice3A_356 : vector<1x256xf32> to vector<128x256xf32>
    %mul3A_363 = arith.mulf %mul3A_361, %mul3A_362 : vector<128x256xf32>
    %add3A_364 = arith.addf %mul3A_360, %mul3A_363 : vector<128x256xf32>
    %mul3A_365 = vector.broadcast %get3A_22 : vector<128x1xf32> to vector<128x256xf32>
    %mul3A_366 = vector.broadcast %slice3A_357 : vector<1x256xf32> to vector<128x256xf32>
    %mul3A_367 = arith.mulf %mul3A_365, %mul3A_366 : vector<128x256xf32>
    %add3A_368 = arith.addf %add3A_364, %mul3A_367 : vector<128x256xf32>
    %add3A_369 = vector.broadcast %get3A_25 : vector<128x1xf32> to vector<128x256xf32>
    %add3A_370 = arith.addf %add3A_368, %add3A_369 : vector<128x256xf32>
    %mul3A_371 = arith.constant 5.000000e-01 : f32
    %mul3A_372 = vector.broadcast %mul3A_371 : f32 to vector<128x256xf32>
    %mul3A_373 = arith.mulf %mul3A_372, %add3A_370 : vector<128x256xf32>
    %mul3A_374 = arith.constant 0.707106769 : f32
    %mul3A_375 = vector.broadcast %mul3A_374 : f32 to vector<128x256xf32>
    %mul3A_376 = arith.mulf %add3A_370, %mul3A_375 : vector<128x256xf32>
    %erf3A_377 = math.erf %mul3A_376 : vector<128x256xf32>
    %add3A_378 = arith.constant 1.000000e+00 : f32
    %add3A_379 = vector.broadcast %add3A_378 : f32 to vector<128x256xf32>
    %add3A_380 = arith.addf %add3A_379, %erf3A_377 : vector<128x256xf32>
    %mul3A_381 = arith.mulf %mul3A_373, %add3A_380 : vector<128x256xf32>
    %dot_general3A_382 = arith.constant dense<0.000000e+00> : vector<384x256xf32>
    %dot_general3A_383 = tpu.matmul %get3A_28, %mul3A_381, %dot_general3A_382 {dimension_numbers = #tpu.dot_dimension_numbers<[1], [0], [0], [1], [0, 0, 1, 1], [], []>, transpose_lhs_hint = false} : vector<384x128xf32>, vector<128x256xf32>, vector<384x256xf32> -> vector<384x256xf32>
    %max3A_384 = arith.maximumf %max3A_354, %dot_general3A_383 : vector<384x256xf32>
    %slice3A_385 = vector.extract_strided_slice %get3A_3 {offsets = [12, 0], sizes = [1, 256], strides = [1, 1]} : vector<32x256xf32> to vector<1x256xf32>
    %slice3A_386 = vector.extract_strided_slice %get3A_8 {offsets = [12, 0], sizes = [1, 256], strides = [1, 1]} : vector<32x256xf32> to vector<1x256xf32>
    %slice3A_387 = vector.extract_strided_slice %get3A_13 {offsets = [12, 0], sizes = [1, 256], strides = [1, 1]} : vector<32x256xf32> to vector<1x256xf32>
    %mul3A_388 = vector.broadcast %get3A_16 : vector<128x1xf32> to vector<128x256xf32>
    %mul3A_389 = vector.broadcast %slice3A_385 : vector<1x256xf32> to vector<128x256xf32>
    %mul3A_390 = arith.mulf %mul3A_388, %mul3A_389 : vector<128x256xf32>
    %mul3A_391 = vector.broadcast %get3A_19 : vector<128x1xf32> to vector<128x256xf32>
    %mul3A_392 = vector.broadcast %slice3A_386 : vector<1x256xf32> to vector<128x256xf32>
    %mul3A_393 = arith.mulf %mul3A_391, %mul3A_392 : vector<128x256xf32>
    %add3A_394 = arith.addf %mul3A_390, %mul3A_393 : vector<128x256xf32>
    %mul3A_395 = vector.broadcast %get3A_22 : vector<128x1xf32> to vector<128x256xf32>
    %mul3A_396 = vector.broadcast %slice3A_387 : vector<1x256xf32> to vector<128x256xf32>
    %mul3A_397 = arith.mulf %mul3A_395, %mul3A_396 : vector<128x256xf32>
    %add3A_398 = arith.addf %add3A_394, %mul3A_397 : vector<128x256xf32>
    %add3A_399 = vector.broadcast %get3A_25 : vector<128x1xf32> to vector<128x256xf32>
    %add3A_400 = arith.addf %add3A_398, %add3A_399 : vector<128x256xf32>
    %mul3A_401 = arith.constant 5.000000e-01 : f32
    %mul3A_402 = vector.broadcast %mul3A_401 : f32 to vector<128x256xf32>
    %mul3A_403 = arith.mulf %mul3A_402, %add3A_400 : vector<128x256xf32>
    %mul3A_404 = arith.constant 0.707106769 : f32
    %mul3A_405 = vector.broadcast %mul3A_404 : f32 to vector<128x256xf32>
    %mul3A_406 = arith.mulf %add3A_400, %mul3A_405 : vector<128x256xf32>
    %erf3A_407 = math.erf %mul3A_406 : vector<128x256xf32>
    %add3A_408 = arith.constant 1.000000e+00 : f32
    %add3A_409 = vector.broadcast %add3A_408 : f32 to vector<128x256xf32>
    %add3A_410 = arith.addf %add3A_409, %erf3A_407 : vector<128x256xf32>
    %mul3A_411 = arith.mulf %mul3A_403, %add3A_410 : vector<128x256xf32>
    %dot_general3A_412 = arith.constant dense<0.000000e+00> : vector<384x256xf32>
    %dot_general3A_413 = tpu.matmul %get3A_28, %mul3A_411, %dot_general3A_412 {dimension_numbers = #tpu.dot_dimension_numbers<[1], [0], [0], [1], [0, 0, 1, 1], [], []>, transpose_lhs_hint = false} : vector<384x128xf32>, vector<128x256xf32>, vector<384x256xf32> -> vector<384x256xf32>
    %max3A_414 = arith.maximumf %max3A_384, %dot_general3A_413 : vector<384x256xf32>
    %slice3A_415 = vector.extract_strided_slice %get3A_3 {offsets = [13, 0], sizes = [1, 256], strides = [1, 1]} : vector<32x256xf32> to vector<1x256xf32>
    %slice3A_416 = vector.extract_strided_slice %get3A_8 {offsets = [13, 0], sizes = [1, 256], strides = [1, 1]} : vector<32x256xf32> to vector<1x256xf32>
    %slice3A_417 = vector.extract_strided_slice %get3A_13 {offsets = [13, 0], sizes = [1, 256], strides = [1, 1]} : vector<32x256xf32> to vector<1x256xf32>
    %mul3A_418 = vector.broadcast %get3A_16 : vector<128x1xf32> to vector<128x256xf32>
    %mul3A_419 = vector.broadcast %slice3A_415 : vector<1x256xf32> to vector<128x256xf32>
    %mul3A_420 = arith.mulf %mul3A_418, %mul3A_419 : vector<128x256xf32>
    %mul3A_421 = vector.broadcast %get3A_19 : vector<128x1xf32> to vector<128x256xf32>
    %mul3A_422 = vector.broadcast %slice3A_416 : vector<1x256xf32> to vector<128x256xf32>
    %mul3A_423 = arith.mulf %mul3A_421, %mul3A_422 : vector<128x256xf32>
    %add3A_424 = arith.addf %mul3A_420, %mul3A_423 : vector<128x256xf32>
    %mul3A_425 = vector.broadcast %get3A_22 : vector<128x1xf32> to vector<128x256xf32>
    %mul3A_426 = vector.broadcast %slice3A_417 : vector<1x256xf32> to vector<128x256xf32>
    %mul3A_427 = arith.mulf %mul3A_425, %mul3A_426 : vector<128x256xf32>
    %add3A_428 = arith.addf %add3A_424, %mul3A_427 : vector<128x256xf32>
    %add3A_429 = vector.broadcast %get3A_25 : vector<128x1xf32> to vector<128x256xf32>
    %add3A_430 = arith.addf %add3A_428, %add3A_429 : vector<128x256xf32>
    %mul3A_431 = arith.constant 5.000000e-01 : f32
    %mul3A_432 = vector.broadcast %mul3A_431 : f32 to vector<128x256xf32>
    %mul3A_433 = arith.mulf %mul3A_432, %add3A_430 : vector<128x256xf32>
    %mul3A_434 = arith.constant 0.707106769 : f32
    %mul3A_435 = vector.broadcast %mul3A_434 : f32 to vector<128x256xf32>
    %mul3A_436 = arith.mulf %add3A_430, %mul3A_435 : vector<128x256xf32>
    %erf3A_437 = math.erf %mul3A_436 : vector<128x256xf32>
    %add3A_438 = arith.constant 1.000000e+00 : f32
    %add3A_439 = vector.broadcast %add3A_438 : f32 to vector<128x256xf32>
    %add3A_440 = arith.addf %add3A_439, %erf3A_437 : vector<128x256xf32>
    %mul3A_441 = arith.mulf %mul3A_433, %add3A_440 : vector<128x256xf32>
    %dot_general3A_442 = arith.constant dense<0.000000e+00> : vector<384x256xf32>
    %dot_general3A_443 = tpu.matmul %get3A_28, %mul3A_441, %dot_general3A_442 {dimension_numbers = #tpu.dot_dimension_numbers<[1], [0], [0], [1], [0, 0, 1, 1], [], []>, transpose_lhs_hint = false} : vector<384x128xf32>, vector<128x256xf32>, vector<384x256xf32> -> vector<384x256xf32>
    %max3A_444 = arith.maximumf %max3A_414, %dot_general3A_443 : vector<384x256xf32>
    %slice3A_445 = vector.extract_strided_slice %get3A_3 {offsets = [14, 0], sizes = [1, 256], strides = [1, 1]} : vector<32x256xf32> to vector<1x256xf32>
    %slice3A_446 = vector.extract_strided_slice %get3A_8 {offsets = [14, 0], sizes = [1, 256], strides = [1, 1]} : vector<32x256xf32> to vector<1x256xf32>
    %slice3A_447 = vector.extract_strided_slice %get3A_13 {offsets = [14, 0], sizes = [1, 256], strides = [1, 1]} : vector<32x256xf32> to vector<1x256xf32>
    %mul3A_448 = vector.broadcast %get3A_16 : vector<128x1xf32> to vector<128x256xf32>
    %mul3A_449 = vector.broadcast %slice3A_445 : vector<1x256xf32> to vector<128x256xf32>
    %mul3A_450 = arith.mulf %mul3A_448, %mul3A_449 : vector<128x256xf32>
    %mul3A_451 = vector.broadcast %get3A_19 : vector<128x1xf32> to vector<128x256xf32>
    %mul3A_452 = vector.broadcast %slice3A_446 : vector<1x256xf32> to vector<128x256xf32>
    %mul3A_453 = arith.mulf %mul3A_451, %mul3A_452 : vector<128x256xf32>
    %add3A_454 = arith.addf %mul3A_450, %mul3A_453 : vector<128x256xf32>
    %mul3A_455 = vector.broadcast %get3A_22 : vector<128x1xf32> to vector<128x256xf32>
    %mul3A_456 = vector.broadcast %slice3A_447 : vector<1x256xf32> to vector<128x256xf32>
    %mul3A_457 = arith.mulf %mul3A_455, %mul3A_456 : vector<128x256xf32>
    %add3A_458 = arith.addf %add3A_454, %mul3A_457 : vector<128x256xf32>
    %add3A_459 = vector.broadcast %get3A_25 : vector<128x1xf32> to vector<128x256xf32>
    %add3A_460 = arith.addf %add3A_458, %add3A_459 : vector<128x256xf32>
    %mul3A_461 = arith.constant 5.000000e-01 : f32
    %mul3A_462 = vector.broadcast %mul3A_461 : f32 to vector<128x256xf32>
    %mul3A_463 = arith.mulf %mul3A_462, %add3A_460 : vector<128x256xf32>
    %mul3A_464 = arith.constant 0.707106769 : f32
    %mul3A_465 = vector.broadcast %mul3A_464 : f32 to vector<128x256xf32>
    %mul3A_466 = arith.mulf %add3A_460, %mul3A_465 : vector<128x256xf32>
    %erf3A_467 = math.erf %mul3A_466 : vector<128x256xf32>
    %add3A_468 = arith.constant 1.000000e+00 : f32
    %add3A_469 = vector.broadcast %add3A_468 : f32 to vector<128x256xf32>
    %add3A_470 = arith.addf %add3A_469, %erf3A_467 : vector<128x256xf32>
    %mul3A_471 = arith.mulf %mul3A_463, %add3A_470 : vector<128x256xf32>
    %dot_general3A_472 = arith.constant dense<0.000000e+00> : vector<384x256xf32>
    %dot_general3A_473 = tpu.matmul %get3A_28, %mul3A_471, %dot_general3A_472 {dimension_numbers = #tpu.dot_dimension_numbers<[1], [0], [0], [1], [0, 0, 1, 1], [], []>, transpose_lhs_hint = false} : vector<384x128xf32>, vector<128x256xf32>, vector<384x256xf32> -> vector<384x256xf32>
    %max3A_474 = arith.maximumf %max3A_444, %dot_general3A_473 : vector<384x256xf32>
    %slice3A_475 = vector.extract_strided_slice %get3A_3 {offsets = [15, 0], sizes = [1, 256], strides = [1, 1]} : vector<32x256xf32> to vector<1x256xf32>
    %slice3A_476 = vector.extract_strided_slice %get3A_8 {offsets = [15, 0], sizes = [1, 256], strides = [1, 1]} : vector<32x256xf32> to vector<1x256xf32>
    %slice3A_477 = vector.extract_strided_slice %get3A_13 {offsets = [15, 0], sizes = [1, 256], strides = [1, 1]} : vector<32x256xf32> to vector<1x256xf32>
    %mul3A_478 = vector.broadcast %get3A_16 : vector<128x1xf32> to vector<128x256xf32>
    %mul3A_479 = vector.broadcast %slice3A_475 : vector<1x256xf32> to vector<128x256xf32>
    %mul3A_480 = arith.mulf %mul3A_478, %mul3A_479 : vector<128x256xf32>
    %mul3A_481 = vector.broadcast %get3A_19 : vector<128x1xf32> to vector<128x256xf32>
    %mul3A_482 = vector.broadcast %slice3A_476 : vector<1x256xf32> to vector<128x256xf32>
    %mul3A_483 = arith.mulf %mul3A_481, %mul3A_482 : vector<128x256xf32>
    %add3A_484 = arith.addf %mul3A_480, %mul3A_483 : vector<128x256xf32>
    %mul3A_485 = vector.broadcast %get3A_22 : vector<128x1xf32> to vector<128x256xf32>
    %mul3A_486 = vector.broadcast %slice3A_477 : vector<1x256xf32> to vector<128x256xf32>
    %mul3A_487 = arith.mulf %mul3A_485, %mul3A_486 : vector<128x256xf32>
    %add3A_488 = arith.addf %add3A_484, %mul3A_487 : vector<128x256xf32>
    %add3A_489 = vector.broadcast %get3A_25 : vector<128x1xf32> to vector<128x256xf32>
    %add3A_490 = arith.addf %add3A_488, %add3A_489 : vector<128x256xf32>
    %mul3A_491 = arith.constant 5.000000e-01 : f32
    %mul3A_492 = vector.broadcast %mul3A_491 : f32 to vector<128x256xf32>
    %mul3A_493 = arith.mulf %mul3A_492, %add3A_490 : vector<128x256xf32>
    %mul3A_494 = arith.constant 0.707106769 : f32
    %mul3A_495 = vector.broadcast %mul3A_494 : f32 to vector<128x256xf32>
    %mul3A_496 = arith.mulf %add3A_490, %mul3A_495 : vector<128x256xf32>
    %erf3A_497 = math.erf %mul3A_496 : vector<128x256xf32>
    %add3A_498 = arith.constant 1.000000e+00 : f32
    %add3A_499 = vector.broadcast %add3A_498 : f32 to vector<128x256xf32>
    %add3A_500 = arith.addf %add3A_499, %erf3A_497 : vector<128x256xf32>
    %mul3A_501 = arith.mulf %mul3A_493, %add3A_500 : vector<128x256xf32>
    %dot_general3A_502 = arith.constant dense<0.000000e+00> : vector<384x256xf32>
    %dot_general3A_503 = tpu.matmul %get3A_28, %mul3A_501, %dot_general3A_502 {dimension_numbers = #tpu.dot_dimension_numbers<[1], [0], [0], [1], [0, 0, 1, 1], [], []>, transpose_lhs_hint = false} : vector<384x128xf32>, vector<128x256xf32>, vector<384x256xf32> -> vector<384x256xf32>
    %max3A_504 = arith.maximumf %max3A_474, %dot_general3A_503 : vector<384x256xf32>
    %slice3A_505 = vector.extract_strided_slice %get3A_3 {offsets = [16, 0], sizes = [1, 256], strides = [1, 1]} : vector<32x256xf32> to vector<1x256xf32>
    %slice3A_506 = vector.extract_strided_slice %get3A_8 {offsets = [16, 0], sizes = [1, 256], strides = [1, 1]} : vector<32x256xf32> to vector<1x256xf32>
    %slice3A_507 = vector.extract_strided_slice %get3A_13 {offsets = [16, 0], sizes = [1, 256], strides = [1, 1]} : vector<32x256xf32> to vector<1x256xf32>
    %mul3A_508 = vector.broadcast %get3A_16 : vector<128x1xf32> to vector<128x256xf32>
    %mul3A_509 = vector.broadcast %slice3A_505 : vector<1x256xf32> to vector<128x256xf32>
    %mul3A_510 = arith.mulf %mul3A_508, %mul3A_509 : vector<128x256xf32>
    %mul3A_511 = vector.broadcast %get3A_19 : vector<128x1xf32> to vector<128x256xf32>
    %mul3A_512 = vector.broadcast %slice3A_506 : vector<1x256xf32> to vector<128x256xf32>
    %mul3A_513 = arith.mulf %mul3A_511, %mul3A_512 : vector<128x256xf32>
    %add3A_514 = arith.addf %mul3A_510, %mul3A_513 : vector<128x256xf32>
    %mul3A_515 = vector.broadcast %get3A_22 : vector<128x1xf32> to vector<128x256xf32>
    %mul3A_516 = vector.broadcast %slice3A_507 : vector<1x256xf32> to vector<128x256xf32>
    %mul3A_517 = arith.mulf %mul3A_515, %mul3A_516 : vector<128x256xf32>
    %add3A_518 = arith.addf %add3A_514, %mul3A_517 : vector<128x256xf32>
    %add3A_519 = vector.broadcast %get3A_25 : vector<128x1xf32> to vector<128x256xf32>
    %add3A_520 = arith.addf %add3A_518, %add3A_519 : vector<128x256xf32>
    %mul3A_521 = arith.constant 5.000000e-01 : f32
    %mul3A_522 = vector.broadcast %mul3A_521 : f32 to vector<128x256xf32>
    %mul3A_523 = arith.mulf %mul3A_522, %add3A_520 : vector<128x256xf32>
    %mul3A_524 = arith.constant 0.707106769 : f32
    %mul3A_525 = vector.broadcast %mul3A_524 : f32 to vector<128x256xf32>
    %mul3A_526 = arith.mulf %add3A_520, %mul3A_525 : vector<128x256xf32>
    %erf3A_527 = math.erf %mul3A_526 : vector<128x256xf32>
    %add3A_528 = arith.constant 1.000000e+00 : f32
    %add3A_529 = vector.broadcast %add3A_528 : f32 to vector<128x256xf32>
    %add3A_530 = arith.addf %add3A_529, %erf3A_527 : vector<128x256xf32>
    %mul3A_531 = arith.mulf %mul3A_523, %add3A_530 : vector<128x256xf32>
    %dot_general3A_532 = arith.constant dense<0.000000e+00> : vector<384x256xf32>
    %dot_general3A_533 = tpu.matmul %get3A_28, %mul3A_531, %dot_general3A_532 {dimension_numbers = #tpu.dot_dimension_numbers<[1], [0], [0], [1], [0, 0, 1, 1], [], []>, transpose_lhs_hint = false} : vector<384x128xf32>, vector<128x256xf32>, vector<384x256xf32> -> vector<384x256xf32>
    %max3A_534 = arith.maximumf %max3A_504, %dot_general3A_533 : vector<384x256xf32>
    %slice3A_535 = vector.extract_strided_slice %get3A_3 {offsets = [17, 0], sizes = [1, 256], strides = [1, 1]} : vector<32x256xf32> to vector<1x256xf32>
    %slice3A_536 = vector.extract_strided_slice %get3A_8 {offsets = [17, 0], sizes = [1, 256], strides = [1, 1]} : vector<32x256xf32> to vector<1x256xf32>
    %slice3A_537 = vector.extract_strided_slice %get3A_13 {offsets = [17, 0], sizes = [1, 256], strides = [1, 1]} : vector<32x256xf32> to vector<1x256xf32>
    %mul3A_538 = vector.broadcast %get3A_16 : vector<128x1xf32> to vector<128x256xf32>
    %mul3A_539 = vector.broadcast %slice3A_535 : vector<1x256xf32> to vector<128x256xf32>
    %mul3A_540 = arith.mulf %mul3A_538, %mul3A_539 : vector<128x256xf32>
    %mul3A_541 = vector.broadcast %get3A_19 : vector<128x1xf32> to vector<128x256xf32>
    %mul3A_542 = vector.broadcast %slice3A_536 : vector<1x256xf32> to vector<128x256xf32>
    %mul3A_543 = arith.mulf %mul3A_541, %mul3A_542 : vector<128x256xf32>
    %add3A_544 = arith.addf %mul3A_540, %mul3A_543 : vector<128x256xf32>
    %mul3A_545 = vector.broadcast %get3A_22 : vector<128x1xf32> to vector<128x256xf32>
    %mul3A_546 = vector.broadcast %slice3A_537 : vector<1x256xf32> to vector<128x256xf32>
    %mul3A_547 = arith.mulf %mul3A_545, %mul3A_546 : vector<128x256xf32>
    %add3A_548 = arith.addf %add3A_544, %mul3A_547 : vector<128x256xf32>
    %add3A_549 = vector.broadcast %get3A_25 : vector<128x1xf32> to vector<128x256xf32>
    %add3A_550 = arith.addf %add3A_548, %add3A_549 : vector<128x256xf32>
    %mul3A_551 = arith.constant 5.000000e-01 : f32
    %mul3A_552 = vector.broadcast %mul3A_551 : f32 to vector<128x256xf32>
    %mul3A_553 = arith.mulf %mul3A_552, %add3A_550 : vector<128x256xf32>
    %mul3A_554 = arith.constant 0.707106769 : f32
    %mul3A_555 = vector.broadcast %mul3A_554 : f32 to vector<128x256xf32>
    %mul3A_556 = arith.mulf %add3A_550, %mul3A_555 : vector<128x256xf32>
    %erf3A_557 = math.erf %mul3A_556 : vector<128x256xf32>
    %add3A_558 = arith.constant 1.000000e+00 : f32
    %add3A_559 = vector.broadcast %add3A_558 : f32 to vector<128x256xf32>
    %add3A_560 = arith.addf %add3A_559, %erf3A_557 : vector<128x256xf32>
    %mul3A_561 = arith.mulf %mul3A_553, %add3A_560 : vector<128x256xf32>
    %dot_general3A_562 = arith.constant dense<0.000000e+00> : vector<384x256xf32>
    %dot_general3A_563 = tpu.matmul %get3A_28, %mul3A_561, %dot_general3A_562 {dimension_numbers = #tpu.dot_dimension_numbers<[1], [0], [0], [1], [0, 0, 1, 1], [], []>, transpose_lhs_hint = false} : vector<384x128xf32>, vector<128x256xf32>, vector<384x256xf32> -> vector<384x256xf32>
    %max3A_564 = arith.maximumf %max3A_534, %dot_general3A_563 : vector<384x256xf32>
    %slice3A_565 = vector.extract_strided_slice %get3A_3 {offsets = [18, 0], sizes = [1, 256], strides = [1, 1]} : vector<32x256xf32> to vector<1x256xf32>
    %slice3A_566 = vector.extract_strided_slice %get3A_8 {offsets = [18, 0], sizes = [1, 256], strides = [1, 1]} : vector<32x256xf32> to vector<1x256xf32>
    %slice3A_567 = vector.extract_strided_slice %get3A_13 {offsets = [18, 0], sizes = [1, 256], strides = [1, 1]} : vector<32x256xf32> to vector<1x256xf32>
    %mul3A_568 = vector.broadcast %get3A_16 : vector<128x1xf32> to vector<128x256xf32>
    %mul3A_569 = vector.broadcast %slice3A_565 : vector<1x256xf32> to vector<128x256xf32>
    %mul3A_570 = arith.mulf %mul3A_568, %mul3A_569 : vector<128x256xf32>
    %mul3A_571 = vector.broadcast %get3A_19 : vector<128x1xf32> to vector<128x256xf32>
    %mul3A_572 = vector.broadcast %slice3A_566 : vector<1x256xf32> to vector<128x256xf32>
    %mul3A_573 = arith.mulf %mul3A_571, %mul3A_572 : vector<128x256xf32>
    %add3A_574 = arith.addf %mul3A_570, %mul3A_573 : vector<128x256xf32>
    %mul3A_575 = vector.broadcast %get3A_22 : vector<128x1xf32> to vector<128x256xf32>
    %mul3A_576 = vector.broadcast %slice3A_567 : vector<1x256xf32> to vector<128x256xf32>
    %mul3A_577 = arith.mulf %mul3A_575, %mul3A_576 : vector<128x256xf32>
    %add3A_578 = arith.addf %add3A_574, %mul3A_577 : vector<128x256xf32>
    %add3A_579 = vector.broadcast %get3A_25 : vector<128x1xf32> to vector<128x256xf32>
    %add3A_580 = arith.addf %add3A_578, %add3A_579 : vector<128x256xf32>
    %mul3A_581 = arith.constant 5.000000e-01 : f32
    %mul3A_582 = vector.broadcast %mul3A_581 : f32 to vector<128x256xf32>
    %mul3A_583 = arith.mulf %mul3A_582, %add3A_580 : vector<128x256xf32>
    %mul3A_584 = arith.constant 0.707106769 : f32
    %mul3A_585 = vector.broadcast %mul3A_584 : f32 to vector<128x256xf32>
    %mul3A_586 = arith.mulf %add3A_580, %mul3A_585 : vector<128x256xf32>
    %erf3A_587 = math.erf %mul3A_586 : vector<128x256xf32>
    %add3A_588 = arith.constant 1.000000e+00 : f32
    %add3A_589 = vector.broadcast %add3A_588 : f32 to vector<128x256xf32>
    %add3A_590 = arith.addf %add3A_589, %erf3A_587 : vector<128x256xf32>
    %mul3A_591 = arith.mulf %mul3A_583, %add3A_590 : vector<128x256xf32>
    %dot_general3A_592 = arith.constant dense<0.000000e+00> : vector<384x256xf32>
    %dot_general3A_593 = tpu.matmul %get3A_28, %mul3A_591, %dot_general3A_592 {dimension_numbers = #tpu.dot_dimension_numbers<[1], [0], [0], [1], [0, 0, 1, 1], [], []>, transpose_lhs_hint = false} : vector<384x128xf32>, vector<128x256xf32>, vector<384x256xf32> -> vector<384x256xf32>
    %max3A_594 = arith.maximumf %max3A_564, %dot_general3A_593 : vector<384x256xf32>
    %slice3A_595 = vector.extract_strided_slice %get3A_3 {offsets = [19, 0], sizes = [1, 256], strides = [1, 1]} : vector<32x256xf32> to vector<1x256xf32>
    %slice3A_596 = vector.extract_strided_slice %get3A_8 {offsets = [19, 0], sizes = [1, 256], strides = [1, 1]} : vector<32x256xf32> to vector<1x256xf32>
    %slice3A_597 = vector.extract_strided_slice %get3A_13 {offsets = [19, 0], sizes = [1, 256], strides = [1, 1]} : vector<32x256xf32> to vector<1x256xf32>
    %mul3A_598 = vector.broadcast %get3A_16 : vector<128x1xf32> to vector<128x256xf32>
    %mul3A_599 = vector.broadcast %slice3A_595 : vector<1x256xf32> to vector<128x256xf32>
    %mul3A_600 = arith.mulf %mul3A_598, %mul3A_599 : vector<128x256xf32>
    %mul3A_601 = vector.broadcast %get3A_19 : vector<128x1xf32> to vector<128x256xf32>
    %mul3A_602 = vector.broadcast %slice3A_596 : vector<1x256xf32> to vector<128x256xf32>
    %mul3A_603 = arith.mulf %mul3A_601, %mul3A_602 : vector<128x256xf32>
    %add3A_604 = arith.addf %mul3A_600, %mul3A_603 : vector<128x256xf32>
    %mul3A_605 = vector.broadcast %get3A_22 : vector<128x1xf32> to vector<128x256xf32>
    %mul3A_606 = vector.broadcast %slice3A_597 : vector<1x256xf32> to vector<128x256xf32>
    %mul3A_607 = arith.mulf %mul3A_605, %mul3A_606 : vector<128x256xf32>
    %add3A_608 = arith.addf %add3A_604, %mul3A_607 : vector<128x256xf32>
    %add3A_609 = vector.broadcast %get3A_25 : vector<128x1xf32> to vector<128x256xf32>
    %add3A_610 = arith.addf %add3A_608, %add3A_609 : vector<128x256xf32>
    %mul3A_611 = arith.constant 5.000000e-01 : f32
    %mul3A_612 = vector.broadcast %mul3A_611 : f32 to vector<128x256xf32>
    %mul3A_613 = arith.mulf %mul3A_612, %add3A_610 : vector<128x256xf32>
    %mul3A_614 = arith.constant 0.707106769 : f32
    %mul3A_615 = vector.broadcast %mul3A_614 : f32 to vector<128x256xf32>
    %mul3A_616 = arith.mulf %add3A_610, %mul3A_615 : vector<128x256xf32>
    %erf3A_617 = math.erf %mul3A_616 : vector<128x256xf32>
    %add3A_618 = arith.constant 1.000000e+00 : f32
    %add3A_619 = vector.broadcast %add3A_618 : f32 to vector<128x256xf32>
    %add3A_620 = arith.addf %add3A_619, %erf3A_617 : vector<128x256xf32>
    %mul3A_621 = arith.mulf %mul3A_613, %add3A_620 : vector<128x256xf32>
    %dot_general3A_622 = arith.constant dense<0.000000e+00> : vector<384x256xf32>
    %dot_general3A_623 = tpu.matmul %get3A_28, %mul3A_621, %dot_general3A_622 {dimension_numbers = #tpu.dot_dimension_numbers<[1], [0], [0], [1], [0, 0, 1, 1], [], []>, transpose_lhs_hint = false} : vector<384x128xf32>, vector<128x256xf32>, vector<384x256xf32> -> vector<384x256xf32>
    %max3A_624 = arith.maximumf %max3A_594, %dot_general3A_623 : vector<384x256xf32>
    %slice3A_625 = vector.extract_strided_slice %get3A_3 {offsets = [20, 0], sizes = [1, 256], strides = [1, 1]} : vector<32x256xf32> to vector<1x256xf32>
    %slice3A_626 = vector.extract_strided_slice %get3A_8 {offsets = [20, 0], sizes = [1, 256], strides = [1, 1]} : vector<32x256xf32> to vector<1x256xf32>
    %slice3A_627 = vector.extract_strided_slice %get3A_13 {offsets = [20, 0], sizes = [1, 256], strides = [1, 1]} : vector<32x256xf32> to vector<1x256xf32>
    %mul3A_628 = vector.broadcast %get3A_16 : vector<128x1xf32> to vector<128x256xf32>
    %mul3A_629 = vector.broadcast %slice3A_625 : vector<1x256xf32> to vector<128x256xf32>
    %mul3A_630 = arith.mulf %mul3A_628, %mul3A_629 : vector<128x256xf32>
    %mul3A_631 = vector.broadcast %get3A_19 : vector<128x1xf32> to vector<128x256xf32>
    %mul3A_632 = vector.broadcast %slice3A_626 : vector<1x256xf32> to vector<128x256xf32>
    %mul3A_633 = arith.mulf %mul3A_631, %mul3A_632 : vector<128x256xf32>
    %add3A_634 = arith.addf %mul3A_630, %mul3A_633 : vector<128x256xf32>
    %mul3A_635 = vector.broadcast %get3A_22 : vector<128x1xf32> to vector<128x256xf32>
    %mul3A_636 = vector.broadcast %slice3A_627 : vector<1x256xf32> to vector<128x256xf32>
    %mul3A_637 = arith.mulf %mul3A_635, %mul3A_636 : vector<128x256xf32>
    %add3A_638 = arith.addf %add3A_634, %mul3A_637 : vector<128x256xf32>
    %add3A_639 = vector.broadcast %get3A_25 : vector<128x1xf32> to vector<128x256xf32>
    %add3A_640 = arith.addf %add3A_638, %add3A_639 : vector<128x256xf32>
    %mul3A_641 = arith.constant 5.000000e-01 : f32
    %mul3A_642 = vector.broadcast %mul3A_641 : f32 to vector<128x256xf32>
    %mul3A_643 = arith.mulf %mul3A_642, %add3A_640 : vector<128x256xf32>
    %mul3A_644 = arith.constant 0.707106769 : f32
    %mul3A_645 = vector.broadcast %mul3A_644 : f32 to vector<128x256xf32>
    %mul3A_646 = arith.mulf %add3A_640, %mul3A_645 : vector<128x256xf32>
    %erf3A_647 = math.erf %mul3A_646 : vector<128x256xf32>
    %add3A_648 = arith.constant 1.000000e+00 : f32
    %add3A_649 = vector.broadcast %add3A_648 : f32 to vector<128x256xf32>
    %add3A_650 = arith.addf %add3A_649, %erf3A_647 : vector<128x256xf32>
    %mul3A_651 = arith.mulf %mul3A_643, %add3A_650 : vector<128x256xf32>
    %dot_general3A_652 = arith.constant dense<0.000000e+00> : vector<384x256xf32>
    %dot_general3A_653 = tpu.matmul %get3A_28, %mul3A_651, %dot_general3A_652 {dimension_numbers = #tpu.dot_dimension_numbers<[1], [0], [0], [1], [0, 0, 1, 1], [], []>, transpose_lhs_hint = false} : vector<384x128xf32>, vector<128x256xf32>, vector<384x256xf32> -> vector<384x256xf32>
    %max3A_654 = arith.maximumf %max3A_624, %dot_general3A_653 : vector<384x256xf32>
    %slice3A_655 = vector.extract_strided_slice %get3A_3 {offsets = [21, 0], sizes = [1, 256], strides = [1, 1]} : vector<32x256xf32> to vector<1x256xf32>
    %slice3A_656 = vector.extract_strided_slice %get3A_8 {offsets = [21, 0], sizes = [1, 256], strides = [1, 1]} : vector<32x256xf32> to vector<1x256xf32>
    %slice3A_657 = vector.extract_strided_slice %get3A_13 {offsets = [21, 0], sizes = [1, 256], strides = [1, 1]} : vector<32x256xf32> to vector<1x256xf32>
    %mul3A_658 = vector.broadcast %get3A_16 : vector<128x1xf32> to vector<128x256xf32>
    %mul3A_659 = vector.broadcast %slice3A_655 : vector<1x256xf32> to vector<128x256xf32>
    %mul3A_660 = arith.mulf %mul3A_658, %mul3A_659 : vector<128x256xf32>
    %mul3A_661 = vector.broadcast %get3A_19 : vector<128x1xf32> to vector<128x256xf32>
    %mul3A_662 = vector.broadcast %slice3A_656 : vector<1x256xf32> to vector<128x256xf32>
    %mul3A_663 = arith.mulf %mul3A_661, %mul3A_662 : vector<128x256xf32>
    %add3A_664 = arith.addf %mul3A_660, %mul3A_663 : vector<128x256xf32>
    %mul3A_665 = vector.broadcast %get3A_22 : vector<128x1xf32> to vector<128x256xf32>
    %mul3A_666 = vector.broadcast %slice3A_657 : vector<1x256xf32> to vector<128x256xf32>
    %mul3A_667 = arith.mulf %mul3A_665, %mul3A_666 : vector<128x256xf32>
    %add3A_668 = arith.addf %add3A_664, %mul3A_667 : vector<128x256xf32>
    %add3A_669 = vector.broadcast %get3A_25 : vector<128x1xf32> to vector<128x256xf32>
    %add3A_670 = arith.addf %add3A_668, %add3A_669 : vector<128x256xf32>
    %mul3A_671 = arith.constant 5.000000e-01 : f32
    %mul3A_672 = vector.broadcast %mul3A_671 : f32 to vector<128x256xf32>
    %mul3A_673 = arith.mulf %mul3A_672, %add3A_670 : vector<128x256xf32>
    %mul3A_674 = arith.constant 0.707106769 : f32
    %mul3A_675 = vector.broadcast %mul3A_674 : f32 to vector<128x256xf32>
    %mul3A_676 = arith.mulf %add3A_670, %mul3A_675 : vector<128x256xf32>
    %erf3A_677 = math.erf %mul3A_676 : vector<128x256xf32>
    %add3A_678 = arith.constant 1.000000e+00 : f32
    %add3A_679 = vector.broadcast %add3A_678 : f32 to vector<128x256xf32>
    %add3A_680 = arith.addf %add3A_679, %erf3A_677 : vector<128x256xf32>
    %mul3A_681 = arith.mulf %mul3A_673, %add3A_680 : vector<128x256xf32>
    %dot_general3A_682 = arith.constant dense<0.000000e+00> : vector<384x256xf32>
    %dot_general3A_683 = tpu.matmul %get3A_28, %mul3A_681, %dot_general3A_682 {dimension_numbers = #tpu.dot_dimension_numbers<[1], [0], [0], [1], [0, 0, 1, 1], [], []>, transpose_lhs_hint = false} : vector<384x128xf32>, vector<128x256xf32>, vector<384x256xf32> -> vector<384x256xf32>
    %max3A_684 = arith.maximumf %max3A_654, %dot_general3A_683 : vector<384x256xf32>
    %slice3A_685 = vector.extract_strided_slice %get3A_3 {offsets = [22, 0], sizes = [1, 256], strides = [1, 1]} : vector<32x256xf32> to vector<1x256xf32>
    %slice3A_686 = vector.extract_strided_slice %get3A_8 {offsets = [22, 0], sizes = [1, 256], strides = [1, 1]} : vector<32x256xf32> to vector<1x256xf32>
    %slice3A_687 = vector.extract_strided_slice %get3A_13 {offsets = [22, 0], sizes = [1, 256], strides = [1, 1]} : vector<32x256xf32> to vector<1x256xf32>
    %mul3A_688 = vector.broadcast %get3A_16 : vector<128x1xf32> to vector<128x256xf32>
    %mul3A_689 = vector.broadcast %slice3A_685 : vector<1x256xf32> to vector<128x256xf32>
    %mul3A_690 = arith.mulf %mul3A_688, %mul3A_689 : vector<128x256xf32>
    %mul3A_691 = vector.broadcast %get3A_19 : vector<128x1xf32> to vector<128x256xf32>
    %mul3A_692 = vector.broadcast %slice3A_686 : vector<1x256xf32> to vector<128x256xf32>
    %mul3A_693 = arith.mulf %mul3A_691, %mul3A_692 : vector<128x256xf32>
    %add3A_694 = arith.addf %mul3A_690, %mul3A_693 : vector<128x256xf32>
    %mul3A_695 = vector.broadcast %get3A_22 : vector<128x1xf32> to vector<128x256xf32>
    %mul3A_696 = vector.broadcast %slice3A_687 : vector<1x256xf32> to vector<128x256xf32>
    %mul3A_697 = arith.mulf %mul3A_695, %mul3A_696 : vector<128x256xf32>
    %add3A_698 = arith.addf %add3A_694, %mul3A_697 : vector<128x256xf32>
    %add3A_699 = vector.broadcast %get3A_25 : vector<128x1xf32> to vector<128x256xf32>
    %add3A_700 = arith.addf %add3A_698, %add3A_699 : vector<128x256xf32>
    %mul3A_701 = arith.constant 5.000000e-01 : f32
    %mul3A_702 = vector.broadcast %mul3A_701 : f32 to vector<128x256xf32>
    %mul3A_703 = arith.mulf %mul3A_702, %add3A_700 : vector<128x256xf32>
    %mul3A_704 = arith.constant 0.707106769 : f32
    %mul3A_705 = vector.broadcast %mul3A_704 : f32 to vector<128x256xf32>
    %mul3A_706 = arith.mulf %add3A_700, %mul3A_705 : vector<128x256xf32>
    %erf3A_707 = math.erf %mul3A_706 : vector<128x256xf32>
    %add3A_708 = arith.constant 1.000000e+00 : f32
    %add3A_709 = vector.broadcast %add3A_708 : f32 to vector<128x256xf32>
    %add3A_710 = arith.addf %add3A_709, %erf3A_707 : vector<128x256xf32>
    %mul3A_711 = arith.mulf %mul3A_703, %add3A_710 : vector<128x256xf32>
    %dot_general3A_712 = arith.constant dense<0.000000e+00> : vector<384x256xf32>
    %dot_general3A_713 = tpu.matmul %get3A_28, %mul3A_711, %dot_general3A_712 {dimension_numbers = #tpu.dot_dimension_numbers<[1], [0], [0], [1], [0, 0, 1, 1], [], []>, transpose_lhs_hint = false} : vector<384x128xf32>, vector<128x256xf32>, vector<384x256xf32> -> vector<384x256xf32>
    %max3A_714 = arith.maximumf %max3A_684, %dot_general3A_713 : vector<384x256xf32>
    %slice3A_715 = vector.extract_strided_slice %get3A_3 {offsets = [23, 0], sizes = [1, 256], strides = [1, 1]} : vector<32x256xf32> to vector<1x256xf32>
    %slice3A_716 = vector.extract_strided_slice %get3A_8 {offsets = [23, 0], sizes = [1, 256], strides = [1, 1]} : vector<32x256xf32> to vector<1x256xf32>
    %slice3A_717 = vector.extract_strided_slice %get3A_13 {offsets = [23, 0], sizes = [1, 256], strides = [1, 1]} : vector<32x256xf32> to vector<1x256xf32>
    %mul3A_718 = vector.broadcast %get3A_16 : vector<128x1xf32> to vector<128x256xf32>
    %mul3A_719 = vector.broadcast %slice3A_715 : vector<1x256xf32> to vector<128x256xf32>
    %mul3A_720 = arith.mulf %mul3A_718, %mul3A_719 : vector<128x256xf32>
    %mul3A_721 = vector.broadcast %get3A_19 : vector<128x1xf32> to vector<128x256xf32>
    %mul3A_722 = vector.broadcast %slice3A_716 : vector<1x256xf32> to vector<128x256xf32>
    %mul3A_723 = arith.mulf %mul3A_721, %mul3A_722 : vector<128x256xf32>
    %add3A_724 = arith.addf %mul3A_720, %mul3A_723 : vector<128x256xf32>
    %mul3A_725 = vector.broadcast %get3A_22 : vector<128x1xf32> to vector<128x256xf32>
    %mul3A_726 = vector.broadcast %slice3A_717 : vector<1x256xf32> to vector<128x256xf32>
    %mul3A_727 = arith.mulf %mul3A_725, %mul3A_726 : vector<128x256xf32>
    %add3A_728 = arith.addf %add3A_724, %mul3A_727 : vector<128x256xf32>
    %add3A_729 = vector.broadcast %get3A_25 : vector<128x1xf32> to vector<128x256xf32>
    %add3A_730 = arith.addf %add3A_728, %add3A_729 : vector<128x256xf32>
    %mul3A_731 = arith.constant 5.000000e-01 : f32
    %mul3A_732 = vector.broadcast %mul3A_731 : f32 to vector<128x256xf32>
    %mul3A_733 = arith.mulf %mul3A_732, %add3A_730 : vector<128x256xf32>
    %mul3A_734 = arith.constant 0.707106769 : f32
    %mul3A_735 = vector.broadcast %mul3A_734 : f32 to vector<128x256xf32>
    %mul3A_736 = arith.mulf %add3A_730, %mul3A_735 : vector<128x256xf32>
    %erf3A_737 = math.erf %mul3A_736 : vector<128x256xf32>
    %add3A_738 = arith.constant 1.000000e+00 : f32
    %add3A_739 = vector.broadcast %add3A_738 : f32 to vector<128x256xf32>
    %add3A_740 = arith.addf %add3A_739, %erf3A_737 : vector<128x256xf32>
    %mul3A_741 = arith.mulf %mul3A_733, %add3A_740 : vector<128x256xf32>
    %dot_general3A_742 = arith.constant dense<0.000000e+00> : vector<384x256xf32>
    %dot_general3A_743 = tpu.matmul %get3A_28, %mul3A_741, %dot_general3A_742 {dimension_numbers = #tpu.dot_dimension_numbers<[1], [0], [0], [1], [0, 0, 1, 1], [], []>, transpose_lhs_hint = false} : vector<384x128xf32>, vector<128x256xf32>, vector<384x256xf32> -> vector<384x256xf32>
    %max3A_744 = arith.maximumf %max3A_714, %dot_general3A_743 : vector<384x256xf32>
    %slice3A_745 = vector.extract_strided_slice %get3A_3 {offsets = [24, 0], sizes = [1, 256], strides = [1, 1]} : vector<32x256xf32> to vector<1x256xf32>
    %slice3A_746 = vector.extract_strided_slice %get3A_8 {offsets = [24, 0], sizes = [1, 256], strides = [1, 1]} : vector<32x256xf32> to vector<1x256xf32>
    %slice3A_747 = vector.extract_strided_slice %get3A_13 {offsets = [24, 0], sizes = [1, 256], strides = [1, 1]} : vector<32x256xf32> to vector<1x256xf32>
    %mul3A_748 = vector.broadcast %get3A_16 : vector<128x1xf32> to vector<128x256xf32>
    %mul3A_749 = vector.broadcast %slice3A_745 : vector<1x256xf32> to vector<128x256xf32>
    %mul3A_750 = arith.mulf %mul3A_748, %mul3A_749 : vector<128x256xf32>
    %mul3A_751 = vector.broadcast %get3A_19 : vector<128x1xf32> to vector<128x256xf32>
    %mul3A_752 = vector.broadcast %slice3A_746 : vector<1x256xf32> to vector<128x256xf32>
    %mul3A_753 = arith.mulf %mul3A_751, %mul3A_752 : vector<128x256xf32>
    %add3A_754 = arith.addf %mul3A_750, %mul3A_753 : vector<128x256xf32>
    %mul3A_755 = vector.broadcast %get3A_22 : vector<128x1xf32> to vector<128x256xf32>
    %mul3A_756 = vector.broadcast %slice3A_747 : vector<1x256xf32> to vector<128x256xf32>
    %mul3A_757 = arith.mulf %mul3A_755, %mul3A_756 : vector<128x256xf32>
    %add3A_758 = arith.addf %add3A_754, %mul3A_757 : vector<128x256xf32>
    %add3A_759 = vector.broadcast %get3A_25 : vector<128x1xf32> to vector<128x256xf32>
    %add3A_760 = arith.addf %add3A_758, %add3A_759 : vector<128x256xf32>
    %mul3A_761 = arith.constant 5.000000e-01 : f32
    %mul3A_762 = vector.broadcast %mul3A_761 : f32 to vector<128x256xf32>
    %mul3A_763 = arith.mulf %mul3A_762, %add3A_760 : vector<128x256xf32>
    %mul3A_764 = arith.constant 0.707106769 : f32
    %mul3A_765 = vector.broadcast %mul3A_764 : f32 to vector<128x256xf32>
    %mul3A_766 = arith.mulf %add3A_760, %mul3A_765 : vector<128x256xf32>
    %erf3A_767 = math.erf %mul3A_766 : vector<128x256xf32>
    %add3A_768 = arith.constant 1.000000e+00 : f32
    %add3A_769 = vector.broadcast %add3A_768 : f32 to vector<128x256xf32>
    %add3A_770 = arith.addf %add3A_769, %erf3A_767 : vector<128x256xf32>
    %mul3A_771 = arith.mulf %mul3A_763, %add3A_770 : vector<128x256xf32>
    %dot_general3A_772 = arith.constant dense<0.000000e+00> : vector<384x256xf32>
    %dot_general3A_773 = tpu.matmul %get3A_28, %mul3A_771, %dot_general3A_772 {dimension_numbers = #tpu.dot_dimension_numbers<[1], [0], [0], [1], [0, 0, 1, 1], [], []>, transpose_lhs_hint = false} : vector<384x128xf32>, vector<128x256xf32>, vector<384x256xf32> -> vector<384x256xf32>
    %max3A_774 = arith.maximumf %max3A_744, %dot_general3A_773 : vector<384x256xf32>
    %slice3A_775 = vector.extract_strided_slice %get3A_3 {offsets = [25, 0], sizes = [1, 256], strides = [1, 1]} : vector<32x256xf32> to vector<1x256xf32>
    %slice3A_776 = vector.extract_strided_slice %get3A_8 {offsets = [25, 0], sizes = [1, 256], strides = [1, 1]} : vector<32x256xf32> to vector<1x256xf32>
    %slice3A_777 = vector.extract_strided_slice %get3A_13 {offsets = [25, 0], sizes = [1, 256], strides = [1, 1]} : vector<32x256xf32> to vector<1x256xf32>
    %mul3A_778 = vector.broadcast %get3A_16 : vector<128x1xf32> to vector<128x256xf32>
    %mul3A_779 = vector.broadcast %slice3A_775 : vector<1x256xf32> to vector<128x256xf32>
    %mul3A_780 = arith.mulf %mul3A_778, %mul3A_779 : vector<128x256xf32>
    %mul3A_781 = vector.broadcast %get3A_19 : vector<128x1xf32> to vector<128x256xf32>
    %mul3A_782 = vector.broadcast %slice3A_776 : vector<1x256xf32> to vector<128x256xf32>
    %mul3A_783 = arith.mulf %mul3A_781, %mul3A_782 : vector<128x256xf32>
    %add3A_784 = arith.addf %mul3A_780, %mul3A_783 : vector<128x256xf32>
    %mul3A_785 = vector.broadcast %get3A_22 : vector<128x1xf32> to vector<128x256xf32>
    %mul3A_786 = vector.broadcast %slice3A_777 : vector<1x256xf32> to vector<128x256xf32>
    %mul3A_787 = arith.mulf %mul3A_785, %mul3A_786 : vector<128x256xf32>
    %add3A_788 = arith.addf %add3A_784, %mul3A_787 : vector<128x256xf32>
    %add3A_789 = vector.broadcast %get3A_25 : vector<128x1xf32> to vector<128x256xf32>
    %add3A_790 = arith.addf %add3A_788, %add3A_789 : vector<128x256xf32>
    %mul3A_791 = arith.constant 5.000000e-01 : f32
    %mul3A_792 = vector.broadcast %mul3A_791 : f32 to vector<128x256xf32>
    %mul3A_793 = arith.mulf %mul3A_792, %add3A_790 : vector<128x256xf32>
    %mul3A_794 = arith.constant 0.707106769 : f32
    %mul3A_795 = vector.broadcast %mul3A_794 : f32 to vector<128x256xf32>
    %mul3A_796 = arith.mulf %add3A_790, %mul3A_795 : vector<128x256xf32>
    %erf3A_797 = math.erf %mul3A_796 : vector<128x256xf32>
    %add3A_798 = arith.constant 1.000000e+00 : f32
    %add3A_799 = vector.broadcast %add3A_798 : f32 to vector<128x256xf32>
    %add3A_800 = arith.addf %add3A_799, %erf3A_797 : vector<128x256xf32>
    %mul3A_801 = arith.mulf %mul3A_793, %add3A_800 : vector<128x256xf32>
    %dot_general3A_802 = arith.constant dense<0.000000e+00> : vector<384x256xf32>
    %dot_general3A_803 = tpu.matmul %get3A_28, %mul3A_801, %dot_general3A_802 {dimension_numbers = #tpu.dot_dimension_numbers<[1], [0], [0], [1], [0, 0, 1, 1], [], []>, transpose_lhs_hint = false} : vector<384x128xf32>, vector<128x256xf32>, vector<384x256xf32> -> vector<384x256xf32>
    %max3A_804 = arith.maximumf %max3A_774, %dot_general3A_803 : vector<384x256xf32>
    %slice3A_805 = vector.extract_strided_slice %get3A_3 {offsets = [26, 0], sizes = [1, 256], strides = [1, 1]} : vector<32x256xf32> to vector<1x256xf32>
    %slice3A_806 = vector.extract_strided_slice %get3A_8 {offsets = [26, 0], sizes = [1, 256], strides = [1, 1]} : vector<32x256xf32> to vector<1x256xf32>
    %slice3A_807 = vector.extract_strided_slice %get3A_13 {offsets = [26, 0], sizes = [1, 256], strides = [1, 1]} : vector<32x256xf32> to vector<1x256xf32>
    %mul3A_808 = vector.broadcast %get3A_16 : vector<128x1xf32> to vector<128x256xf32>
    %mul3A_809 = vector.broadcast %slice3A_805 : vector<1x256xf32> to vector<128x256xf32>
    %mul3A_810 = arith.mulf %mul3A_808, %mul3A_809 : vector<128x256xf32>
    %mul3A_811 = vector.broadcast %get3A_19 : vector<128x1xf32> to vector<128x256xf32>
    %mul3A_812 = vector.broadcast %slice3A_806 : vector<1x256xf32> to vector<128x256xf32>
    %mul3A_813 = arith.mulf %mul3A_811, %mul3A_812 : vector<128x256xf32>
    %add3A_814 = arith.addf %mul3A_810, %mul3A_813 : vector<128x256xf32>
    %mul3A_815 = vector.broadcast %get3A_22 : vector<128x1xf32> to vector<128x256xf32>
    %mul3A_816 = vector.broadcast %slice3A_807 : vector<1x256xf32> to vector<128x256xf32>
    %mul3A_817 = arith.mulf %mul3A_815, %mul3A_816 : vector<128x256xf32>
    %add3A_818 = arith.addf %add3A_814, %mul3A_817 : vector<128x256xf32>
    %add3A_819 = vector.broadcast %get3A_25 : vector<128x1xf32> to vector<128x256xf32>
    %add3A_820 = arith.addf %add3A_818, %add3A_819 : vector<128x256xf32>
    %mul3A_821 = arith.constant 5.000000e-01 : f32
    %mul3A_822 = vector.broadcast %mul3A_821 : f32 to vector<128x256xf32>
    %mul3A_823 = arith.mulf %mul3A_822, %add3A_820 : vector<128x256xf32>
    %mul3A_824 = arith.constant 0.707106769 : f32
    %mul3A_825 = vector.broadcast %mul3A_824 : f32 to vector<128x256xf32>
    %mul3A_826 = arith.mulf %add3A_820, %mul3A_825 : vector<128x256xf32>
    %erf3A_827 = math.erf %mul3A_826 : vector<128x256xf32>
    %add3A_828 = arith.constant 1.000000e+00 : f32
    %add3A_829 = vector.broadcast %add3A_828 : f32 to vector<128x256xf32>
    %add3A_830 = arith.addf %add3A_829, %erf3A_827 : vector<128x256xf32>
    %mul3A_831 = arith.mulf %mul3A_823, %add3A_830 : vector<128x256xf32>
    %dot_general3A_832 = arith.constant dense<0.000000e+00> : vector<384x256xf32>
    %dot_general3A_833 = tpu.matmul %get3A_28, %mul3A_831, %dot_general3A_832 {dimension_numbers = #tpu.dot_dimension_numbers<[1], [0], [0], [1], [0, 0, 1, 1], [], []>, transpose_lhs_hint = false} : vector<384x128xf32>, vector<128x256xf32>, vector<384x256xf32> -> vector<384x256xf32>
    %max3A_834 = arith.maximumf %max3A_804, %dot_general3A_833 : vector<384x256xf32>
    %slice3A_835 = vector.extract_strided_slice %get3A_3 {offsets = [27, 0], sizes = [1, 256], strides = [1, 1]} : vector<32x256xf32> to vector<1x256xf32>
    %slice3A_836 = vector.extract_strided_slice %get3A_8 {offsets = [27, 0], sizes = [1, 256], strides = [1, 1]} : vector<32x256xf32> to vector<1x256xf32>
    %slice3A_837 = vector.extract_strided_slice %get3A_13 {offsets = [27, 0], sizes = [1, 256], strides = [1, 1]} : vector<32x256xf32> to vector<1x256xf32>
    %mul3A_838 = vector.broadcast %get3A_16 : vector<128x1xf32> to vector<128x256xf32>
    %mul3A_839 = vector.broadcast %slice3A_835 : vector<1x256xf32> to vector<128x256xf32>
    %mul3A_840 = arith.mulf %mul3A_838, %mul3A_839 : vector<128x256xf32>
    %mul3A_841 = vector.broadcast %get3A_19 : vector<128x1xf32> to vector<128x256xf32>
    %mul3A_842 = vector.broadcast %slice3A_836 : vector<1x256xf32> to vector<128x256xf32>
    %mul3A_843 = arith.mulf %mul3A_841, %mul3A_842 : vector<128x256xf32>
    %add3A_844 = arith.addf %mul3A_840, %mul3A_843 : vector<128x256xf32>
    %mul3A_845 = vector.broadcast %get3A_22 : vector<128x1xf32> to vector<128x256xf32>
    %mul3A_846 = vector.broadcast %slice3A_837 : vector<1x256xf32> to vector<128x256xf32>
    %mul3A_847 = arith.mulf %mul3A_845, %mul3A_846 : vector<128x256xf32>
    %add3A_848 = arith.addf %add3A_844, %mul3A_847 : vector<128x256xf32>
    %add3A_849 = vector.broadcast %get3A_25 : vector<128x1xf32> to vector<128x256xf32>
    %add3A_850 = arith.addf %add3A_848, %add3A_849 : vector<128x256xf32>
    %mul3A_851 = arith.constant 5.000000e-01 : f32
    %mul3A_852 = vector.broadcast %mul3A_851 : f32 to vector<128x256xf32>
    %mul3A_853 = arith.mulf %mul3A_852, %add3A_850 : vector<128x256xf32>
    %mul3A_854 = arith.constant 0.707106769 : f32
    %mul3A_855 = vector.broadcast %mul3A_854 : f32 to vector<128x256xf32>
    %mul3A_856 = arith.mulf %add3A_850, %mul3A_855 : vector<128x256xf32>
    %erf3A_857 = math.erf %mul3A_856 : vector<128x256xf32>
    %add3A_858 = arith.constant 1.000000e+00 : f32
    %add3A_859 = vector.broadcast %add3A_858 : f32 to vector<128x256xf32>
    %add3A_860 = arith.addf %add3A_859, %erf3A_857 : vector<128x256xf32>
    %mul3A_861 = arith.mulf %mul3A_853, %add3A_860 : vector<128x256xf32>
    %dot_general3A_862 = arith.constant dense<0.000000e+00> : vector<384x256xf32>
    %dot_general3A_863 = tpu.matmul %get3A_28, %mul3A_861, %dot_general3A_862 {dimension_numbers = #tpu.dot_dimension_numbers<[1], [0], [0], [1], [0, 0, 1, 1], [], []>, transpose_lhs_hint = false} : vector<384x128xf32>, vector<128x256xf32>, vector<384x256xf32> -> vector<384x256xf32>
    %max3A_864 = arith.maximumf %max3A_834, %dot_general3A_863 : vector<384x256xf32>
    %slice3A_865 = vector.extract_strided_slice %get3A_3 {offsets = [28, 0], sizes = [1, 256], strides = [1, 1]} : vector<32x256xf32> to vector<1x256xf32>
    %slice3A_866 = vector.extract_strided_slice %get3A_8 {offsets = [28, 0], sizes = [1, 256], strides = [1, 1]} : vector<32x256xf32> to vector<1x256xf32>
    %slice3A_867 = vector.extract_strided_slice %get3A_13 {offsets = [28, 0], sizes = [1, 256], strides = [1, 1]} : vector<32x256xf32> to vector<1x256xf32>
    %mul3A_868 = vector.broadcast %get3A_16 : vector<128x1xf32> to vector<128x256xf32>
    %mul3A_869 = vector.broadcast %slice3A_865 : vector<1x256xf32> to vector<128x256xf32>
    %mul3A_870 = arith.mulf %mul3A_868, %mul3A_869 : vector<128x256xf32>
    %mul3A_871 = vector.broadcast %get3A_19 : vector<128x1xf32> to vector<128x256xf32>
    %mul3A_872 = vector.broadcast %slice3A_866 : vector<1x256xf32> to vector<128x256xf32>
    %mul3A_873 = arith.mulf %mul3A_871, %mul3A_872 : vector<128x256xf32>
    %add3A_874 = arith.addf %mul3A_870, %mul3A_873 : vector<128x256xf32>
    %mul3A_875 = vector.broadcast %get3A_22 : vector<128x1xf32> to vector<128x256xf32>
    %mul3A_876 = vector.broadcast %slice3A_867 : vector<1x256xf32> to vector<128x256xf32>
    %mul3A_877 = arith.mulf %mul3A_875, %mul3A_876 : vector<128x256xf32>
    %add3A_878 = arith.addf %add3A_874, %mul3A_877 : vector<128x256xf32>
    %add3A_879 = vector.broadcast %get3A_25 : vector<128x1xf32> to vector<128x256xf32>
    %add3A_880 = arith.addf %add3A_878, %add3A_879 : vector<128x256xf32>
    %mul3A_881 = arith.constant 5.000000e-01 : f32
    %mul3A_882 = vector.broadcast %mul3A_881 : f32 to vector<128x256xf32>
    %mul3A_883 = arith.mulf %mul3A_882, %add3A_880 : vector<128x256xf32>
    %mul3A_884 = arith.constant 0.707106769 : f32
    %mul3A_885 = vector.broadcast %mul3A_884 : f32 to vector<128x256xf32>
    %mul3A_886 = arith.mulf %add3A_880, %mul3A_885 : vector<128x256xf32>
    %erf3A_887 = math.erf %mul3A_886 : vector<128x256xf32>
    %add3A_888 = arith.constant 1.000000e+00 : f32
    %add3A_889 = vector.broadcast %add3A_888 : f32 to vector<128x256xf32>
    %add3A_890 = arith.addf %add3A_889, %erf3A_887 : vector<128x256xf32>
    %mul3A_891 = arith.mulf %mul3A_883, %add3A_890 : vector<128x256xf32>
    %dot_general3A_892 = arith.constant dense<0.000000e+00> : vector<384x256xf32>
    %dot_general3A_893 = tpu.matmul %get3A_28, %mul3A_891, %dot_general3A_892 {dimension_numbers = #tpu.dot_dimension_numbers<[1], [0], [0], [1], [0, 0, 1, 1], [], []>, transpose_lhs_hint = false} : vector<384x128xf32>, vector<128x256xf32>, vector<384x256xf32> -> vector<384x256xf32>
    %max3A_894 = arith.maximumf %max3A_864, %dot_general3A_893 : vector<384x256xf32>
    %slice3A_895 = vector.extract_strided_slice %get3A_3 {offsets = [29, 0], sizes = [1, 256], strides = [1, 1]} : vector<32x256xf32> to vector<1x256xf32>
    %slice3A_896 = vector.extract_strided_slice %get3A_8 {offsets = [29, 0], sizes = [1, 256], strides = [1, 1]} : vector<32x256xf32> to vector<1x256xf32>
    %slice3A_897 = vector.extract_strided_slice %get3A_13 {offsets = [29, 0], sizes = [1, 256], strides = [1, 1]} : vector<32x256xf32> to vector<1x256xf32>
    %mul3A_898 = vector.broadcast %get3A_16 : vector<128x1xf32> to vector<128x256xf32>
    %mul3A_899 = vector.broadcast %slice3A_895 : vector<1x256xf32> to vector<128x256xf32>
    %mul3A_900 = arith.mulf %mul3A_898, %mul3A_899 : vector<128x256xf32>
    %mul3A_901 = vector.broadcast %get3A_19 : vector<128x1xf32> to vector<128x256xf32>
    %mul3A_902 = vector.broadcast %slice3A_896 : vector<1x256xf32> to vector<128x256xf32>
    %mul3A_903 = arith.mulf %mul3A_901, %mul3A_902 : vector<128x256xf32>
    %add3A_904 = arith.addf %mul3A_900, %mul3A_903 : vector<128x256xf32>
    %mul3A_905 = vector.broadcast %get3A_22 : vector<128x1xf32> to vector<128x256xf32>
    %mul3A_906 = vector.broadcast %slice3A_897 : vector<1x256xf32> to vector<128x256xf32>
    %mul3A_907 = arith.mulf %mul3A_905, %mul3A_906 : vector<128x256xf32>
    %add3A_908 = arith.addf %add3A_904, %mul3A_907 : vector<128x256xf32>
    %add3A_909 = vector.broadcast %get3A_25 : vector<128x1xf32> to vector<128x256xf32>
    %add3A_910 = arith.addf %add3A_908, %add3A_909 : vector<128x256xf32>
    %mul3A_911 = arith.constant 5.000000e-01 : f32
    %mul3A_912 = vector.broadcast %mul3A_911 : f32 to vector<128x256xf32>
    %mul3A_913 = arith.mulf %mul3A_912, %add3A_910 : vector<128x256xf32>
    %mul3A_914 = arith.constant 0.707106769 : f32
    %mul3A_915 = vector.broadcast %mul3A_914 : f32 to vector<128x256xf32>
    %mul3A_916 = arith.mulf %add3A_910, %mul3A_915 : vector<128x256xf32>
    %erf3A_917 = math.erf %mul3A_916 : vector<128x256xf32>
    %add3A_918 = arith.constant 1.000000e+00 : f32
    %add3A_919 = vector.broadcast %add3A_918 : f32 to vector<128x256xf32>
    %add3A_920 = arith.addf %add3A_919, %erf3A_917 : vector<128x256xf32>
    %mul3A_921 = arith.mulf %mul3A_913, %add3A_920 : vector<128x256xf32>
    %dot_general3A_922 = arith.constant dense<0.000000e+00> : vector<384x256xf32>
    %dot_general3A_923 = tpu.matmul %get3A_28, %mul3A_921, %dot_general3A_922 {dimension_numbers = #tpu.dot_dimension_numbers<[1], [0], [0], [1], [0, 0, 1, 1], [], []>, transpose_lhs_hint = false} : vector<384x128xf32>, vector<128x256xf32>, vector<384x256xf32> -> vector<384x256xf32>
    %max3A_924 = arith.maximumf %max3A_894, %dot_general3A_923 : vector<384x256xf32>
    %slice3A_925 = vector.extract_strided_slice %get3A_3 {offsets = [30, 0], sizes = [1, 256], strides = [1, 1]} : vector<32x256xf32> to vector<1x256xf32>
    %slice3A_926 = vector.extract_strided_slice %get3A_8 {offsets = [30, 0], sizes = [1, 256], strides = [1, 1]} : vector<32x256xf32> to vector<1x256xf32>
    %slice3A_927 = vector.extract_strided_slice %get3A_13 {offsets = [30, 0], sizes = [1, 256], strides = [1, 1]} : vector<32x256xf32> to vector<1x256xf32>
    %mul3A_928 = vector.broadcast %get3A_16 : vector<128x1xf32> to vector<128x256xf32>
    %mul3A_929 = vector.broadcast %slice3A_925 : vector<1x256xf32> to vector<128x256xf32>
    %mul3A_930 = arith.mulf %mul3A_928, %mul3A_929 : vector<128x256xf32>
    %mul3A_931 = vector.broadcast %get3A_19 : vector<128x1xf32> to vector<128x256xf32>
    %mul3A_932 = vector.broadcast %slice3A_926 : vector<1x256xf32> to vector<128x256xf32>
    %mul3A_933 = arith.mulf %mul3A_931, %mul3A_932 : vector<128x256xf32>
    %add3A_934 = arith.addf %mul3A_930, %mul3A_933 : vector<128x256xf32>
    %mul3A_935 = vector.broadcast %get3A_22 : vector<128x1xf32> to vector<128x256xf32>
    %mul3A_936 = vector.broadcast %slice3A_927 : vector<1x256xf32> to vector<128x256xf32>
    %mul3A_937 = arith.mulf %mul3A_935, %mul3A_936 : vector<128x256xf32>
    %add3A_938 = arith.addf %add3A_934, %mul3A_937 : vector<128x256xf32>
    %add3A_939 = vector.broadcast %get3A_25 : vector<128x1xf32> to vector<128x256xf32>
    %add3A_940 = arith.addf %add3A_938, %add3A_939 : vector<128x256xf32>
    %mul3A_941 = arith.constant 5.000000e-01 : f32
    %mul3A_942 = vector.broadcast %mul3A_941 : f32 to vector<128x256xf32>
    %mul3A_943 = arith.mulf %mul3A_942, %add3A_940 : vector<128x256xf32>
    %mul3A_944 = arith.constant 0.707106769 : f32
    %mul3A_945 = vector.broadcast %mul3A_944 : f32 to vector<128x256xf32>
    %mul3A_946 = arith.mulf %add3A_940, %mul3A_945 : vector<128x256xf32>
    %erf3A_947 = math.erf %mul3A_946 : vector<128x256xf32>
    %add3A_948 = arith.constant 1.000000e+00 : f32
    %add3A_949 = vector.broadcast %add3A_948 : f32 to vector<128x256xf32>
    %add3A_950 = arith.addf %add3A_949, %erf3A_947 : vector<128x256xf32>
    %mul3A_951 = arith.mulf %mul3A_943, %add3A_950 : vector<128x256xf32>
    %dot_general3A_952 = arith.constant dense<0.000000e+00> : vector<384x256xf32>
    %dot_general3A_953 = tpu.matmul %get3A_28, %mul3A_951, %dot_general3A_952 {dimension_numbers = #tpu.dot_dimension_numbers<[1], [0], [0], [1], [0, 0, 1, 1], [], []>, transpose_lhs_hint = false} : vector<384x128xf32>, vector<128x256xf32>, vector<384x256xf32> -> vector<384x256xf32>
    %max3A_954 = arith.maximumf %max3A_924, %dot_general3A_953 : vector<384x256xf32>
    %slice3A_955 = vector.extract_strided_slice %get3A_3 {offsets = [31, 0], sizes = [1, 256], strides = [1, 1]} : vector<32x256xf32> to vector<1x256xf32>
    %slice3A_956 = vector.extract_strided_slice %get3A_8 {offsets = [31, 0], sizes = [1, 256], strides = [1, 1]} : vector<32x256xf32> to vector<1x256xf32>
    %slice3A_957 = vector.extract_strided_slice %get3A_13 {offsets = [31, 0], sizes = [1, 256], strides = [1, 1]} : vector<32x256xf32> to vector<1x256xf32>
    %mul3A_958 = vector.broadcast %get3A_16 : vector<128x1xf32> to vector<128x256xf32>
    %mul3A_959 = vector.broadcast %slice3A_955 : vector<1x256xf32> to vector<128x256xf32>
    %mul3A_960 = arith.mulf %mul3A_958, %mul3A_959 : vector<128x256xf32>
    %mul3A_961 = vector.broadcast %get3A_19 : vector<128x1xf32> to vector<128x256xf32>
    %mul3A_962 = vector.broadcast %slice3A_956 : vector<1x256xf32> to vector<128x256xf32>
    %mul3A_963 = arith.mulf %mul3A_961, %mul3A_962 : vector<128x256xf32>
    %add3A_964 = arith.addf %mul3A_960, %mul3A_963 : vector<128x256xf32>
    %mul3A_965 = vector.broadcast %get3A_22 : vector<128x1xf32> to vector<128x256xf32>
    %mul3A_966 = vector.broadcast %slice3A_957 : vector<1x256xf32> to vector<128x256xf32>
    %mul3A_967 = arith.mulf %mul3A_965, %mul3A_966 : vector<128x256xf32>
    %add3A_968 = arith.addf %add3A_964, %mul3A_967 : vector<128x256xf32>
    %add3A_969 = vector.broadcast %get3A_25 : vector<128x1xf32> to vector<128x256xf32>
    %add3A_970 = arith.addf %add3A_968, %add3A_969 : vector<128x256xf32>
    %mul3A_971 = arith.constant 5.000000e-01 : f32
    %mul3A_972 = vector.broadcast %mul3A_971 : f32 to vector<128x256xf32>
    %mul3A_973 = arith.mulf %mul3A_972, %add3A_970 : vector<128x256xf32>
    %mul3A_974 = arith.constant 0.707106769 : f32
    %mul3A_975 = vector.broadcast %mul3A_974 : f32 to vector<128x256xf32>
    %mul3A_976 = arith.mulf %add3A_970, %mul3A_975 : vector<128x256xf32>
    %erf3A_977 = math.erf %mul3A_976 : vector<128x256xf32>
    %add3A_978 = arith.constant 1.000000e+00 : f32
    %add3A_979 = vector.broadcast %add3A_978 : f32 to vector<128x256xf32>
    %add3A_980 = arith.addf %add3A_979, %erf3A_977 : vector<128x256xf32>
    %mul3A_981 = arith.mulf %mul3A_973, %add3A_980 : vector<128x256xf32>
    %dot_general3A_982 = arith.constant dense<0.000000e+00> : vector<384x256xf32>
    %dot_general3A_983 = tpu.matmul %get3A_28, %mul3A_981, %dot_general3A_982 {dimension_numbers = #tpu.dot_dimension_numbers<[1], [0], [0], [1], [0, 0, 1, 1], [], []>, transpose_lhs_hint = false} : vector<384x128xf32>, vector<128x256xf32>, vector<384x256xf32> -> vector<384x256xf32>
    %max3A_984 = arith.maximumf %max3A_954, %dot_general3A_983 : vector<384x256xf32>
    %add3A_985 = vector.broadcast %get3A_31 : vector<384x1xf32> to vector<384x256xf32>
    %add3A_986 = arith.addf %max3A_984, %add3A_985 : vector<384x256xf32>
    %swap3A = arith.constant 0 : index
    %swap3A_987 = arith.constant 0 : index
    %swap3A_988 = arith.constant 0 : index
    %swap3A_989 = vector.load %arg8[%swap3A, %swap3A_987, %swap3A_988] : memref<1x384x256xf32, #tpu.memory_space<vmem>>, vector<1x384x256xf32>
    %swap3A_990 = vector.shape_cast %swap3A_989 : vector<1x384x256xf32> to vector<384x256xf32>
    %swap3A_991 = vector.shape_cast %add3A_986 : vector<384x256xf32> to vector<1x384x256xf32>
    tpu.vector_store %arg8[%swap3A, %swap3A_987, %swap3A_988], %swap3A_991 {strides = array<i32>} : memref<1x384x256xf32, #tpu.memory_space<vmem>>, vector<1x384x256xf32>,
    return
  }
  func.func @transform_0(%arg0: i32) -> (i32, i32, i32) {
    %c0_i32 = arith.constant 0 : i32
    %c0_i32_0 = arith.constant 0 : i32
    %c0_i32_1 = arith.constant 0 : i32
    return %arg0, %c0_i32, %c0_i32_0 : i32, i32, i32
  }
  func.func @transform_1(%arg0: i32) -> (i32, i32, i32) {
    %c0_i32 = arith.constant 0 : i32
    %c0_i32_0 = arith.constant 0 : i32
    %c0_i32_1 = arith.constant 0 : i32
    return %arg0, %c0_i32, %c0_i32_0 : i32, i32, i32
  }
  func.func @transform_2(%arg0: i32) -> (i32, i32, i32) {
    %c0_i32 = arith.constant 0 : i32
    %c0_i32_0 = arith.constant 0 : i32
    %c0_i32_1 = arith.constant 0 : i32
    return %arg0, %c0_i32, %c0_i32_0 : i32, i32, i32
  }
  func.func @transform_3(%arg0: i32) -> (i32, i32) {
    %c0_i32 = arith.constant 0 : i32
    %c0_i32_0 = arith.constant 0 : i32
    %c0_i32_1 = arith.constant 0 : i32
    return %c0_i32, %c0_i32_0 : i32, i32
  }
  func.func @transform_4(%arg0: i32) -> (i32, i32) {
    %c0_i32 = arith.constant 0 : i32
    %c0_i32_0 = arith.constant 0 : i32
    %c0_i32_1 = arith.constant 0 : i32
    return %c0_i32, %c0_i32_0 : i32, i32
  }
  func.func @transform_5(%arg0: i32) -> (i32, i32) {
    %c0_i32 = arith.constant 0 : i32
    %c0_i32_0 = arith.constant 0 : i32
    %c0_i32_1 = arith.constant 0 : i32
    return %c0_i32, %c0_i32_0 : i32, i32
  }
  func.func @transform_6(%arg0: i32) -> (i32, i32) {
    %c0_i32 = arith.constant 0 : i32
    %c0_i32_0 = arith.constant 0 : i32
    %c0_i32_1 = arith.constant 0 : i32
    return %c0_i32, %c0_i32_0 : i32, i32
  }
  func.func @transform_7(%arg0: i32) -> (i32, i32, i32) {
    %c0_i32 = arith.constant 0 : i32
    %c0_i32_0 = arith.constant 0 : i32
    %c0_i32_1 = arith.constant 0 : i32
    return %arg0, %c0_i32, %c0_i32_0 : i32, i32, i32
  }
}

</mosaic_0001>

<sc_bundles>
// kernel: kernel.6.cloned.1.call-start
scs
__scs_entry_jumppad:
0x0: {  	(pc) =	sbr.rel $0x88, $3  }
0x1: {  	(tag) =	ssettag $0x0;
	lr =	simm.s32 $0x1  }
0x2: {  	[smem:$0x3F9C] =	sst lr;
	_ =	strace $0xD0000000  }
0x3: {  	_ = 	snop  }
0x4: {  	_ = 	snop  }
0x5: {  	_ = 	snop  }
0x6: {  	_ = 	snop  }
0x7: {  	_ = 	snop  }
__scs_overlays_trampoline_lowered:
0x8: {  	[smem:$0x3FAB] =	sst s0  }
0x9: {  	[smem:$0x3FAC] =	sst s1  }
0xa: {  	[smem:$0x3FAD] =	sst s2  }
0xb: {  	[smem:$0x3FAE] =	sst s3  }
0xc: {  	[smem:$0x3FAF] =	sst s4  }
0xd: {  	[smem:$0x3FB0] =	sst s5  }
0xe: {  	[smem:$0x3FB1] =	sst s6  }
0xf: {  	[smem:$0x3FB2] =	sst s7  }
0x10: {  	[smem:$0x3FB3] =	sst s8  }
0x11: {  	[smem:$0x3FB4] =	sst s9;
	s0 =	simm.s32 @!p0 $0x0  }
0x12: {  	s1 =	sld [smem:$0x3F9A];
	s0 =	simm.s32 @p0 $0x1  }
0x13: {  	[smem:$0x3FB5] =	sst s0;
	s0 =	simm.s32 @!p1 $0x0  }
0x14: {  	s2 =	sld [smem:$0x3F99];
	s0 =	simm.s32 @p1 $0x1  }
0x15: {  	[smem:$0x3FB6] =	sst s0;
	s0 =	simm.s32 @!p2 $0x0  }
0x16: {  	s3 =	sld [smem:$0x3FDB];
	s0 =	simm.s32 @p2 $0x1  }
0x17: {  	s4 =	simm.s32 $0x1BF5;
	[smem:$0x3FB8] =	sst s0  }
0x18: {  	s0 =	sld [smem:$0x3F9B];
	_ =	swait.ge [sflag:s4], $0x0  }
0x19: {  	s7 =	sld [smem:$0x3F9C]  }
0x1a: {  	s8 =	sadd.s32 $0xFFFFE003, lr  }
0x1b: {  	s9 =	sadd.s32 $0xFFFFFEF7, lr;
	s5 =	simm.s32 $0xFFFFFFFF;
	p2 =	slt.u32 s8, $0xFFFFF086  }
0x1c: {  	p1 =	slt.u32 s9, $0xF7A;
	s5 =	simm.s32 @!p2 $0x0  }
0x1d: {  	s5 =	simm.s32 @p1 $0x1;
	p0 =	seq.s32 s7, s2  }
0x1e: {  	s7 =	smul.u32 @!p0 $0xF7A, s2;
	p2 =	seq.s32 @!p0 s5, $0x0  }
0x1f: {  	s9 =	smul.u32 $0xF7A, s1;
	s8 =	simm.s32 @!p0 $0x1BF5;
	p2 =	por !p2, p0  }
0x20: {  	[sflag:s8] =	ssyncset.s32 @!p0 $0xFFFFF086;
	s6 =	sadd.s32 @!p0 s3, s7;
	s7 =	simm.s32 @!p0 $0x108  }
0x21: {  	s3 =	sadd.s32 s3, s9;
	s6 =	sadd.s32 @!p0 $0x88, s6;
	s7 =	simm.s32 @p2 $0x1082  }
0x22: {  	[simem:s7], [sflag:s8] =	dma.local @!p0 [hbm:s6], $0xF7A  }
0x23: {  	s9 =	sor.u32 $0xD0000000, s2;
	s6 =	simm.s32 $0x108;
	_ =	swait.ge @!p0 [sflag:s8], $0x0  }
0x24: {  	s3 =	sadd.s32 $0x88, s3;
	s6 =	simm.s32 @!p1 $0x1082;
	[sflag:s4] =	ssyncset.s32 $0xFFFFF086  }
0x25: {  	[simem:s6], [sflag:s4] =	dma.local [hbm:s3], $0xF7A  }
0x26: {  	[smem:$0x3F9C] =	sst s1;
	(tag) =	ssettag s2;
	_ =	strace s9  }
0x27: {  	s1 =	sld [smem:$0x3FAC]  }
0x28: {  	s2 =	sld [smem:$0x3FAD]  }
0x29: {  	s4 =	sld [smem:$0x3FAF]  }
0x2a: {  	p0 =	seq.s32 s5, $0x0;
	s5 =	sld [smem:$0x3FB0]  }
0x2b: {  	s6 =	sld [smem:$0x3FB1]  }
0x2c: {  	s7 =	sld [smem:$0x3FB2]  }
0x2d: {  	s3 =	simm.s32 $0x108;
	s8 =	sld [smem:$0x3FB3]  }
0x2e: {  	s3 =	simm.s32 @!p0 $0x1082;
	s9 =	sld [smem:$0x3FB4]  }
0x2f: {  	lr =	sadd.s32 s0, s3;
	s0 =	sld [smem:$0x3FAB]  }
0x30: {  	s3 =	sld [smem:$0x3FAE]  }
0x31: {  	[smem:$0x3FB7] =	sst s10  }
0x32: {  	s10 =	sld [smem:$0x3FB5];
	_ =	sdelay $0x3  }
0x33: {  	p0 =	seq.s32 s10, $0x1;
	s10 =	sld [smem:$0x3FB7];
	_ =	sdelay $0x3  }
0x34: {  	[smem:$0x3FB7] =	sst s10  }
0x35: {  	s10 =	sld [smem:$0x3FB6];
	_ =	sdelay $0x3  }
0x36: {  	p1 =	seq.s32 s10, $0x1;
	s10 =	sld [smem:$0x3FB7];
	_ =	sdelay $0x3  }
0x37: {  	[smem:$0x3FB7] =	sst s10  }
0x38: {  	s10 =	sld [smem:$0x3FB8]  }
0x39: {  	_ = 	snop;
	(pc) =	sbr.ind lr, $3  }
0x3a: {  	_ = 	snop  }
0x3b: {  	_ = 	snop  }
0x3c: {  	p2 =	seq.s32 s10, $0x1;
	s10 =	sld [smem:$0x3FB7]  }
0x3d: {  	_ =	shalt  }
0x3e: {  	_ =	shalt  }
0x3f: {  	_ =	shalt  }
0x40: {  	_ =	shalt  }
0x41: {  	_ =	shalt  }
0x42: {  	_ =	shalt  }
0x43: {  	_ =	shalt  }
0x44: {  	_ =	shalt  }
0x45: {  	_ =	shalt  }
0x46: {  	_ =	shalt  }
0x47: {  	_ =	shalt  }
0x48: {  	_ =	shalt  }
0x49: {  	_ =	shalt  }
0x4a: {  	_ =	shalt  }
0x4b: {  	_ =	shalt  }
0x4c: {  	_ =	shalt  }
0x4d: {  	_ =	shalt  }
0x4e: {  	_ =	shalt  }
0x4f: {  	_ =	shalt  }
0x50: {  	_ =	shalt  }
0x51: {  	_ =	shalt  }
0x52: {  	_ =	shalt  }
0x53: {  	_ =	shalt  }
0x54: {  	_ =	shalt  }
0x55: {  	_ =	shalt  }
0x56: {  	_ =	shalt  }
0x57: {  	_ =	shalt  }
0x58: {  	_ =	shalt  }
0x59: {  	_ =	shalt  }
0x5a: {  	_ =	shalt  }
0x5b: {  	_ =	shalt  }
0x5c: {  	_ =	shalt  }
0x5d: {  	_ =	shalt  }
0x5e: {  	_ =	shalt  }
0x5f: {  	_ =	shalt  }
0x60: {  	_ =	shalt  }
0x61: {  	_ =	shalt  }
0x62: {  	_ =	shalt  }
0x63: {  	_ =	shalt  }
0x64: {  	_ =	shalt  }
0x65: {  	_ =	shalt  }
0x66: {  	_ =	shalt  }
0x67: {  	_ =	shalt  }
0x68: {  	_ =	shalt  }
0x69: {  	_ =	shalt  }
0x6a: {  	_ =	shalt  }
0x6b: {  	_ =	shalt  }
0x6c: {  	_ =	shalt  }
0x6d: {  	_ =	shalt  }
0x6e: {  	_ =	shalt  }
0x6f: {  	_ =	shalt  }
0x70: {  	_ =	shalt  }
0x71: {  	_ =	shalt  }
0x72: {  	_ =	shalt  }
0x73: {  	_ =	shalt  }
0x74: {  	_ =	shalt  }
0x75: {  	_ =	shalt  }
0x76: {  	_ =	shalt  }
0x77: {  	_ =	shalt  }
0x78: {  	_ =	shalt  }
0x79: {  	_ =	shalt  }
0x7a: {  	_ =	shalt  }
0x7b: {  	_ =	shalt  }
0x7c: {  	_ =	shalt  }
0x7d: {  	_ =	shalt  }
0x7e: {  	_ =	shalt  }
0x7f: {  	_ =	shalt  }
0x80: {  	_ =	shalt  }
0x81: {  	_ =	shalt  }
0x82: {  	_ =	shalt  }
0x83: {  	_ =	shalt  }
0x84: {  	_ =	shalt  }
0x85: {  	_ =	shalt  }
0x86: {  	_ =	shalt  }
0x87: {  	_ =	shalt  }
.Lfunc_end0:
.L_simem_size_0:
called_computation_lowered:
.L_overlay_start_0:
0x88: {  	s2 =	sld [smem:$0x3FD9]  }
0x89: {  	s3 =	sld [smem:$0x3FFE];
	_ =	sdelay $0x1  }
0x8a: {  	s1 =	srdreg.scid  }
0x8b: {  	s0 =	sand.u32 $0x1, s1  }
0x8c: {  	s14 =	sshll.u32 s0, $0xA;
	s2 =	sadd.s32 s3, s2  }
0x8d: {  	s2 =	sadd.s32 s2, s14  }
0x8e: {  	[smem:$0x3FC3] =	sst s2  }
0x8f: {  	_ = 	snop  }
0x90: {  	s2 =	sld [smem:$0x3FD0];
	_ =	sdelay $0x2  }
0x91: {  	s15 =	simm.s32 $0xA;
	s4 =	simm.s32 $0x10  }
0x92: {  	[smem:s4], [sflag:s15] =	dma.local [hbm:s2], $0x1  }
0x93: {  	_ =	swait.eq [sflag:s15], $0x1  }
0x94: {  	[sflag:s15] =	ssyncset.done $0x0  }
0x95: {  	[sflag:s15] =	ssyncadd.s32 $0xFFFFFFFF  }
0x96: {  	s16 =	sld [smem:$0x10];
	(tm) =	ssettm $0x1  }
0x97: {  	s17 =	sld [smem:$0x3FFB];
	_ =	sdelay $0x3  }
0x98: {  	_ =	strace s17  }
0x99: {  	s3 =	sld [smem:$0x3FFC];
	_ =	sdelay $0x3  }
0x9a: {  	_ =	strace s3  }
0x9b: {  	s3 =	sld [smem:$0x3FFD];
	_ =	sdelay $0x3  }
0x9c: {  	_ =	strace s3  }
0x9d: {  	_ =	strace $0x8FFFFFFF  }
0x9e: {  	s18 =	sld [smem:$0x3FDB];
	_ =	sdelay $0x1  }
0x9f: {  	s19 =	simm.s32 $_scs_section_size  }
0xa0: {  	s5 =	simm.s32 $_size__tile_overlayer_lowered;
	s6 =	simm.s32 $_tile_overlayer_lowered  }
0xa1: {  	s22 =	simm.s32 $0x1BFF;
	s21 =	sshll.u32 s6, $0x1;
	s3 =	sadd.s32 s19, s18  }
0xa2: {  	s7 =	simm.s32 $0x0;
	s20 =	sshll.u32 s5, $0x1;
	s5 =	sadd.s32 s21, s3  }
0xa3: {  	[timem:s7], [sflag:s22] =	dma.local [hbm:s5], s20  }
0xa4: {  	_ =	swait.ge [sflag:s22], s20  }
0xa5: {  	s4 =	ssub.s32 $0x0, s20;
	[sflag:s22] =	ssyncset.done $0x0  }
0xa6: {  	[sflag:s22] =	ssyncadd.s32 s4;
	_ =	sdelay $0x1  }
0xa7: {  	s23 =	simm.s32 $0x1B8B  }
0xa8: {  	_ =	swait.ge [sflag:s23], $0x1  }
0xa9: {  	[sflag:s23] =	ssyncset.done $0x0  }
0xaa: {  	s25 =	simm.s32 $0x1B8E;
	s24 =	sld [smem:$0x3FFE];
	[sflag:s23] =	ssyncadd.s32 $0xFFFFFFFF  }
0xab: {  	s26 =	simm.s32 $execute0_lowered;
	[smem:$0x3FD2] =	sst s25  }
0xac: {  	s5 =	sshll.u32 s26, $0x1;
	_ =	strace $0x80000046;
	[dreg:$0x1] =	wrdreg $0xFFFFFFFF  }
0xad: {  	s28 =	simm.s32 $_size_execute0_lowered;
	s3 =	sadd.s32 s3, s5;
	[dreg:$0x0] =	wrdreg $0x0  }
0xae: {  	s5 =	sshll.u32 s28, $0x1;
	[dreg:$0x2] =	wrdreg s3  }
0xaf: {  	[dreg:$0x3] =	wrdreg s5  }
0xb0: {  	[dreg:$0x4] =	wrdreg $0xC0  }
0xb1: {  	_ =	task [dreg:s7], $0x5FFFF  }
0xb2: {  	[dreg:$0x1] =	wrdreg $0xFFFFFFFF  }
0xb3: {  	[dreg:$0x0] =	wrdreg $0x60  }
0xb4: {  	[dreg:$0x2] =	wrdreg s24  }
0xb5: {  	[dreg:$0x3] =	wrdreg s16  }
0xb6: {  	[dreg:$0x4] =	wrdreg $0x9  }
0xb7: {  	_ =	task.clear_ibuf [dreg:s7], $0x5FFFF;
	_ =	strace $0x90000046  }
0xb8: {  	s29 =	simm.s32 $0x9;
	_ =	strace $0x80000048  }
0xb9: {  	_ =	swait.ge [sflag:s29], $0x1  }
0xba: {  	[sflag:s29] =	ssyncadd.s32 $0xFFFFFFFF  }
0xbb: {  	_ =	strace $0x90000048  }
0xbc: {  	_ =	sfence  }
0xbd: {  	s30 =	sld [smem:$0x0];
	_ =	sdelay $0x2  }
0xbe: {  	s31 =	sshll.u32 s1, $0xD;
	s1 =	sshrl.u32 s1, $0x2  }
0xbf: {  	s3 =	sand.u32 $0x4000, s31;
	s1 =	sadd.s32 s1, s30  }
0xc0: {  	s0 =	sor.u32 s3, s0;
	s1 =	sshll.u32 s1, $0x11  }
0xc1: {  	s0 =	sor.u32 s1, s0  }
0xc2: {  	s0 =	sadd.s32 $0x8F2B, s0  }
0xc3: {  	[sflag:s0] =	ssyncadd.remote.s32 $0x1  }
0xc4: {  	_ =	sfence.sel $0xFFFF  }
0xc5: {  	[dreg:$0x0] =	wrdreg $0xFFFFFFFF;
	(pc) =	sbr.abs _section_cstart, $3  }
0xc6: {  	[dreg:$0x1] =	wrdreg $0xFFFFFFFF  }
0xc7: {  	_ =	task.clear_ibuf [dreg:s7], $0x2FFFF;
	_ =	strace $0x9FFFFFFF  }
0xc8: {  	(tm) =	ssettm $0x7FFFFFFF  }
0xc9: {  	_ =	shalt  }
tec
execute0_lowered:
.L_overlay_start_1:
0x0: {  	(tag) =	ssettag $0x1  }
0x1: {  	s1 =	srdreg.scid;
	s5 =	rddreg [dreg:$0x0]  }
0x2: {  	s0 =	stileid.u32;
	s7 =	rddreg [dreg:$0x1];
	s3 =	simm.s32 $0x1  }
0x3: {  	s2 =	simm.s32 $0x0;
	s15 =	simm.s32 $0x1000;
	s16 =	simm.s32 $0x2000  }
0x4: {  	s17 =	simm.s32 $0x3000;
	s18 =	simm.s32 $0x4000;
	s19 =	simm.s32 $0x4080  }
0x5: {  	s20 =	simm.s32 $0x4100;
	s21 =	simm.s32 $0x4180;
	s22 =	simm.s32 $0x5180  }
0x6: {  	s23 =	simm.s32 $0x6180;
	s4 =	sand.u32 $0x1, s1;
	s29 =	sshll.u32 s0, $0x1  }
0x7: {  	s24 =	simm.s32 $0x400;
	s25 =	simm.s32 $0x800;
	s6 =	sor.u32 s4, s29  }
0x8: {  	s1 =	rddreg [dreg:$0x2];
	p1 =	seq.s32 s4, $0x1;
	p0 =	seq.s32 s6, $0x0  }
0x9: {  	s26 =	simm.s32 $0x0;
	[smem:$0x7FF] =	sst s2;
	p0 =	por !p0, !p1  }
0xa: {  	_ =	strace $0x80000047;
	s10 =	sshll.u32 s4, $0xA;
	p0 =	por !p0, !p0  }
0xb: {  	s4 =	ssub.s32 $0x2, s4;
	s30 =	sshll.u32 s6, $0x4;
	s3 =	simm.s32 @!p0 $0x0  }
0xc: {  	s11 =	sshrl.u32 s4, $0x1;
	s31 =	sshll.u32 s6, $0x9;
	s8 =	ssub.s32 s0, s3  }
0xd: {  	s14 =	ssub.s32 s4, s11;
	s9 =	sshll.u32 s8, $0x9;
	s8 =	sshll.u32 s8, $0xD  }
0xe: {  	s7 =	sadd.s32 s7, s31;
	s14 =	smax.u32 s14, $0x1;
	s8 =	sor.u32 s10, s8  }
0xf: {  	s3 =	simm.s32 $0x1;
	s9 =	sand.u32 $0x1FFFFE00, s9;
	s8 =	sshrl.u32 s8, $0x3  }
0x10: {  	v0 =	vlaneseq.u32;
	s10 =	sadd.s32 s30, s5;
	s9 =	sadd.s32 s9, s5;
	s13 =	sadd.s32 s8, s5  }
0x11: {  	v0 =	vmul.u32 $0x80, v0;
	s4 =	sadd.s32 $0x1C00, s9;
	s5 =	sadd.s32 $0x3C00, s9;
	s6 =	sadd.s32 $0x5C00, s9  }
0x12: {  	s8 =	sadd.s32 $0x7C00, s10;
	s9 =	sadd.s32 $0x7E00, s10;
	s10 =	sadd.s32 $0x8000, s10  }
0x13: {  	v1 =	vor.u32 $0x800, v0;
	s11 =	sadd.s32 $0x8200, s13;
	s12 =	sadd.s32 $0xC200, s13;
	s13 =	sadd.s32 $0x10200, s13  }
.LBB2_1:
0x14: {  	[tilespmem:s2], [sflag:$0x1] =	stream.linear.gather [hbm4b:s4+s2], $0x1000, $0x38;
	[tilespmem:$0x7180] =	vst v63  }
0x15: {  	_ =	swait.ge [sflag:s3], $0x1000  }
0x16: {  	[sflag:s3] =	ssyncset.done $0x0  }
0x17: {  	[sflag:s3] =	ssyncadd.s32 $0xFFFFF000  }
0x18: {  	[tilespmem:s15], [sflag:$0x1] =	stream.linear.gather [hbm4b:s5+s2], $0x1000, $0x38;
	[tilespmem:$0x7180] =	vst v63  }
0x19: {  	_ =	swait.ge [sflag:s3], $0x1000  }
0x1a: {  	[sflag:s3] =	ssyncset.done $0x0  }
0x1b: {  	[sflag:s3] =	ssyncadd.s32 $0xFFFFF000  }
0x1c: {  	[tilespmem:s16], [sflag:$0x1] =	stream.linear.gather [hbm4b:s6+s2], $0x1000, $0x38;
	[tilespmem:$0x7180] =	vst v63  }
0x1d: {  	_ =	swait.ge [sflag:s3], $0x1000  }
0x1e: {  	[sflag:s3] =	ssyncset.done $0x0  }
0x1f: {  	[sflag:s3] =	ssyncadd.s32 $0xFFFFF000  }
0x20: {  	[tilespmem:s17], [sflag:$0x1] =	stream.linear.gather [hbm4b:s7+s2], $0x1000, $0x38;
	[tilespmem:$0x7180] =	vst v63  }
0x21: {  	_ =	swait.ge [sflag:s3], $0x1000  }
0x22: {  	[sflag:s3] =	ssyncset.done $0x0  }
0x23: {  	[sflag:s3] =	ssyncadd.s32 $0xFFFFF000  }
0x24: {  	[tilespmem:s18], [sflag:$0x1] =	stream.linear.gather [hbm4b:s8+s2], $0x80, $0x38;
	[tilespmem:$0x7180] =	vst v63  }
0x25: {  	_ =	swait.ge [sflag:s3], $0x80  }
0x26: {  	[sflag:s3] =	ssyncset.done $0x0  }
0x27: {  	[sflag:s3] =	ssyncadd.s32 $0xFFFFFF80  }
0x28: {  	[tilespmem:s19], [sflag:$0x1] =	stream.linear.gather [hbm4b:s9+s2], $0x80, $0x38;
	[tilespmem:$0x7180] =	vst v63  }
0x29: {  	_ =	swait.ge [sflag:s3], $0x80  }
0x2a: {  	[sflag:s3] =	ssyncset.done $0x0  }
0x2b: {  	[sflag:s3] =	ssyncadd.s32 $0xFFFFFF80  }
0x2c: {  	[tilespmem:s20], [sflag:$0x1] =	stream.linear.gather [hbm4b:s10+s2], $0x80, $0x38;
	[tilespmem:$0x7180] =	vst v63  }
0x2d: {  	_ =	swait.ge [sflag:s3], $0x80  }
0x2e: {  	[sflag:s3] =	ssyncset.done $0x0  }
0x2f: {  	s28 =	simm.s32 $0x3010;
	s29 =	simm.s32 $0x0;
	[sflag:s3] =	ssyncadd.s32 $0xFFFFFF80  }
.LBB2_2:
0x30: {  	v2 =	vmov s29;
	v3 =	vld [tilespmem:s28+$0xFFFFFFF0];
	_ =	sdelay $0x4  }
0x31: {  	v4 =	vld.idx.msk [tilespmem:v2+s18+$0x0], $0xffff  }
0x32: {  	v5 =	vld.idx.msk [tilespmem:v2+s19+$0x0], $0xffff  }
0x33: {  	v2 =	vld.idx.msk [tilespmem:v2+s20+$0x0], $0xffff  }
0x34: {  	v6 =	vld.idx.msk [tilespmem:v3+s2+$0x0], $0xffff  }
0x35: {  	v7 =	vld.idx.msk [tilespmem:v3+s15+$0x0], $0xffff  }
0x36: {  	v8 =	vor.u32 s29, v0;
	v3 =	vld.idx.msk [tilespmem:v3+s16+$0x0], $0xffff;
	_ =	sdelay $0x2  }
0x37: {  	v6 =	vsub.f32 v6, v4  }
0x38: {  	v7 =	vsub.f32 v7, v5  }
0x39: {  	v3 =	vsub.f32 v3, v2;
	[tilespmem:v8+s21+$0x0] =	vst.idx.msk $0xffff, v6  }
0x3a: {  	[tilespmem:v8+s22+$0x0] =	vst.idx.msk $0xffff, v7  }
0x3b: {  	[tilespmem:v8+s23+$0x0] =	vst.idx.msk $0xffff, v3  }
0x3c: {  	v3 =	vld [tilespmem:s28+$0x0];
	_ =	sdelay $0x7  }
0x3d: {  	v6 =	vld.idx.msk [tilespmem:v3+s2+$0x0], $0xffff  }
0x3e: {  	v7 =	vld.idx.msk [tilespmem:v3+s15+$0x0], $0xffff  }
0x3f: {  	v63 =	vor.u32 s29, v1;
	v3 =	vld.idx.msk [tilespmem:v3+s16+$0x0], $0xffff;
	_ =	sdelay $0x1  }
0x40: {  	p0 =	sne.s32 s29, $0x7F  }
.Ltmp0:
0x41: {  	v4 =	vsub.f32 v6, v4;
	(pc) =	sbr.rel @p0 .LBB2_2-.Ltmp0, $4  }
0x42: {  	v5 =	vsub.f32 v7, v5  }
0x43: {  	v2 =	vsub.f32 v3, v2;
	[tilespmem:v63+s21+$0x0] =	vst.idx.msk $0xffff, v4  }
0x44: {  	[tilespmem:v63+s22+$0x0] =	vst.idx.msk $0xffff, v5  }
0x45: {  	s29 =	sadd.s32 $0x1, s29;
	s28 =	sadd.s32 $0x20, s28;
	[tilespmem:v63+s23+$0x0] =	vst.idx.msk $0xffff, v2  }
0x46: {  	[hbm4b:s11+s24] =	stream.strided.scatter [tilespmem:s21], [sflag:$0x1], $0x1000, s25, s24, $0x38;
	[tilespmem:$0x7180] =	vst v63  }
0x47: {  	_ =	swait.ge [sflag:s3], $0x1000  }
0x48: {  	[sflag:s3] =	ssyncset.done $0x0  }
0x49: {  	[sflag:s3] =	ssyncadd.s32 $0xFFFFF000  }
0x4a: {  	[hbm4b:s12+s24] =	stream.strided.scatter [tilespmem:s22], [sflag:$0x1], $0x1000, s25, s24, $0x38;
	[tilespmem:$0x7180] =	vst v63  }
0x4b: {  	s26 =	sadd.s32 $0x1, s26;
	_ =	swait.ge [sflag:s3], $0x1000  }
0x4c: {  	p0 =	sne.s32 s26, s14;
	[sflag:s3] =	ssyncset.done $0x0  }
.Ltmp1:
0x4d: {  	[sflag:s3] =	ssyncadd.s32 $0xFFFFF000;
	(pc) =	sbr.rel @p0 .LBB2_1-.Ltmp1, $4  }
0x4e: {  	[hbm4b:s13+s24] =	stream.strided.scatter [tilespmem:s23], [sflag:$0x1], $0x1000, s25, s24, $0x38;
	[tilespmem:$0x7180] =	vst v63  }
0x4f: {  	_ =	swait.ge [sflag:s3], $0x1000  }
0x50: {  	[sflag:s3] =	ssyncset.done $0x0  }
0x51: {  	[sflag:s3] =	ssyncadd.s32 $0xFFFFF000  }
0x52: {  	_ =	sfence.sel $0x180000  }
0x53: {  	[bflag:$0x0] =	sbarrier.arrive $0xFFFF  }
0x54: {  	p0 =	sne.s32 s0, $0x0;
	_ =	strace $0x90000047  }
0x55: {  	s0 =	sadd.s32 @!p0 $0x100000, s1;
	[bflag:$0x2] =	sbarrier.arrive $0xFFFF  }
0x56: {  	[sflag:s0] =	ssyncadd.tile.s32 @!p0 $0x1;
	_ =	shalt  }
.Lfunc_end2:
_tile_overlayer_lowered:
.L_overlay_start_2:
0x57: {  	(tag) =	ssettag $0x2  }
0x58: {  	s0 =	rddreg [dreg:$0x0];
	s2 =	stileid.u32  }
0x59: {  	s1 =	rddreg [dreg:$0x1];
	p0 =	sne.s32 s2, $0x0  }
0x5a: {  	s3 =	rddreg [dreg:$0x2];
	[bflag:$0x3] =	sbarrier.arrive $0xFFFF;
	s2 =	simm.s32 @!p0 $0x1C01  }
0x5b: {  	[timem:s3], [sflag:s2] =	dma.local @!p0 [hbm:s0], s1  }
0x5c: {  	s0 =	simm.s32 @!p0 $0x1  }
0x5d: {  	_ =	swait.ge @!p0 [sflag:s0], s1  }
0x5e: {  	s1 =	ssub.s32 @!p0 $0x0, s1;
	[sflag:s0] =	ssyncset.done @!p0 $0x0  }
0x5f: {  	[sflag:s0] =	ssyncadd.s32 @!p0 s1  }
0x60: {  	[bflag:$0x3] =	sbarrier.arrive $0xFFFF  }
0x61: {  	_ =	shalt  }

</sc_bundles>
